<compile_context>
chip_gen: v7x
topology: tpu7x:2x2x1
jax: 0.10.2.dev20260603
libtpu: 0.0.44.dev20260713+nightly
codegen_flags: <defaults>
</compile_context>

<pallas_src>
import jax
import jax.numpy as jnp
from jax import lax
from jax.experimental import pallas as pl
from jax.experimental.pallas import tpu as pltpu
from jax.experimental.pallas import tpu_sc as plsc

N = 10000
E = 320000
D = 128
KSTEPS = 10
ALPHA = 0.1

NT = 16
NC = 2
DH = D // NC
PW = D
NP = 10240
NPT = NP // NT
NARR = NPT + 16
ECH = 64
EPT = 20480
EP = NT * EPT
NCH = EPT // ECH
NRC = 64
NNC = NPT // NRC


def _rsqrt16(x):
    i = plsc.bitcast(x, jnp.int32)
    y = plsc.bitcast(jnp.int32(0x5F3759DF) - (i >> 1), jnp.float32)
    for _ in range(3):
        y = y * (1.5 - 0.5 * x * y * y)
    return y


def _sc_body(feat_hbm, eidx_hbm, hk_hbm, c0_hbm, g_hbm, degall,
             acc, gidx_a, gidx_b, sidx_a, sidx_b,
             gidx_a2, gidx_b2, sidx_a2, sidx_b2, counts,
             buf, buf_b, buf_c, buf_d, tmp, no_a, ni_a, a_a,
             gsem_a, gsem_b, gsem_c, gsem_d, ssem, isem):
    cid = lax.axis_index("c")
    sid = lax.axis_index("s")
    ebase = sid * EPT
    nbase = sid * NPT
    gplane = cid * NP

    zero16 = jnp.zeros((16,), jnp.float32)
    one16 = jnp.ones((16,), jnp.float32)

    if True:
        for rnd, dacc in ((0, no_a), (1, ni_a)):
            def z_counts(i, _):
                counts[pl.ds(i * 16, 16)] = zero16
                return 0
            lax.fori_loop(0, NP // 16, z_counts, 0)

            def cnt(j, _, rnd=rnd):
                pltpu.sync_copy(
                    eidx_hbm.at[pl.ds(rnd * EP + ebase + j * 2 * ECH,
                                      2 * ECH)],
                    gidx_a)
                for k in range((2 * ECH) // 16):
                    ids = gidx_a[pl.ds(k * 16, 16)]
                    plsc.addupdate_scatter(counts, [ids], one16)
                return 0
            lax.fori_loop(0, NCH // 2, cnt, 0)

            pltpu.sync_copy(counts, degall.at[cid, pl.ds(sid * NP, NP)])
            plsc.subcore_barrier()

            def z_deg(i, _, dacc=dacc):
                dacc[pl.ds(i * 16, 16)] = zero16
                return 0
            lax.fori_loop(0, NARR // 16, z_deg, 0)

            def merge(t2, _, dacc=dacc):
                pltpu.sync_copy(degall.at[cid, pl.ds(t2 * NP + nbase, NPT)],
                                tmp)

                def acc_l(i, _):
                    dacc[pl.ds(i * 16, 16)] += tmp[pl.ds(i * 16, 16)]
                    return 0
                lax.fori_loop(0, NPT // 16, acc_l, 0)
                return 0
            lax.fori_loop(0, NT, merge, 0)
            plsc.subcore_barrier()

    def mk_norm(i, _):
        do = jnp.maximum(no_a[pl.ds(i * 16, 16)], 1.0)
        di = jnp.maximum(ni_a[pl.ds(i * 16, 16)], 1.0)
        no = _rsqrt16(do)
        ni = _rsqrt16(di)
        no_a[pl.ds(i * 16, 16)] = no
        ni_a[pl.ds(i * 16, 16)] = ni
        a_a[pl.ds(i * 16, 16)] = (1.0 - ALPHA) * no * ni
        return 0
    lax.fori_loop(0, NARR // 16, mk_norm, 0)

    def _zero_rows(bref):
        def zr(r, _):
            for v in range(PW // 16):
                bref[r, pl.ds(v * 16, 16)] = zero16
            return 0
        lax.fori_loop(0, NRC, zr, 0)

    def init_node(q, _):
        r0 = nbase + q * NRC
        pltpu.sync_copy(feat_hbm.at[cid, pl.ds(r0, NRC)],
                        buf_b.at[pl.ds(0, NRC)])

        def initrow(r, _):
            nov = jnp.full((16,), no_a[pl.ds(q * NRC + r, 16)][0],
                           jnp.float32)
            for v in range(PW // 16):
                g0 = nov * buf_b[r, pl.ds(v * 16, 16)]
                buf[r, pl.ds(v * 16, 16)] = g0
                buf_b[r, pl.ds(v * 16, 16)] = ALPHA * g0
            return 0
        lax.fori_loop(0, NRC, initrow, 0)
        pltpu.sync_copy(buf.at[pl.ds(0, NRC)],
                        g_hbm.at[pl.ds(gplane + r0, NRC)])
        pltpu.sync_copy(buf_b.at[pl.ds(0, NRC)],
                        c0_hbm.at[cid, pl.ds(r0, NRC)])
        _zero_rows(buf)
        pltpu.sync_copy(buf.at[pl.ds(0, NRC)], acc.at[pl.ds(r0, NRC)])
        return 0
    lax.fori_loop(0, NNC, init_node, 0)
    plsc.subcore_barrier()

    NCNP = NC * NP

    def do_edges(par):
        offg = jnp.full((16,), par * NCNP + gplane, jnp.int32)
        NQUAD = NCH // 4
        bufs = (buf, buf_b, buf_c, buf_d)
        gsems = (gsem_a, gsem_b, gsem_c, gsem_d)
        set0 = (gidx_a, sidx_a, gidx_b, sidx_b)
        set1 = (gidx_a2, sidx_a2, gidx_b2, sidx_b2)

        def load_idx(qd, st):
            gi, si, gj, sj = st
            e0 = ebase + (4 * qd) * ECH
            return (
                pltpu.async_copy(eidx_hbm.at[pl.ds(e0, 2 * ECH)], gi, isem),
                pltpu.async_copy(eidx_hbm.at[pl.ds(EP + e0, 2 * ECH)], si,
                                 isem),
                pltpu.async_copy(eidx_hbm.at[pl.ds(e0 + 2 * ECH, 2 * ECH)],
                                 gj, isem),
                pltpu.async_copy(
                    eidx_hbm.at[pl.ds(EP + e0 + 2 * ECH, 2 * ECH)], sj,
                    isem))

        def proc_quad(st):
            gi, si, gj, sj = st
            for k in range((2 * ECH) // 16):
                gi[pl.ds(k * 16, 16)] += offg
                gj[pl.ds(k * 16, 16)] += offg
            g_ds = (
                pltpu.async_copy(g_hbm.at[gi.at[pl.ds(0, ECH)]], buf,
                                 gsem_a),
                pltpu.async_copy(g_hbm.at[gi.at[pl.ds(ECH, ECH)]], buf_b,
                                 gsem_b),
                pltpu.async_copy(g_hbm.at[gj.at[pl.ds(0, ECH)]], buf_c,
                                 gsem_c),
                pltpu.async_copy(g_hbm.at[gj.at[pl.ds(ECH, ECH)]], buf_d,
                                 gsem_d),
            )
            s_ds = []
            for i, (sref, soff) in enumerate(
                    ((si, 0), (si, ECH), (sj, 0), (sj, ECH))):
                g_ds[i].wait()
                s_ds.append(pltpu.async_copy(
                    bufs[i], acc.at[sref.at[pl.ds(soff, ECH)]], ssem,
                    add=True))
            for d in s_ds:
                d.wait()

        for d in load_idx(0, set0):
            d.wait()

        def quads2(u, _):
            q1 = 2 * u + 1
            q2 = jnp.minimum(2 * u + 2, NQUAD - 1)
            ds1 = load_idx(q1, set1)
            proc_quad(set0)
            ds2 = load_idx(q2, set0)
            for d in ds1:
                d.wait()
            proc_quad(set1)
            for d in ds2:
                d.wait()
            return 0
        lax.fori_loop(0, NQUAD // 2, quads2, 0)

    def step_body(t, _):
        par = lax.rem(t, 2)
        do_edges(par)
        plsc.subcore_barrier()

        def node(q, _):
            r0 = nbase + q * NRC
            pltpu.sync_copy(acc.at[pl.ds(r0, NRC)], buf.at[pl.ds(0, NRC)])
            pltpu.sync_copy(c0_hbm.at[cid, pl.ds(r0, NRC)],
                            buf_b.at[pl.ds(0, NRC)])

            def uprow(r, _):
                sa = jnp.full((16,), a_a[pl.ds(q * NRC + r, 16)][0],
                              jnp.float32)
                for v in range(PW // 16):
                    gv = sa * buf[r, pl.ds(v * 16, 16)]
                    gv = gv + buf_b[r, pl.ds(v * 16, 16)]
                    buf[r, pl.ds(v * 16, 16)] = gv
                return 0
            lax.fori_loop(0, NRC, uprow, 0)
            pltpu.sync_copy(
                buf.at[pl.ds(0, NRC)],
                g_hbm.at[pl.ds((1 - par) * NCNP + gplane + r0, NRC)])
            _zero_rows(buf)
            pltpu.sync_copy(buf.at[pl.ds(0, NRC)], acc.at[pl.ds(r0, NRC)])
            return 0
        lax.fori_loop(0, NNC, node, 0)
        plsc.subcore_barrier()
        return 0
    lax.fori_loop(0, KSTEPS - 1, step_body, 0)

    do_edges(jnp.int32((KSTEPS - 1) % 2))
    plsc.subcore_barrier()

    def node_last(q, _):
        r0 = nbase + q * NRC
        pltpu.sync_copy(acc.at[pl.ds(r0, NRC)], buf.at[pl.ds(0, NRC)])
        pltpu.sync_copy(feat_hbm.at[cid, pl.ds(r0, NRC)],
                        buf_b.at[pl.ds(0, NRC)])

        def uprow(r, _):
            sa = jnp.full((16,),
                          (1.0 - ALPHA) * ni_a[pl.ds(q * NRC + r, 16)][0],
                          jnp.float32)
            for v in range(PW // 16):
                gv = sa * buf[r, pl.ds(v * 16, 16)]
                gv = gv + ALPHA * buf_b[r, pl.ds(v * 16, 16)]
                buf[r, pl.ds(v * 16, 16)] = gv
            return 0
        lax.fori_loop(0, NRC, uprow, 0)
        pltpu.sync_copy(buf.at[pl.ds(0, NRC)],
                        hk_hbm.at[cid, pl.ds(r0, NRC)])
        return 0
    lax.fori_loop(0, NNC, node_last, 0)


_sc_propagate = pl.kernel(
    _sc_body,
    out_type=(jax.ShapeDtypeStruct((NC, NP, PW), jnp.float32),
              jax.ShapeDtypeStruct((NC, NP, PW), jnp.float32),
              jax.ShapeDtypeStruct((2 * NC * NP, PW), jnp.float32),
              jax.ShapeDtypeStruct((NC, NT * NP), jnp.float32)),
    mesh=plsc.VectorSubcoreMesh(core_axis_name="c", subcore_axis_name="s"),
    compiler_params=pltpu.CompilerParams(needs_layout_passes=False),
    scratch_types=[
        pltpu.VMEM_SHARED((NP, PW), jnp.float32),
        pltpu.VMEM((2 * ECH,), jnp.int32),
        pltpu.VMEM((2 * ECH,), jnp.int32),
        pltpu.VMEM((2 * ECH,), jnp.int32),
        pltpu.VMEM((2 * ECH,), jnp.int32),
        pltpu.VMEM((2 * ECH,), jnp.int32),
        pltpu.VMEM((2 * ECH,), jnp.int32),
        pltpu.VMEM((2 * ECH,), jnp.int32),
        pltpu.VMEM((2 * ECH,), jnp.int32),
        pltpu.VMEM((NP,), jnp.float32),
        pltpu.VMEM((ECH, PW), jnp.float32),
        pltpu.VMEM((ECH, PW), jnp.float32),
        pltpu.VMEM((ECH, PW), jnp.float32),
        pltpu.VMEM((ECH, PW), jnp.float32),
        pltpu.VMEM((NPT,), jnp.float32),
        pltpu.VMEM((NARR,), jnp.float32),
        pltpu.VMEM((NARR,), jnp.float32),
        pltpu.VMEM((NARR,), jnp.float32),
        pltpu.SemaphoreType.DMA,
        pltpu.SemaphoreType.DMA,
        pltpu.SemaphoreType.DMA,
        pltpu.SemaphoreType.DMA,
        pltpu.SemaphoreType.DMA,
        pltpu.SemaphoreType.DMA,
    ],
)


BN = 1000


def _tc_body(h_ref, w_ref, b_ref, a_ref, out_ref, gs_ref):
    i = pl.program_id(0)
    x = h_ref[...]
    y = lax.dot_general(x, w_ref[...], (((1,), (1,)), ((), ())),
                        preferred_element_type=jnp.float32)
    y = y + b_ref[...]
    a = a_ref[0, 0]
    y = jnp.where(y >= 0.0, y, a * y)
    out_ref[...] = y
    part = jnp.sum(y, axis=0, keepdims=True)

    @pl.when(i == 0)
    def _():
        gs_ref[...] = jnp.zeros((1, D), jnp.float32)
    gs_ref[...] += part


def _tc_head(hk, W, b, prelu_a):
    return pl.pallas_call(
        _tc_body,
        grid=(N // BN,),
        in_specs=[pl.BlockSpec((BN, D), lambda i: (i, 0)),
                  pl.BlockSpec((D, D), lambda i: (0, 0)),
                  pl.BlockSpec((1, D), lambda i: (0, 0)),
                  pl.BlockSpec((1, 1), lambda i: (0, 0))],
        out_specs=[pl.BlockSpec((BN, D), lambda i: (i, 0)),
                   pl.BlockSpec((1, D), lambda i: (0, 0))],
        out_shape=[jax.ShapeDtypeStruct((N, D), jnp.float32),
                   jax.ShapeDtypeStruct((1, D), jnp.float32)],
    )(hk, W, b.reshape(1, D), prelu_a.reshape(1, 1))


def kernel(feat, edge_index, W, b, prelu_a):
    feat_p = jnp.pad(feat, ((0, NP - N), (0, 0)))
    feat_cols = jnp.stack([
        jnp.pad(feat_p[:, c * DH:(c + 1) * DH], ((0, 0), (0, PW - DH)))
        for c in range(NC)
    ])
    eidx_p = jnp.pad(edge_index, ((0, 0), (0, EP - E)), constant_values=N)
    hk_cols, _, _, _ = _sc_propagate(feat_cols, eidx_p.reshape(-1))
    hk = jnp.concatenate([hk_cols[c, :N, :DH] for c in range(NC)], axis=1)
    out, gsum = _tc_head(hk, W, b, prelu_a)
    return (out, gsum)

# --- scband reference (transcript-rebuilt; emitter-appended) ---
"""Pipeline reference for scband-ppnp-66941360276306 (READ-ONLY COPY).

The authoritative reference and input builder live on the scoring server;
editing this copy changes nothing except your own understanding.
"""

import jax, jax.numpy as jnp
import numpy as np

N = 10000
E = 320000
D_IN = 128
D_OUT = 128
K = 10
ALPHA = 0.1


def setup_inputs(seed: int = 0) -> dict:
    key = jax.random.key(seed)
    k1, k2, k3, k4 = jax.random.split(key, 4)
    feat = jax.random.normal(k1, (N, D_IN), dtype=jnp.float32)
    edge_index = jax.random.randint(k2, (2, E), 0, N, dtype=jnp.int32)
    # Linear(in_dim, out_dim) params
    W = jax.random.normal(k3, (D_OUT, D_IN), dtype=jnp.float32) * (1.0 / np.sqrt(D_IN))
    b = jax.random.normal(k4, (D_OUT,), dtype=jnp.float32) * 0.01
    # PReLU single learnable slope, torch default init 0.25
    prelu_a = jnp.full((1,), 0.25, dtype=jnp.float32)
    return {"feat": feat, "edge_index": edge_index, "W": W, "b": b, "prelu_a": prelu_a}


def reference(feat, edge_index, W, b, prelu_a):
    src = edge_index[0]
    dst = edge_index[1]
    # DGL APPNPConv: symmetric normalization using out-degree (src) and in-degree (dst)
    deg_out = jnp.clip(jnp.bincount(src, length=N), 1, None).astype(feat.dtype)
    deg_in = jnp.clip(jnp.bincount(dst, length=N), 1, None).astype(feat.dtype)
    norm_out = deg_out ** -0.5
    norm_in = deg_in ** -0.5
    feat_0 = feat
    h = feat
    for _ in range(K):
        h = h * norm_out[:, None]
        msg = h[src]                                   # gather along edges
        agg = jax.ops.segment_sum(msg, dst, num_segments=N)  # scatter-add to dst nodes
        h = agg * norm_in[:, None]
        h = (1.0 - ALPHA) * h + ALPHA * feat_0
    # lin: Linear + PReLU
    out = h @ W.T + b
    out = jnp.where(out >= 0, out, prelu_a * out)
    # SumPooling over the single graph -> [1, D_OUT]
    global_out = jnp.sum(out, axis=0, keepdims=True)
    return (out, global_out)

if __name__ == "__main__":
    import jax
    _d = setup_inputs()
    print(jax.jit(kernel)(*tuple(_d.values())))

</pallas_src>

<mosaic_0001>
#map = affine_map<(d0, d1) -> (0, 0, 0)>
#map1 = affine_map<(d0, d1) -> (0)>
#map2 = affine_map<(d0, d1) -> (0, 0)>
module attributes {stable_mosaic.version = 14 : i64} {
  func.func @_sc_body(%arg0: i32, %arg1: i32, %arg2: memref<2x10240x128xf32, #tpu.memory_space<hbm>>, %arg3: memref<655360xi32, #tpu.memory_space<hbm>>, %arg4: memref<2x10240x128xf32, #tpu.memory_space<hbm>>, %arg5: memref<2x10240x128xf32, #tpu.memory_space<hbm>>, %arg6: memref<40960x128xf32, #tpu.memory_space<hbm>>, %arg7: memref<2x163840xf32, #tpu.memory_space<hbm>>, %arg8: memref<10240x128xf32, #tpu.memory_space<vmem_shared>>, %arg9: memref<128xi32, #tpu.memory_space<vmem>>, %arg10: memref<128xi32, #tpu.memory_space<vmem>>, %arg11: memref<128xi32, #tpu.memory_space<vmem>>, %arg12: memref<128xi32, #tpu.memory_space<vmem>>, %arg13: memref<128xi32, #tpu.memory_space<vmem>>, %arg14: memref<128xi32, #tpu.memory_space<vmem>>, %arg15: memref<128xi32, #tpu.memory_space<vmem>>, %arg16: memref<128xi32, #tpu.memory_space<vmem>>, %arg17: memref<10240xf32, #tpu.memory_space<vmem>>, %arg18: memref<64x128xf32, #tpu.memory_space<vmem>>, %arg19: memref<64x128xf32, #tpu.memory_space<vmem>>, %arg20: memref<64x128xf32, #tpu.memory_space<vmem>>, %arg21: memref<64x128xf32, #tpu.memory_space<vmem>>, %arg22: memref<640xf32, #tpu.memory_space<vmem>>, %arg23: memref<656xf32, #tpu.memory_space<vmem>>, %arg24: memref<656xf32, #tpu.memory_space<vmem>>, %arg25: memref<656xf32, #tpu.memory_space<vmem>>, %arg26: memref<!tpu.dma_semaphore, #tpu.memory_space<semaphore_mem>>, %arg27: memref<!tpu.dma_semaphore, #tpu.memory_space<semaphore_mem>>, %arg28: memref<!tpu.dma_semaphore, #tpu.memory_space<semaphore_mem>>, %arg29: memref<!tpu.dma_semaphore, #tpu.memory_space<semaphore_mem>>, %arg30: memref<!tpu.dma_semaphore, #tpu.memory_space<semaphore_mem>>, %arg31: memref<!tpu.dma_semaphore, #tpu.memory_space<semaphore_mem>>) attributes {dimension_semantics = [#tpu.dimension_semantics<core_parallel>, #tpu.dimension_semantics<subcore_parallel>], iteration_bounds = array<i64: 2, 16>, scalar_prefetch = 0 : i64, scratch_operands = 24 : i64, tpu.core_type = #tpu.core_type<sc_vector_subcore>, window_params = [{transform_indices = #map}, {transform_indices = #map1}, {transform_indices = #map}, {transform_indices = #map}, {transform_indices = #map2}, {transform_indices = #map2}]} {
    %mul3A = arith.constant 20480 : i32
    %mul3A_0 = arith.muli %arg1, %mul3A : i32
    %mul3A_1 = arith.constant 640 : i32
    %mul3A_2 = arith.muli %arg1, %mul3A_1 : i32
    %mul3A_3 = arith.constant 10240 : i32
    %mul3A_4 = arith.muli %arg0, %mul3A_3 : i32
    %broadcast_in_dim3A = arith.constant 0.000000e+00 : f32
    %broadcast_in_dim3A_5 = vector.broadcast %broadcast_in_dim3A : f32 to vector<16xf32>
    %broadcast_in_dim3A_6 = arith.constant 1.000000e+00 : f32
    %broadcast_in_dim3A_7 = vector.broadcast %broadcast_in_dim3A_6 : f32 to vector<16xf32>
    %scan3A = arith.constant 0 : i32
    %scan3A_8 = arith.constant 0 : i32
    %scan3A_9 = arith.constant 640 : i32
    %scan3A_10 = arith.addi %scan3A_8, %scan3A_9 : i32
    %scan3A_11 = arith.constant 1 : i32
    %scan3A_12 = scf.for %scan3A_135 = %scan3A_8 to %scan3A_10 step %scan3A_11 iter_args(%scan3A_136 = %scan3A) -> (i32)  : i32 {
      %mul3A_137 = arith.constant 16 : i32
      %mul3A_138 = arith.muli %scan3A_135, %mul3A_137 : i32
      %swap3A = arith.index_cast %mul3A_138 : i32 to index
      %swap3A_139 = tpu.vector_load %arg17[%swap3A] {strides = array<i32>} : memref<10240xf32, #tpu.memory_space<vmem>>, vector<16xf32>,
      tpu.vector_store %arg17[%swap3A], %broadcast_in_dim3A_5 {strides = array<i32>} : memref<10240xf32, #tpu.memory_space<vmem>>, vector<16xf32>,
      %scan3A_140 = arith.constant 0 : i32
      scf.yield %scan3A_140 : i32
    }
    %scan3A_13 = arith.constant 640 : i32
    %scan3A_14 = arith.constant 0 : i32
    %scan3A_15 = arith.constant 0 : i32
    %scan3A_16 = arith.constant 160 : i32
    %scan3A_17 = arith.addi %scan3A_15, %scan3A_16 : i32
    %scan3A_18 = arith.constant 1 : i32
    %scan3A_19 = scf.for %scan3A_135 = %scan3A_15 to %scan3A_17 step %scan3A_18 iter_args(%scan3A_136 = %scan3A_14) -> (i32)  : i32 {
      %add3A_137 = arith.constant 0 : i32
      %add3A_138 = arith.addi %add3A_137, %mul3A_0 : i32
      %mul3A_139 = arith.constant 2 : i32
      %mul3A_140 = arith.muli %scan3A_135, %mul3A_139 : i32
      %mul3A_141 = arith.constant 64 : i32
      %mul3A_142 = arith.muli %mul3A_140, %mul3A_141 : i32
      %add3A_143 = arith.addi %add3A_138, %mul3A_142 : i32
      "tpu.region"() ({
        %run_scoped3A = tpu.sem_alloc : memref<!tpu.dma_semaphore, #tpu.memory_space<semaphore_mem>>
        %dma_start3A_160 = tpu.memref_slice %arg3[%add3A_143] : memref<655360xi32, #tpu.memory_space<hbm>> -> memref<128xi32, #tpu.memory_space<hbm>>
        %dma_start3A_161 = tpu.memref_slice %arg3[%add3A_143] : memref<655360xi32, #tpu.memory_space<hbm>> -> memref<128xi32, #tpu.memory_space<hbm>>
        tpu.enqueue_dma source(%dma_start3A_161 : memref<128xi32, #tpu.memory_space<hbm>>) target(%arg9 : memref<128xi32, #tpu.memory_space<vmem>>) target_semaphore(%run_scoped3A : memref<!tpu.dma_semaphore, #tpu.memory_space<semaphore_mem>>)
        %dma_wait3A_162 = tpu.memref_slice %arg3[%add3A_143] : memref<655360xi32, #tpu.memory_space<hbm>> -> memref<128xi32, #tpu.memory_space<hbm>>
        %dma_wait3A_163 = tpu.memref_slice %arg3[%add3A_143] : memref<655360xi32, #tpu.memory_space<hbm>> -> memref<128xi32, #tpu.memory_space<hbm>>
        tpu.wait_dma2 semaphore(%run_scoped3A : memref<!tpu.dma_semaphore, #tpu.memory_space<semaphore_mem>>) src(%dma_wait3A_163 : memref<128xi32, #tpu.memory_space<hbm>>) dst(%arg9 : memref<128xi32, #tpu.memory_space<vmem>>)
        tpu.yield
      }) : () -> ()
      %get3A = arith.constant 0 : index
      %get3A_144 = tpu.vector_load %arg9[%get3A] {strides = array<i32>} : memref<128xi32, #tpu.memory_space<vmem>>, vector<16xi32>,
      tpu.vector_store_idx %arg17[%get3A_144], %broadcast_in_dim3A_7 {add = true} : memref<10240xf32, #tpu.memory_space<vmem>>[vector<16xi32>], vector<16xf32>,
      %get3A_145 = arith.constant 16 : index
      %get3A_146 = tpu.vector_load %arg9[%get3A_145] {strides = array<i32>} : memref<128xi32, #tpu.memory_space<vmem>>, vector<16xi32>,
      tpu.vector_store_idx %arg17[%get3A_146], %broadcast_in_dim3A_7 {add = true} : memref<10240xf32, #tpu.memory_space<vmem>>[vector<16xi32>], vector<16xf32>,
      %get3A_147 = arith.constant 32 : index
      %get3A_148 = tpu.vector_load %arg9[%get3A_147] {strides = array<i32>} : memref<128xi32, #tpu.memory_space<vmem>>, vector<16xi32>,
      tpu.vector_store_idx %arg17[%get3A_148], %broadcast_in_dim3A_7 {add = true} : memref<10240xf32, #tpu.memory_space<vmem>>[vector<16xi32>], vector<16xf32>,
      %get3A_149 = arith.constant 48 : index
      %get3A_150 = tpu.vector_load %arg9[%get3A_149] {strides = array<i32>} : memref<128xi32, #tpu.memory_space<vmem>>, vector<16xi32>,
      tpu.vector_store_idx %arg17[%get3A_150], %broadcast_in_dim3A_7 {add = true} : memref<10240xf32, #tpu.memory_space<vmem>>[vector<16xi32>], vector<16xf32>,
      %get3A_151 = arith.constant 64 : index
      %get3A_152 = tpu.vector_load %arg9[%get3A_151] {strides = array<i32>} : memref<128xi32, #tpu.memory_space<vmem>>, vector<16xi32>,
      tpu.vector_store_idx %arg17[%get3A_152], %broadcast_in_dim3A_7 {add = true} : memref<10240xf32, #tpu.memory_space<vmem>>[vector<16xi32>], vector<16xf32>,
      %get3A_153 = arith.constant 80 : index
      %get3A_154 = tpu.vector_load %arg9[%get3A_153] {strides = array<i32>} : memref<128xi32, #tpu.memory_space<vmem>>, vector<16xi32>,
      tpu.vector_store_idx %arg17[%get3A_154], %broadcast_in_dim3A_7 {add = true} : memref<10240xf32, #tpu.memory_space<vmem>>[vector<16xi32>], vector<16xf32>,
      %get3A_155 = arith.constant 96 : index
      %get3A_156 = tpu.vector_load %arg9[%get3A_155] {strides = array<i32>} : memref<128xi32, #tpu.memory_space<vmem>>, vector<16xi32>,
      tpu.vector_store_idx %arg17[%get3A_156], %broadcast_in_dim3A_7 {add = true} : memref<10240xf32, #tpu.memory_space<vmem>>[vector<16xi32>], vector<16xf32>,
      %get3A_157 = arith.constant 112 : index
      %get3A_158 = tpu.vector_load %arg9[%get3A_157] {strides = array<i32>} : memref<128xi32, #tpu.memory_space<vmem>>, vector<16xi32>,
      tpu.vector_store_idx %arg17[%get3A_158], %broadcast_in_dim3A_7 {add = true} : memref<10240xf32, #tpu.memory_space<vmem>>[vector<16xi32>], vector<16xf32>,
      %scan3A_159 = arith.constant 0 : i32
      scf.yield %scan3A_159 : i32
    }
    %scan3A_20 = arith.constant 160 : i32
    %mul3A_21 = arith.constant 10240 : i32
    %mul3A_22 = arith.muli %arg1, %mul3A_21 : i32
    "tpu.region"() ({
      %run_scoped3A = tpu.sem_alloc : memref<!tpu.dma_semaphore, #tpu.memory_space<semaphore_mem>>
      %dma_start3A_135 = tpu.memref_slice %arg7[%arg0, %mul3A_22] : memref<2x163840xf32, #tpu.memory_space<hbm>> -> memref<1x10240xf32, #tpu.memory_space<hbm>>
      %dma_start3A_136 = tpu.memref_squeeze %dma_start3A_135 : memref<1x10240xf32, #tpu.memory_space<hbm>> -> memref<10240xf32, #tpu.memory_space<hbm>>
      %dma_start3A_137 = tpu.memref_slice %arg7[%arg0, %mul3A_22] : memref<2x163840xf32, #tpu.memory_space<hbm>> -> memref<1x10240xf32, #tpu.memory_space<hbm>>
      %dma_start3A_138 = tpu.memref_squeeze %dma_start3A_137 : memref<1x10240xf32, #tpu.memory_space<hbm>> -> memref<10240xf32, #tpu.memory_space<hbm>>
      tpu.enqueue_dma source(%arg17 : memref<10240xf32, #tpu.memory_space<vmem>>) target(%dma_start3A_138 : memref<10240xf32, #tpu.memory_space<hbm>>) target_semaphore(%run_scoped3A : memref<!tpu.dma_semaphore, #tpu.memory_space<semaphore_mem>>)
      %dma_wait3A_139 = tpu.memref_slice %arg7[%arg0, %mul3A_22] : memref<2x163840xf32, #tpu.memory_space<hbm>> -> memref<1x10240xf32, #tpu.memory_space<hbm>>
      %dma_wait3A_140 = tpu.memref_squeeze %dma_wait3A_139 : memref<1x10240xf32, #tpu.memory_space<hbm>> -> memref<10240xf32, #tpu.memory_space<hbm>>
      %dma_wait3A_141 = tpu.memref_slice %arg7[%arg0, %mul3A_22] : memref<2x163840xf32, #tpu.memory_space<hbm>> -> memref<1x10240xf32, #tpu.memory_space<hbm>>
      %dma_wait3A_142 = tpu.memref_squeeze %dma_wait3A_141 : memref<1x10240xf32, #tpu.memory_space<hbm>> -> memref<10240xf32, #tpu.memory_space<hbm>>
      tpu.wait_dma2 semaphore(%run_scoped3A : memref<!tpu.dma_semaphore, #tpu.memory_space<semaphore_mem>>) src(%arg17 : memref<10240xf32, #tpu.memory_space<vmem>>) dst(%dma_wait3A_142 : memref<10240xf32, #tpu.memory_space<hbm>>)
      tpu.yield
    }) : () -> ()
    %barrier3A = arith.constant 0 : index
    tpu.barrier barrier_id(%barrier3A)
    %scan3A_23 = arith.constant 0 : i32
    %scan3A_24 = arith.constant 0 : i32
    %scan3A_25 = arith.constant 41 : i32
    %scan3A_26 = arith.addi %scan3A_24, %scan3A_25 : i32
    %scan3A_27 = arith.constant 1 : i32
    %scan3A_28 = scf.for %scan3A_135 = %scan3A_24 to %scan3A_26 step %scan3A_27 iter_args(%scan3A_136 = %scan3A_23) -> (i32)  : i32 {
      %mul3A_137 = arith.constant 16 : i32
      %mul3A_138 = arith.muli %scan3A_135, %mul3A_137 : i32
      %swap3A = arith.index_cast %mul3A_138 : i32 to index
      %swap3A_139 = tpu.vector_load %arg23[%swap3A] {strides = array<i32>} : memref<656xf32, #tpu.memory_space<vmem>>, vector<16xf32>,
      tpu.vector_store %arg23[%swap3A], %broadcast_in_dim3A_5 {strides = array<i32>} : memref<656xf32, #tpu.memory_space<vmem>>, vector<16xf32>,
      %scan3A_140 = arith.constant 0 : i32
      scf.yield %scan3A_140 : i32
    }
    %scan3A_29 = arith.constant 41 : i32
    %scan3A_30 = arith.constant 0 : i32
    %scan3A_31 = arith.constant 0 : i32
    %scan3A_32 = arith.constant 16 : i32
    %scan3A_33 = arith.addi %scan3A_31, %scan3A_32 : i32
    %scan3A_34 = arith.constant 1 : i32
    %scan3A_35 = scf.for %scan3A_135 = %scan3A_31 to %scan3A_33 step %scan3A_34 iter_args(%scan3A_136 = %scan3A_30) -> (i32)  : i32 {
      %mul3A_137 = arith.constant 10240 : i32
      %mul3A_138 = arith.muli %scan3A_135, %mul3A_137 : i32
      %add3A_139 = arith.addi %mul3A_138, %mul3A_2 : i32
      "tpu.region"() ({
        %run_scoped3A = tpu.sem_alloc : memref<!tpu.dma_semaphore, #tpu.memory_space<semaphore_mem>>
        %dma_start3A_148 = tpu.memref_slice %arg7[%arg0, %add3A_139] : memref<2x163840xf32, #tpu.memory_space<hbm>> -> memref<1x640xf32, #tpu.memory_space<hbm>>
        %dma_start3A_149 = tpu.memref_squeeze %dma_start3A_148 : memref<1x640xf32, #tpu.memory_space<hbm>> -> memref<640xf32, #tpu.memory_space<hbm>>
        %dma_start3A_150 = tpu.memref_slice %arg7[%arg0, %add3A_139] : memref<2x163840xf32, #tpu.memory_space<hbm>> -> memref<1x640xf32, #tpu.memory_space<hbm>>
        %dma_start3A_151 = tpu.memref_squeeze %dma_start3A_150 : memref<1x640xf32, #tpu.memory_space<hbm>> -> memref<640xf32, #tpu.memory_space<hbm>>
        tpu.enqueue_dma source(%dma_start3A_151 : memref<640xf32, #tpu.memory_space<hbm>>) target(%arg22 : memref<640xf32, #tpu.memory_space<vmem>>) target_semaphore(%run_scoped3A : memref<!tpu.dma_semaphore, #tpu.memory_space<semaphore_mem>>)
        %dma_wait3A_152 = tpu.memref_slice %arg7[%arg0, %add3A_139] : memref<2x163840xf32, #tpu.memory_space<hbm>> -> memref<1x640xf32, #tpu.memory_space<hbm>>
        %dma_wait3A_153 = tpu.memref_squeeze %dma_wait3A_152 : memref<1x640xf32, #tpu.memory_space<hbm>> -> memref<640xf32, #tpu.memory_space<hbm>>
        %dma_wait3A_154 = tpu.memref_slice %arg7[%arg0, %add3A_139] : memref<2x163840xf32, #tpu.memory_space<hbm>> -> memref<1x640xf32, #tpu.memory_space<hbm>>
        %dma_wait3A_155 = tpu.memref_squeeze %dma_wait3A_154 : memref<1x640xf32, #tpu.memory_space<hbm>> -> memref<640xf32, #tpu.memory_space<hbm>>
        tpu.wait_dma2 semaphore(%run_scoped3A : memref<!tpu.dma_semaphore, #tpu.memory_space<semaphore_mem>>) src(%dma_wait3A_155 : memref<640xf32, #tpu.memory_space<hbm>>) dst(%arg22 : memref<640xf32, #tpu.memory_space<vmem>>)
        tpu.yield
      }) : () -> ()
      %scan3A_140 = arith.constant 0 : i32
      %scan3A_141 = arith.constant 0 : i32
      %scan3A_142 = arith.constant 40 : i32
      %scan3A_143 = arith.addi %scan3A_141, %scan3A_142 : i32
      %scan3A_144 = arith.constant 1 : i32
      %scan3A_145 = scf.for %scan3A_148 = %scan3A_141 to %scan3A_143 step %scan3A_144 iter_args(%scan3A_149 = %scan3A_140) -> (i32)  : i32 {
        %mul3A_150 = arith.constant 16 : i32
        %mul3A_151 = arith.muli %scan3A_148, %mul3A_150 : i32
        %get3A = arith.index_cast %mul3A_151 : i32 to index
        %get3A_152 = tpu.vector_load %arg23[%get3A] {strides = array<i32>} : memref<656xf32, #tpu.memory_space<vmem>>, vector<16xf32>,
        %mul3A_153 = arith.constant 16 : i32
        %mul3A_154 = arith.muli %scan3A_148, %mul3A_153 : i32
        %get3A_155 = arith.index_cast %mul3A_154 : i32 to index
        %get3A_156 = tpu.vector_load %arg22[%get3A_155] {strides = array<i32>} : memref<640xf32, #tpu.memory_space<vmem>>, vector<16xf32>,
        %add3A_157 = arith.addf %get3A_152, %get3A_156 : vector<16xf32>
        %swap3A = arith.index_cast %mul3A_151 : i32 to index
        %swap3A_158 = tpu.vector_load %arg23[%swap3A] {strides = array<i32>} : memref<656xf32, #tpu.memory_space<vmem>>, vector<16xf32>,
        tpu.vector_store %arg23[%swap3A], %add3A_157 {strides = array<i32>} : memref<656xf32, #tpu.memory_space<vmem>>, vector<16xf32>,
        %scan3A_159 = arith.constant 0 : i32
        scf.yield %scan3A_159 : i32
      }
      %scan3A_146 = arith.constant 40 : i32
      %scan3A_147 = arith.constant 0 : i32
      scf.yield %scan3A_147 : i32
    }
    %scan3A_36 = arith.constant 16 : i32
    %barrier3A_37 = arith.constant 0 : index
    tpu.barrier barrier_id(%barrier3A_37)
    %scan3A_38 = arith.constant 0 : i32
    %scan3A_39 = arith.constant 0 : i32
    %scan3A_40 = arith.constant 640 : i32
    %scan3A_41 = arith.addi %scan3A_39, %scan3A_40 : i32
    %scan3A_42 = arith.constant 1 : i32
    %scan3A_43 = scf.for %scan3A_135 = %scan3A_39 to %scan3A_41 step %scan3A_42 iter_args(%scan3A_136 = %scan3A_38) -> (i32)  : i32 {
      %mul3A_137 = arith.constant 16 : i32
      %mul3A_138 = arith.muli %scan3A_135, %mul3A_137 : i32
      %swap3A = arith.index_cast %mul3A_138 : i32 to index
      %swap3A_139 = tpu.vector_load %arg17[%swap3A] {strides = array<i32>} : memref<10240xf32, #tpu.memory_space<vmem>>, vector<16xf32>,
      tpu.vector_store %arg17[%swap3A], %broadcast_in_dim3A_5 {strides = array<i32>} : memref<10240xf32, #tpu.memory_space<vmem>>, vector<16xf32>,
      %scan3A_140 = arith.constant 0 : i32
      scf.yield %scan3A_140 : i32
    }
    %scan3A_44 = arith.constant 640 : i32
    %scan3A_45 = arith.constant 0 : i32
    %scan3A_46 = arith.constant 0 : i32
    %scan3A_47 = arith.constant 160 : i32
    %scan3A_48 = arith.addi %scan3A_46, %scan3A_47 : i32
    %scan3A_49 = arith.constant 1 : i32
    %scan3A_50 = scf.for %scan3A_135 = %scan3A_46 to %scan3A_48 step %scan3A_49 iter_args(%scan3A_136 = %scan3A_45) -> (i32)  : i32 {
      %add3A_137 = arith.constant 327680 : i32
      %add3A_138 = arith.addi %add3A_137, %mul3A_0 : i32
      %mul3A_139 = arith.constant 2 : i32
      %mul3A_140 = arith.muli %scan3A_135, %mul3A_139 : i32
      %mul3A_141 = arith.constant 64 : i32
      %mul3A_142 = arith.muli %mul3A_140, %mul3A_141 : i32
      %add3A_143 = arith.addi %add3A_138, %mul3A_142 : i32
      "tpu.region"() ({
        %run_scoped3A = tpu.sem_alloc : memref<!tpu.dma_semaphore, #tpu.memory_space<semaphore_mem>>
        %dma_start3A_160 = tpu.memref_slice %arg3[%add3A_143] : memref<655360xi32, #tpu.memory_space<hbm>> -> memref<128xi32, #tpu.memory_space<hbm>>
        %dma_start3A_161 = tpu.memref_slice %arg3[%add3A_143] : memref<655360xi32, #tpu.memory_space<hbm>> -> memref<128xi32, #tpu.memory_space<hbm>>
        tpu.enqueue_dma source(%dma_start3A_161 : memref<128xi32, #tpu.memory_space<hbm>>) target(%arg9 : memref<128xi32, #tpu.memory_space<vmem>>) target_semaphore(%run_scoped3A : memref<!tpu.dma_semaphore, #tpu.memory_space<semaphore_mem>>)
        %dma_wait3A_162 = tpu.memref_slice %arg3[%add3A_143] : memref<655360xi32, #tpu.memory_space<hbm>> -> memref<128xi32, #tpu.memory_space<hbm>>
        %dma_wait3A_163 = tpu.memref_slice %arg3[%add3A_143] : memref<655360xi32, #tpu.memory_space<hbm>> -> memref<128xi32, #tpu.memory_space<hbm>>
        tpu.wait_dma2 semaphore(%run_scoped3A : memref<!tpu.dma_semaphore, #tpu.memory_space<semaphore_mem>>) src(%dma_wait3A_163 : memref<128xi32, #tpu.memory_space<hbm>>) dst(%arg9 : memref<128xi32, #tpu.memory_space<vmem>>)
        tpu.yield
      }) : () -> ()
      %get3A = arith.constant 0 : index
      %get3A_144 = tpu.vector_load %arg9[%get3A] {strides = array<i32>} : memref<128xi32, #tpu.memory_space<vmem>>, vector<16xi32>,
      tpu.vector_store_idx %arg17[%get3A_144], %broadcast_in_dim3A_7 {add = true} : memref<10240xf32, #tpu.memory_space<vmem>>[vector<16xi32>], vector<16xf32>,
      %get3A_145 = arith.constant 16 : index
      %get3A_146 = tpu.vector_load %arg9[%get3A_145] {strides = array<i32>} : memref<128xi32, #tpu.memory_space<vmem>>, vector<16xi32>,
      tpu.vector_store_idx %arg17[%get3A_146], %broadcast_in_dim3A_7 {add = true} : memref<10240xf32, #tpu.memory_space<vmem>>[vector<16xi32>], vector<16xf32>,
      %get3A_147 = arith.constant 32 : index
      %get3A_148 = tpu.vector_load %arg9[%get3A_147] {strides = array<i32>} : memref<128xi32, #tpu.memory_space<vmem>>, vector<16xi32>,
      tpu.vector_store_idx %arg17[%get3A_148], %broadcast_in_dim3A_7 {add = true} : memref<10240xf32, #tpu.memory_space<vmem>>[vector<16xi32>], vector<16xf32>,
      %get3A_149 = arith.constant 48 : index
      %get3A_150 = tpu.vector_load %arg9[%get3A_149] {strides = array<i32>} : memref<128xi32, #tpu.memory_space<vmem>>, vector<16xi32>,
      tpu.vector_store_idx %arg17[%get3A_150], %broadcast_in_dim3A_7 {add = true} : memref<10240xf32, #tpu.memory_space<vmem>>[vector<16xi32>], vector<16xf32>,
      %get3A_151 = arith.constant 64 : index
      %get3A_152 = tpu.vector_load %arg9[%get3A_151] {strides = array<i32>} : memref<128xi32, #tpu.memory_space<vmem>>, vector<16xi32>,
      tpu.vector_store_idx %arg17[%get3A_152], %broadcast_in_dim3A_7 {add = true} : memref<10240xf32, #tpu.memory_space<vmem>>[vector<16xi32>], vector<16xf32>,
      %get3A_153 = arith.constant 80 : index
      %get3A_154 = tpu.vector_load %arg9[%get3A_153] {strides = array<i32>} : memref<128xi32, #tpu.memory_space<vmem>>, vector<16xi32>,
      tpu.vector_store_idx %arg17[%get3A_154], %broadcast_in_dim3A_7 {add = true} : memref<10240xf32, #tpu.memory_space<vmem>>[vector<16xi32>], vector<16xf32>,
      %get3A_155 = arith.constant 96 : index
      %get3A_156 = tpu.vector_load %arg9[%get3A_155] {strides = array<i32>} : memref<128xi32, #tpu.memory_space<vmem>>, vector<16xi32>,
      tpu.vector_store_idx %arg17[%get3A_156], %broadcast_in_dim3A_7 {add = true} : memref<10240xf32, #tpu.memory_space<vmem>>[vector<16xi32>], vector<16xf32>,
      %get3A_157 = arith.constant 112 : index
      %get3A_158 = tpu.vector_load %arg9[%get3A_157] {strides = array<i32>} : memref<128xi32, #tpu.memory_space<vmem>>, vector<16xi32>,
      tpu.vector_store_idx %arg17[%get3A_158], %broadcast_in_dim3A_7 {add = true} : memref<10240xf32, #tpu.memory_space<vmem>>[vector<16xi32>], vector<16xf32>,
      %scan3A_159 = arith.constant 0 : i32
      scf.yield %scan3A_159 : i32
    }
    %scan3A_51 = arith.constant 160 : i32
    %mul3A_52 = arith.constant 10240 : i32
    %mul3A_53 = arith.muli %arg1, %mul3A_52 : i32
    "tpu.region"() ({
      %run_scoped3A = tpu.sem_alloc : memref<!tpu.dma_semaphore, #tpu.memory_space<semaphore_mem>>
      %dma_start3A_135 = tpu.memref_slice %arg7[%arg0, %mul3A_53] : memref<2x163840xf32, #tpu.memory_space<hbm>> -> memref<1x10240xf32, #tpu.memory_space<hbm>>
      %dma_start3A_136 = tpu.memref_squeeze %dma_start3A_135 : memref<1x10240xf32, #tpu.memory_space<hbm>> -> memref<10240xf32, #tpu.memory_space<hbm>>
      %dma_start3A_137 = tpu.memref_slice %arg7[%arg0, %mul3A_53] : memref<2x163840xf32, #tpu.memory_space<hbm>> -> memref<1x10240xf32, #tpu.memory_space<hbm>>
      %dma_start3A_138 = tpu.memref_squeeze %dma_start3A_137 : memref<1x10240xf32, #tpu.memory_space<hbm>> -> memref<10240xf32, #tpu.memory_space<hbm>>
      tpu.enqueue_dma source(%arg17 : memref<10240xf32, #tpu.memory_space<vmem>>) target(%dma_start3A_138 : memref<10240xf32, #tpu.memory_space<hbm>>) target_semaphore(%run_scoped3A : memref<!tpu.dma_semaphore, #tpu.memory_space<semaphore_mem>>)
      %dma_wait3A_139 = tpu.memref_slice %arg7[%arg0, %mul3A_53] : memref<2x163840xf32, #tpu.memory_space<hbm>> -> memref<1x10240xf32, #tpu.memory_space<hbm>>
      %dma_wait3A_140 = tpu.memref_squeeze %dma_wait3A_139 : memref<1x10240xf32, #tpu.memory_space<hbm>> -> memref<10240xf32, #tpu.memory_space<hbm>>
      %dma_wait3A_141 = tpu.memref_slice %arg7[%arg0, %mul3A_53] : memref<2x163840xf32, #tpu.memory_space<hbm>> -> memref<1x10240xf32, #tpu.memory_space<hbm>>
      %dma_wait3A_142 = tpu.memref_squeeze %dma_wait3A_141 : memref<1x10240xf32, #tpu.memory_space<hbm>> -> memref<10240xf32, #tpu.memory_space<hbm>>
      tpu.wait_dma2 semaphore(%run_scoped3A : memref<!tpu.dma_semaphore, #tpu.memory_space<semaphore_mem>>) src(%arg17 : memref<10240xf32, #tpu.memory_space<vmem>>) dst(%dma_wait3A_142 : memref<10240xf32, #tpu.memory_space<hbm>>)
      tpu.yield
    }) : () -> ()
    %barrier3A_54 = arith.constant 0 : index
    tpu.barrier barrier_id(%barrier3A_54)
    %scan3A_55 = arith.constant 0 : i32
    %scan3A_56 = arith.constant 0 : i32
    %scan3A_57 = arith.constant 41 : i32
    %scan3A_58 = arith.addi %scan3A_56, %scan3A_57 : i32
    %scan3A_59 = arith.constant 1 : i32
    %scan3A_60 = scf.for %scan3A_135 = %scan3A_56 to %scan3A_58 step %scan3A_59 iter_args(%scan3A_136 = %scan3A_55) -> (i32)  : i32 {
      %mul3A_137 = arith.constant 16 : i32
      %mul3A_138 = arith.muli %scan3A_135, %mul3A_137 : i32
      %swap3A = arith.index_cast %mul3A_138 : i32 to index
      %swap3A_139 = tpu.vector_load %arg24[%swap3A] {strides = array<i32>} : memref<656xf32, #tpu.memory_space<vmem>>, vector<16xf32>,
      tpu.vector_store %arg24[%swap3A], %broadcast_in_dim3A_5 {strides = array<i32>} : memref<656xf32, #tpu.memory_space<vmem>>, vector<16xf32>,
      %scan3A_140 = arith.constant 0 : i32
      scf.yield %scan3A_140 : i32
    }
    %scan3A_61 = arith.constant 41 : i32
    %scan3A_62 = arith.constant 0 : i32
    %scan3A_63 = arith.constant 0 : i32
    %scan3A_64 = arith.constant 16 : i32
    %scan3A_65 = arith.addi %scan3A_63, %scan3A_64 : i32
    %scan3A_66 = arith.constant 1 : i32
    %scan3A_67 = scf.for %scan3A_135 = %scan3A_63 to %scan3A_65 step %scan3A_66 iter_args(%scan3A_136 = %scan3A_62) -> (i32)  : i32 {
      %mul3A_137 = arith.constant 10240 : i32
      %mul3A_138 = arith.muli %scan3A_135, %mul3A_137 : i32
      %add3A_139 = arith.addi %mul3A_138, %mul3A_2 : i32
      "tpu.region"() ({
        %run_scoped3A = tpu.sem_alloc : memref<!tpu.dma_semaphore, #tpu.memory_space<semaphore_mem>>
        %dma_start3A_148 = tpu.memref_slice %arg7[%arg0, %add3A_139] : memref<2x163840xf32, #tpu.memory_space<hbm>> -> memref<1x640xf32, #tpu.memory_space<hbm>>
        %dma_start3A_149 = tpu.memref_squeeze %dma_start3A_148 : memref<1x640xf32, #tpu.memory_space<hbm>> -> memref<640xf32, #tpu.memory_space<hbm>>
        %dma_start3A_150 = tpu.memref_slice %arg7[%arg0, %add3A_139] : memref<2x163840xf32, #tpu.memory_space<hbm>> -> memref<1x640xf32, #tpu.memory_space<hbm>>
        %dma_start3A_151 = tpu.memref_squeeze %dma_start3A_150 : memref<1x640xf32, #tpu.memory_space<hbm>> -> memref<640xf32, #tpu.memory_space<hbm>>
        tpu.enqueue_dma source(%dma_start3A_151 : memref<640xf32, #tpu.memory_space<hbm>>) target(%arg22 : memref<640xf32, #tpu.memory_space<vmem>>) target_semaphore(%run_scoped3A : memref<!tpu.dma_semaphore, #tpu.memory_space<semaphore_mem>>)
        %dma_wait3A_152 = tpu.memref_slice %arg7[%arg0, %add3A_139] : memref<2x163840xf32, #tpu.memory_space<hbm>> -> memref<1x640xf32, #tpu.memory_space<hbm>>
        %dma_wait3A_153 = tpu.memref_squeeze %dma_wait3A_152 : memref<1x640xf32, #tpu.memory_space<hbm>> -> memref<640xf32, #tpu.memory_space<hbm>>
        %dma_wait3A_154 = tpu.memref_slice %arg7[%arg0, %add3A_139] : memref<2x163840xf32, #tpu.memory_space<hbm>> -> memref<1x640xf32, #tpu.memory_space<hbm>>
        %dma_wait3A_155 = tpu.memref_squeeze %dma_wait3A_154 : memref<1x640xf32, #tpu.memory_space<hbm>> -> memref<640xf32, #tpu.memory_space<hbm>>
        tpu.wait_dma2 semaphore(%run_scoped3A : memref<!tpu.dma_semaphore, #tpu.memory_space<semaphore_mem>>) src(%dma_wait3A_155 : memref<640xf32, #tpu.memory_space<hbm>>) dst(%arg22 : memref<640xf32, #tpu.memory_space<vmem>>)
        tpu.yield
      }) : () -> ()
      %scan3A_140 = arith.constant 0 : i32
      %scan3A_141 = arith.constant 0 : i32
      %scan3A_142 = arith.constant 40 : i32
      %scan3A_143 = arith.addi %scan3A_141, %scan3A_142 : i32
      %scan3A_144 = arith.constant 1 : i32
      %scan3A_145 = scf.for %scan3A_148 = %scan3A_141 to %scan3A_143 step %scan3A_144 iter_args(%scan3A_149 = %scan3A_140) -> (i32)  : i32 {
        %mul3A_150 = arith.constant 16 : i32
        %mul3A_151 = arith.muli %scan3A_148, %mul3A_150 : i32
        %get3A = arith.index_cast %mul3A_151 : i32 to index
        %get3A_152 = tpu.vector_load %arg24[%get3A] {strides = array<i32>} : memref<656xf32, #tpu.memory_space<vmem>>, vector<16xf32>,
        %mul3A_153 = arith.constant 16 : i32
        %mul3A_154 = arith.muli %scan3A_148, %mul3A_153 : i32
        %get3A_155 = arith.index_cast %mul3A_154 : i32 to index
        %get3A_156 = tpu.vector_load %arg22[%get3A_155] {strides = array<i32>} : memref<640xf32, #tpu.memory_space<vmem>>, vector<16xf32>,
        %add3A_157 = arith.addf %get3A_152, %get3A_156 : vector<16xf32>
        %swap3A = arith.index_cast %mul3A_151 : i32 to index
        %swap3A_158 = tpu.vector_load %arg24[%swap3A] {strides = array<i32>} : memref<656xf32, #tpu.memory_space<vmem>>, vector<16xf32>,
        tpu.vector_store %arg24[%swap3A], %add3A_157 {strides = array<i32>} : memref<656xf32, #tpu.memory_space<vmem>>, vector<16xf32>,
        %scan3A_159 = arith.constant 0 : i32
        scf.yield %scan3A_159 : i32
      }
      %scan3A_146 = arith.constant 40 : i32
      %scan3A_147 = arith.constant 0 : i32
      scf.yield %scan3A_147 : i32
    }
    %scan3A_68 = arith.constant 16 : i32
    %barrier3A_69 = arith.constant 0 : index
    tpu.barrier barrier_id(%barrier3A_69)
    %scan3A_70 = arith.constant 0 : i32
    %scan3A_71 = arith.constant 0 : i32
    %scan3A_72 = arith.constant 41 : i32
    %scan3A_73 = arith.addi %scan3A_71, %scan3A_72 : i32
    %scan3A_74 = arith.constant 1 : i32
    %scan3A_75 = scf.for %scan3A_135 = %scan3A_71 to %scan3A_73 step %scan3A_74 iter_args(%scan3A_136 = %scan3A_70) -> (i32)  : i32 {
      %mul3A_137 = arith.constant 16 : i32
      %mul3A_138 = arith.muli %scan3A_135, %mul3A_137 : i32
      %get3A = arith.index_cast %mul3A_138 : i32 to index
      %get3A_139 = tpu.vector_load %arg23[%get3A] {strides = array<i32>} : memref<656xf32, #tpu.memory_space<vmem>>, vector<16xf32>,
      %max3A = arith.constant 1.000000e+00 : f32
      %max3A_140 = vector.broadcast %max3A : f32 to vector<16xf32>
      %max3A_141 = arith.maximumf %get3A_139, %max3A_140 : vector<16xf32>
      %mul3A_142 = arith.constant 16 : i32
      %mul3A_143 = arith.muli %scan3A_135, %mul3A_142 : i32
      %get3A_144 = arith.index_cast %mul3A_143 : i32 to index
      %get3A_145 = tpu.vector_load %arg24[%get3A_144] {strides = array<i32>} : memref<656xf32, #tpu.memory_space<vmem>>, vector<16xf32>,
      %max3A_146 = arith.constant 1.000000e+00 : f32
      %max3A_147 = vector.broadcast %max3A_146 : f32 to vector<16xf32>
      %max3A_148 = arith.maximumf %get3A_145, %max3A_147 : vector<16xf32>
      %bitcast3A = vector.bitcast %max3A_141 : vector<16xf32> to vector<16xi32>
      %shift_right_arithmetic3A = arith.constant 1 : i32
      %shift_right_arithmetic3A_149 = vector.broadcast %shift_right_arithmetic3A : i32 to vector<16xi32>
      %shift_right_arithmetic3A_150 = arith.shrsi %bitcast3A, %shift_right_arithmetic3A_149 : vector<16xi32>
      %sub3A = arith.constant 1597463007 : i32
      %sub3A_151 = vector.broadcast %sub3A : i32 to vector<16xi32>
      %sub3A_152 = arith.subi %sub3A_151, %shift_right_arithmetic3A_150 : vector<16xi32>
      %bitcast3A_153 = vector.bitcast %sub3A_152 : vector<16xi32> to vector<16xf32>
      %mul3A_154 = arith.constant 5.000000e-01 : f32
      %mul3A_155 = vector.broadcast %mul3A_154 : f32 to vector<16xf32>
      %mul3A_156 = arith.mulf %mul3A_155, %max3A_141 : vector<16xf32>
      %mul3A_157 = arith.mulf %mul3A_156, %bitcast3A_153 : vector<16xf32>
      %mul3A_158 = arith.mulf %mul3A_157, %bitcast3A_153 : vector<16xf32>
      %sub3A_159 = arith.constant 1.500000e+00 : f32
      %sub3A_160 = vector.broadcast %sub3A_159 : f32 to vector<16xf32>
      %sub3A_161 = arith.subf %sub3A_160, %mul3A_158 : vector<16xf32>
      %mul3A_162 = arith.mulf %bitcast3A_153, %sub3A_161 : vector<16xf32>
      %mul3A_163 = arith.constant 5.000000e-01 : f32
      %mul3A_164 = vector.broadcast %mul3A_163 : f32 to vector<16xf32>
      %mul3A_165 = arith.mulf %mul3A_164, %max3A_141 : vector<16xf32>
      %mul3A_166 = arith.mulf %mul3A_165, %mul3A_162 : vector<16xf32>
      %mul3A_167 = arith.mulf %mul3A_166, %mul3A_162 : vector<16xf32>
      %sub3A_168 = arith.constant 1.500000e+00 : f32
      %sub3A_169 = vector.broadcast %sub3A_168 : f32 to vector<16xf32>
      %sub3A_170 = arith.subf %sub3A_169, %mul3A_167 : vector<16xf32>
      %mul3A_171 = arith.mulf %mul3A_162, %sub3A_170 : vector<16xf32>
      %mul3A_172 = arith.constant 5.000000e-01 : f32
      %mul3A_173 = vector.broadcast %mul3A_172 : f32 to vector<16xf32>
      %mul3A_174 = arith.mulf %mul3A_173, %max3A_141 : vector<16xf32>
      %mul3A_175 = arith.mulf %mul3A_174, %mul3A_171 : vector<16xf32>
      %mul3A_176 = arith.mulf %mul3A_175, %mul3A_171 : vector<16xf32>
      %sub3A_177 = arith.constant 1.500000e+00 : f32
      %sub3A_178 = vector.broadcast %sub3A_177 : f32 to vector<16xf32>
      %sub3A_179 = arith.subf %sub3A_178, %mul3A_176 : vector<16xf32>
      %mul3A_180 = arith.mulf %mul3A_171, %sub3A_179 : vector<16xf32>
      %bitcast3A_181 = vector.bitcast %max3A_148 : vector<16xf32> to vector<16xi32>
      %shift_right_arithmetic3A_182 = arith.constant 1 : i32
      %shift_right_arithmetic3A_183 = vector.broadcast %shift_right_arithmetic3A_182 : i32 to vector<16xi32>
      %shift_right_arithmetic3A_184 = arith.shrsi %bitcast3A_181, %shift_right_arithmetic3A_183 : vector<16xi32>
      %sub3A_185 = arith.constant 1597463007 : i32
      %sub3A_186 = vector.broadcast %sub3A_185 : i32 to vector<16xi32>
      %sub3A_187 = arith.subi %sub3A_186, %shift_right_arithmetic3A_184 : vector<16xi32>
      %bitcast3A_188 = vector.bitcast %sub3A_187 : vector<16xi32> to vector<16xf32>
      %mul3A_189 = arith.constant 5.000000e-01 : f32
      %mul3A_190 = vector.broadcast %mul3A_189 : f32 to vector<16xf32>
      %mul3A_191 = arith.mulf %mul3A_190, %max3A_148 : vector<16xf32>
      %mul3A_192 = arith.mulf %mul3A_191, %bitcast3A_188 : vector<16xf32>
      %mul3A_193 = arith.mulf %mul3A_192, %bitcast3A_188 : vector<16xf32>
      %sub3A_194 = arith.constant 1.500000e+00 : f32
      %sub3A_195 = vector.broadcast %sub3A_194 : f32 to vector<16xf32>
      %sub3A_196 = arith.subf %sub3A_195, %mul3A_193 : vector<16xf32>
      %mul3A_197 = arith.mulf %bitcast3A_188, %sub3A_196 : vector<16xf32>
      %mul3A_198 = arith.constant 5.000000e-01 : f32
      %mul3A_199 = vector.broadcast %mul3A_198 : f32 to vector<16xf32>
      %mul3A_200 = arith.mulf %mul3A_199, %max3A_148 : vector<16xf32>
      %mul3A_201 = arith.mulf %mul3A_200, %mul3A_197 : vector<16xf32>
      %mul3A_202 = arith.mulf %mul3A_201, %mul3A_197 : vector<16xf32>
      %sub3A_203 = arith.constant 1.500000e+00 : f32
      %sub3A_204 = vector.broadcast %sub3A_203 : f32 to vector<16xf32>
      %sub3A_205 = arith.subf %sub3A_204, %mul3A_202 : vector<16xf32>
      %mul3A_206 = arith.mulf %mul3A_197, %sub3A_205 : vector<16xf32>
      %mul3A_207 = arith.constant 5.000000e-01 : f32
      %mul3A_208 = vector.broadcast %mul3A_207 : f32 to vector<16xf32>
      %mul3A_209 = arith.mulf %mul3A_208, %max3A_148 : vector<16xf32>
      %mul3A_210 = arith.mulf %mul3A_209, %mul3A_206 : vector<16xf32>
      %mul3A_211 = arith.mulf %mul3A_210, %mul3A_206 : vector<16xf32>
      %sub3A_212 = arith.constant 1.500000e+00 : f32
      %sub3A_213 = vector.broadcast %sub3A_212 : f32 to vector<16xf32>
      %sub3A_214 = arith.subf %sub3A_213, %mul3A_211 : vector<16xf32>
      %mul3A_215 = arith.mulf %mul3A_206, %sub3A_214 : vector<16xf32>
      %mul3A_216 = arith.constant 16 : i32
      %mul3A_217 = arith.muli %scan3A_135, %mul3A_216 : i32
      %swap3A = arith.index_cast %mul3A_217 : i32 to index
      %swap3A_218 = tpu.vector_load %arg23[%swap3A] {strides = array<i32>} : memref<656xf32, #tpu.memory_space<vmem>>, vector<16xf32>,
      tpu.vector_store %arg23[%swap3A], %mul3A_180 {strides = array<i32>} : memref<656xf32, #tpu.memory_space<vmem>>, vector<16xf32>,
      %mul3A_219 = arith.constant 16 : i32
      %mul3A_220 = arith.muli %scan3A_135, %mul3A_219 : i32
      %swap3A_221 = arith.index_cast %mul3A_220 : i32 to index
      %swap3A_222 = tpu.vector_load %arg24[%swap3A_221] {strides = array<i32>} : memref<656xf32, #tpu.memory_space<vmem>>, vector<16xf32>,
      tpu.vector_store %arg24[%swap3A_221], %mul3A_215 {strides = array<i32>} : memref<656xf32, #tpu.memory_space<vmem>>, vector<16xf32>,
      %mul3A_223 = arith.constant 0.899999976 : f32
      %mul3A_224 = vector.broadcast %mul3A_223 : f32 to vector<16xf32>
      %mul3A_225 = arith.mulf %mul3A_224, %mul3A_180 : vector<16xf32>
      %mul3A_226 = arith.mulf %mul3A_225, %mul3A_215 : vector<16xf32>
      %mul3A_227 = arith.constant 16 : i32
      %mul3A_228 = arith.muli %scan3A_135, %mul3A_227 : i32
      %swap3A_229 = arith.index_cast %mul3A_228 : i32 to index
      %swap3A_230 = tpu.vector_load %arg25[%swap3A_229] {strides = array<i32>} : memref<656xf32, #tpu.memory_space<vmem>>, vector<16xf32>,
      tpu.vector_store %arg25[%swap3A_229], %mul3A_226 {strides = array<i32>} : memref<656xf32, #tpu.memory_space<vmem>>, vector<16xf32>,
      %scan3A_231 = arith.constant 0 : i32
      scf.yield %scan3A_231 : i32
    }
    %scan3A_76 = arith.constant 41 : i32
    %scan3A_77 = arith.constant 0 : i32
    %scan3A_78 = arith.constant 0 : i32
    %scan3A_79 = arith.constant 10 : i32
    %scan3A_80 = arith.addi %scan3A_78, %scan3A_79 : i32
    %scan3A_81 = arith.constant 1 : i32
    %scan3A_82 = scf.for %scan3A_135 = %scan3A_78 to %scan3A_80 step %scan3A_81 iter_args(%scan3A_136 = %scan3A_77) -> (i32)  : i32 {
      %mul3A_137 = arith.constant 64 : i32
      %mul3A_138 = arith.muli %scan3A_135, %mul3A_137 : i32
      %add3A_139 = arith.addi %mul3A_2, %mul3A_138 : i32
      "tpu.region"() ({
        %run_scoped3A = tpu.sem_alloc : memref<!tpu.dma_semaphore, #tpu.memory_space<semaphore_mem>>
        %dma_start3A_156 = arith.constant 0 : i32
        %dma_start3A_157 = arith.constant 0 : i32
        %dma_start3A_158 = tpu.memref_slice %arg19[%dma_start3A_156, %dma_start3A_157] : memref<64x128xf32, #tpu.memory_space<vmem>> -> memref<64x128xf32, #tpu.memory_space<vmem>>
        %dma_start3A_159 = arith.constant 0 : i32
        %dma_start3A_160 = tpu.memref_slice %arg2[%arg0, %add3A_139, %dma_start3A_159] : memref<2x10240x128xf32, #tpu.memory_space<hbm>> -> memref<1x64x128xf32, #tpu.memory_space<hbm>>
        %dma_start3A_161 = tpu.memref_squeeze %dma_start3A_160 : memref<1x64x128xf32, #tpu.memory_space<hbm>> -> memref<64x128xf32, #tpu.memory_space<hbm>>
        %dma_start3A_162 = arith.constant 0 : i32
        %dma_start3A_163 = arith.constant 0 : i32
        %dma_start3A_164 = tpu.memref_slice %arg19[%dma_start3A_162, %dma_start3A_163] : memref<64x128xf32, #tpu.memory_space<vmem>> -> memref<64x128xf32, #tpu.memory_space<vmem>>
        %dma_start3A_165 = arith.constant 0 : i32
        %dma_start3A_166 = tpu.memref_slice %arg2[%arg0, %add3A_139, %dma_start3A_165] : memref<2x10240x128xf32, #tpu.memory_space<hbm>> -> memref<1x64x128xf32, #tpu.memory_space<hbm>>
        %dma_start3A_167 = tpu.memref_squeeze %dma_start3A_166 : memref<1x64x128xf32, #tpu.memory_space<hbm>> -> memref<64x128xf32, #tpu.memory_space<hbm>>
        tpu.enqueue_dma source(%dma_start3A_167 : memref<64x128xf32, #tpu.memory_space<hbm>>) target(%dma_start3A_164 : memref<64x128xf32, #tpu.memory_space<vmem>>) target_semaphore(%run_scoped3A : memref<!tpu.dma_semaphore, #tpu.memory_space<semaphore_mem>>)
        %dma_wait3A_168 = arith.constant 0 : i32
        %dma_wait3A_169 = arith.constant 0 : i32
        %dma_wait3A_170 = tpu.memref_slice %arg19[%dma_wait3A_168, %dma_wait3A_169] : memref<64x128xf32, #tpu.memory_space<vmem>> -> memref<64x128xf32, #tpu.memory_space<vmem>>
        %dma_wait3A_171 = arith.constant 0 : i32
        %dma_wait3A_172 = tpu.memref_slice %arg2[%arg0, %add3A_139, %dma_wait3A_171] : memref<2x10240x128xf32, #tpu.memory_space<hbm>> -> memref<1x64x128xf32, #tpu.memory_space<hbm>>
        %dma_wait3A_173 = tpu.memref_squeeze %dma_wait3A_172 : memref<1x64x128xf32, #tpu.memory_space<hbm>> -> memref<64x128xf32, #tpu.memory_space<hbm>>
        %dma_wait3A_174 = arith.constant 0 : i32
        %dma_wait3A_175 = arith.constant 0 : i32
        %dma_wait3A_176 = tpu.memref_slice %arg19[%dma_wait3A_174, %dma_wait3A_175] : memref<64x128xf32, #tpu.memory_space<vmem>> -> memref<64x128xf32, #tpu.memory_space<vmem>>
        %dma_wait3A_177 = arith.constant 0 : i32
        %dma_wait3A_178 = tpu.memref_slice %arg2[%arg0, %add3A_139, %dma_wait3A_177] : memref<2x10240x128xf32, #tpu.memory_space<hbm>> -> memref<1x64x128xf32, #tpu.memory_space<hbm>>
        %dma_wait3A_179 = tpu.memref_squeeze %dma_wait3A_178 : memref<1x64x128xf32, #tpu.memory_space<hbm>> -> memref<64x128xf32, #tpu.memory_space<hbm>>
        tpu.wait_dma2 semaphore(%run_scoped3A : memref<!tpu.dma_semaphore, #tpu.memory_space<semaphore_mem>>) src(%dma_wait3A_179 : memref<64x128xf32, #tpu.memory_space<hbm>>) dst(%dma_wait3A_176 : memref<64x128xf32, #tpu.memory_space<vmem>>)
        tpu.yield
      }) : () -> ()
      %scan3A_140 = arith.constant 0 : i32
      %scan3A_141 = arith.constant 0 : i32
      %scan3A_142 = arith.constant 64 : i32
      %scan3A_143 = arith.addi %scan3A_141, %scan3A_142 : i32
      %scan3A_144 = arith.constant 1 : i32
      %scan3A_145 = scf.for %scan3A_156 = %scan3A_141 to %scan3A_143 step %scan3A_144 iter_args(%scan3A_157 = %scan3A_140) -> (i32)  : i32 {
        %mul3A_158 = arith.constant 64 : i32
        %mul3A_159 = arith.muli %scan3A_135, %mul3A_158 : i32
        %add3A_160 = arith.addi %mul3A_159, %scan3A_156 : i32
        %get3A = arith.index_cast %add3A_160 : i32 to index
        %get3A_161 = tpu.vector_load %arg23[%get3A] {strides = array<i32>} : memref<656xf32, #tpu.memory_space<vmem>>, vector<16xf32>,
        %slice3A = vector.extract_strided_slice %get3A_161 {offsets = [0], sizes = [1], strides = [1]} : vector<16xf32> to vector<1xf32>
        %squeeze3A = vector.extract %slice3A[0] : f32 from vector<1xf32>
        %broadcast_in_dim3A_162 = vector.broadcast %squeeze3A : f32 to vector<16xf32>
        %get3A_163 = arith.index_cast %scan3A_156 : i32 to index
        %get3A_164 = arith.constant 0 : index
        %get3A_165 = tpu.vector_load %arg19[%get3A_163, %get3A_164] {strides = array<i32>} : memref<64x128xf32, #tpu.memory_space<vmem>>, vector<16xf32>,
        %mul3A_166 = arith.mulf %broadcast_in_dim3A_162, %get3A_165 : vector<16xf32>
        %swap3A = arith.index_cast %scan3A_156 : i32 to index
        %swap3A_167 = arith.constant 0 : index
        %swap3A_168 = tpu.vector_load %arg18[%swap3A, %swap3A_167] {strides = array<i32>} : memref<64x128xf32, #tpu.memory_space<vmem>>, vector<16xf32>,
        tpu.vector_store %arg18[%swap3A, %swap3A_167], %mul3A_166 {strides = array<i32>} : memref<64x128xf32, #tpu.memory_space<vmem>>, vector<16xf32>,
        %mul3A_169 = arith.constant 1.000000e-01 : f32
        %mul3A_170 = vector.broadcast %mul3A_169 : f32 to vector<16xf32>
        %mul3A_171 = arith.mulf %mul3A_170, %mul3A_166 : vector<16xf32>
        %swap3A_172 = arith.index_cast %scan3A_156 : i32 to index
        %swap3A_173 = arith.constant 0 : index
        %swap3A_174 = tpu.vector_load %arg19[%swap3A_172, %swap3A_173] {strides = array<i32>} : memref<64x128xf32, #tpu.memory_space<vmem>>, vector<16xf32>,
        tpu.vector_store %arg19[%swap3A_172, %swap3A_173], %mul3A_171 {strides = array<i32>} : memref<64x128xf32, #tpu.memory_space<vmem>>, vector<16xf32>,
        %get3A_175 = arith.index_cast %scan3A_156 : i32 to index
        %get3A_176 = arith.constant 16 : index
        %get3A_177 = tpu.vector_load %arg19[%get3A_175, %get3A_176] {strides = array<i32>} : memref<64x128xf32, #tpu.memory_space<vmem>>, vector<16xf32>,
        %mul3A_178 = arith.mulf %broadcast_in_dim3A_162, %get3A_177 : vector<16xf32>
        %swap3A_179 = arith.index_cast %scan3A_156 : i32 to index
        %swap3A_180 = arith.constant 16 : index
        %swap3A_181 = tpu.vector_load %arg18[%swap3A_179, %swap3A_180] {strides = array<i32>} : memref<64x128xf32, #tpu.memory_space<vmem>>, vector<16xf32>,
        tpu.vector_store %arg18[%swap3A_179, %swap3A_180], %mul3A_178 {strides = array<i32>} : memref<64x128xf32, #tpu.memory_space<vmem>>, vector<16xf32>,
        %mul3A_182 = arith.constant 1.000000e-01 : f32
        %mul3A_183 = vector.broadcast %mul3A_182 : f32 to vector<16xf32>
        %mul3A_184 = arith.mulf %mul3A_183, %mul3A_178 : vector<16xf32>
        %swap3A_185 = arith.index_cast %scan3A_156 : i32 to index
        %swap3A_186 = arith.constant 16 : index
        %swap3A_187 = tpu.vector_load %arg19[%swap3A_185, %swap3A_186] {strides = array<i32>} : memref<64x128xf32, #tpu.memory_space<vmem>>, vector<16xf32>,
        tpu.vector_store %arg19[%swap3A_185, %swap3A_186], %mul3A_184 {strides = array<i32>} : memref<64x128xf32, #tpu.memory_space<vmem>>, vector<16xf32>,
        %get3A_188 = arith.index_cast %scan3A_156 : i32 to index
        %get3A_189 = arith.constant 32 : index
        %get3A_190 = tpu.vector_load %arg19[%get3A_188, %get3A_189] {strides = array<i32>} : memref<64x128xf32, #tpu.memory_space<vmem>>, vector<16xf32>,
        %mul3A_191 = arith.mulf %broadcast_in_dim3A_162, %get3A_190 : vector<16xf32>
        %swap3A_192 = arith.index_cast %scan3A_156 : i32 to index
        %swap3A_193 = arith.constant 32 : index
        %swap3A_194 = tpu.vector_load %arg18[%swap3A_192, %swap3A_193] {strides = array<i32>} : memref<64x128xf32, #tpu.memory_space<vmem>>, vector<16xf32>,
        tpu.vector_store %arg18[%swap3A_192, %swap3A_193], %mul3A_191 {strides = array<i32>} : memref<64x128xf32, #tpu.memory_space<vmem>>, vector<16xf32>,
        %mul3A_195 = arith.constant 1.000000e-01 : f32
        %mul3A_196 = vector.broadcast %mul3A_195 : f32 to vector<16xf32>
        %mul3A_197 = arith.mulf %mul3A_196, %mul3A_191 : vector<16xf32>
        %swap3A_198 = arith.index_cast %scan3A_156 : i32 to index
        %swap3A_199 = arith.constant 32 : index
        %swap3A_200 = tpu.vector_load %arg19[%swap3A_198, %swap3A_199] {strides = array<i32>} : memref<64x128xf32, #tpu.memory_space<vmem>>, vector<16xf32>,
        tpu.vector_store %arg19[%swap3A_198, %swap3A_199], %mul3A_197 {strides = array<i32>} : memref<64x128xf32, #tpu.memory_space<vmem>>, vector<16xf32>,
        %get3A_201 = arith.index_cast %scan3A_156 : i32 to index
        %get3A_202 = arith.constant 48 : index
        %get3A_203 = tpu.vector_load %arg19[%get3A_201, %get3A_202] {strides = array<i32>} : memref<64x128xf32, #tpu.memory_space<vmem>>, vector<16xf32>,
        %mul3A_204 = arith.mulf %broadcast_in_dim3A_162, %get3A_203 : vector<16xf32>
        %swap3A_205 = arith.index_cast %scan3A_156 : i32 to index
        %swap3A_206 = arith.constant 48 : index
        %swap3A_207 = tpu.vector_load %arg18[%swap3A_205, %swap3A_206] {strides = array<i32>} : memref<64x128xf32, #tpu.memory_space<vmem>>, vector<16xf32>,
        tpu.vector_store %arg18[%swap3A_205, %swap3A_206], %mul3A_204 {strides = array<i32>} : memref<64x128xf32, #tpu.memory_space<vmem>>, vector<16xf32>,
        %mul3A_208 = arith.constant 1.000000e-01 : f32
        %mul3A_209 = vector.broadcast %mul3A_208 : f32 to vector<16xf32>
        %mul3A_210 = arith.mulf %mul3A_209, %mul3A_204 : vector<16xf32>
        %swap3A_211 = arith.index_cast %scan3A_156 : i32 to index
        %swap3A_212 = arith.constant 48 : index
        %swap3A_213 = tpu.vector_load %arg19[%swap3A_211, %swap3A_212] {strides = array<i32>} : memref<64x128xf32, #tpu.memory_space<vmem>>, vector<16xf32>,
        tpu.vector_store %arg19[%swap3A_211, %swap3A_212], %mul3A_210 {strides = array<i32>} : memref<64x128xf32, #tpu.memory_space<vmem>>, vector<16xf32>,
        %get3A_214 = arith.index_cast %scan3A_156 : i32 to index
        %get3A_215 = arith.constant 64 : index
        %get3A_216 = tpu.vector_load %arg19[%get3A_214, %get3A_215] {strides = array<i32>} : memref<64x128xf32, #tpu.memory_space<vmem>>, vector<16xf32>,
        %mul3A_217 = arith.mulf %broadcast_in_dim3A_162, %get3A_216 : vector<16xf32>
        %swap3A_218 = arith.index_cast %scan3A_156 : i32 to index
        %swap3A_219 = arith.constant 64 : index
        %swap3A_220 = tpu.vector_load %arg18[%swap3A_218, %swap3A_219] {strides = array<i32>} : memref<64x128xf32, #tpu.memory_space<vmem>>, vector<16xf32>,
        tpu.vector_store %arg18[%swap3A_218, %swap3A_219], %mul3A_217 {strides = array<i32>} : memref<64x128xf32, #tpu.memory_space<vmem>>, vector<16xf32>,
        %mul3A_221 = arith.constant 1.000000e-01 : f32
        %mul3A_222 = vector.broadcast %mul3A_221 : f32 to vector<16xf32>
        %mul3A_223 = arith.mulf %mul3A_222, %mul3A_217 : vector<16xf32>
        %swap3A_224 = arith.index_cast %scan3A_156 : i32 to index
        %swap3A_225 = arith.constant 64 : index
        %swap3A_226 = tpu.vector_load %arg19[%swap3A_224, %swap3A_225] {strides = array<i32>} : memref<64x128xf32, #tpu.memory_space<vmem>>, vector<16xf32>,
        tpu.vector_store %arg19[%swap3A_224, %swap3A_225], %mul3A_223 {strides = array<i32>} : memref<64x128xf32, #tpu.memory_space<vmem>>, vector<16xf32>,
        %get3A_227 = arith.index_cast %scan3A_156 : i32 to index
        %get3A_228 = arith.constant 80 : index
        %get3A_229 = tpu.vector_load %arg19[%get3A_227, %get3A_228] {strides = array<i32>} : memref<64x128xf32, #tpu.memory_space<vmem>>, vector<16xf32>,
        %mul3A_230 = arith.mulf %broadcast_in_dim3A_162, %get3A_229 : vector<16xf32>
        %swap3A_231 = arith.index_cast %scan3A_156 : i32 to index
        %swap3A_232 = arith.constant 80 : index
        %swap3A_233 = tpu.vector_load %arg18[%swap3A_231, %swap3A_232] {strides = array<i32>} : memref<64x128xf32, #tpu.memory_space<vmem>>, vector<16xf32>,
        tpu.vector_store %arg18[%swap3A_231, %swap3A_232], %mul3A_230 {strides = array<i32>} : memref<64x128xf32, #tpu.memory_space<vmem>>, vector<16xf32>,
        %mul3A_234 = arith.constant 1.000000e-01 : f32
        %mul3A_235 = vector.broadcast %mul3A_234 : f32 to vector<16xf32>
        %mul3A_236 = arith.mulf %mul3A_235, %mul3A_230 : vector<16xf32>
        %swap3A_237 = arith.index_cast %scan3A_156 : i32 to index
        %swap3A_238 = arith.constant 80 : index
        %swap3A_239 = tpu.vector_load %arg19[%swap3A_237, %swap3A_238] {strides = array<i32>} : memref<64x128xf32, #tpu.memory_space<vmem>>, vector<16xf32>,
        tpu.vector_store %arg19[%swap3A_237, %swap3A_238], %mul3A_236 {strides = array<i32>} : memref<64x128xf32, #tpu.memory_space<vmem>>, vector<16xf32>,
        %get3A_240 = arith.index_cast %scan3A_156 : i32 to index
        %get3A_241 = arith.constant 96 : index
        %get3A_242 = tpu.vector_load %arg19[%get3A_240, %get3A_241] {strides = array<i32>} : memref<64x128xf32, #tpu.memory_space<vmem>>, vector<16xf32>,
        %mul3A_243 = arith.mulf %broadcast_in_dim3A_162, %get3A_242 : vector<16xf32>
        %swap3A_244 = arith.index_cast %scan3A_156 : i32 to index
        %swap3A_245 = arith.constant 96 : index
        %swap3A_246 = tpu.vector_load %arg18[%swap3A_244, %swap3A_245] {strides = array<i32>} : memref<64x128xf32, #tpu.memory_space<vmem>>, vector<16xf32>,
        tpu.vector_store %arg18[%swap3A_244, %swap3A_245], %mul3A_243 {strides = array<i32>} : memref<64x128xf32, #tpu.memory_space<vmem>>, vector<16xf32>,
        %mul3A_247 = arith.constant 1.000000e-01 : f32
        %mul3A_248 = vector.broadcast %mul3A_247 : f32 to vector<16xf32>
        %mul3A_249 = arith.mulf %mul3A_248, %mul3A_243 : vector<16xf32>
        %swap3A_250 = arith.index_cast %scan3A_156 : i32 to index
        %swap3A_251 = arith.constant 96 : index
        %swap3A_252 = tpu.vector_load %arg19[%swap3A_250, %swap3A_251] {strides = array<i32>} : memref<64x128xf32, #tpu.memory_space<vmem>>, vector<16xf32>,
        tpu.vector_store %arg19[%swap3A_250, %swap3A_251], %mul3A_249 {strides = array<i32>} : memref<64x128xf32, #tpu.memory_space<vmem>>, vector<16xf32>,
        %get3A_253 = arith.index_cast %scan3A_156 : i32 to index
        %get3A_254 = arith.constant 112 : index
        %get3A_255 = tpu.vector_load %arg19[%get3A_253, %get3A_254] {strides = array<i32>} : memref<64x128xf32, #tpu.memory_space<vmem>>, vector<16xf32>,
        %mul3A_256 = arith.mulf %broadcast_in_dim3A_162, %get3A_255 : vector<16xf32>
        %swap3A_257 = arith.index_cast %scan3A_156 : i32 to index
        %swap3A_258 = arith.constant 112 : index
        %swap3A_259 = tpu.vector_load %arg18[%swap3A_257, %swap3A_258] {strides = array<i32>} : memref<64x128xf32, #tpu.memory_space<vmem>>, vector<16xf32>,
        tpu.vector_store %arg18[%swap3A_257, %swap3A_258], %mul3A_256 {strides = array<i32>} : memref<64x128xf32, #tpu.memory_space<vmem>>, vector<16xf32>,
        %mul3A_260 = arith.constant 1.000000e-01 : f32
        %mul3A_261 = vector.broadcast %mul3A_260 : f32 to vector<16xf32>
        %mul3A_262 = arith.mulf %mul3A_261, %mul3A_256 : vector<16xf32>
        %swap3A_263 = arith.index_cast %scan3A_156 : i32 to index
        %swap3A_264 = arith.constant 112 : index
        %swap3A_265 = tpu.vector_load %arg19[%swap3A_263, %swap3A_264] {strides = array<i32>} : memref<64x128xf32, #tpu.memory_space<vmem>>, vector<16xf32>,
        tpu.vector_store %arg19[%swap3A_263, %swap3A_264], %mul3A_262 {strides = array<i32>} : memref<64x128xf32, #tpu.memory_space<vmem>>, vector<16xf32>,
        %scan3A_266 = arith.constant 0 : i32
        scf.yield %scan3A_266 : i32
      }
      %scan3A_146 = arith.constant 64 : i32
      %add3A_147 = arith.addi %mul3A_4, %add3A_139 : i32
      "tpu.region"() ({
        %run_scoped3A = tpu.sem_alloc : memref<!tpu.dma_semaphore, #tpu.memory_space<semaphore_mem>>
        %dma_start3A_156 = arith.constant 0 : i32
        %dma_start3A_157 = arith.constant 0 : i32
        %dma_start3A_158 = tpu.memref_slice %arg18[%dma_start3A_156, %dma_start3A_157] : memref<64x128xf32, #tpu.memory_space<vmem>> -> memref<64x128xf32, #tpu.memory_space<vmem>>
        %dma_start3A_159 = arith.constant 0 : i32
        %dma_start3A_160 = tpu.memref_slice %arg6[%add3A_147, %dma_start3A_159] : memref<40960x128xf32, #tpu.memory_space<hbm>> -> memref<64x128xf32, #tpu.memory_space<hbm>>
        %dma_start3A_161 = arith.constant 0 : i32
        %dma_start3A_162 = tpu.memref_slice %arg6[%add3A_147, %dma_start3A_161] : memref<40960x128xf32, #tpu.memory_space<hbm>> -> memref<64x128xf32, #tpu.memory_space<hbm>>
        %dma_start3A_163 = arith.constant 0 : i32
        %dma_start3A_164 = arith.constant 0 : i32
        %dma_start3A_165 = tpu.memref_slice %arg18[%dma_start3A_163, %dma_start3A_164] : memref<64x128xf32, #tpu.memory_space<vmem>> -> memref<64x128xf32, #tpu.memory_space<vmem>>
        tpu.enqueue_dma source(%dma_start3A_165 : memref<64x128xf32, #tpu.memory_space<vmem>>) target(%dma_start3A_162 : memref<64x128xf32, #tpu.memory_space<hbm>>) target_semaphore(%run_scoped3A : memref<!tpu.dma_semaphore, #tpu.memory_space<semaphore_mem>>)
        %dma_wait3A_166 = arith.constant 0 : i32
        %dma_wait3A_167 = arith.constant 0 : i32
        %dma_wait3A_168 = tpu.memref_slice %arg18[%dma_wait3A_166, %dma_wait3A_167] : memref<64x128xf32, #tpu.memory_space<vmem>> -> memref<64x128xf32, #tpu.memory_space<vmem>>
        %dma_wait3A_169 = arith.constant 0 : i32
        %dma_wait3A_170 = tpu.memref_slice %arg6[%add3A_147, %dma_wait3A_169] : memref<40960x128xf32, #tpu.memory_space<hbm>> -> memref<64x128xf32, #tpu.memory_space<hbm>>
        %dma_wait3A_171 = arith.constant 0 : i32
        %dma_wait3A_172 = tpu.memref_slice %arg6[%add3A_147, %dma_wait3A_171] : memref<40960x128xf32, #tpu.memory_space<hbm>> -> memref<64x128xf32, #tpu.memory_space<hbm>>
        %dma_wait3A_173 = arith.constant 0 : i32
        %dma_wait3A_174 = arith.constant 0 : i32
        %dma_wait3A_175 = tpu.memref_slice %arg18[%dma_wait3A_173, %dma_wait3A_174] : memref<64x128xf32, #tpu.memory_space<vmem>> -> memref<64x128xf32, #tpu.memory_space<vmem>>
        tpu.wait_dma2 semaphore(%run_scoped3A : memref<!tpu.dma_semaphore, #tpu.memory_space<semaphore_mem>>) src(%dma_wait3A_175 : memref<64x128xf32, #tpu.memory_space<vmem>>) dst(%dma_wait3A_172 : memref<64x128xf32, #tpu.memory_space<hbm>>)
        tpu.yield
      }) : () -> ()
      "tpu.region"() ({
        %run_scoped3A = tpu.sem_alloc : memref<!tpu.dma_semaphore, #tpu.memory_space<semaphore_mem>>
        %dma_start3A_156 = arith.constant 0 : i32
        %dma_start3A_157 = arith.constant 0 : i32
        %dma_start3A_158 = tpu.memref_slice %arg19[%dma_start3A_156, %dma_start3A_157] : memref<64x128xf32, #tpu.memory_space<vmem>> -> memref<64x128xf32, #tpu.memory_space<vmem>>
        %dma_start3A_159 = arith.constant 0 : i32
        %dma_start3A_160 = tpu.memref_slice %arg5[%arg0, %add3A_139, %dma_start3A_159] : memref<2x10240x128xf32, #tpu.memory_space<hbm>> -> memref<1x64x128xf32, #tpu.memory_space<hbm>>
        %dma_start3A_161 = tpu.memref_squeeze %dma_start3A_160 : memref<1x64x128xf32, #tpu.memory_space<hbm>> -> memref<64x128xf32, #tpu.memory_space<hbm>>
        %dma_start3A_162 = arith.constant 0 : i32
        %dma_start3A_163 = tpu.memref_slice %arg5[%arg0, %add3A_139, %dma_start3A_162] : memref<2x10240x128xf32, #tpu.memory_space<hbm>> -> memref<1x64x128xf32, #tpu.memory_space<hbm>>
        %dma_start3A_164 = tpu.memref_squeeze %dma_start3A_163 : memref<1x64x128xf32, #tpu.memory_space<hbm>> -> memref<64x128xf32, #tpu.memory_space<hbm>>
        %dma_start3A_165 = arith.constant 0 : i32
        %dma_start3A_166 = arith.constant 0 : i32
        %dma_start3A_167 = tpu.memref_slice %arg19[%dma_start3A_165, %dma_start3A_166] : memref<64x128xf32, #tpu.memory_space<vmem>> -> memref<64x128xf32, #tpu.memory_space<vmem>>
        tpu.enqueue_dma source(%dma_start3A_167 : memref<64x128xf32, #tpu.memory_space<vmem>>) target(%dma_start3A_164 : memref<64x128xf32, #tpu.memory_space<hbm>>) target_semaphore(%run_scoped3A : memref<!tpu.dma_semaphore, #tpu.memory_space<semaphore_mem>>)
        %dma_wait3A_168 = arith.constant 0 : i32
        %dma_wait3A_169 = arith.constant 0 : i32
        %dma_wait3A_170 = tpu.memref_slice %arg19[%dma_wait3A_168, %dma_wait3A_169] : memref<64x128xf32, #tpu.memory_space<vmem>> -> memref<64x128xf32, #tpu.memory_space<vmem>>
        %dma_wait3A_171 = arith.constant 0 : i32
        %dma_wait3A_172 = tpu.memref_slice %arg5[%arg0, %add3A_139, %dma_wait3A_171] : memref<2x10240x128xf32, #tpu.memory_space<hbm>> -> memref<1x64x128xf32, #tpu.memory_space<hbm>>
        %dma_wait3A_173 = tpu.memref_squeeze %dma_wait3A_172 : memref<1x64x128xf32, #tpu.memory_space<hbm>> -> memref<64x128xf32, #tpu.memory_space<hbm>>
        %dma_wait3A_174 = arith.constant 0 : i32
        %dma_wait3A_175 = tpu.memref_slice %arg5[%arg0, %add3A_139, %dma_wait3A_174] : memref<2x10240x128xf32, #tpu.memory_space<hbm>> -> memref<1x64x128xf32, #tpu.memory_space<hbm>>
        %dma_wait3A_176 = tpu.memref_squeeze %dma_wait3A_175 : memref<1x64x128xf32, #tpu.memory_space<hbm>> -> memref<64x128xf32, #tpu.memory_space<hbm>>
        %dma_wait3A_177 = arith.constant 0 : i32
        %dma_wait3A_178 = arith.constant 0 : i32
        %dma_wait3A_179 = tpu.memref_slice %arg19[%dma_wait3A_177, %dma_wait3A_178] : memref<64x128xf32, #tpu.memory_space<vmem>> -> memref<64x128xf32, #tpu.memory_space<vmem>>
        tpu.wait_dma2 semaphore(%run_scoped3A : memref<!tpu.dma_semaphore, #tpu.memory_space<semaphore_mem>>) src(%dma_wait3A_179 : memref<64x128xf32, #tpu.memory_space<vmem>>) dst(%dma_wait3A_176 : memref<64x128xf32, #tpu.memory_space<hbm>>)
        tpu.yield
      }) : () -> ()
      %scan3A_148 = arith.constant 0 : i32
      %scan3A_149 = arith.constant 0 : i32
      %scan3A_150 = arith.constant 64 : i32
      %scan3A_151 = arith.addi %scan3A_149, %scan3A_150 : i32
      %scan3A_152 = arith.constant 1 : i32
      %scan3A_153 = scf.for %scan3A_156 = %scan3A_149 to %scan3A_151 step %scan3A_152 iter_args(%scan3A_157 = %scan3A_148) -> (i32)  : i32 {
        %swap3A = arith.index_cast %scan3A_156 : i32 to index
        %swap3A_158 = arith.constant 0 : index
        %swap3A_159 = tpu.vector_load %arg18[%swap3A, %swap3A_158] {strides = array<i32>} : memref<64x128xf32, #tpu.memory_space<vmem>>, vector<16xf32>,
        tpu.vector_store %arg18[%swap3A, %swap3A_158], %broadcast_in_dim3A_5 {strides = array<i32>} : memref<64x128xf32, #tpu.memory_space<vmem>>, vector<16xf32>,
        %swap3A_160 = arith.index_cast %scan3A_156 : i32 to index
        %swap3A_161 = arith.constant 16 : index
        %swap3A_162 = tpu.vector_load %arg18[%swap3A_160, %swap3A_161] {strides = array<i32>} : memref<64x128xf32, #tpu.memory_space<vmem>>, vector<16xf32>,
        tpu.vector_store %arg18[%swap3A_160, %swap3A_161], %broadcast_in_dim3A_5 {strides = array<i32>} : memref<64x128xf32, #tpu.memory_space<vmem>>, vector<16xf32>,
        %swap3A_163 = arith.index_cast %scan3A_156 : i32 to index
        %swap3A_164 = arith.constant 32 : index
        %swap3A_165 = tpu.vector_load %arg18[%swap3A_163, %swap3A_164] {strides = array<i32>} : memref<64x128xf32, #tpu.memory_space<vmem>>, vector<16xf32>,
        tpu.vector_store %arg18[%swap3A_163, %swap3A_164], %broadcast_in_dim3A_5 {strides = array<i32>} : memref<64x128xf32, #tpu.memory_space<vmem>>, vector<16xf32>,
        %swap3A_166 = arith.index_cast %scan3A_156 : i32 to index
        %swap3A_167 = arith.constant 48 : index
        %swap3A_168 = tpu.vector_load %arg18[%swap3A_166, %swap3A_167] {strides = array<i32>} : memref<64x128xf32, #tpu.memory_space<vmem>>, vector<16xf32>,
        tpu.vector_store %arg18[%swap3A_166, %swap3A_167], %broadcast_in_dim3A_5 {strides = array<i32>} : memref<64x128xf32, #tpu.memory_space<vmem>>, vector<16xf32>,
        %swap3A_169 = arith.index_cast %scan3A_156 : i32 to index
        %swap3A_170 = arith.constant 64 : index
        %swap3A_171 = tpu.vector_load %arg18[%swap3A_169, %swap3A_170] {strides = array<i32>} : memref<64x128xf32, #tpu.memory_space<vmem>>, vector<16xf32>,
        tpu.vector_store %arg18[%swap3A_169, %swap3A_170], %broadcast_in_dim3A_5 {strides = array<i32>} : memref<64x128xf32, #tpu.memory_space<vmem>>, vector<16xf32>,
        %swap3A_172 = arith.index_cast %scan3A_156 : i32 to index
        %swap3A_173 = arith.constant 80 : index
        %swap3A_174 = tpu.vector_load %arg18[%swap3A_172, %swap3A_173] {strides = array<i32>} : memref<64x128xf32, #tpu.memory_space<vmem>>, vector<16xf32>,
        tpu.vector_store %arg18[%swap3A_172, %swap3A_173], %broadcast_in_dim3A_5 {strides = array<i32>} : memref<64x128xf32, #tpu.memory_space<vmem>>, vector<16xf32>,
        %swap3A_175 = arith.index_cast %scan3A_156 : i32 to index
        %swap3A_176 = arith.constant 96 : index
        %swap3A_177 = tpu.vector_load %arg18[%swap3A_175, %swap3A_176] {strides = array<i32>} : memref<64x128xf32, #tpu.memory_space<vmem>>, vector<16xf32>,
        tpu.vector_store %arg18[%swap3A_175, %swap3A_176], %broadcast_in_dim3A_5 {strides = array<i32>} : memref<64x128xf32, #tpu.memory_space<vmem>>, vector<16xf32>,
        %swap3A_178 = arith.index_cast %scan3A_156 : i32 to index
        %swap3A_179 = arith.constant 112 : index
        %swap3A_180 = tpu.vector_load %arg18[%swap3A_178, %swap3A_179] {strides = array<i32>} : memref<64x128xf32, #tpu.memory_space<vmem>>, vector<16xf32>,
        tpu.vector_store %arg18[%swap3A_178, %swap3A_179], %broadcast_in_dim3A_5 {strides = array<i32>} : memref<64x128xf32, #tpu.memory_space<vmem>>, vector<16xf32>,
        %scan3A_181 = arith.constant 0 : i32
        scf.yield %scan3A_181 : i32
      }
      %scan3A_154 = arith.constant 64 : i32
      "tpu.region"() ({
        %run_scoped3A = tpu.sem_alloc : memref<!tpu.dma_semaphore, #tpu.memory_space<semaphore_mem>>
        %dma_start3A_156 = arith.constant 0 : i32
        %dma_start3A_157 = arith.constant 0 : i32
        %dma_start3A_158 = tpu.memref_slice %arg18[%dma_start3A_156, %dma_start3A_157] : memref<64x128xf32, #tpu.memory_space<vmem>> -> memref<64x128xf32, #tpu.memory_space<vmem>>
        %dma_start3A_159 = arith.constant 0 : i32
        %dma_start3A_160 = tpu.memref_slice %arg8[%add3A_139, %dma_start3A_159] : memref<10240x128xf32, #tpu.memory_space<vmem_shared>> -> memref<64x128xf32, #tpu.memory_space<vmem_shared>>
        %dma_start3A_161 = arith.constant 0 : i32
        %dma_start3A_162 = tpu.memref_slice %arg8[%add3A_139, %dma_start3A_161] : memref<10240x128xf32, #tpu.memory_space<vmem_shared>> -> memref<64x128xf32, #tpu.memory_space<vmem_shared>>
        %dma_start3A_163 = arith.constant 0 : i32
        %dma_start3A_164 = arith.constant 0 : i32
        %dma_start3A_165 = tpu.memref_slice %arg18[%dma_start3A_163, %dma_start3A_164] : memref<64x128xf32, #tpu.memory_space<vmem>> -> memref<64x128xf32, #tpu.memory_space<vmem>>
        tpu.enqueue_dma source(%dma_start3A_165 : memref<64x128xf32, #tpu.memory_space<vmem>>) target(%dma_start3A_162 : memref<64x128xf32, #tpu.memory_space<vmem_shared>>) target_semaphore(%run_scoped3A : memref<!tpu.dma_semaphore, #tpu.memory_space<semaphore_mem>>)
        %dma_wait3A_166 = arith.constant 0 : i32
        %dma_wait3A_167 = arith.constant 0 : i32
        %dma_wait3A_168 = tpu.memref_slice %arg18[%dma_wait3A_166, %dma_wait3A_167] : memref<64x128xf32, #tpu.memory_space<vmem>> -> memref<64x128xf32, #tpu.memory_space<vmem>>
        %dma_wait3A_169 = arith.constant 0 : i32
        %dma_wait3A_170 = tpu.memref_slice %arg8[%add3A_139, %dma_wait3A_169] : memref<10240x128xf32, #tpu.memory_space<vmem_shared>> -> memref<64x128xf32, #tpu.memory_space<vmem_shared>>
        %dma_wait3A_171 = arith.constant 0 : i32
        %dma_wait3A_172 = tpu.memref_slice %arg8[%add3A_139, %dma_wait3A_171] : memref<10240x128xf32, #tpu.memory_space<vmem_shared>> -> memref<64x128xf32, #tpu.memory_space<vmem_shared>>
        %dma_wait3A_173 = arith.constant 0 : i32
        %dma_wait3A_174 = arith.constant 0 : i32
        %dma_wait3A_175 = tpu.memref_slice %arg18[%dma_wait3A_173, %dma_wait3A_174] : memref<64x128xf32, #tpu.memory_space<vmem>> -> memref<64x128xf32, #tpu.memory_space<vmem>>
        tpu.wait_dma2 semaphore(%run_scoped3A : memref<!tpu.dma_semaphore, #tpu.memory_space<semaphore_mem>>) src(%dma_wait3A_175 : memref<64x128xf32, #tpu.memory_space<vmem>>) dst(%dma_wait3A_172 : memref<64x128xf32, #tpu.memory_space<vmem_shared>>)
        tpu.yield
      }) : () -> ()
      %scan3A_155 = arith.constant 0 : i32
      scf.yield %scan3A_155 : i32
    }
    %scan3A_83 = arith.constant 10 : i32
    %barrier3A_84 = arith.constant 0 : index
    tpu.barrier barrier_id(%barrier3A_84)
    %scan3A_85 = arith.constant 0 : i32
    %scan3A_86 = arith.constant 0 : i32
    %scan3A_87 = arith.constant 9 : i32
    %scan3A_88 = arith.addi %scan3A_86, %scan3A_87 : i32
    %scan3A_89 = arith.constant 1 : i32
    %scan3A_90 = scf.for %scan3A_135 = %scan3A_86 to %scan3A_88 step %scan3A_89 iter_args(%scan3A_136 = %scan3A_85) -> (i32)  : i32 {
      %rem3A = arith.constant 2 : i32
      %rem3A_137 = arith.remsi %scan3A_135, %rem3A : i32
      %mul3A_138 = arith.constant 20480 : i32
      %mul3A_139 = arith.muli %rem3A_137, %mul3A_138 : i32
      %add3A_140 = arith.addi %mul3A_139, %mul3A_4 : i32
      %broadcast_in_dim3A_141 = vector.broadcast %add3A_140 : i32 to vector<16xi32>
      %add3A_142 = arith.constant 0 : i32
      %add3A_143 = arith.addi %mul3A_0, %add3A_142 : i32
      %dma_start3A_144 = tpu.memref_slice %arg3[%add3A_143] : memref<655360xi32, #tpu.memory_space<hbm>> -> memref<128xi32, #tpu.memory_space<hbm>>
      %dma_start3A_145 = tpu.memref_slice %arg3[%add3A_143] : memref<655360xi32, #tpu.memory_space<hbm>> -> memref<128xi32, #tpu.memory_space<hbm>>
      tpu.enqueue_dma source(%dma_start3A_145 : memref<128xi32, #tpu.memory_space<hbm>>) target(%arg9 : memref<128xi32, #tpu.memory_space<vmem>>) target_semaphore(%arg31 : memref<!tpu.dma_semaphore, #tpu.memory_space<semaphore_mem>>)
      %add3A_146 = arith.constant 327680 : i32
      %add3A_147 = arith.addi %add3A_146, %add3A_143 : i32
      %dma_start3A_148 = tpu.memref_slice %arg3[%add3A_147] : memref<655360xi32, #tpu.memory_space<hbm>> -> memref<128xi32, #tpu.memory_space<hbm>>
      %dma_start3A_149 = tpu.memref_slice %arg3[%add3A_147] : memref<655360xi32, #tpu.memory_space<hbm>> -> memref<128xi32, #tpu.memory_space<hbm>>
      tpu.enqueue_dma source(%dma_start3A_149 : memref<128xi32, #tpu.memory_space<hbm>>) target(%arg11 : memref<128xi32, #tpu.memory_space<vmem>>) target_semaphore(%arg31 : memref<!tpu.dma_semaphore, #tpu.memory_space<semaphore_mem>>)
      %add3A_150 = arith.constant 128 : i32
      %add3A_151 = arith.addi %add3A_143, %add3A_150 : i32
      %dma_start3A_152 = tpu.memref_slice %arg3[%add3A_151] : memref<655360xi32, #tpu.memory_space<hbm>> -> memref<128xi32, #tpu.memory_space<hbm>>
      %dma_start3A_153 = tpu.memref_slice %arg3[%add3A_151] : memref<655360xi32, #tpu.memory_space<hbm>> -> memref<128xi32, #tpu.memory_space<hbm>>
      tpu.enqueue_dma source(%dma_start3A_153 : memref<128xi32, #tpu.memory_space<hbm>>) target(%arg10 : memref<128xi32, #tpu.memory_space<vmem>>) target_semaphore(%arg31 : memref<!tpu.dma_semaphore, #tpu.memory_space<semaphore_mem>>)
      %add3A_154 = arith.constant 327680 : i32
      %add3A_155 = arith.addi %add3A_154, %add3A_143 : i32
      %add3A_156 = arith.constant 128 : i32
      %add3A_157 = arith.addi %add3A_155, %add3A_156 : i32
      %dma_start3A_158 = tpu.memref_slice %arg3[%add3A_157] : memref<655360xi32, #tpu.memory_space<hbm>> -> memref<128xi32, #tpu.memory_space<hbm>>
      %dma_start3A_159 = tpu.memref_slice %arg3[%add3A_157] : memref<655360xi32, #tpu.memory_space<hbm>> -> memref<128xi32, #tpu.memory_space<hbm>>
      tpu.enqueue_dma source(%dma_start3A_159 : memref<128xi32, #tpu.memory_space<hbm>>) target(%arg12 : memref<128xi32, #tpu.memory_space<vmem>>) target_semaphore(%arg31 : memref<!tpu.dma_semaphore, #tpu.memory_space<semaphore_mem>>)
      %dma_wait3A_160 = tpu.memref_slice %arg3[%add3A_143] : memref<655360xi32, #tpu.memory_space<hbm>> -> memref<128xi32, #tpu.memory_space<hbm>>
      %dma_wait3A_161 = tpu.memref_slice %arg3[%add3A_143] : memref<655360xi32, #tpu.memory_space<hbm>> -> memref<128xi32, #tpu.memory_space<hbm>>
      tpu.wait_dma2 semaphore(%arg31 : memref<!tpu.dma_semaphore, #tpu.memory_space<semaphore_mem>>) src(%dma_wait3A_161 : memref<128xi32, #tpu.memory_space<hbm>>) dst(%arg9 : memref<128xi32, #tpu.memory_space<vmem>>)
      %dma_wait3A_162 = tpu.memref_slice %arg3[%add3A_147] : memref<655360xi32, #tpu.memory_space<hbm>> -> memref<128xi32, #tpu.memory_space<hbm>>
      %dma_wait3A_163 = tpu.memref_slice %arg3[%add3A_147] : memref<655360xi32, #tpu.memory_space<hbm>> -> memref<128xi32, #tpu.memory_space<hbm>>
      tpu.wait_dma2 semaphore(%arg31 : memref<!tpu.dma_semaphore, #tpu.memory_space<semaphore_mem>>) src(%dma_wait3A_163 : memref<128xi32, #tpu.memory_space<hbm>>) dst(%arg11 : memref<128xi32, #tpu.memory_space<vmem>>)
      %dma_wait3A_164 = tpu.memref_slice %arg3[%add3A_151] : memref<655360xi32, #tpu.memory_space<hbm>> -> memref<128xi32, #tpu.memory_space<hbm>>
      %dma_wait3A_165 = tpu.memref_slice %arg3[%add3A_151] : memref<655360xi32, #tpu.memory_space<hbm>> -> memref<128xi32, #tpu.memory_space<hbm>>
      tpu.wait_dma2 semaphore(%arg31 : memref<!tpu.dma_semaphore, #tpu.memory_space<semaphore_mem>>) src(%dma_wait3A_165 : memref<128xi32, #tpu.memory_space<hbm>>) dst(%arg10 : memref<128xi32, #tpu.memory_space<vmem>>)
      %dma_wait3A_166 = tpu.memref_slice %arg3[%add3A_157] : memref<655360xi32, #tpu.memory_space<hbm>> -> memref<128xi32, #tpu.memory_space<hbm>>
      %dma_wait3A_167 = tpu.memref_slice %arg3[%add3A_157] : memref<655360xi32, #tpu.memory_space<hbm>> -> memref<128xi32, #tpu.memory_space<hbm>>
      tpu.wait_dma2 semaphore(%arg31 : memref<!tpu.dma_semaphore, #tpu.memory_space<semaphore_mem>>) src(%dma_wait3A_167 : memref<128xi32, #tpu.memory_space<hbm>>) dst(%arg12 : memref<128xi32, #tpu.memory_space<vmem>>)
      %scan3A_168 = arith.constant 0 : i32
      %scan3A_169 = arith.constant 0 : i32
      %scan3A_170 = arith.constant 40 : i32
      %scan3A_171 = arith.addi %scan3A_169, %scan3A_170 : i32
      %scan3A_172 = arith.constant 1 : i32
      %scan3A_173 = scf.for %scan3A_185 = %scan3A_169 to %scan3A_171 step %scan3A_172 iter_args(%scan3A_186 = %scan3A_168) -> (i32)  : i32 {
        %mul3A_187 = arith.constant 2 : i32
        %mul3A_188 = arith.muli %mul3A_187, %scan3A_185 : i32
        %add3A_189 = arith.constant 1 : i32
        %add3A_190 = arith.addi %mul3A_188, %add3A_189 : i32
        %mul3A_191 = arith.constant 2 : i32
        %mul3A_192 = arith.muli %mul3A_191, %scan3A_185 : i32
        %add3A_193 = arith.constant 2 : i32
        %add3A_194 = arith.addi %mul3A_192, %add3A_193 : i32
        %min3A = arith.constant 79 : i32
        %min3A_195 = arith.minsi %add3A_194, %min3A : i32
        %mul3A_196 = arith.constant 4 : i32
        %mul3A_197 = arith.muli %mul3A_196, %add3A_190 : i32
        %mul3A_198 = arith.constant 64 : i32
        %mul3A_199 = arith.muli %mul3A_197, %mul3A_198 : i32
        %add3A_200 = arith.addi %mul3A_0, %mul3A_199 : i32
        %dma_start3A_201 = tpu.memref_slice %arg3[%add3A_200] : memref<655360xi32, #tpu.memory_space<hbm>> -> memref<128xi32, #tpu.memory_space<hbm>>
        %dma_start3A_202 = tpu.memref_slice %arg3[%add3A_200] : memref<655360xi32, #tpu.memory_space<hbm>> -> memref<128xi32, #tpu.memory_space<hbm>>
        tpu.enqueue_dma source(%dma_start3A_202 : memref<128xi32, #tpu.memory_space<hbm>>) target(%arg13 : memref<128xi32, #tpu.memory_space<vmem>>) target_semaphore(%arg31 : memref<!tpu.dma_semaphore, #tpu.memory_space<semaphore_mem>>)
        %add3A_203 = arith.constant 327680 : i32
        %add3A_204 = arith.addi %add3A_203, %add3A_200 : i32
        %dma_start3A_205 = tpu.memref_slice %arg3[%add3A_204] : memref<655360xi32, #tpu.memory_space<hbm>> -> memref<128xi32, #tpu.memory_space<hbm>>
        %dma_start3A_206 = tpu.memref_slice %arg3[%add3A_204] : memref<655360xi32, #tpu.memory_space<hbm>> -> memref<128xi32, #tpu.memory_space<hbm>>
        tpu.enqueue_dma source(%dma_start3A_206 : memref<128xi32, #tpu.memory_space<hbm>>) target(%arg15 : memref<128xi32, #tpu.memory_space<vmem>>) target_semaphore(%arg31 : memref<!tpu.dma_semaphore, #tpu.memory_space<semaphore_mem>>)
        %add3A_207 = arith.constant 128 : i32
        %add3A_208 = arith.addi %add3A_200, %add3A_207 : i32
        %dma_start3A_209 = tpu.memref_slice %arg3[%add3A_208] : memref<655360xi32, #tpu.memory_space<hbm>> -> memref<128xi32, #tpu.memory_space<hbm>>
        %dma_start3A_210 = tpu.memref_slice %arg3[%add3A_208] : memref<655360xi32, #tpu.memory_space<hbm>> -> memref<128xi32, #tpu.memory_space<hbm>>
        tpu.enqueue_dma source(%dma_start3A_210 : memref<128xi32, #tpu.memory_space<hbm>>) target(%arg14 : memref<128xi32, #tpu.memory_space<vmem>>) target_semaphore(%arg31 : memref<!tpu.dma_semaphore, #tpu.memory_space<semaphore_mem>>)
        %add3A_211 = arith.constant 327680 : i32
        %add3A_212 = arith.addi %add3A_211, %add3A_200 : i32
        %add3A_213 = arith.constant 128 : i32
        %add3A_214 = arith.addi %add3A_212, %add3A_213 : i32
        %dma_start3A_215 = tpu.memref_slice %arg3[%add3A_214] : memref<655360xi32, #tpu.memory_space<hbm>> -> memref<128xi32, #tpu.memory_space<hbm>>
        %dma_start3A_216 = tpu.memref_slice %arg3[%add3A_214] : memref<655360xi32, #tpu.memory_space<hbm>> -> memref<128xi32, #tpu.memory_space<hbm>>
        tpu.enqueue_dma source(%dma_start3A_216 : memref<128xi32, #tpu.memory_space<hbm>>) target(%arg16 : memref<128xi32, #tpu.memory_space<vmem>>) target_semaphore(%arg31 : memref<!tpu.dma_semaphore, #tpu.memory_space<semaphore_mem>>)
        %get3A = arith.constant 0 : index
        %get3A_217 = tpu.vector_load %arg9[%get3A] {strides = array<i32>} : memref<128xi32, #tpu.memory_space<vmem>>, vector<16xi32>,
        %add3A_218 = arith.addi %get3A_217, %broadcast_in_dim3A_141 : vector<16xi32>
        %swap3A = arith.constant 0 : index
        %swap3A_219 = tpu.vector_load %arg9[%swap3A] {strides = array<i32>} : memref<128xi32, #tpu.memory_space<vmem>>, vector<16xi32>,
        tpu.vector_store %arg9[%swap3A], %add3A_218 {strides = array<i32>} : memref<128xi32, #tpu.memory_space<vmem>>, vector<16xi32>,
        %get3A_220 = arith.constant 0 : index
        %get3A_221 = tpu.vector_load %arg10[%get3A_220] {strides = array<i32>} : memref<128xi32, #tpu.memory_space<vmem>>, vector<16xi32>,
        %add3A_222 = arith.addi %get3A_221, %broadcast_in_dim3A_141 : vector<16xi32>
        %swap3A_223 = arith.constant 0 : index
        %swap3A_224 = tpu.vector_load %arg10[%swap3A_223] {strides = array<i32>} : memref<128xi32, #tpu.memory_space<vmem>>, vector<16xi32>,
        tpu.vector_store %arg10[%swap3A_223], %add3A_222 {strides = array<i32>} : memref<128xi32, #tpu.memory_space<vmem>>, vector<16xi32>,
        %get3A_225 = arith.constant 16 : index
        %get3A_226 = tpu.vector_load %arg9[%get3A_225] {strides = array<i32>} : memref<128xi32, #tpu.memory_space<vmem>>, vector<16xi32>,
        %add3A_227 = arith.addi %get3A_226, %broadcast_in_dim3A_141 : vector<16xi32>
        %swap3A_228 = arith.constant 16 : index
        %swap3A_229 = tpu.vector_load %arg9[%swap3A_228] {strides = array<i32>} : memref<128xi32, #tpu.memory_space<vmem>>, vector<16xi32>,
        tpu.vector_store %arg9[%swap3A_228], %add3A_227 {strides = array<i32>} : memref<128xi32, #tpu.memory_space<vmem>>, vector<16xi32>,
        %get3A_230 = arith.constant 16 : index
        %get3A_231 = tpu.vector_load %arg10[%get3A_230] {strides = array<i32>} : memref<128xi32, #tpu.memory_space<vmem>>, vector<16xi32>,
        %add3A_232 = arith.addi %get3A_231, %broadcast_in_dim3A_141 : vector<16xi32>
        %swap3A_233 = arith.constant 16 : index
        %swap3A_234 = tpu.vector_load %arg10[%swap3A_233] {strides = array<i32>} : memref<128xi32, #tpu.memory_space<vmem>>, vector<16xi32>,
        tpu.vector_store %arg10[%swap3A_233], %add3A_232 {strides = array<i32>} : memref<128xi32, #tpu.memory_space<vmem>>, vector<16xi32>,
        %get3A_235 = arith.constant 32 : index
        %get3A_236 = tpu.vector_load %arg9[%get3A_235] {strides = array<i32>} : memref<128xi32, #tpu.memory_space<vmem>>, vector<16xi32>,
        %add3A_237 = arith.addi %get3A_236, %broadcast_in_dim3A_141 : vector<16xi32>
        %swap3A_238 = arith.constant 32 : index
        %swap3A_239 = tpu.vector_load %arg9[%swap3A_238] {strides = array<i32>} : memref<128xi32, #tpu.memory_space<vmem>>, vector<16xi32>,
        tpu.vector_store %arg9[%swap3A_238], %add3A_237 {strides = array<i32>} : memref<128xi32, #tpu.memory_space<vmem>>, vector<16xi32>,
        %get3A_240 = arith.constant 32 : index
        %get3A_241 = tpu.vector_load %arg10[%get3A_240] {strides = array<i32>} : memref<128xi32, #tpu.memory_space<vmem>>, vector<16xi32>,
        %add3A_242 = arith.addi %get3A_241, %broadcast_in_dim3A_141 : vector<16xi32>
        %swap3A_243 = arith.constant 32 : index
        %swap3A_244 = tpu.vector_load %arg10[%swap3A_243] {strides = array<i32>} : memref<128xi32, #tpu.memory_space<vmem>>, vector<16xi32>,
        tpu.vector_store %arg10[%swap3A_243], %add3A_242 {strides = array<i32>} : memref<128xi32, #tpu.memory_space<vmem>>, vector<16xi32>,
        %get3A_245 = arith.constant 48 : index
        %get3A_246 = tpu.vector_load %arg9[%get3A_245] {strides = array<i32>} : memref<128xi32, #tpu.memory_space<vmem>>, vector<16xi32>,
        %add3A_247 = arith.addi %get3A_246, %broadcast_in_dim3A_141 : vector<16xi32>
        %swap3A_248 = arith.constant 48 : index
        %swap3A_249 = tpu.vector_load %arg9[%swap3A_248] {strides = array<i32>} : memref<128xi32, #tpu.memory_space<vmem>>, vector<16xi32>,
        tpu.vector_store %arg9[%swap3A_248], %add3A_247 {strides = array<i32>} : memref<128xi32, #tpu.memory_space<vmem>>, vector<16xi32>,
        %get3A_250 = arith.constant 48 : index
        %get3A_251 = tpu.vector_load %arg10[%get3A_250] {strides = array<i32>} : memref<128xi32, #tpu.memory_space<vmem>>, vector<16xi32>,
        %add3A_252 = arith.addi %get3A_251, %broadcast_in_dim3A_141 : vector<16xi32>
        %swap3A_253 = arith.constant 48 : index
        %swap3A_254 = tpu.vector_load %arg10[%swap3A_253] {strides = array<i32>} : memref<128xi32, #tpu.memory_space<vmem>>, vector<16xi32>,
        tpu.vector_store %arg10[%swap3A_253], %add3A_252 {strides = array<i32>} : memref<128xi32, #tpu.memory_space<vmem>>, vector<16xi32>,
        %get3A_255 = arith.constant 64 : index
        %get3A_256 = tpu.vector_load %arg9[%get3A_255] {strides = array<i32>} : memref<128xi32, #tpu.memory_space<vmem>>, vector<16xi32>,
        %add3A_257 = arith.addi %get3A_256, %broadcast_in_dim3A_141 : vector<16xi32>
        %swap3A_258 = arith.constant 64 : index
        %swap3A_259 = tpu.vector_load %arg9[%swap3A_258] {strides = array<i32>} : memref<128xi32, #tpu.memory_space<vmem>>, vector<16xi32>,
        tpu.vector_store %arg9[%swap3A_258], %add3A_257 {strides = array<i32>} : memref<128xi32, #tpu.memory_space<vmem>>, vector<16xi32>,
        %get3A_260 = arith.constant 64 : index
        %get3A_261 = tpu.vector_load %arg10[%get3A_260] {strides = array<i32>} : memref<128xi32, #tpu.memory_space<vmem>>, vector<16xi32>,
        %add3A_262 = arith.addi %get3A_261, %broadcast_in_dim3A_141 : vector<16xi32>
        %swap3A_263 = arith.constant 64 : index
        %swap3A_264 = tpu.vector_load %arg10[%swap3A_263] {strides = array<i32>} : memref<128xi32, #tpu.memory_space<vmem>>, vector<16xi32>,
        tpu.vector_store %arg10[%swap3A_263], %add3A_262 {strides = array<i32>} : memref<128xi32, #tpu.memory_space<vmem>>, vector<16xi32>,
        %get3A_265 = arith.constant 80 : index
        %get3A_266 = tpu.vector_load %arg9[%get3A_265] {strides = array<i32>} : memref<128xi32, #tpu.memory_space<vmem>>, vector<16xi32>,
        %add3A_267 = arith.addi %get3A_266, %broadcast_in_dim3A_141 : vector<16xi32>
        %swap3A_268 = arith.constant 80 : index
        %swap3A_269 = tpu.vector_load %arg9[%swap3A_268] {strides = array<i32>} : memref<128xi32, #tpu.memory_space<vmem>>, vector<16xi32>,
        tpu.vector_store %arg9[%swap3A_268], %add3A_267 {strides = array<i32>} : memref<128xi32, #tpu.memory_space<vmem>>, vector<16xi32>,
        %get3A_270 = arith.constant 80 : index
        %get3A_271 = tpu.vector_load %arg10[%get3A_270] {strides = array<i32>} : memref<128xi32, #tpu.memory_space<vmem>>, vector<16xi32>,
        %add3A_272 = arith.addi %get3A_271, %broadcast_in_dim3A_141 : vector<16xi32>
        %swap3A_273 = arith.constant 80 : index
        %swap3A_274 = tpu.vector_load %arg10[%swap3A_273] {strides = array<i32>} : memref<128xi32, #tpu.memory_space<vmem>>, vector<16xi32>,
        tpu.vector_store %arg10[%swap3A_273], %add3A_272 {strides = array<i32>} : memref<128xi32, #tpu.memory_space<vmem>>, vector<16xi32>,
        %get3A_275 = arith.constant 96 : index
        %get3A_276 = tpu.vector_load %arg9[%get3A_275] {strides = array<i32>} : memref<128xi32, #tpu.memory_space<vmem>>, vector<16xi32>,
        %add3A_277 = arith.addi %get3A_276, %broadcast_in_dim3A_141 : vector<16xi32>
        %swap3A_278 = arith.constant 96 : index
        %swap3A_279 = tpu.vector_load %arg9[%swap3A_278] {strides = array<i32>} : memref<128xi32, #tpu.memory_space<vmem>>, vector<16xi32>,
        tpu.vector_store %arg9[%swap3A_278], %add3A_277 {strides = array<i32>} : memref<128xi32, #tpu.memory_space<vmem>>, vector<16xi32>,
        %get3A_280 = arith.constant 96 : index
        %get3A_281 = tpu.vector_load %arg10[%get3A_280] {strides = array<i32>} : memref<128xi32, #tpu.memory_space<vmem>>, vector<16xi32>,
        %add3A_282 = arith.addi %get3A_281, %broadcast_in_dim3A_141 : vector<16xi32>
        %swap3A_283 = arith.constant 96 : index
        %swap3A_284 = tpu.vector_load %arg10[%swap3A_283] {strides = array<i32>} : memref<128xi32, #tpu.memory_space<vmem>>, vector<16xi32>,
        tpu.vector_store %arg10[%swap3A_283], %add3A_282 {strides = array<i32>} : memref<128xi32, #tpu.memory_space<vmem>>, vector<16xi32>,
        %get3A_285 = arith.constant 112 : index
        %get3A_286 = tpu.vector_load %arg9[%get3A_285] {strides = array<i32>} : memref<128xi32, #tpu.memory_space<vmem>>, vector<16xi32>,
        %add3A_287 = arith.addi %get3A_286, %broadcast_in_dim3A_141 : vector<16xi32>
        %swap3A_288 = arith.constant 112 : index
        %swap3A_289 = tpu.vector_load %arg9[%swap3A_288] {strides = array<i32>} : memref<128xi32, #tpu.memory_space<vmem>>, vector<16xi32>,
        tpu.vector_store %arg9[%swap3A_288], %add3A_287 {strides = array<i32>} : memref<128xi32, #tpu.memory_space<vmem>>, vector<16xi32>,
        %get3A_290 = arith.constant 112 : index
        %get3A_291 = tpu.vector_load %arg10[%get3A_290] {strides = array<i32>} : memref<128xi32, #tpu.memory_space<vmem>>, vector<16xi32>,
        %add3A_292 = arith.addi %get3A_291, %broadcast_in_dim3A_141 : vector<16xi32>
        %swap3A_293 = arith.constant 112 : index
        %swap3A_294 = tpu.vector_load %arg10[%swap3A_293] {strides = array<i32>} : memref<128xi32, #tpu.memory_space<vmem>>, vector<16xi32>,
        tpu.vector_store %arg10[%swap3A_293], %add3A_292 {strides = array<i32>} : memref<128xi32, #tpu.memory_space<vmem>>, vector<16xi32>,
        %dma_start3A_295 = arith.constant 0 : i32
        %dma_start3A_296 = tpu.memref_slice %arg9[%dma_start3A_295] : memref<128xi32, #tpu.memory_space<vmem>> -> memref<64xi32, #tpu.memory_space<vmem>>
        %dma_start3A_297 = arith.constant 0 : i32
        %dma_start3A_298 = arith.constant 0 : i32
        %dma_start3A_299 = tpu.memref_slice %arg6[%dma_start3A_297, %dma_start3A_298] : memref<40960x128xf32, #tpu.memory_space<hbm>> -> memref<40960x128xf32, #tpu.memory_space<hbm>>
        tpu.enqueue_indirect_dma source(%dma_start3A_299 : memref<40960x128xf32, #tpu.memory_space<hbm>>) target(%arg18 : memref<64x128xf32, #tpu.memory_space<vmem>>) offsets(%dma_start3A_296 : memref<64xi32, #tpu.memory_space<vmem>>) semaphore(%arg26 : memref<!tpu.dma_semaphore, #tpu.memory_space<semaphore_mem>>)
        %dma_start3A_300 = arith.constant 64 : i32
        %dma_start3A_301 = tpu.memref_slice %arg9[%dma_start3A_300] : memref<128xi32, #tpu.memory_space<vmem>> -> memref<64xi32, #tpu.memory_space<vmem>>
        %dma_start3A_302 = arith.constant 0 : i32
        %dma_start3A_303 = arith.constant 0 : i32
        %dma_start3A_304 = tpu.memref_slice %arg6[%dma_start3A_302, %dma_start3A_303] : memref<40960x128xf32, #tpu.memory_space<hbm>> -> memref<40960x128xf32, #tpu.memory_space<hbm>>
        tpu.enqueue_indirect_dma source(%dma_start3A_304 : memref<40960x128xf32, #tpu.memory_space<hbm>>) target(%arg19 : memref<64x128xf32, #tpu.memory_space<vmem>>) offsets(%dma_start3A_301 : memref<64xi32, #tpu.memory_space<vmem>>) semaphore(%arg27 : memref<!tpu.dma_semaphore, #tpu.memory_space<semaphore_mem>>)
        %dma_start3A_305 = arith.constant 0 : i32
        %dma_start3A_306 = tpu.memref_slice %arg10[%dma_start3A_305] : memref<128xi32, #tpu.memory_space<vmem>> -> memref<64xi32, #tpu.memory_space<vmem>>
        %dma_start3A_307 = arith.constant 0 : i32
        %dma_start3A_308 = arith.constant 0 : i32
        %dma_start3A_309 = tpu.memref_slice %arg6[%dma_start3A_307, %dma_start3A_308] : memref<40960x128xf32, #tpu.memory_space<hbm>> -> memref<40960x128xf32, #tpu.memory_space<hbm>>
        tpu.enqueue_indirect_dma source(%dma_start3A_309 : memref<40960x128xf32, #tpu.memory_space<hbm>>) target(%arg20 : memref<64x128xf32, #tpu.memory_space<vmem>>) offsets(%dma_start3A_306 : memref<64xi32, #tpu.memory_space<vmem>>) semaphore(%arg28 : memref<!tpu.dma_semaphore, #tpu.memory_space<semaphore_mem>>)
        %dma_start3A_310 = arith.constant 64 : i32
        %dma_start3A_311 = tpu.memref_slice %arg10[%dma_start3A_310] : memref<128xi32, #tpu.memory_space<vmem>> -> memref<64xi32, #tpu.memory_space<vmem>>
        %dma_start3A_312 = arith.constant 0 : i32
        %dma_start3A_313 = arith.constant 0 : i32
        %dma_start3A_314 = tpu.memref_slice %arg6[%dma_start3A_312, %dma_start3A_313] : memref<40960x128xf32, #tpu.memory_space<hbm>> -> memref<40960x128xf32, #tpu.memory_space<hbm>>
        tpu.enqueue_indirect_dma source(%dma_start3A_314 : memref<40960x128xf32, #tpu.memory_space<hbm>>) target(%arg21 : memref<64x128xf32, #tpu.memory_space<vmem>>) offsets(%dma_start3A_311 : memref<64xi32, #tpu.memory_space<vmem>>) semaphore(%arg29 : memref<!tpu.dma_semaphore, #tpu.memory_space<semaphore_mem>>)
        %dma_wait3A_315 = arith.constant 0 : i32
        %dma_wait3A_316 = tpu.memref_slice %arg9[%dma_wait3A_315] : memref<128xi32, #tpu.memory_space<vmem>> -> memref<64xi32, #tpu.memory_space<vmem>>
        %dma_wait3A_317 = arith.constant 0 : i32
        %dma_wait3A_318 = arith.constant 0 : i32
        %dma_wait3A_319 = tpu.memref_slice %arg6[%dma_wait3A_317, %dma_wait3A_318] : memref<40960x128xf32, #tpu.memory_space<hbm>> -> memref<40960x128xf32, #tpu.memory_space<hbm>>
        tpu.wait_indirect_dma semaphore(%arg26 : memref<!tpu.dma_semaphore, #tpu.memory_space<semaphore_mem>>) src(%dma_wait3A_319 : memref<40960x128xf32, #tpu.memory_space<hbm>>) dst(%arg18 : memref<64x128xf32, #tpu.memory_space<vmem>>)
        %dma_start3A_320 = arith.constant 0 : i32
        %dma_start3A_321 = tpu.memref_slice %arg11[%dma_start3A_320] : memref<128xi32, #tpu.memory_space<vmem>> -> memref<64xi32, #tpu.memory_space<vmem>>
        %dma_start3A_322 = arith.constant 0 : i32
        %dma_start3A_323 = arith.constant 0 : i32
        %dma_start3A_324 = tpu.memref_slice %arg8[%dma_start3A_322, %dma_start3A_323] : memref<10240x128xf32, #tpu.memory_space<vmem_shared>> -> memref<10240x128xf32, #tpu.memory_space<vmem_shared>>
        tpu.enqueue_indirect_dma source(%arg18 : memref<64x128xf32, #tpu.memory_space<vmem>>) target(%dma_start3A_324 : memref<10240x128xf32, #tpu.memory_space<vmem_shared>>) offsets(%dma_start3A_321 : memref<64xi32, #tpu.memory_space<vmem>>) semaphore(%arg30 : memref<!tpu.dma_semaphore, #tpu.memory_space<semaphore_mem>>) {add = true}
        %dma_wait3A_325 = arith.constant 64 : i32
        %dma_wait3A_326 = tpu.memref_slice %arg9[%dma_wait3A_325] : memref<128xi32, #tpu.memory_space<vmem>> -> memref<64xi32, #tpu.memory_space<vmem>>
        %dma_wait3A_327 = arith.constant 0 : i32
        %dma_wait3A_328 = arith.constant 0 : i32
        %dma_wait3A_329 = tpu.memref_slice %arg6[%dma_wait3A_327, %dma_wait3A_328] : memref<40960x128xf32, #tpu.memory_space<hbm>> -> memref<40960x128xf32, #tpu.memory_space<hbm>>
        tpu.wait_indirect_dma semaphore(%arg27 : memref<!tpu.dma_semaphore, #tpu.memory_space<semaphore_mem>>) src(%dma_wait3A_329 : memref<40960x128xf32, #tpu.memory_space<hbm>>) dst(%arg19 : memref<64x128xf32, #tpu.memory_space<vmem>>)
        %dma_start3A_330 = arith.constant 64 : i32
        %dma_start3A_331 = tpu.memref_slice %arg11[%dma_start3A_330] : memref<128xi32, #tpu.memory_space<vmem>> -> memref<64xi32, #tpu.memory_space<vmem>>
        %dma_start3A_332 = arith.constant 0 : i32
        %dma_start3A_333 = arith.constant 0 : i32
        %dma_start3A_334 = tpu.memref_slice %arg8[%dma_start3A_332, %dma_start3A_333] : memref<10240x128xf32, #tpu.memory_space<vmem_shared>> -> memref<10240x128xf32, #tpu.memory_space<vmem_shared>>
        tpu.enqueue_indirect_dma source(%arg19 : memref<64x128xf32, #tpu.memory_space<vmem>>) target(%dma_start3A_334 : memref<10240x128xf32, #tpu.memory_space<vmem_shared>>) offsets(%dma_start3A_331 : memref<64xi32, #tpu.memory_space<vmem>>) semaphore(%arg30 : memref<!tpu.dma_semaphore, #tpu.memory_space<semaphore_mem>>) {add = true}
        %dma_wait3A_335 = arith.constant 0 : i32
        %dma_wait3A_336 = tpu.memref_slice %arg10[%dma_wait3A_335] : memref<128xi32, #tpu.memory_space<vmem>> -> memref<64xi32, #tpu.memory_space<vmem>>
        %dma_wait3A_337 = arith.constant 0 : i32
        %dma_wait3A_338 = arith.constant 0 : i32
        %dma_wait3A_339 = tpu.memref_slice %arg6[%dma_wait3A_337, %dma_wait3A_338] : memref<40960x128xf32, #tpu.memory_space<hbm>> -> memref<40960x128xf32, #tpu.memory_space<hbm>>
        tpu.wait_indirect_dma semaphore(%arg28 : memref<!tpu.dma_semaphore, #tpu.memory_space<semaphore_mem>>) src(%dma_wait3A_339 : memref<40960x128xf32, #tpu.memory_space<hbm>>) dst(%arg20 : memref<64x128xf32, #tpu.memory_space<vmem>>)
        %dma_start3A_340 = arith.constant 0 : i32
        %dma_start3A_341 = tpu.memref_slice %arg12[%dma_start3A_340] : memref<128xi32, #tpu.memory_space<vmem>> -> memref<64xi32, #tpu.memory_space<vmem>>
        %dma_start3A_342 = arith.constant 0 : i32
        %dma_start3A_343 = arith.constant 0 : i32
        %dma_start3A_344 = tpu.memref_slice %arg8[%dma_start3A_342, %dma_start3A_343] : memref<10240x128xf32, #tpu.memory_space<vmem_shared>> -> memref<10240x128xf32, #tpu.memory_space<vmem_shared>>
        tpu.enqueue_indirect_dma source(%arg20 : memref<64x128xf32, #tpu.memory_space<vmem>>) target(%dma_start3A_344 : memref<10240x128xf32, #tpu.memory_space<vmem_shared>>) offsets(%dma_start3A_341 : memref<64xi32, #tpu.memory_space<vmem>>) semaphore(%arg30 : memref<!tpu.dma_semaphore, #tpu.memory_space<semaphore_mem>>) {add = true}
        %dma_wait3A_345 = arith.constant 64 : i32
        %dma_wait3A_346 = tpu.memref_slice %arg10[%dma_wait3A_345] : memref<128xi32, #tpu.memory_space<vmem>> -> memref<64xi32, #tpu.memory_space<vmem>>
        %dma_wait3A_347 = arith.constant 0 : i32
        %dma_wait3A_348 = arith.constant 0 : i32
        %dma_wait3A_349 = tpu.memref_slice %arg6[%dma_wait3A_347, %dma_wait3A_348] : memref<40960x128xf32, #tpu.memory_space<hbm>> -> memref<40960x128xf32, #tpu.memory_space<hbm>>
        tpu.wait_indirect_dma semaphore(%arg29 : memref<!tpu.dma_semaphore, #tpu.memory_space<semaphore_mem>>) src(%dma_wait3A_349 : memref<40960x128xf32, #tpu.memory_space<hbm>>) dst(%arg21 : memref<64x128xf32, #tpu.memory_space<vmem>>)
        %dma_start3A_350 = arith.constant 64 : i32
        %dma_start3A_351 = tpu.memref_slice %arg12[%dma_start3A_350] : memref<128xi32, #tpu.memory_space<vmem>> -> memref<64xi32, #tpu.memory_space<vmem>>
        %dma_start3A_352 = arith.constant 0 : i32
        %dma_start3A_353 = arith.constant 0 : i32
        %dma_start3A_354 = tpu.memref_slice %arg8[%dma_start3A_352, %dma_start3A_353] : memref<10240x128xf32, #tpu.memory_space<vmem_shared>> -> memref<10240x128xf32, #tpu.memory_space<vmem_shared>>
        tpu.enqueue_indirect_dma source(%arg21 : memref<64x128xf32, #tpu.memory_space<vmem>>) target(%dma_start3A_354 : memref<10240x128xf32, #tpu.memory_space<vmem_shared>>) offsets(%dma_start3A_351 : memref<64xi32, #tpu.memory_space<vmem>>) semaphore(%arg30 : memref<!tpu.dma_semaphore, #tpu.memory_space<semaphore_mem>>) {add = true}
        %dma_wait3A_355 = arith.constant 0 : i32
        %dma_wait3A_356 = tpu.memref_slice %arg11[%dma_wait3A_355] : memref<128xi32, #tpu.memory_space<vmem>> -> memref<64xi32, #tpu.memory_space<vmem>>
        %dma_wait3A_357 = arith.constant 0 : i32
        %dma_wait3A_358 = arith.constant 0 : i32
        %dma_wait3A_359 = tpu.memref_slice %arg8[%dma_wait3A_357, %dma_wait3A_358] : memref<10240x128xf32, #tpu.memory_space<vmem_shared>> -> memref<10240x128xf32, #tpu.memory_space<vmem_shared>>
        tpu.wait_indirect_dma semaphore(%arg30 : memref<!tpu.dma_semaphore, #tpu.memory_space<semaphore_mem>>) src(%arg18 : memref<64x128xf32, #tpu.memory_space<vmem>>) dst(%dma_wait3A_359 : memref<10240x128xf32, #tpu.memory_space<vmem_shared>>)
        %dma_wait3A_360 = arith.constant 64 : i32
        %dma_wait3A_361 = tpu.memref_slice %arg11[%dma_wait3A_360] : memref<128xi32, #tpu.memory_space<vmem>> -> memref<64xi32, #tpu.memory_space<vmem>>
        %dma_wait3A_362 = arith.constant 0 : i32
        %dma_wait3A_363 = arith.constant 0 : i32
        %dma_wait3A_364 = tpu.memref_slice %arg8[%dma_wait3A_362, %dma_wait3A_363] : memref<10240x128xf32, #tpu.memory_space<vmem_shared>> -> memref<10240x128xf32, #tpu.memory_space<vmem_shared>>
        tpu.wait_indirect_dma semaphore(%arg30 : memref<!tpu.dma_semaphore, #tpu.memory_space<semaphore_mem>>) src(%arg19 : memref<64x128xf32, #tpu.memory_space<vmem>>) dst(%dma_wait3A_364 : memref<10240x128xf32, #tpu.memory_space<vmem_shared>>)
        %dma_wait3A_365 = arith.constant 0 : i32
        %dma_wait3A_366 = tpu.memref_slice %arg12[%dma_wait3A_365] : memref<128xi32, #tpu.memory_space<vmem>> -> memref<64xi32, #tpu.memory_space<vmem>>
        %dma_wait3A_367 = arith.constant 0 : i32
        %dma_wait3A_368 = arith.constant 0 : i32
        %dma_wait3A_369 = tpu.memref_slice %arg8[%dma_wait3A_367, %dma_wait3A_368] : memref<10240x128xf32, #tpu.memory_space<vmem_shared>> -> memref<10240x128xf32, #tpu.memory_space<vmem_shared>>
        tpu.wait_indirect_dma semaphore(%arg30 : memref<!tpu.dma_semaphore, #tpu.memory_space<semaphore_mem>>) src(%arg20 : memref<64x128xf32, #tpu.memory_space<vmem>>) dst(%dma_wait3A_369 : memref<10240x128xf32, #tpu.memory_space<vmem_shared>>)
        %dma_wait3A_370 = arith.constant 64 : i32
        %dma_wait3A_371 = tpu.memref_slice %arg12[%dma_wait3A_370] : memref<128xi32, #tpu.memory_space<vmem>> -> memref<64xi32, #tpu.memory_space<vmem>>
        %dma_wait3A_372 = arith.constant 0 : i32
        %dma_wait3A_373 = arith.constant 0 : i32
        %dma_wait3A_374 = tpu.memref_slice %arg8[%dma_wait3A_372, %dma_wait3A_373] : memref<10240x128xf32, #tpu.memory_space<vmem_shared>> -> memref<10240x128xf32, #tpu.memory_space<vmem_shared>>
        tpu.wait_indirect_dma semaphore(%arg30 : memref<!tpu.dma_semaphore, #tpu.memory_space<semaphore_mem>>) src(%arg21 : memref<64x128xf32, #tpu.memory_space<vmem>>) dst(%dma_wait3A_374 : memref<10240x128xf32, #tpu.memory_space<vmem_shared>>)
        %mul3A_375 = arith.constant 4 : i32
        %mul3A_376 = arith.muli %mul3A_375, %min3A_195 : i32
        %mul3A_377 = arith.constant 64 : i32
        %mul3A_378 = arith.muli %mul3A_376, %mul3A_377 : i32
        %add3A_379 = arith.addi %mul3A_0, %mul3A_378 : i32
        %dma_start3A_380 = tpu.memref_slice %arg3[%add3A_379] : memref<655360xi32, #tpu.memory_space<hbm>> -> memref<128xi32, #tpu.memory_space<hbm>>
        %dma_start3A_381 = tpu.memref_slice %arg3[%add3A_379] : memref<655360xi32, #tpu.memory_space<hbm>> -> memref<128xi32, #tpu.memory_space<hbm>>
        tpu.enqueue_dma source(%dma_start3A_381 : memref<128xi32, #tpu.memory_space<hbm>>) target(%arg9 : memref<128xi32, #tpu.memory_space<vmem>>) target_semaphore(%arg31 : memref<!tpu.dma_semaphore, #tpu.memory_space<semaphore_mem>>)
        %add3A_382 = arith.constant 327680 : i32
        %add3A_383 = arith.addi %add3A_382, %add3A_379 : i32
        %dma_start3A_384 = tpu.memref_slice %arg3[%add3A_383] : memref<655360xi32, #tpu.memory_space<hbm>> -> memref<128xi32, #tpu.memory_space<hbm>>
        %dma_start3A_385 = tpu.memref_slice %arg3[%add3A_383] : memref<655360xi32, #tpu.memory_space<hbm>> -> memref<128xi32, #tpu.memory_space<hbm>>
        tpu.enqueue_dma source(%dma_start3A_385 : memref<128xi32, #tpu.memory_space<hbm>>) target(%arg11 : memref<128xi32, #tpu.memory_space<vmem>>) target_semaphore(%arg31 : memref<!tpu.dma_semaphore, #tpu.memory_space<semaphore_mem>>)
        %add3A_386 = arith.constant 128 : i32
        %add3A_387 = arith.addi %add3A_379, %add3A_386 : i32
        %dma_start3A_388 = tpu.memref_slice %arg3[%add3A_387] : memref<655360xi32, #tpu.memory_space<hbm>> -> memref<128xi32, #tpu.memory_space<hbm>>
        %dma_start3A_389 = tpu.memref_slice %arg3[%add3A_387] : memref<655360xi32, #tpu.memory_space<hbm>> -> memref<128xi32, #tpu.memory_space<hbm>>
        tpu.enqueue_dma source(%dma_start3A_389 : memref<128xi32, #tpu.memory_space<hbm>>) target(%arg10 : memref<128xi32, #tpu.memory_space<vmem>>) target_semaphore(%arg31 : memref<!tpu.dma_semaphore, #tpu.memory_space<semaphore_mem>>)
        %add3A_390 = arith.constant 327680 : i32
        %add3A_391 = arith.addi %add3A_390, %add3A_379 : i32
        %add3A_392 = arith.constant 128 : i32
        %add3A_393 = arith.addi %add3A_391, %add3A_392 : i32
        %dma_start3A_394 = tpu.memref_slice %arg3[%add3A_393] : memref<655360xi32, #tpu.memory_space<hbm>> -> memref<128xi32, #tpu.memory_space<hbm>>
        %dma_start3A_395 = tpu.memref_slice %arg3[%add3A_393] : memref<655360xi32, #tpu.memory_space<hbm>> -> memref<128xi32, #tpu.memory_space<hbm>>
        tpu.enqueue_dma source(%dma_start3A_395 : memref<128xi32, #tpu.memory_space<hbm>>) target(%arg12 : memref<128xi32, #tpu.memory_space<vmem>>) target_semaphore(%arg31 : memref<!tpu.dma_semaphore, #tpu.memory_space<semaphore_mem>>)
        %dma_wait3A_396 = tpu.memref_slice %arg3[%add3A_200] : memref<655360xi32, #tpu.memory_space<hbm>> -> memref<128xi32, #tpu.memory_space<hbm>>
        %dma_wait3A_397 = tpu.memref_slice %arg3[%add3A_200] : memref<655360xi32, #tpu.memory_space<hbm>> -> memref<128xi32, #tpu.memory_space<hbm>>
        tpu.wait_dma2 semaphore(%arg31 : memref<!tpu.dma_semaphore, #tpu.memory_space<semaphore_mem>>) src(%dma_wait3A_397 : memref<128xi32, #tpu.memory_space<hbm>>) dst(%arg13 : memref<128xi32, #tpu.memory_space<vmem>>)
        %dma_wait3A_398 = tpu.memref_slice %arg3[%add3A_204] : memref<655360xi32, #tpu.memory_space<hbm>> -> memref<128xi32, #tpu.memory_space<hbm>>
        %dma_wait3A_399 = tpu.memref_slice %arg3[%add3A_204] : memref<655360xi32, #tpu.memory_space<hbm>> -> memref<128xi32, #tpu.memory_space<hbm>>
        tpu.wait_dma2 semaphore(%arg31 : memref<!tpu.dma_semaphore, #tpu.memory_space<semaphore_mem>>) src(%dma_wait3A_399 : memref<128xi32, #tpu.memory_space<hbm>>) dst(%arg15 : memref<128xi32, #tpu.memory_space<vmem>>)
        %dma_wait3A_400 = tpu.memref_slice %arg3[%add3A_208] : memref<655360xi32, #tpu.memory_space<hbm>> -> memref<128xi32, #tpu.memory_space<hbm>>
        %dma_wait3A_401 = tpu.memref_slice %arg3[%add3A_208] : memref<655360xi32, #tpu.memory_space<hbm>> -> memref<128xi32, #tpu.memory_space<hbm>>
        tpu.wait_dma2 semaphore(%arg31 : memref<!tpu.dma_semaphore, #tpu.memory_space<semaphore_mem>>) src(%dma_wait3A_401 : memref<128xi32, #tpu.memory_space<hbm>>) dst(%arg14 : memref<128xi32, #tpu.memory_space<vmem>>)
        %dma_wait3A_402 = tpu.memref_slice %arg3[%add3A_214] : memref<655360xi32, #tpu.memory_space<hbm>> -> memref<128xi32, #tpu.memory_space<hbm>>
        %dma_wait3A_403 = tpu.memref_slice %arg3[%add3A_214] : memref<655360xi32, #tpu.memory_space<hbm>> -> memref<128xi32, #tpu.memory_space<hbm>>
        tpu.wait_dma2 semaphore(%arg31 : memref<!tpu.dma_semaphore, #tpu.memory_space<semaphore_mem>>) src(%dma_wait3A_403 : memref<128xi32, #tpu.memory_space<hbm>>) dst(%arg16 : memref<128xi32, #tpu.memory_space<vmem>>)
        %get3A_404 = arith.constant 0 : index
        %get3A_405 = tpu.vector_load %arg13[%get3A_404] {strides = array<i32>} : memref<128xi32, #tpu.memory_space<vmem>>, vector<16xi32>,
        %add3A_406 = arith.addi %get3A_405, %broadcast_in_dim3A_141 : vector<16xi32>
        %swap3A_407 = arith.constant 0 : index
        %swap3A_408 = tpu.vector_load %arg13[%swap3A_407] {strides = array<i32>} : memref<128xi32, #tpu.memory_space<vmem>>, vector<16xi32>,
        tpu.vector_store %arg13[%swap3A_407], %add3A_406 {strides = array<i32>} : memref<128xi32, #tpu.memory_space<vmem>>, vector<16xi32>,
        %get3A_409 = arith.constant 0 : index
        %get3A_410 = tpu.vector_load %arg14[%get3A_409] {strides = array<i32>} : memref<128xi32, #tpu.memory_space<vmem>>, vector<16xi32>,
        %add3A_411 = arith.addi %get3A_410, %broadcast_in_dim3A_141 : vector<16xi32>
        %swap3A_412 = arith.constant 0 : index
        %swap3A_413 = tpu.vector_load %arg14[%swap3A_412] {strides = array<i32>} : memref<128xi32, #tpu.memory_space<vmem>>, vector<16xi32>,
        tpu.vector_store %arg14[%swap3A_412], %add3A_411 {strides = array<i32>} : memref<128xi32, #tpu.memory_space<vmem>>, vector<16xi32>,
        %get3A_414 = arith.constant 16 : index
        %get3A_415 = tpu.vector_load %arg13[%get3A_414] {strides = array<i32>} : memref<128xi32, #tpu.memory_space<vmem>>, vector<16xi32>,
        %add3A_416 = arith.addi %get3A_415, %broadcast_in_dim3A_141 : vector<16xi32>
        %swap3A_417 = arith.constant 16 : index
        %swap3A_418 = tpu.vector_load %arg13[%swap3A_417] {strides = array<i32>} : memref<128xi32, #tpu.memory_space<vmem>>, vector<16xi32>,
        tpu.vector_store %arg13[%swap3A_417], %add3A_416 {strides = array<i32>} : memref<128xi32, #tpu.memory_space<vmem>>, vector<16xi32>,
        %get3A_419 = arith.constant 16 : index
        %get3A_420 = tpu.vector_load %arg14[%get3A_419] {strides = array<i32>} : memref<128xi32, #tpu.memory_space<vmem>>, vector<16xi32>,
        %add3A_421 = arith.addi %get3A_420, %broadcast_in_dim3A_141 : vector<16xi32>
        %swap3A_422 = arith.constant 16 : index
        %swap3A_423 = tpu.vector_load %arg14[%swap3A_422] {strides = array<i32>} : memref<128xi32, #tpu.memory_space<vmem>>, vector<16xi32>,
        tpu.vector_store %arg14[%swap3A_422], %add3A_421 {strides = array<i32>} : memref<128xi32, #tpu.memory_space<vmem>>, vector<16xi32>,
        %get3A_424 = arith.constant 32 : index
        %get3A_425 = tpu.vector_load %arg13[%get3A_424] {strides = array<i32>} : memref<128xi32, #tpu.memory_space<vmem>>, vector<16xi32>,
        %add3A_426 = arith.addi %get3A_425, %broadcast_in_dim3A_141 : vector<16xi32>
        %swap3A_427 = arith.constant 32 : index
        %swap3A_428 = tpu.vector_load %arg13[%swap3A_427] {strides = array<i32>} : memref<128xi32, #tpu.memory_space<vmem>>, vector<16xi32>,
        tpu.vector_store %arg13[%swap3A_427], %add3A_426 {strides = array<i32>} : memref<128xi32, #tpu.memory_space<vmem>>, vector<16xi32>,
        %get3A_429 = arith.constant 32 : index
        %get3A_430 = tpu.vector_load %arg14[%get3A_429] {strides = array<i32>} : memref<128xi32, #tpu.memory_space<vmem>>, vector<16xi32>,
        %add3A_431 = arith.addi %get3A_430, %broadcast_in_dim3A_141 : vector<16xi32>
        %swap3A_432 = arith.constant 32 : index
        %swap3A_433 = tpu.vector_load %arg14[%swap3A_432] {strides = array<i32>} : memref<128xi32, #tpu.memory_space<vmem>>, vector<16xi32>,
        tpu.vector_store %arg14[%swap3A_432], %add3A_431 {strides = array<i32>} : memref<128xi32, #tpu.memory_space<vmem>>, vector<16xi32>,
        %get3A_434 = arith.constant 48 : index
        %get3A_435 = tpu.vector_load %arg13[%get3A_434] {strides = array<i32>} : memref<128xi32, #tpu.memory_space<vmem>>, vector<16xi32>,
        %add3A_436 = arith.addi %get3A_435, %broadcast_in_dim3A_141 : vector<16xi32>
        %swap3A_437 = arith.constant 48 : index
        %swap3A_438 = tpu.vector_load %arg13[%swap3A_437] {strides = array<i32>} : memref<128xi32, #tpu.memory_space<vmem>>, vector<16xi32>,
        tpu.vector_store %arg13[%swap3A_437], %add3A_436 {strides = array<i32>} : memref<128xi32, #tpu.memory_space<vmem>>, vector<16xi32>,
        %get3A_439 = arith.constant 48 : index
        %get3A_440 = tpu.vector_load %arg14[%get3A_439] {strides = array<i32>} : memref<128xi32, #tpu.memory_space<vmem>>, vector<16xi32>,
        %add3A_441 = arith.addi %get3A_440, %broadcast_in_dim3A_141 : vector<16xi32>
        %swap3A_442 = arith.constant 48 : index
        %swap3A_443 = tpu.vector_load %arg14[%swap3A_442] {strides = array<i32>} : memref<128xi32, #tpu.memory_space<vmem>>, vector<16xi32>,
        tpu.vector_store %arg14[%swap3A_442], %add3A_441 {strides = array<i32>} : memref<128xi32, #tpu.memory_space<vmem>>, vector<16xi32>,
        %get3A_444 = arith.constant 64 : index
        %get3A_445 = tpu.vector_load %arg13[%get3A_444] {strides = array<i32>} : memref<128xi32, #tpu.memory_space<vmem>>, vector<16xi32>,
        %add3A_446 = arith.addi %get3A_445, %broadcast_in_dim3A_141 : vector<16xi32>
        %swap3A_447 = arith.constant 64 : index
        %swap3A_448 = tpu.vector_load %arg13[%swap3A_447] {strides = array<i32>} : memref<128xi32, #tpu.memory_space<vmem>>, vector<16xi32>,
        tpu.vector_store %arg13[%swap3A_447], %add3A_446 {strides = array<i32>} : memref<128xi32, #tpu.memory_space<vmem>>, vector<16xi32>,
        %get3A_449 = arith.constant 64 : index
        %get3A_450 = tpu.vector_load %arg14[%get3A_449] {strides = array<i32>} : memref<128xi32, #tpu.memory_space<vmem>>, vector<16xi32>,
        %add3A_451 = arith.addi %get3A_450, %broadcast_in_dim3A_141 : vector<16xi32>
        %swap3A_452 = arith.constant 64 : index
        %swap3A_453 = tpu.vector_load %arg14[%swap3A_452] {strides = array<i32>} : memref<128xi32, #tpu.memory_space<vmem>>, vector<16xi32>,
        tpu.vector_store %arg14[%swap3A_452], %add3A_451 {strides = array<i32>} : memref<128xi32, #tpu.memory_space<vmem>>, vector<16xi32>,
        %get3A_454 = arith.constant 80 : index
        %get3A_455 = tpu.vector_load %arg13[%get3A_454] {strides = array<i32>} : memref<128xi32, #tpu.memory_space<vmem>>, vector<16xi32>,
        %add3A_456 = arith.addi %get3A_455, %broadcast_in_dim3A_141 : vector<16xi32>
        %swap3A_457 = arith.constant 80 : index
        %swap3A_458 = tpu.vector_load %arg13[%swap3A_457] {strides = array<i32>} : memref<128xi32, #tpu.memory_space<vmem>>, vector<16xi32>,
        tpu.vector_store %arg13[%swap3A_457], %add3A_456 {strides = array<i32>} : memref<128xi32, #tpu.memory_space<vmem>>, vector<16xi32>,
        %get3A_459 = arith.constant 80 : index
        %get3A_460 = tpu.vector_load %arg14[%get3A_459] {strides = array<i32>} : memref<128xi32, #tpu.memory_space<vmem>>, vector<16xi32>,
        %add3A_461 = arith.addi %get3A_460, %broadcast_in_dim3A_141 : vector<16xi32>
        %swap3A_462 = arith.constant 80 : index
        %swap3A_463 = tpu.vector_load %arg14[%swap3A_462] {strides = array<i32>} : memref<128xi32, #tpu.memory_space<vmem>>, vector<16xi32>,
        tpu.vector_store %arg14[%swap3A_462], %add3A_461 {strides = array<i32>} : memref<128xi32, #tpu.memory_space<vmem>>, vector<16xi32>,
        %get3A_464 = arith.constant 96 : index
        %get3A_465 = tpu.vector_load %arg13[%get3A_464] {strides = array<i32>} : memref<128xi32, #tpu.memory_space<vmem>>, vector<16xi32>,
        %add3A_466 = arith.addi %get3A_465, %broadcast_in_dim3A_141 : vector<16xi32>
        %swap3A_467 = arith.constant 96 : index
        %swap3A_468 = tpu.vector_load %arg13[%swap3A_467] {strides = array<i32>} : memref<128xi32, #tpu.memory_space<vmem>>, vector<16xi32>,
        tpu.vector_store %arg13[%swap3A_467], %add3A_466 {strides = array<i32>} : memref<128xi32, #tpu.memory_space<vmem>>, vector<16xi32>,
        %get3A_469 = arith.constant 96 : index
        %get3A_470 = tpu.vector_load %arg14[%get3A_469] {strides = array<i32>} : memref<128xi32, #tpu.memory_space<vmem>>, vector<16xi32>,
        %add3A_471 = arith.addi %get3A_470, %broadcast_in_dim3A_141 : vector<16xi32>
        %swap3A_472 = arith.constant 96 : index
        %swap3A_473 = tpu.vector_load %arg14[%swap3A_472] {strides = array<i32>} : memref<128xi32, #tpu.memory_space<vmem>>, vector<16xi32>,
        tpu.vector_store %arg14[%swap3A_472], %add3A_471 {strides = array<i32>} : memref<128xi32, #tpu.memory_space<vmem>>, vector<16xi32>,
        %get3A_474 = arith.constant 112 : index
        %get3A_475 = tpu.vector_load %arg13[%get3A_474] {strides = array<i32>} : memref<128xi32, #tpu.memory_space<vmem>>, vector<16xi32>,
        %add3A_476 = arith.addi %get3A_475, %broadcast_in_dim3A_141 : vector<16xi32>
        %swap3A_477 = arith.constant 112 : index
        %swap3A_478 = tpu.vector_load %arg13[%swap3A_477] {strides = array<i32>} : memref<128xi32, #tpu.memory_space<vmem>>, vector<16xi32>,
        tpu.vector_store %arg13[%swap3A_477], %add3A_476 {strides = array<i32>} : memref<128xi32, #tpu.memory_space<vmem>>, vector<16xi32>,
        %get3A_479 = arith.constant 112 : index
        %get3A_480 = tpu.vector_load %arg14[%get3A_479] {strides = array<i32>} : memref<128xi32, #tpu.memory_space<vmem>>, vector<16xi32>,
        %add3A_481 = arith.addi %get3A_480, %broadcast_in_dim3A_141 : vector<16xi32>
        %swap3A_482 = arith.constant 112 : index
        %swap3A_483 = tpu.vector_load %arg14[%swap3A_482] {strides = array<i32>} : memref<128xi32, #tpu.memory_space<vmem>>, vector<16xi32>,
        tpu.vector_store %arg14[%swap3A_482], %add3A_481 {strides = array<i32>} : memref<128xi32, #tpu.memory_space<vmem>>, vector<16xi32>,
        %dma_start3A_484 = arith.constant 0 : i32
        %dma_start3A_485 = tpu.memref_slice %arg13[%dma_start3A_484] : memref<128xi32, #tpu.memory_space<vmem>> -> memref<64xi32, #tpu.memory_space<vmem>>
        %dma_start3A_486 = arith.constant 0 : i32
        %dma_start3A_487 = arith.constant 0 : i32
        %dma_start3A_488 = tpu.memref_slice %arg6[%dma_start3A_486, %dma_start3A_487] : memref<40960x128xf32, #tpu.memory_space<hbm>> -> memref<40960x128xf32, #tpu.memory_space<hbm>>
        tpu.enqueue_indirect_dma source(%dma_start3A_488 : memref<40960x128xf32, #tpu.memory_space<hbm>>) target(%arg18 : memref<64x128xf32, #tpu.memory_space<vmem>>) offsets(%dma_start3A_485 : memref<64xi32, #tpu.memory_space<vmem>>) semaphore(%arg26 : memref<!tpu.dma_semaphore, #tpu.memory_space<semaphore_mem>>)
        %dma_start3A_489 = arith.constant 64 : i32
        %dma_start3A_490 = tpu.memref_slice %arg13[%dma_start3A_489] : memref<128xi32, #tpu.memory_space<vmem>> -> memref<64xi32, #tpu.memory_space<vmem>>
        %dma_start3A_491 = arith.constant 0 : i32
        %dma_start3A_492 = arith.constant 0 : i32
        %dma_start3A_493 = tpu.memref_slice %arg6[%dma_start3A_491, %dma_start3A_492] : memref<40960x128xf32, #tpu.memory_space<hbm>> -> memref<40960x128xf32, #tpu.memory_space<hbm>>
        tpu.enqueue_indirect_dma source(%dma_start3A_493 : memref<40960x128xf32, #tpu.memory_space<hbm>>) target(%arg19 : memref<64x128xf32, #tpu.memory_space<vmem>>) offsets(%dma_start3A_490 : memref<64xi32, #tpu.memory_space<vmem>>) semaphore(%arg27 : memref<!tpu.dma_semaphore, #tpu.memory_space<semaphore_mem>>)
        %dma_start3A_494 = arith.constant 0 : i32
        %dma_start3A_495 = tpu.memref_slice %arg14[%dma_start3A_494] : memref<128xi32, #tpu.memory_space<vmem>> -> memref<64xi32, #tpu.memory_space<vmem>>
        %dma_start3A_496 = arith.constant 0 : i32
        %dma_start3A_497 = arith.constant 0 : i32
        %dma_start3A_498 = tpu.memref_slice %arg6[%dma_start3A_496, %dma_start3A_497] : memref<40960x128xf32, #tpu.memory_space<hbm>> -> memref<40960x128xf32, #tpu.memory_space<hbm>>
        tpu.enqueue_indirect_dma source(%dma_start3A_498 : memref<40960x128xf32, #tpu.memory_space<hbm>>) target(%arg20 : memref<64x128xf32, #tpu.memory_space<vmem>>) offsets(%dma_start3A_495 : memref<64xi32, #tpu.memory_space<vmem>>) semaphore(%arg28 : memref<!tpu.dma_semaphore, #tpu.memory_space<semaphore_mem>>)
        %dma_start3A_499 = arith.constant 64 : i32
        %dma_start3A_500 = tpu.memref_slice %arg14[%dma_start3A_499] : memref<128xi32, #tpu.memory_space<vmem>> -> memref<64xi32, #tpu.memory_space<vmem>>
        %dma_start3A_501 = arith.constant 0 : i32
        %dma_start3A_502 = arith.constant 0 : i32
        %dma_start3A_503 = tpu.memref_slice %arg6[%dma_start3A_501, %dma_start3A_502] : memref<40960x128xf32, #tpu.memory_space<hbm>> -> memref<40960x128xf32, #tpu.memory_space<hbm>>
        tpu.enqueue_indirect_dma source(%dma_start3A_503 : memref<40960x128xf32, #tpu.memory_space<hbm>>) target(%arg21 : memref<64x128xf32, #tpu.memory_space<vmem>>) offsets(%dma_start3A_500 : memref<64xi32, #tpu.memory_space<vmem>>) semaphore(%arg29 : memref<!tpu.dma_semaphore, #tpu.memory_space<semaphore_mem>>)
        %dma_wait3A_504 = arith.constant 0 : i32
        %dma_wait3A_505 = tpu.memref_slice %arg13[%dma_wait3A_504] : memref<128xi32, #tpu.memory_space<vmem>> -> memref<64xi32, #tpu.memory_space<vmem>>
        %dma_wait3A_506 = arith.constant 0 : i32
        %dma_wait3A_507 = arith.constant 0 : i32
        %dma_wait3A_508 = tpu.memref_slice %arg6[%dma_wait3A_506, %dma_wait3A_507] : memref<40960x128xf32, #tpu.memory_space<hbm>> -> memref<40960x128xf32, #tpu.memory_space<hbm>>
        tpu.wait_indirect_dma semaphore(%arg26 : memref<!tpu.dma_semaphore, #tpu.memory_space<semaphore_mem>>) src(%dma_wait3A_508 : memref<40960x128xf32, #tpu.memory_space<hbm>>) dst(%arg18 : memref<64x128xf32, #tpu.memory_space<vmem>>)
        %dma_start3A_509 = arith.constant 0 : i32
        %dma_start3A_510 = tpu.memref_slice %arg15[%dma_start3A_509] : memref<128xi32, #tpu.memory_space<vmem>> -> memref<64xi32, #tpu.memory_space<vmem>>
        %dma_start3A_511 = arith.constant 0 : i32
        %dma_start3A_512 = arith.constant 0 : i32
        %dma_start3A_513 = tpu.memref_slice %arg8[%dma_start3A_511, %dma_start3A_512] : memref<10240x128xf32, #tpu.memory_space<vmem_shared>> -> memref<10240x128xf32, #tpu.memory_space<vmem_shared>>
        tpu.enqueue_indirect_dma source(%arg18 : memref<64x128xf32, #tpu.memory_space<vmem>>) target(%dma_start3A_513 : memref<10240x128xf32, #tpu.memory_space<vmem_shared>>) offsets(%dma_start3A_510 : memref<64xi32, #tpu.memory_space<vmem>>) semaphore(%arg30 : memref<!tpu.dma_semaphore, #tpu.memory_space<semaphore_mem>>) {add = true}
        %dma_wait3A_514 = arith.constant 64 : i32
        %dma_wait3A_515 = tpu.memref_slice %arg13[%dma_wait3A_514] : memref<128xi32, #tpu.memory_space<vmem>> -> memref<64xi32, #tpu.memory_space<vmem>>
        %dma_wait3A_516 = arith.constant 0 : i32
        %dma_wait3A_517 = arith.constant 0 : i32
        %dma_wait3A_518 = tpu.memref_slice %arg6[%dma_wait3A_516, %dma_wait3A_517] : memref<40960x128xf32, #tpu.memory_space<hbm>> -> memref<40960x128xf32, #tpu.memory_space<hbm>>
        tpu.wait_indirect_dma semaphore(%arg27 : memref<!tpu.dma_semaphore, #tpu.memory_space<semaphore_mem>>) src(%dma_wait3A_518 : memref<40960x128xf32, #tpu.memory_space<hbm>>) dst(%arg19 : memref<64x128xf32, #tpu.memory_space<vmem>>)
        %dma_start3A_519 = arith.constant 64 : i32
        %dma_start3A_520 = tpu.memref_slice %arg15[%dma_start3A_519] : memref<128xi32, #tpu.memory_space<vmem>> -> memref<64xi32, #tpu.memory_space<vmem>>
        %dma_start3A_521 = arith.constant 0 : i32
        %dma_start3A_522 = arith.constant 0 : i32
        %dma_start3A_523 = tpu.memref_slice %arg8[%dma_start3A_521, %dma_start3A_522] : memref<10240x128xf32, #tpu.memory_space<vmem_shared>> -> memref<10240x128xf32, #tpu.memory_space<vmem_shared>>
        tpu.enqueue_indirect_dma source(%arg19 : memref<64x128xf32, #tpu.memory_space<vmem>>) target(%dma_start3A_523 : memref<10240x128xf32, #tpu.memory_space<vmem_shared>>) offsets(%dma_start3A_520 : memref<64xi32, #tpu.memory_space<vmem>>) semaphore(%arg30 : memref<!tpu.dma_semaphore, #tpu.memory_space<semaphore_mem>>) {add = true}
        %dma_wait3A_524 = arith.constant 0 : i32
        %dma_wait3A_525 = tpu.memref_slice %arg14[%dma_wait3A_524] : memref<128xi32, #tpu.memory_space<vmem>> -> memref<64xi32, #tpu.memory_space<vmem>>
        %dma_wait3A_526 = arith.constant 0 : i32
        %dma_wait3A_527 = arith.constant 0 : i32
        %dma_wait3A_528 = tpu.memref_slice %arg6[%dma_wait3A_526, %dma_wait3A_527] : memref<40960x128xf32, #tpu.memory_space<hbm>> -> memref<40960x128xf32, #tpu.memory_space<hbm>>
        tpu.wait_indirect_dma semaphore(%arg28 : memref<!tpu.dma_semaphore, #tpu.memory_space<semaphore_mem>>) src(%dma_wait3A_528 : memref<40960x128xf32, #tpu.memory_space<hbm>>) dst(%arg20 : memref<64x128xf32, #tpu.memory_space<vmem>>)
        %dma_start3A_529 = arith.constant 0 : i32
        %dma_start3A_530 = tpu.memref_slice %arg16[%dma_start3A_529] : memref<128xi32, #tpu.memory_space<vmem>> -> memref<64xi32, #tpu.memory_space<vmem>>
        %dma_start3A_531 = arith.constant 0 : i32
        %dma_start3A_532 = arith.constant 0 : i32
        %dma_start3A_533 = tpu.memref_slice %arg8[%dma_start3A_531, %dma_start3A_532] : memref<10240x128xf32, #tpu.memory_space<vmem_shared>> -> memref<10240x128xf32, #tpu.memory_space<vmem_shared>>
        tpu.enqueue_indirect_dma source(%arg20 : memref<64x128xf32, #tpu.memory_space<vmem>>) target(%dma_start3A_533 : memref<10240x128xf32, #tpu.memory_space<vmem_shared>>) offsets(%dma_start3A_530 : memref<64xi32, #tpu.memory_space<vmem>>) semaphore(%arg30 : memref<!tpu.dma_semaphore, #tpu.memory_space<semaphore_mem>>) {add = true}
        %dma_wait3A_534 = arith.constant 64 : i32
        %dma_wait3A_535 = tpu.memref_slice %arg14[%dma_wait3A_534] : memref<128xi32, #tpu.memory_space<vmem>> -> memref<64xi32, #tpu.memory_space<vmem>>
        %dma_wait3A_536 = arith.constant 0 : i32
        %dma_wait3A_537 = arith.constant 0 : i32
        %dma_wait3A_538 = tpu.memref_slice %arg6[%dma_wait3A_536, %dma_wait3A_537] : memref<40960x128xf32, #tpu.memory_space<hbm>> -> memref<40960x128xf32, #tpu.memory_space<hbm>>
        tpu.wait_indirect_dma semaphore(%arg29 : memref<!tpu.dma_semaphore, #tpu.memory_space<semaphore_mem>>) src(%dma_wait3A_538 : memref<40960x128xf32, #tpu.memory_space<hbm>>) dst(%arg21 : memref<64x128xf32, #tpu.memory_space<vmem>>)
        %dma_start3A_539 = arith.constant 64 : i32
        %dma_start3A_540 = tpu.memref_slice %arg16[%dma_start3A_539] : memref<128xi32, #tpu.memory_space<vmem>> -> memref<64xi32, #tpu.memory_space<vmem>>
        %dma_start3A_541 = arith.constant 0 : i32
        %dma_start3A_542 = arith.constant 0 : i32
        %dma_start3A_543 = tpu.memref_slice %arg8[%dma_start3A_541, %dma_start3A_542] : memref<10240x128xf32, #tpu.memory_space<vmem_shared>> -> memref<10240x128xf32, #tpu.memory_space<vmem_shared>>
        tpu.enqueue_indirect_dma source(%arg21 : memref<64x128xf32, #tpu.memory_space<vmem>>) target(%dma_start3A_543 : memref<10240x128xf32, #tpu.memory_space<vmem_shared>>) offsets(%dma_start3A_540 : memref<64xi32, #tpu.memory_space<vmem>>) semaphore(%arg30 : memref<!tpu.dma_semaphore, #tpu.memory_space<semaphore_mem>>) {add = true}
        %dma_wait3A_544 = arith.constant 0 : i32
        %dma_wait3A_545 = tpu.memref_slice %arg15[%dma_wait3A_544] : memref<128xi32, #tpu.memory_space<vmem>> -> memref<64xi32, #tpu.memory_space<vmem>>
        %dma_wait3A_546 = arith.constant 0 : i32
        %dma_wait3A_547 = arith.constant 0 : i32
        %dma_wait3A_548 = tpu.memref_slice %arg8[%dma_wait3A_546, %dma_wait3A_547] : memref<10240x128xf32, #tpu.memory_space<vmem_shared>> -> memref<10240x128xf32, #tpu.memory_space<vmem_shared>>
        tpu.wait_indirect_dma semaphore(%arg30 : memref<!tpu.dma_semaphore, #tpu.memory_space<semaphore_mem>>) src(%arg18 : memref<64x128xf32, #tpu.memory_space<vmem>>) dst(%dma_wait3A_548 : memref<10240x128xf32, #tpu.memory_space<vmem_shared>>)
        %dma_wait3A_549 = arith.constant 64 : i32
        %dma_wait3A_550 = tpu.memref_slice %arg15[%dma_wait3A_549] : memref<128xi32, #tpu.memory_space<vmem>> -> memref<64xi32, #tpu.memory_space<vmem>>
        %dma_wait3A_551 = arith.constant 0 : i32
        %dma_wait3A_552 = arith.constant 0 : i32
        %dma_wait3A_553 = tpu.memref_slice %arg8[%dma_wait3A_551, %dma_wait3A_552] : memref<10240x128xf32, #tpu.memory_space<vmem_shared>> -> memref<10240x128xf32, #tpu.memory_space<vmem_shared>>
        tpu.wait_indirect_dma semaphore(%arg30 : memref<!tpu.dma_semaphore, #tpu.memory_space<semaphore_mem>>) src(%arg19 : memref<64x128xf32, #tpu.memory_space<vmem>>) dst(%dma_wait3A_553 : memref<10240x128xf32, #tpu.memory_space<vmem_shared>>)
        %dma_wait3A_554 = arith.constant 0 : i32
        %dma_wait3A_555 = tpu.memref_slice %arg16[%dma_wait3A_554] : memref<128xi32, #tpu.memory_space<vmem>> -> memref<64xi32, #tpu.memory_space<vmem>>
        %dma_wait3A_556 = arith.constant 0 : i32
        %dma_wait3A_557 = arith.constant 0 : i32
        %dma_wait3A_558 = tpu.memref_slice %arg8[%dma_wait3A_556, %dma_wait3A_557] : memref<10240x128xf32, #tpu.memory_space<vmem_shared>> -> memref<10240x128xf32, #tpu.memory_space<vmem_shared>>
        tpu.wait_indirect_dma semaphore(%arg30 : memref<!tpu.dma_semaphore, #tpu.memory_space<semaphore_mem>>) src(%arg20 : memref<64x128xf32, #tpu.memory_space<vmem>>) dst(%dma_wait3A_558 : memref<10240x128xf32, #tpu.memory_space<vmem_shared>>)
        %dma_wait3A_559 = arith.constant 64 : i32
        %dma_wait3A_560 = tpu.memref_slice %arg16[%dma_wait3A_559] : memref<128xi32, #tpu.memory_space<vmem>> -> memref<64xi32, #tpu.memory_space<vmem>>
        %dma_wait3A_561 = arith.constant 0 : i32
        %dma_wait3A_562 = arith.constant 0 : i32
        %dma_wait3A_563 = tpu.memref_slice %arg8[%dma_wait3A_561, %dma_wait3A_562] : memref<10240x128xf32, #tpu.memory_space<vmem_shared>> -> memref<10240x128xf32, #tpu.memory_space<vmem_shared>>
        tpu.wait_indirect_dma semaphore(%arg30 : memref<!tpu.dma_semaphore, #tpu.memory_space<semaphore_mem>>) src(%arg21 : memref<64x128xf32, #tpu.memory_space<vmem>>) dst(%dma_wait3A_563 : memref<10240x128xf32, #tpu.memory_space<vmem_shared>>)
        %dma_wait3A_564 = tpu.memref_slice %arg3[%add3A_379] : memref<655360xi32, #tpu.memory_space<hbm>> -> memref<128xi32, #tpu.memory_space<hbm>>
        %dma_wait3A_565 = tpu.memref_slice %arg3[%add3A_379] : memref<655360xi32, #tpu.memory_space<hbm>> -> memref<128xi32, #tpu.memory_space<hbm>>
        tpu.wait_dma2 semaphore(%arg31 : memref<!tpu.dma_semaphore, #tpu.memory_space<semaphore_mem>>) src(%dma_wait3A_565 : memref<128xi32, #tpu.memory_space<hbm>>) dst(%arg9 : memref<128xi32, #tpu.memory_space<vmem>>)
        %dma_wait3A_566 = tpu.memref_slice %arg3[%add3A_383] : memref<655360xi32, #tpu.memory_space<hbm>> -> memref<128xi32, #tpu.memory_space<hbm>>
        %dma_wait3A_567 = tpu.memref_slice %arg3[%add3A_383] : memref<655360xi32, #tpu.memory_space<hbm>> -> memref<128xi32, #tpu.memory_space<hbm>>
        tpu.wait_dma2 semaphore(%arg31 : memref<!tpu.dma_semaphore, #tpu.memory_space<semaphore_mem>>) src(%dma_wait3A_567 : memref<128xi32, #tpu.memory_space<hbm>>) dst(%arg11 : memref<128xi32, #tpu.memory_space<vmem>>)
        %dma_wait3A_568 = tpu.memref_slice %arg3[%add3A_387] : memref<655360xi32, #tpu.memory_space<hbm>> -> memref<128xi32, #tpu.memory_space<hbm>>
        %dma_wait3A_569 = tpu.memref_slice %arg3[%add3A_387] : memref<655360xi32, #tpu.memory_space<hbm>> -> memref<128xi32, #tpu.memory_space<hbm>>
        tpu.wait_dma2 semaphore(%arg31 : memref<!tpu.dma_semaphore, #tpu.memory_space<semaphore_mem>>) src(%dma_wait3A_569 : memref<128xi32, #tpu.memory_space<hbm>>) dst(%arg10 : memref<128xi32, #tpu.memory_space<vmem>>)
        %dma_wait3A_570 = tpu.memref_slice %arg3[%add3A_393] : memref<655360xi32, #tpu.memory_space<hbm>> -> memref<128xi32, #tpu.memory_space<hbm>>
        %dma_wait3A_571 = tpu.memref_slice %arg3[%add3A_393] : memref<655360xi32, #tpu.memory_space<hbm>> -> memref<128xi32, #tpu.memory_space<hbm>>
        tpu.wait_dma2 semaphore(%arg31 : memref<!tpu.dma_semaphore, #tpu.memory_space<semaphore_mem>>) src(%dma_wait3A_571 : memref<128xi32, #tpu.memory_space<hbm>>) dst(%arg12 : memref<128xi32, #tpu.memory_space<vmem>>)
        %scan3A_572 = arith.constant 0 : i32
        scf.yield %scan3A_572 : i32
      }
      %scan3A_174 = arith.constant 40 : i32
      %barrier3A_175 = arith.constant 0 : index
      tpu.barrier barrier_id(%barrier3A_175)
      %scan3A_176 = arith.constant 0 : i32
      %scan3A_177 = arith.constant 0 : i32
      %scan3A_178 = arith.constant 10 : i32
      %scan3A_179 = arith.addi %scan3A_177, %scan3A_178 : i32
      %scan3A_180 = arith.constant 1 : i32
      %scan3A_181 = scf.for %scan3A_185 = %scan3A_177 to %scan3A_179 step %scan3A_180 iter_args(%scan3A_186 = %scan3A_176) -> (i32)  : i32 {
        %mul3A_187 = arith.constant 64 : i32
        %mul3A_188 = arith.muli %scan3A_185, %mul3A_187 : i32
        %add3A_189 = arith.addi %mul3A_2, %mul3A_188 : i32
        "tpu.region"() ({
          %run_scoped3A = tpu.sem_alloc : memref<!tpu.dma_semaphore, #tpu.memory_space<semaphore_mem>>
          %dma_start3A_210 = arith.constant 0 : i32
          %dma_start3A_211 = arith.constant 0 : i32
          %dma_start3A_212 = tpu.memref_slice %arg18[%dma_start3A_210, %dma_start3A_211] : memref<64x128xf32, #tpu.memory_space<vmem>> -> memref<64x128xf32, #tpu.memory_space<vmem>>
          %dma_start3A_213 = arith.constant 0 : i32
          %dma_start3A_214 = tpu.memref_slice %arg8[%add3A_189, %dma_start3A_213] : memref<10240x128xf32, #tpu.memory_space<vmem_shared>> -> memref<64x128xf32, #tpu.memory_space<vmem_shared>>
          %dma_start3A_215 = arith.constant 0 : i32
          %dma_start3A_216 = arith.constant 0 : i32
          %dma_start3A_217 = tpu.memref_slice %arg18[%dma_start3A_215, %dma_start3A_216] : memref<64x128xf32, #tpu.memory_space<vmem>> -> memref<64x128xf32, #tpu.memory_space<vmem>>
          %dma_start3A_218 = arith.constant 0 : i32
          %dma_start3A_219 = tpu.memref_slice %arg8[%add3A_189, %dma_start3A_218] : memref<10240x128xf32, #tpu.memory_space<vmem_shared>> -> memref<64x128xf32, #tpu.memory_space<vmem_shared>>
          tpu.enqueue_dma source(%dma_start3A_219 : memref<64x128xf32, #tpu.memory_space<vmem_shared>>) target(%dma_start3A_217 : memref<64x128xf32, #tpu.memory_space<vmem>>) target_semaphore(%run_scoped3A : memref<!tpu.dma_semaphore, #tpu.memory_space<semaphore_mem>>)
          %dma_wait3A_220 = arith.constant 0 : i32
          %dma_wait3A_221 = arith.constant 0 : i32
          %dma_wait3A_222 = tpu.memref_slice %arg18[%dma_wait3A_220, %dma_wait3A_221] : memref<64x128xf32, #tpu.memory_space<vmem>> -> memref<64x128xf32, #tpu.memory_space<vmem>>
          %dma_wait3A_223 = arith.constant 0 : i32
          %dma_wait3A_224 = tpu.memref_slice %arg8[%add3A_189, %dma_wait3A_223] : memref<10240x128xf32, #tpu.memory_space<vmem_shared>> -> memref<64x128xf32, #tpu.memory_space<vmem_shared>>
          %dma_wait3A_225 = arith.constant 0 : i32
          %dma_wait3A_226 = arith.constant 0 : i32
          %dma_wait3A_227 = tpu.memref_slice %arg18[%dma_wait3A_225, %dma_wait3A_226] : memref<64x128xf32, #tpu.memory_space<vmem>> -> memref<64x128xf32, #tpu.memory_space<vmem>>
          %dma_wait3A_228 = arith.constant 0 : i32
          %dma_wait3A_229 = tpu.memref_slice %arg8[%add3A_189, %dma_wait3A_228] : memref<10240x128xf32, #tpu.memory_space<vmem_shared>> -> memref<64x128xf32, #tpu.memory_space<vmem_shared>>
          tpu.wait_dma2 semaphore(%run_scoped3A : memref<!tpu.dma_semaphore, #tpu.memory_space<semaphore_mem>>) src(%dma_wait3A_229 : memref<64x128xf32, #tpu.memory_space<vmem_shared>>) dst(%dma_wait3A_227 : memref<64x128xf32, #tpu.memory_space<vmem>>)
          tpu.yield
        }) : () -> ()
        "tpu.region"() ({
          %run_scoped3A = tpu.sem_alloc : memref<!tpu.dma_semaphore, #tpu.memory_space<semaphore_mem>>
          %dma_start3A_210 = arith.constant 0 : i32
          %dma_start3A_211 = arith.constant 0 : i32
          %dma_start3A_212 = tpu.memref_slice %arg19[%dma_start3A_210, %dma_start3A_211] : memref<64x128xf32, #tpu.memory_space<vmem>> -> memref<64x128xf32, #tpu.memory_space<vmem>>
          %dma_start3A_213 = arith.constant 0 : i32
          %dma_start3A_214 = tpu.memref_slice %arg5[%arg0, %add3A_189, %dma_start3A_213] : memref<2x10240x128xf32, #tpu.memory_space<hbm>> -> memref<1x64x128xf32, #tpu.memory_space<hbm>>
          %dma_start3A_215 = tpu.memref_squeeze %dma_start3A_214 : memref<1x64x128xf32, #tpu.memory_space<hbm>> -> memref<64x128xf32, #tpu.memory_space<hbm>>
          %dma_start3A_216 = arith.constant 0 : i32
          %dma_start3A_217 = arith.constant 0 : i32
          %dma_start3A_218 = tpu.memref_slice %arg19[%dma_start3A_216, %dma_start3A_217] : memref<64x128xf32, #tpu.memory_space<vmem>> -> memref<64x128xf32, #tpu.memory_space<vmem>>
          %dma_start3A_219 = arith.constant 0 : i32
          %dma_start3A_220 = tpu.memref_slice %arg5[%arg0, %add3A_189, %dma_start3A_219] : memref<2x10240x128xf32, #tpu.memory_space<hbm>> -> memref<1x64x128xf32, #tpu.memory_space<hbm>>
          %dma_start3A_221 = tpu.memref_squeeze %dma_start3A_220 : memref<1x64x128xf32, #tpu.memory_space<hbm>> -> memref<64x128xf32, #tpu.memory_space<hbm>>
          tpu.enqueue_dma source(%dma_start3A_221 : memref<64x128xf32, #tpu.memory_space<hbm>>) target(%dma_start3A_218 : memref<64x128xf32, #tpu.memory_space<vmem>>) target_semaphore(%run_scoped3A : memref<!tpu.dma_semaphore, #tpu.memory_space<semaphore_mem>>)
          %dma_wait3A_222 = arith.constant 0 : i32
          %dma_wait3A_223 = arith.constant 0 : i32
          %dma_wait3A_224 = tpu.memref_slice %arg19[%dma_wait3A_222, %dma_wait3A_223] : memref<64x128xf32, #tpu.memory_space<vmem>> -> memref<64x128xf32, #tpu.memory_space<vmem>>
          %dma_wait3A_225 = arith.constant 0 : i32
          %dma_wait3A_226 = tpu.memref_slice %arg5[%arg0, %add3A_189, %dma_wait3A_225] : memref<2x10240x128xf32, #tpu.memory_space<hbm>> -> memref<1x64x128xf32, #tpu.memory_space<hbm>>
          %dma_wait3A_227 = tpu.memref_squeeze %dma_wait3A_226 : memref<1x64x128xf32, #tpu.memory_space<hbm>> -> memref<64x128xf32, #tpu.memory_space<hbm>>
          %dma_wait3A_228 = arith.constant 0 : i32
          %dma_wait3A_229 = arith.constant 0 : i32
          %dma_wait3A_230 = tpu.memref_slice %arg19[%dma_wait3A_228, %dma_wait3A_229] : memref<64x128xf32, #tpu.memory_space<vmem>> -> memref<64x128xf32, #tpu.memory_space<vmem>>
          %dma_wait3A_231 = arith.constant 0 : i32
          %dma_wait3A_232 = tpu.memref_slice %arg5[%arg0, %add3A_189, %dma_wait3A_231] : memref<2x10240x128xf32, #tpu.memory_space<hbm>> -> memref<1x64x128xf32, #tpu.memory_space<hbm>>
          %dma_wait3A_233 = tpu.memref_squeeze %dma_wait3A_232 : memref<1x64x128xf32, #tpu.memory_space<hbm>> -> memref<64x128xf32, #tpu.memory_space<hbm>>
          tpu.wait_dma2 semaphore(%run_scoped3A : memref<!tpu.dma_semaphore, #tpu.memory_space<semaphore_mem>>) src(%dma_wait3A_233 : memref<64x128xf32, #tpu.memory_space<hbm>>) dst(%dma_wait3A_230 : memref<64x128xf32, #tpu.memory_space<vmem>>)
          tpu.yield
        }) : () -> ()
        %scan3A_190 = arith.constant 0 : i32
        %scan3A_191 = arith.constant 0 : i32
        %scan3A_192 = arith.constant 64 : i32
        %scan3A_193 = arith.addi %scan3A_191, %scan3A_192 : i32
        %scan3A_194 = arith.constant 1 : i32
        %scan3A_195 = scf.for %scan3A_210 = %scan3A_191 to %scan3A_193 step %scan3A_194 iter_args(%scan3A_211 = %scan3A_190) -> (i32)  : i32 {
          %mul3A_212 = arith.constant 64 : i32
          %mul3A_213 = arith.muli %scan3A_185, %mul3A_212 : i32
          %add3A_214 = arith.addi %mul3A_213, %scan3A_210 : i32
          %get3A = arith.index_cast %add3A_214 : i32 to index
          %get3A_215 = tpu.vector_load %arg25[%get3A] {strides = array<i32>} : memref<656xf32, #tpu.memory_space<vmem>>, vector<16xf32>,
          %slice3A = vector.extract_strided_slice %get3A_215 {offsets = [0], sizes = [1], strides = [1]} : vector<16xf32> to vector<1xf32>
          %squeeze3A = vector.extract %slice3A[0] : f32 from vector<1xf32>
          %broadcast_in_dim3A_216 = vector.broadcast %squeeze3A : f32 to vector<16xf32>
          %get3A_217 = arith.index_cast %scan3A_210 : i32 to index
          %get3A_218 = arith.constant 0 : index
          %get3A_219 = tpu.vector_load %arg18[%get3A_217, %get3A_218] {strides = array<i32>} : memref<64x128xf32, #tpu.memory_space<vmem>>, vector<16xf32>,
          %mul3A_220 = arith.mulf %broadcast_in_dim3A_216, %get3A_219 : vector<16xf32>
          %get3A_221 = arith.index_cast %scan3A_210 : i32 to index
          %get3A_222 = arith.constant 0 : index
          %get3A_223 = tpu.vector_load %arg19[%get3A_221, %get3A_222] {strides = array<i32>} : memref<64x128xf32, #tpu.memory_space<vmem>>, vector<16xf32>,
          %add3A_224 = arith.addf %mul3A_220, %get3A_223 : vector<16xf32>
          %swap3A = arith.index_cast %scan3A_210 : i32 to index
          %swap3A_225 = arith.constant 0 : index
          %swap3A_226 = tpu.vector_load %arg18[%swap3A, %swap3A_225] {strides = array<i32>} : memref<64x128xf32, #tpu.memory_space<vmem>>, vector<16xf32>,
          tpu.vector_store %arg18[%swap3A, %swap3A_225], %add3A_224 {strides = array<i32>} : memref<64x128xf32, #tpu.memory_space<vmem>>, vector<16xf32>,
          %get3A_227 = arith.index_cast %scan3A_210 : i32 to index
          %get3A_228 = arith.constant 16 : index
          %get3A_229 = tpu.vector_load %arg18[%get3A_227, %get3A_228] {strides = array<i32>} : memref<64x128xf32, #tpu.memory_space<vmem>>, vector<16xf32>,
          %mul3A_230 = arith.mulf %broadcast_in_dim3A_216, %get3A_229 : vector<16xf32>
          %get3A_231 = arith.index_cast %scan3A_210 : i32 to index
          %get3A_232 = arith.constant 16 : index
          %get3A_233 = tpu.vector_load %arg19[%get3A_231, %get3A_232] {strides = array<i32>} : memref<64x128xf32, #tpu.memory_space<vmem>>, vector<16xf32>,
          %add3A_234 = arith.addf %mul3A_230, %get3A_233 : vector<16xf32>
          %swap3A_235 = arith.index_cast %scan3A_210 : i32 to index
          %swap3A_236 = arith.constant 16 : index
          %swap3A_237 = tpu.vector_load %arg18[%swap3A_235, %swap3A_236] {strides = array<i32>} : memref<64x128xf32, #tpu.memory_space<vmem>>, vector<16xf32>,
          tpu.vector_store %arg18[%swap3A_235, %swap3A_236], %add3A_234 {strides = array<i32>} : memref<64x128xf32, #tpu.memory_space<vmem>>, vector<16xf32>,
          %get3A_238 = arith.index_cast %scan3A_210 : i32 to index
          %get3A_239 = arith.constant 32 : index
          %get3A_240 = tpu.vector_load %arg18[%get3A_238, %get3A_239] {strides = array<i32>} : memref<64x128xf32, #tpu.memory_space<vmem>>, vector<16xf32>,
          %mul3A_241 = arith.mulf %broadcast_in_dim3A_216, %get3A_240 : vector<16xf32>
          %get3A_242 = arith.index_cast %scan3A_210 : i32 to index
          %get3A_243 = arith.constant 32 : index
          %get3A_244 = tpu.vector_load %arg19[%get3A_242, %get3A_243] {strides = array<i32>} : memref<64x128xf32, #tpu.memory_space<vmem>>, vector<16xf32>,
          %add3A_245 = arith.addf %mul3A_241, %get3A_244 : vector<16xf32>
          %swap3A_246 = arith.index_cast %scan3A_210 : i32 to index
          %swap3A_247 = arith.constant 32 : index
          %swap3A_248 = tpu.vector_load %arg18[%swap3A_246, %swap3A_247] {strides = array<i32>} : memref<64x128xf32, #tpu.memory_space<vmem>>, vector<16xf32>,
          tpu.vector_store %arg18[%swap3A_246, %swap3A_247], %add3A_245 {strides = array<i32>} : memref<64x128xf32, #tpu.memory_space<vmem>>, vector<16xf32>,
          %get3A_249 = arith.index_cast %scan3A_210 : i32 to index
          %get3A_250 = arith.constant 48 : index
          %get3A_251 = tpu.vector_load %arg18[%get3A_249, %get3A_250] {strides = array<i32>} : memref<64x128xf32, #tpu.memory_space<vmem>>, vector<16xf32>,
          %mul3A_252 = arith.mulf %broadcast_in_dim3A_216, %get3A_251 : vector<16xf32>
          %get3A_253 = arith.index_cast %scan3A_210 : i32 to index
          %get3A_254 = arith.constant 48 : index
          %get3A_255 = tpu.vector_load %arg19[%get3A_253, %get3A_254] {strides = array<i32>} : memref<64x128xf32, #tpu.memory_space<vmem>>, vector<16xf32>,
          %add3A_256 = arith.addf %mul3A_252, %get3A_255 : vector<16xf32>
          %swap3A_257 = arith.index_cast %scan3A_210 : i32 to index
          %swap3A_258 = arith.constant 48 : index
          %swap3A_259 = tpu.vector_load %arg18[%swap3A_257, %swap3A_258] {strides = array<i32>} : memref<64x128xf32, #tpu.memory_space<vmem>>, vector<16xf32>,
          tpu.vector_store %arg18[%swap3A_257, %swap3A_258], %add3A_256 {strides = array<i32>} : memref<64x128xf32, #tpu.memory_space<vmem>>, vector<16xf32>,
          %get3A_260 = arith.index_cast %scan3A_210 : i32 to index
          %get3A_261 = arith.constant 64 : index
          %get3A_262 = tpu.vector_load %arg18[%get3A_260, %get3A_261] {strides = array<i32>} : memref<64x128xf32, #tpu.memory_space<vmem>>, vector<16xf32>,
          %mul3A_263 = arith.mulf %broadcast_in_dim3A_216, %get3A_262 : vector<16xf32>
          %get3A_264 = arith.index_cast %scan3A_210 : i32 to index
          %get3A_265 = arith.constant 64 : index
          %get3A_266 = tpu.vector_load %arg19[%get3A_264, %get3A_265] {strides = array<i32>} : memref<64x128xf32, #tpu.memory_space<vmem>>, vector<16xf32>,
          %add3A_267 = arith.addf %mul3A_263, %get3A_266 : vector<16xf32>
          %swap3A_268 = arith.index_cast %scan3A_210 : i32 to index
          %swap3A_269 = arith.constant 64 : index
          %swap3A_270 = tpu.vector_load %arg18[%swap3A_268, %swap3A_269] {strides = array<i32>} : memref<64x128xf32, #tpu.memory_space<vmem>>, vector<16xf32>,
          tpu.vector_store %arg18[%swap3A_268, %swap3A_269], %add3A_267 {strides = array<i32>} : memref<64x128xf32, #tpu.memory_space<vmem>>, vector<16xf32>,
          %get3A_271 = arith.index_cast %scan3A_210 : i32 to index
          %get3A_272 = arith.constant 80 : index
          %get3A_273 = tpu.vector_load %arg18[%get3A_271, %get3A_272] {strides = array<i32>} : memref<64x128xf32, #tpu.memory_space<vmem>>, vector<16xf32>,
          %mul3A_274 = arith.mulf %broadcast_in_dim3A_216, %get3A_273 : vector<16xf32>
          %get3A_275 = arith.index_cast %scan3A_210 : i32 to index
          %get3A_276 = arith.constant 80 : index
          %get3A_277 = tpu.vector_load %arg19[%get3A_275, %get3A_276] {strides = array<i32>} : memref<64x128xf32, #tpu.memory_space<vmem>>, vector<16xf32>,
          %add3A_278 = arith.addf %mul3A_274, %get3A_277 : vector<16xf32>
          %swap3A_279 = arith.index_cast %scan3A_210 : i32 to index
          %swap3A_280 = arith.constant 80 : index
          %swap3A_281 = tpu.vector_load %arg18[%swap3A_279, %swap3A_280] {strides = array<i32>} : memref<64x128xf32, #tpu.memory_space<vmem>>, vector<16xf32>,
          tpu.vector_store %arg18[%swap3A_279, %swap3A_280], %add3A_278 {strides = array<i32>} : memref<64x128xf32, #tpu.memory_space<vmem>>, vector<16xf32>,
          %get3A_282 = arith.index_cast %scan3A_210 : i32 to index
          %get3A_283 = arith.constant 96 : index
          %get3A_284 = tpu.vector_load %arg18[%get3A_282, %get3A_283] {strides = array<i32>} : memref<64x128xf32, #tpu.memory_space<vmem>>, vector<16xf32>,
          %mul3A_285 = arith.mulf %broadcast_in_dim3A_216, %get3A_284 : vector<16xf32>
          %get3A_286 = arith.index_cast %scan3A_210 : i32 to index
          %get3A_287 = arith.constant 96 : index
          %get3A_288 = tpu.vector_load %arg19[%get3A_286, %get3A_287] {strides = array<i32>} : memref<64x128xf32, #tpu.memory_space<vmem>>, vector<16xf32>,
          %add3A_289 = arith.addf %mul3A_285, %get3A_288 : vector<16xf32>
          %swap3A_290 = arith.index_cast %scan3A_210 : i32 to index
          %swap3A_291 = arith.constant 96 : index
          %swap3A_292 = tpu.vector_load %arg18[%swap3A_290, %swap3A_291] {strides = array<i32>} : memref<64x128xf32, #tpu.memory_space<vmem>>, vector<16xf32>,
          tpu.vector_store %arg18[%swap3A_290, %swap3A_291], %add3A_289 {strides = array<i32>} : memref<64x128xf32, #tpu.memory_space<vmem>>, vector<16xf32>,
          %get3A_293 = arith.index_cast %scan3A_210 : i32 to index
          %get3A_294 = arith.constant 112 : index
          %get3A_295 = tpu.vector_load %arg18[%get3A_293, %get3A_294] {strides = array<i32>} : memref<64x128xf32, #tpu.memory_space<vmem>>, vector<16xf32>,
          %mul3A_296 = arith.mulf %broadcast_in_dim3A_216, %get3A_295 : vector<16xf32>
          %get3A_297 = arith.index_cast %scan3A_210 : i32 to index
          %get3A_298 = arith.constant 112 : index
          %get3A_299 = tpu.vector_load %arg19[%get3A_297, %get3A_298] {strides = array<i32>} : memref<64x128xf32, #tpu.memory_space<vmem>>, vector<16xf32>,
          %add3A_300 = arith.addf %mul3A_296, %get3A_299 : vector<16xf32>
          %swap3A_301 = arith.index_cast %scan3A_210 : i32 to index
          %swap3A_302 = arith.constant 112 : index
          %swap3A_303 = tpu.vector_load %arg18[%swap3A_301, %swap3A_302] {strides = array<i32>} : memref<64x128xf32, #tpu.memory_space<vmem>>, vector<16xf32>,
          tpu.vector_store %arg18[%swap3A_301, %swap3A_302], %add3A_300 {strides = array<i32>} : memref<64x128xf32, #tpu.memory_space<vmem>>, vector<16xf32>,
          %scan3A_304 = arith.constant 0 : i32
          scf.yield %scan3A_304 : i32
        }
        %scan3A_196 = arith.constant 64 : i32
        %sub3A = arith.constant 1 : i32
        %sub3A_197 = arith.subi %sub3A, %rem3A_137 : i32
        %mul3A_198 = arith.constant 20480 : i32
        %mul3A_199 = arith.muli %sub3A_197, %mul3A_198 : i32
        %add3A_200 = arith.addi %mul3A_199, %mul3A_4 : i32
        %add3A_201 = arith.addi %add3A_200, %add3A_189 : i32
        "tpu.region"() ({
          %run_scoped3A = tpu.sem_alloc : memref<!tpu.dma_semaphore, #tpu.memory_space<semaphore_mem>>
          %dma_start3A_210 = arith.constant 0 : i32
          %dma_start3A_211 = arith.constant 0 : i32
          %dma_start3A_212 = tpu.memref_slice %arg18[%dma_start3A_210, %dma_start3A_211] : memref<64x128xf32, #tpu.memory_space<vmem>> -> memref<64x128xf32, #tpu.memory_space<vmem>>
          %dma_start3A_213 = arith.constant 0 : i32
          %dma_start3A_214 = tpu.memref_slice %arg6[%add3A_201, %dma_start3A_213] : memref<40960x128xf32, #tpu.memory_space<hbm>> -> memref<64x128xf32, #tpu.memory_space<hbm>>
          %dma_start3A_215 = arith.constant 0 : i32
          %dma_start3A_216 = tpu.memref_slice %arg6[%add3A_201, %dma_start3A_215] : memref<40960x128xf32, #tpu.memory_space<hbm>> -> memref<64x128xf32, #tpu.memory_space<hbm>>
          %dma_start3A_217 = arith.constant 0 : i32
          %dma_start3A_218 = arith.constant 0 : i32
          %dma_start3A_219 = tpu.memref_slice %arg18[%dma_start3A_217, %dma_start3A_218] : memref<64x128xf32, #tpu.memory_space<vmem>> -> memref<64x128xf32, #tpu.memory_space<vmem>>
          tpu.enqueue_dma source(%dma_start3A_219 : memref<64x128xf32, #tpu.memory_space<vmem>>) target(%dma_start3A_216 : memref<64x128xf32, #tpu.memory_space<hbm>>) target_semaphore(%run_scoped3A : memref<!tpu.dma_semaphore, #tpu.memory_space<semaphore_mem>>)
          %dma_wait3A_220 = arith.constant 0 : i32
          %dma_wait3A_221 = arith.constant 0 : i32
          %dma_wait3A_222 = tpu.memref_slice %arg18[%dma_wait3A_220, %dma_wait3A_221] : memref<64x128xf32, #tpu.memory_space<vmem>> -> memref<64x128xf32, #tpu.memory_space<vmem>>
          %dma_wait3A_223 = arith.constant 0 : i32
          %dma_wait3A_224 = tpu.memref_slice %arg6[%add3A_201, %dma_wait3A_223] : memref<40960x128xf32, #tpu.memory_space<hbm>> -> memref<64x128xf32, #tpu.memory_space<hbm>>
          %dma_wait3A_225 = arith.constant 0 : i32
          %dma_wait3A_226 = tpu.memref_slice %arg6[%add3A_201, %dma_wait3A_225] : memref<40960x128xf32, #tpu.memory_space<hbm>> -> memref<64x128xf32, #tpu.memory_space<hbm>>
          %dma_wait3A_227 = arith.constant 0 : i32
          %dma_wait3A_228 = arith.constant 0 : i32
          %dma_wait3A_229 = tpu.memref_slice %arg18[%dma_wait3A_227, %dma_wait3A_228] : memref<64x128xf32, #tpu.memory_space<vmem>> -> memref<64x128xf32, #tpu.memory_space<vmem>>
          tpu.wait_dma2 semaphore(%run_scoped3A : memref<!tpu.dma_semaphore, #tpu.memory_space<semaphore_mem>>) src(%dma_wait3A_229 : memref<64x128xf32, #tpu.memory_space<vmem>>) dst(%dma_wait3A_226 : memref<64x128xf32, #tpu.memory_space<hbm>>)
          tpu.yield
        }) : () -> ()
        %scan3A_202 = arith.constant 0 : i32
        %scan3A_203 = arith.constant 0 : i32
        %scan3A_204 = arith.constant 64 : i32
        %scan3A_205 = arith.addi %scan3A_203, %scan3A_204 : i32
        %scan3A_206 = arith.constant 1 : i32
        %scan3A_207 = scf.for %scan3A_210 = %scan3A_203 to %scan3A_205 step %scan3A_206 iter_args(%scan3A_211 = %scan3A_202) -> (i32)  : i32 {
          %swap3A = arith.index_cast %scan3A_210 : i32 to index
          %swap3A_212 = arith.constant 0 : index
          %swap3A_213 = tpu.vector_load %arg18[%swap3A, %swap3A_212] {strides = array<i32>} : memref<64x128xf32, #tpu.memory_space<vmem>>, vector<16xf32>,
          tpu.vector_store %arg18[%swap3A, %swap3A_212], %broadcast_in_dim3A_5 {strides = array<i32>} : memref<64x128xf32, #tpu.memory_space<vmem>>, vector<16xf32>,
          %swap3A_214 = arith.index_cast %scan3A_210 : i32 to index
          %swap3A_215 = arith.constant 16 : index
          %swap3A_216 = tpu.vector_load %arg18[%swap3A_214, %swap3A_215] {strides = array<i32>} : memref<64x128xf32, #tpu.memory_space<vmem>>, vector<16xf32>,
          tpu.vector_store %arg18[%swap3A_214, %swap3A_215], %broadcast_in_dim3A_5 {strides = array<i32>} : memref<64x128xf32, #tpu.memory_space<vmem>>, vector<16xf32>,
          %swap3A_217 = arith.index_cast %scan3A_210 : i32 to index
          %swap3A_218 = arith.constant 32 : index
          %swap3A_219 = tpu.vector_load %arg18[%swap3A_217, %swap3A_218] {strides = array<i32>} : memref<64x128xf32, #tpu.memory_space<vmem>>, vector<16xf32>,
          tpu.vector_store %arg18[%swap3A_217, %swap3A_218], %broadcast_in_dim3A_5 {strides = array<i32>} : memref<64x128xf32, #tpu.memory_space<vmem>>, vector<16xf32>,
          %swap3A_220 = arith.index_cast %scan3A_210 : i32 to index
          %swap3A_221 = arith.constant 48 : index
          %swap3A_222 = tpu.vector_load %arg18[%swap3A_220, %swap3A_221] {strides = array<i32>} : memref<64x128xf32, #tpu.memory_space<vmem>>, vector<16xf32>,
          tpu.vector_store %arg18[%swap3A_220, %swap3A_221], %broadcast_in_dim3A_5 {strides = array<i32>} : memref<64x128xf32, #tpu.memory_space<vmem>>, vector<16xf32>,
          %swap3A_223 = arith.index_cast %scan3A_210 : i32 to index
          %swap3A_224 = arith.constant 64 : index
          %swap3A_225 = tpu.vector_load %arg18[%swap3A_223, %swap3A_224] {strides = array<i32>} : memref<64x128xf32, #tpu.memory_space<vmem>>, vector<16xf32>,
          tpu.vector_store %arg18[%swap3A_223, %swap3A_224], %broadcast_in_dim3A_5 {strides = array<i32>} : memref<64x128xf32, #tpu.memory_space<vmem>>, vector<16xf32>,
          %swap3A_226 = arith.index_cast %scan3A_210 : i32 to index
          %swap3A_227 = arith.constant 80 : index
          %swap3A_228 = tpu.vector_load %arg18[%swap3A_226, %swap3A_227] {strides = array<i32>} : memref<64x128xf32, #tpu.memory_space<vmem>>, vector<16xf32>,
          tpu.vector_store %arg18[%swap3A_226, %swap3A_227], %broadcast_in_dim3A_5 {strides = array<i32>} : memref<64x128xf32, #tpu.memory_space<vmem>>, vector<16xf32>,
          %swap3A_229 = arith.index_cast %scan3A_210 : i32 to index
          %swap3A_230 = arith.constant 96 : index
          %swap3A_231 = tpu.vector_load %arg18[%swap3A_229, %swap3A_230] {strides = array<i32>} : memref<64x128xf32, #tpu.memory_space<vmem>>, vector<16xf32>,
          tpu.vector_store %arg18[%swap3A_229, %swap3A_230], %broadcast_in_dim3A_5 {strides = array<i32>} : memref<64x128xf32, #tpu.memory_space<vmem>>, vector<16xf32>,
          %swap3A_232 = arith.index_cast %scan3A_210 : i32 to index
          %swap3A_233 = arith.constant 112 : index
          %swap3A_234 = tpu.vector_load %arg18[%swap3A_232, %swap3A_233] {strides = array<i32>} : memref<64x128xf32, #tpu.memory_space<vmem>>, vector<16xf32>,
          tpu.vector_store %arg18[%swap3A_232, %swap3A_233], %broadcast_in_dim3A_5 {strides = array<i32>} : memref<64x128xf32, #tpu.memory_space<vmem>>, vector<16xf32>,
          %scan3A_235 = arith.constant 0 : i32
          scf.yield %scan3A_235 : i32
        }
        %scan3A_208 = arith.constant 64 : i32
        "tpu.region"() ({
          %run_scoped3A = tpu.sem_alloc : memref<!tpu.dma_semaphore, #tpu.memory_space<semaphore_mem>>
          %dma_start3A_210 = arith.constant 0 : i32
          %dma_start3A_211 = arith.constant 0 : i32
          %dma_start3A_212 = tpu.memref_slice %arg18[%dma_start3A_210, %dma_start3A_211] : memref<64x128xf32, #tpu.memory_space<vmem>> -> memref<64x128xf32, #tpu.memory_space<vmem>>
          %dma_start3A_213 = arith.constant 0 : i32
          %dma_start3A_214 = tpu.memref_slice %arg8[%add3A_189, %dma_start3A_213] : memref<10240x128xf32, #tpu.memory_space<vmem_shared>> -> memref<64x128xf32, #tpu.memory_space<vmem_shared>>
          %dma_start3A_215 = arith.constant 0 : i32
          %dma_start3A_216 = tpu.memref_slice %arg8[%add3A_189, %dma_start3A_215] : memref<10240x128xf32, #tpu.memory_space<vmem_shared>> -> memref<64x128xf32, #tpu.memory_space<vmem_shared>>
          %dma_start3A_217 = arith.constant 0 : i32
          %dma_start3A_218 = arith.constant 0 : i32
          %dma_start3A_219 = tpu.memref_slice %arg18[%dma_start3A_217, %dma_start3A_218] : memref<64x128xf32, #tpu.memory_space<vmem>> -> memref<64x128xf32, #tpu.memory_space<vmem>>
          tpu.enqueue_dma source(%dma_start3A_219 : memref<64x128xf32, #tpu.memory_space<vmem>>) target(%dma_start3A_216 : memref<64x128xf32, #tpu.memory_space<vmem_shared>>) target_semaphore(%run_scoped3A : memref<!tpu.dma_semaphore, #tpu.memory_space<semaphore_mem>>)
          %dma_wait3A_220 = arith.constant 0 : i32
          %dma_wait3A_221 = arith.constant 0 : i32
          %dma_wait3A_222 = tpu.memref_slice %arg18[%dma_wait3A_220, %dma_wait3A_221] : memref<64x128xf32, #tpu.memory_space<vmem>> -> memref<64x128xf32, #tpu.memory_space<vmem>>
          %dma_wait3A_223 = arith.constant 0 : i32
          %dma_wait3A_224 = tpu.memref_slice %arg8[%add3A_189, %dma_wait3A_223] : memref<10240x128xf32, #tpu.memory_space<vmem_shared>> -> memref<64x128xf32, #tpu.memory_space<vmem_shared>>
          %dma_wait3A_225 = arith.constant 0 : i32
          %dma_wait3A_226 = tpu.memref_slice %arg8[%add3A_189, %dma_wait3A_225] : memref<10240x128xf32, #tpu.memory_space<vmem_shared>> -> memref<64x128xf32, #tpu.memory_space<vmem_shared>>
          %dma_wait3A_227 = arith.constant 0 : i32
          %dma_wait3A_228 = arith.constant 0 : i32
          %dma_wait3A_229 = tpu.memref_slice %arg18[%dma_wait3A_227, %dma_wait3A_228] : memref<64x128xf32, #tpu.memory_space<vmem>> -> memref<64x128xf32, #tpu.memory_space<vmem>>
          tpu.wait_dma2 semaphore(%run_scoped3A : memref<!tpu.dma_semaphore, #tpu.memory_space<semaphore_mem>>) src(%dma_wait3A_229 : memref<64x128xf32, #tpu.memory_space<vmem>>) dst(%dma_wait3A_226 : memref<64x128xf32, #tpu.memory_space<vmem_shared>>)
          tpu.yield
        }) : () -> ()
        %scan3A_209 = arith.constant 0 : i32
        scf.yield %scan3A_209 : i32
      }
      %scan3A_182 = arith.constant 10 : i32
      %barrier3A_183 = arith.constant 0 : index
      tpu.barrier barrier_id(%barrier3A_183)
      %scan3A_184 = arith.constant 0 : i32
      scf.yield %scan3A_184 : i32
    }
    %scan3A_91 = arith.constant 9 : i32
    %mul3A_92 = arith.constant 1 : i32
    %mul3A_93 = arith.constant 20480 : i32
    %mul3A_94 = arith.muli %mul3A_92, %mul3A_93 : i32
    %add3A = arith.addi %mul3A_94, %mul3A_4 : i32
    %broadcast_in_dim3A_95 = vector.broadcast %add3A : i32 to vector<16xi32>
    %add3A_96 = arith.constant 0 : i32
    %add3A_97 = arith.addi %mul3A_0, %add3A_96 : i32
    %dma_start3A = tpu.memref_slice %arg3[%add3A_97] : memref<655360xi32, #tpu.memory_space<hbm>> -> memref<128xi32, #tpu.memory_space<hbm>>
    %dma_start3A_98 = tpu.memref_slice %arg3[%add3A_97] : memref<655360xi32, #tpu.memory_space<hbm>> -> memref<128xi32, #tpu.memory_space<hbm>>
    tpu.enqueue_dma source(%dma_start3A_98 : memref<128xi32, #tpu.memory_space<hbm>>) target(%arg9 : memref<128xi32, #tpu.memory_space<vmem>>) target_semaphore(%arg31 : memref<!tpu.dma_semaphore, #tpu.memory_space<semaphore_mem>>)
    %add3A_99 = arith.constant 327680 : i32
    %add3A_100 = arith.addi %add3A_99, %add3A_97 : i32
    %dma_start3A_101 = tpu.memref_slice %arg3[%add3A_100] : memref<655360xi32, #tpu.memory_space<hbm>> -> memref<128xi32, #tpu.memory_space<hbm>>
    %dma_start3A_102 = tpu.memref_slice %arg3[%add3A_100] : memref<655360xi32, #tpu.memory_space<hbm>> -> memref<128xi32, #tpu.memory_space<hbm>>
    tpu.enqueue_dma source(%dma_start3A_102 : memref<128xi32, #tpu.memory_space<hbm>>) target(%arg11 : memref<128xi32, #tpu.memory_space<vmem>>) target_semaphore(%arg31 : memref<!tpu.dma_semaphore, #tpu.memory_space<semaphore_mem>>)
    %add3A_103 = arith.constant 128 : i32
    %add3A_104 = arith.addi %add3A_97, %add3A_103 : i32
    %dma_start3A_105 = tpu.memref_slice %arg3[%add3A_104] : memref<655360xi32, #tpu.memory_space<hbm>> -> memref<128xi32, #tpu.memory_space<hbm>>
    %dma_start3A_106 = tpu.memref_slice %arg3[%add3A_104] : memref<655360xi32, #tpu.memory_space<hbm>> -> memref<128xi32, #tpu.memory_space<hbm>>
    tpu.enqueue_dma source(%dma_start3A_106 : memref<128xi32, #tpu.memory_space<hbm>>) target(%arg10 : memref<128xi32, #tpu.memory_space<vmem>>) target_semaphore(%arg31 : memref<!tpu.dma_semaphore, #tpu.memory_space<semaphore_mem>>)
    %add3A_107 = arith.constant 327680 : i32
    %add3A_108 = arith.addi %add3A_107, %add3A_97 : i32
    %add3A_109 = arith.constant 128 : i32
    %add3A_110 = arith.addi %add3A_108, %add3A_109 : i32
    %dma_start3A_111 = tpu.memref_slice %arg3[%add3A_110] : memref<655360xi32, #tpu.memory_space<hbm>> -> memref<128xi32, #tpu.memory_space<hbm>>
    %dma_start3A_112 = tpu.memref_slice %arg3[%add3A_110] : memref<655360xi32, #tpu.memory_space<hbm>> -> memref<128xi32, #tpu.memory_space<hbm>>
    tpu.enqueue_dma source(%dma_start3A_112 : memref<128xi32, #tpu.memory_space<hbm>>) target(%arg12 : memref<128xi32, #tpu.memory_space<vmem>>) target_semaphore(%arg31 : memref<!tpu.dma_semaphore, #tpu.memory_space<semaphore_mem>>)
    %dma_wait3A = tpu.memref_slice %arg3[%add3A_97] : memref<655360xi32, #tpu.memory_space<hbm>> -> memref<128xi32, #tpu.memory_space<hbm>>
    %dma_wait3A_113 = tpu.memref_slice %arg3[%add3A_97] : memref<655360xi32, #tpu.memory_space<hbm>> -> memref<128xi32, #tpu.memory_space<hbm>>
    tpu.wait_dma2 semaphore(%arg31 : memref<!tpu.dma_semaphore, #tpu.memory_space<semaphore_mem>>) src(%dma_wait3A_113 : memref<128xi32, #tpu.memory_space<hbm>>) dst(%arg9 : memref<128xi32, #tpu.memory_space<vmem>>)
    %dma_wait3A_114 = tpu.memref_slice %arg3[%add3A_100] : memref<655360xi32, #tpu.memory_space<hbm>> -> memref<128xi32, #tpu.memory_space<hbm>>
    %dma_wait3A_115 = tpu.memref_slice %arg3[%add3A_100] : memref<655360xi32, #tpu.memory_space<hbm>> -> memref<128xi32, #tpu.memory_space<hbm>>
    tpu.wait_dma2 semaphore(%arg31 : memref<!tpu.dma_semaphore, #tpu.memory_space<semaphore_mem>>) src(%dma_wait3A_115 : memref<128xi32, #tpu.memory_space<hbm>>) dst(%arg11 : memref<128xi32, #tpu.memory_space<vmem>>)
    %dma_wait3A_116 = tpu.memref_slice %arg3[%add3A_104] : memref<655360xi32, #tpu.memory_space<hbm>> -> memref<128xi32, #tpu.memory_space<hbm>>
    %dma_wait3A_117 = tpu.memref_slice %arg3[%add3A_104] : memref<655360xi32, #tpu.memory_space<hbm>> -> memref<128xi32, #tpu.memory_space<hbm>>
    tpu.wait_dma2 semaphore(%arg31 : memref<!tpu.dma_semaphore, #tpu.memory_space<semaphore_mem>>) src(%dma_wait3A_117 : memref<128xi32, #tpu.memory_space<hbm>>) dst(%arg10 : memref<128xi32, #tpu.memory_space<vmem>>)
    %dma_wait3A_118 = tpu.memref_slice %arg3[%add3A_110] : memref<655360xi32, #tpu.memory_space<hbm>> -> memref<128xi32, #tpu.memory_space<hbm>>
    %dma_wait3A_119 = tpu.memref_slice %arg3[%add3A_110] : memref<655360xi32, #tpu.memory_space<hbm>> -> memref<128xi32, #tpu.memory_space<hbm>>
    tpu.wait_dma2 semaphore(%arg31 : memref<!tpu.dma_semaphore, #tpu.memory_space<semaphore_mem>>) src(%dma_wait3A_119 : memref<128xi32, #tpu.memory_space<hbm>>) dst(%arg12 : memref<128xi32, #tpu.memory_space<vmem>>)
    %scan3A_120 = arith.constant 0 : i32
    %scan3A_121 = arith.constant 0 : i32
    %scan3A_122 = arith.constant 40 : i32
    %scan3A_123 = arith.addi %scan3A_121, %scan3A_122 : i32
    %scan3A_124 = arith.constant 1 : i32
    %scan3A_125 = scf.for %scan3A_135 = %scan3A_121 to %scan3A_123 step %scan3A_124 iter_args(%scan3A_136 = %scan3A_120) -> (i32)  : i32 {
      %mul3A_137 = arith.constant 2 : i32
      %mul3A_138 = arith.muli %mul3A_137, %scan3A_135 : i32
      %add3A_139 = arith.constant 1 : i32
      %add3A_140 = arith.addi %mul3A_138, %add3A_139 : i32
      %mul3A_141 = arith.constant 2 : i32
      %mul3A_142 = arith.muli %mul3A_141, %scan3A_135 : i32
      %add3A_143 = arith.constant 2 : i32
      %add3A_144 = arith.addi %mul3A_142, %add3A_143 : i32
      %min3A = arith.constant 79 : i32
      %min3A_145 = arith.minsi %add3A_144, %min3A : i32
      %mul3A_146 = arith.constant 4 : i32
      %mul3A_147 = arith.muli %mul3A_146, %add3A_140 : i32
      %mul3A_148 = arith.constant 64 : i32
      %mul3A_149 = arith.muli %mul3A_147, %mul3A_148 : i32
      %add3A_150 = arith.addi %mul3A_0, %mul3A_149 : i32
      %dma_start3A_151 = tpu.memref_slice %arg3[%add3A_150] : memref<655360xi32, #tpu.memory_space<hbm>> -> memref<128xi32, #tpu.memory_space<hbm>>
      %dma_start3A_152 = tpu.memref_slice %arg3[%add3A_150] : memref<655360xi32, #tpu.memory_space<hbm>> -> memref<128xi32, #tpu.memory_space<hbm>>
      tpu.enqueue_dma source(%dma_start3A_152 : memref<128xi32, #tpu.memory_space<hbm>>) target(%arg13 : memref<128xi32, #tpu.memory_space<vmem>>) target_semaphore(%arg31 : memref<!tpu.dma_semaphore, #tpu.memory_space<semaphore_mem>>)
      %add3A_153 = arith.constant 327680 : i32
      %add3A_154 = arith.addi %add3A_153, %add3A_150 : i32
      %dma_start3A_155 = tpu.memref_slice %arg3[%add3A_154] : memref<655360xi32, #tpu.memory_space<hbm>> -> memref<128xi32, #tpu.memory_space<hbm>>
      %dma_start3A_156 = tpu.memref_slice %arg3[%add3A_154] : memref<655360xi32, #tpu.memory_space<hbm>> -> memref<128xi32, #tpu.memory_space<hbm>>
      tpu.enqueue_dma source(%dma_start3A_156 : memref<128xi32, #tpu.memory_space<hbm>>) target(%arg15 : memref<128xi32, #tpu.memory_space<vmem>>) target_semaphore(%arg31 : memref<!tpu.dma_semaphore, #tpu.memory_space<semaphore_mem>>)
      %add3A_157 = arith.constant 128 : i32
      %add3A_158 = arith.addi %add3A_150, %add3A_157 : i32
      %dma_start3A_159 = tpu.memref_slice %arg3[%add3A_158] : memref<655360xi32, #tpu.memory_space<hbm>> -> memref<128xi32, #tpu.memory_space<hbm>>
      %dma_start3A_160 = tpu.memref_slice %arg3[%add3A_158] : memref<655360xi32, #tpu.memory_space<hbm>> -> memref<128xi32, #tpu.memory_space<hbm>>
      tpu.enqueue_dma source(%dma_start3A_160 : memref<128xi32, #tpu.memory_space<hbm>>) target(%arg14 : memref<128xi32, #tpu.memory_space<vmem>>) target_semaphore(%arg31 : memref<!tpu.dma_semaphore, #tpu.memory_space<semaphore_mem>>)
      %add3A_161 = arith.constant 327680 : i32
      %add3A_162 = arith.addi %add3A_161, %add3A_150 : i32
      %add3A_163 = arith.constant 128 : i32
      %add3A_164 = arith.addi %add3A_162, %add3A_163 : i32
      %dma_start3A_165 = tpu.memref_slice %arg3[%add3A_164] : memref<655360xi32, #tpu.memory_space<hbm>> -> memref<128xi32, #tpu.memory_space<hbm>>
      %dma_start3A_166 = tpu.memref_slice %arg3[%add3A_164] : memref<655360xi32, #tpu.memory_space<hbm>> -> memref<128xi32, #tpu.memory_space<hbm>>
      tpu.enqueue_dma source(%dma_start3A_166 : memref<128xi32, #tpu.memory_space<hbm>>) target(%arg16 : memref<128xi32, #tpu.memory_space<vmem>>) target_semaphore(%arg31 : memref<!tpu.dma_semaphore, #tpu.memory_space<semaphore_mem>>)
      %get3A = arith.constant 0 : index
      %get3A_167 = tpu.vector_load %arg9[%get3A] {strides = array<i32>} : memref<128xi32, #tpu.memory_space<vmem>>, vector<16xi32>,
      %add3A_168 = arith.addi %get3A_167, %broadcast_in_dim3A_95 : vector<16xi32>
      %swap3A = arith.constant 0 : index
      %swap3A_169 = tpu.vector_load %arg9[%swap3A] {strides = array<i32>} : memref<128xi32, #tpu.memory_space<vmem>>, vector<16xi32>,
      tpu.vector_store %arg9[%swap3A], %add3A_168 {strides = array<i32>} : memref<128xi32, #tpu.memory_space<vmem>>, vector<16xi32>,
      %get3A_170 = arith.constant 0 : index
      %get3A_171 = tpu.vector_load %arg10[%get3A_170] {strides = array<i32>} : memref<128xi32, #tpu.memory_space<vmem>>, vector<16xi32>,
      %add3A_172 = arith.addi %get3A_171, %broadcast_in_dim3A_95 : vector<16xi32>
      %swap3A_173 = arith.constant 0 : index
      %swap3A_174 = tpu.vector_load %arg10[%swap3A_173] {strides = array<i32>} : memref<128xi32, #tpu.memory_space<vmem>>, vector<16xi32>,
      tpu.vector_store %arg10[%swap3A_173], %add3A_172 {strides = array<i32>} : memref<128xi32, #tpu.memory_space<vmem>>, vector<16xi32>,
      %get3A_175 = arith.constant 16 : index
      %get3A_176 = tpu.vector_load %arg9[%get3A_175] {strides = array<i32>} : memref<128xi32, #tpu.memory_space<vmem>>, vector<16xi32>,
      %add3A_177 = arith.addi %get3A_176, %broadcast_in_dim3A_95 : vector<16xi32>
      %swap3A_178 = arith.constant 16 : index
      %swap3A_179 = tpu.vector_load %arg9[%swap3A_178] {strides = array<i32>} : memref<128xi32, #tpu.memory_space<vmem>>, vector<16xi32>,
      tpu.vector_store %arg9[%swap3A_178], %add3A_177 {strides = array<i32>} : memref<128xi32, #tpu.memory_space<vmem>>, vector<16xi32>,
      %get3A_180 = arith.constant 16 : index
      %get3A_181 = tpu.vector_load %arg10[%get3A_180] {strides = array<i32>} : memref<128xi32, #tpu.memory_space<vmem>>, vector<16xi32>,
      %add3A_182 = arith.addi %get3A_181, %broadcast_in_dim3A_95 : vector<16xi32>
      %swap3A_183 = arith.constant 16 : index
      %swap3A_184 = tpu.vector_load %arg10[%swap3A_183] {strides = array<i32>} : memref<128xi32, #tpu.memory_space<vmem>>, vector<16xi32>,
      tpu.vector_store %arg10[%swap3A_183], %add3A_182 {strides = array<i32>} : memref<128xi32, #tpu.memory_space<vmem>>, vector<16xi32>,
      %get3A_185 = arith.constant 32 : index
      %get3A_186 = tpu.vector_load %arg9[%get3A_185] {strides = array<i32>} : memref<128xi32, #tpu.memory_space<vmem>>, vector<16xi32>,
      %add3A_187 = arith.addi %get3A_186, %broadcast_in_dim3A_95 : vector<16xi32>
      %swap3A_188 = arith.constant 32 : index
      %swap3A_189 = tpu.vector_load %arg9[%swap3A_188] {strides = array<i32>} : memref<128xi32, #tpu.memory_space<vmem>>, vector<16xi32>,
      tpu.vector_store %arg9[%swap3A_188], %add3A_187 {strides = array<i32>} : memref<128xi32, #tpu.memory_space<vmem>>, vector<16xi32>,
      %get3A_190 = arith.constant 32 : index
      %get3A_191 = tpu.vector_load %arg10[%get3A_190] {strides = array<i32>} : memref<128xi32, #tpu.memory_space<vmem>>, vector<16xi32>,
      %add3A_192 = arith.addi %get3A_191, %broadcast_in_dim3A_95 : vector<16xi32>
      %swap3A_193 = arith.constant 32 : index
      %swap3A_194 = tpu.vector_load %arg10[%swap3A_193] {strides = array<i32>} : memref<128xi32, #tpu.memory_space<vmem>>, vector<16xi32>,
      tpu.vector_store %arg10[%swap3A_193], %add3A_192 {strides = array<i32>} : memref<128xi32, #tpu.memory_space<vmem>>, vector<16xi32>,
      %get3A_195 = arith.constant 48 : index
      %get3A_196 = tpu.vector_load %arg9[%get3A_195] {strides = array<i32>} : memref<128xi32, #tpu.memory_space<vmem>>, vector<16xi32>,
      %add3A_197 = arith.addi %get3A_196, %broadcast_in_dim3A_95 : vector<16xi32>
      %swap3A_198 = arith.constant 48 : index
      %swap3A_199 = tpu.vector_load %arg9[%swap3A_198] {strides = array<i32>} : memref<128xi32, #tpu.memory_space<vmem>>, vector<16xi32>,
      tpu.vector_store %arg9[%swap3A_198], %add3A_197 {strides = array<i32>} : memref<128xi32, #tpu.memory_space<vmem>>, vector<16xi32>,
      %get3A_200 = arith.constant 48 : index
      %get3A_201 = tpu.vector_load %arg10[%get3A_200] {strides = array<i32>} : memref<128xi32, #tpu.memory_space<vmem>>, vector<16xi32>,
      %add3A_202 = arith.addi %get3A_201, %broadcast_in_dim3A_95 : vector<16xi32>
      %swap3A_203 = arith.constant 48 : index
      %swap3A_204 = tpu.vector_load %arg10[%swap3A_203] {strides = array<i32>} : memref<128xi32, #tpu.memory_space<vmem>>, vector<16xi32>,
      tpu.vector_store %arg10[%swap3A_203], %add3A_202 {strides = array<i32>} : memref<128xi32, #tpu.memory_space<vmem>>, vector<16xi32>,
      %get3A_205 = arith.constant 64 : index
      %get3A_206 = tpu.vector_load %arg9[%get3A_205] {strides = array<i32>} : memref<128xi32, #tpu.memory_space<vmem>>, vector<16xi32>,
      %add3A_207 = arith.addi %get3A_206, %broadcast_in_dim3A_95 : vector<16xi32>
      %swap3A_208 = arith.constant 64 : index
      %swap3A_209 = tpu.vector_load %arg9[%swap3A_208] {strides = array<i32>} : memref<128xi32, #tpu.memory_space<vmem>>, vector<16xi32>,
      tpu.vector_store %arg9[%swap3A_208], %add3A_207 {strides = array<i32>} : memref<128xi32, #tpu.memory_space<vmem>>, vector<16xi32>,
      %get3A_210 = arith.constant 64 : index
      %get3A_211 = tpu.vector_load %arg10[%get3A_210] {strides = array<i32>} : memref<128xi32, #tpu.memory_space<vmem>>, vector<16xi32>,
      %add3A_212 = arith.addi %get3A_211, %broadcast_in_dim3A_95 : vector<16xi32>
      %swap3A_213 = arith.constant 64 : index
      %swap3A_214 = tpu.vector_load %arg10[%swap3A_213] {strides = array<i32>} : memref<128xi32, #tpu.memory_space<vmem>>, vector<16xi32>,
      tpu.vector_store %arg10[%swap3A_213], %add3A_212 {strides = array<i32>} : memref<128xi32, #tpu.memory_space<vmem>>, vector<16xi32>,
      %get3A_215 = arith.constant 80 : index
      %get3A_216 = tpu.vector_load %arg9[%get3A_215] {strides = array<i32>} : memref<128xi32, #tpu.memory_space<vmem>>, vector<16xi32>,
      %add3A_217 = arith.addi %get3A_216, %broadcast_in_dim3A_95 : vector<16xi32>
      %swap3A_218 = arith.constant 80 : index
      %swap3A_219 = tpu.vector_load %arg9[%swap3A_218] {strides = array<i32>} : memref<128xi32, #tpu.memory_space<vmem>>, vector<16xi32>,
      tpu.vector_store %arg9[%swap3A_218], %add3A_217 {strides = array<i32>} : memref<128xi32, #tpu.memory_space<vmem>>, vector<16xi32>,
      %get3A_220 = arith.constant 80 : index
      %get3A_221 = tpu.vector_load %arg10[%get3A_220] {strides = array<i32>} : memref<128xi32, #tpu.memory_space<vmem>>, vector<16xi32>,
      %add3A_222 = arith.addi %get3A_221, %broadcast_in_dim3A_95 : vector<16xi32>
      %swap3A_223 = arith.constant 80 : index
      %swap3A_224 = tpu.vector_load %arg10[%swap3A_223] {strides = array<i32>} : memref<128xi32, #tpu.memory_space<vmem>>, vector<16xi32>,
      tpu.vector_store %arg10[%swap3A_223], %add3A_222 {strides = array<i32>} : memref<128xi32, #tpu.memory_space<vmem>>, vector<16xi32>,
      %get3A_225 = arith.constant 96 : index
      %get3A_226 = tpu.vector_load %arg9[%get3A_225] {strides = array<i32>} : memref<128xi32, #tpu.memory_space<vmem>>, vector<16xi32>,
      %add3A_227 = arith.addi %get3A_226, %broadcast_in_dim3A_95 : vector<16xi32>
      %swap3A_228 = arith.constant 96 : index
      %swap3A_229 = tpu.vector_load %arg9[%swap3A_228] {strides = array<i32>} : memref<128xi32, #tpu.memory_space<vmem>>, vector<16xi32>,
      tpu.vector_store %arg9[%swap3A_228], %add3A_227 {strides = array<i32>} : memref<128xi32, #tpu.memory_space<vmem>>, vector<16xi32>,
      %get3A_230 = arith.constant 96 : index
      %get3A_231 = tpu.vector_load %arg10[%get3A_230] {strides = array<i32>} : memref<128xi32, #tpu.memory_space<vmem>>, vector<16xi32>,
      %add3A_232 = arith.addi %get3A_231, %broadcast_in_dim3A_95 : vector<16xi32>
      %swap3A_233 = arith.constant 96 : index
      %swap3A_234 = tpu.vector_load %arg10[%swap3A_233] {strides = array<i32>} : memref<128xi32, #tpu.memory_space<vmem>>, vector<16xi32>,
      tpu.vector_store %arg10[%swap3A_233], %add3A_232 {strides = array<i32>} : memref<128xi32, #tpu.memory_space<vmem>>, vector<16xi32>,
      %get3A_235 = arith.constant 112 : index
      %get3A_236 = tpu.vector_load %arg9[%get3A_235] {strides = array<i32>} : memref<128xi32, #tpu.memory_space<vmem>>, vector<16xi32>,
      %add3A_237 = arith.addi %get3A_236, %broadcast_in_dim3A_95 : vector<16xi32>
      %swap3A_238 = arith.constant 112 : index
      %swap3A_239 = tpu.vector_load %arg9[%swap3A_238] {strides = array<i32>} : memref<128xi32, #tpu.memory_space<vmem>>, vector<16xi32>,
      tpu.vector_store %arg9[%swap3A_238], %add3A_237 {strides = array<i32>} : memref<128xi32, #tpu.memory_space<vmem>>, vector<16xi32>,
      %get3A_240 = arith.constant 112 : index
      %get3A_241 = tpu.vector_load %arg10[%get3A_240] {strides = array<i32>} : memref<128xi32, #tpu.memory_space<vmem>>, vector<16xi32>,
      %add3A_242 = arith.addi %get3A_241, %broadcast_in_dim3A_95 : vector<16xi32>
      %swap3A_243 = arith.constant 112 : index
      %swap3A_244 = tpu.vector_load %arg10[%swap3A_243] {strides = array<i32>} : memref<128xi32, #tpu.memory_space<vmem>>, vector<16xi32>,
      tpu.vector_store %arg10[%swap3A_243], %add3A_242 {strides = array<i32>} : memref<128xi32, #tpu.memory_space<vmem>>, vector<16xi32>,
      %dma_start3A_245 = arith.constant 0 : i32
      %dma_start3A_246 = tpu.memref_slice %arg9[%dma_start3A_245] : memref<128xi32, #tpu.memory_space<vmem>> -> memref<64xi32, #tpu.memory_space<vmem>>
      %dma_start3A_247 = arith.constant 0 : i32
      %dma_start3A_248 = arith.constant 0 : i32
      %dma_start3A_249 = tpu.memref_slice %arg6[%dma_start3A_247, %dma_start3A_248] : memref<40960x128xf32, #tpu.memory_space<hbm>> -> memref<40960x128xf32, #tpu.memory_space<hbm>>
      tpu.enqueue_indirect_dma source(%dma_start3A_249 : memref<40960x128xf32, #tpu.memory_space<hbm>>) target(%arg18 : memref<64x128xf32, #tpu.memory_space<vmem>>) offsets(%dma_start3A_246 : memref<64xi32, #tpu.memory_space<vmem>>) semaphore(%arg26 : memref<!tpu.dma_semaphore, #tpu.memory_space<semaphore_mem>>)
      %dma_start3A_250 = arith.constant 64 : i32
      %dma_start3A_251 = tpu.memref_slice %arg9[%dma_start3A_250] : memref<128xi32, #tpu.memory_space<vmem>> -> memref<64xi32, #tpu.memory_space<vmem>>
      %dma_start3A_252 = arith.constant 0 : i32
      %dma_start3A_253 = arith.constant 0 : i32
      %dma_start3A_254 = tpu.memref_slice %arg6[%dma_start3A_252, %dma_start3A_253] : memref<40960x128xf32, #tpu.memory_space<hbm>> -> memref<40960x128xf32, #tpu.memory_space<hbm>>
      tpu.enqueue_indirect_dma source(%dma_start3A_254 : memref<40960x128xf32, #tpu.memory_space<hbm>>) target(%arg19 : memref<64x128xf32, #tpu.memory_space<vmem>>) offsets(%dma_start3A_251 : memref<64xi32, #tpu.memory_space<vmem>>) semaphore(%arg27 : memref<!tpu.dma_semaphore, #tpu.memory_space<semaphore_mem>>)
      %dma_start3A_255 = arith.constant 0 : i32
      %dma_start3A_256 = tpu.memref_slice %arg10[%dma_start3A_255] : memref<128xi32, #tpu.memory_space<vmem>> -> memref<64xi32, #tpu.memory_space<vmem>>
      %dma_start3A_257 = arith.constant 0 : i32
      %dma_start3A_258 = arith.constant 0 : i32
      %dma_start3A_259 = tpu.memref_slice %arg6[%dma_start3A_257, %dma_start3A_258] : memref<40960x128xf32, #tpu.memory_space<hbm>> -> memref<40960x128xf32, #tpu.memory_space<hbm>>
      tpu.enqueue_indirect_dma source(%dma_start3A_259 : memref<40960x128xf32, #tpu.memory_space<hbm>>) target(%arg20 : memref<64x128xf32, #tpu.memory_space<vmem>>) offsets(%dma_start3A_256 : memref<64xi32, #tpu.memory_space<vmem>>) semaphore(%arg28 : memref<!tpu.dma_semaphore, #tpu.memory_space<semaphore_mem>>)
      %dma_start3A_260 = arith.constant 64 : i32
      %dma_start3A_261 = tpu.memref_slice %arg10[%dma_start3A_260] : memref<128xi32, #tpu.memory_space<vmem>> -> memref<64xi32, #tpu.memory_space<vmem>>
      %dma_start3A_262 = arith.constant 0 : i32
      %dma_start3A_263 = arith.constant 0 : i32
      %dma_start3A_264 = tpu.memref_slice %arg6[%dma_start3A_262, %dma_start3A_263] : memref<40960x128xf32, #tpu.memory_space<hbm>> -> memref<40960x128xf32, #tpu.memory_space<hbm>>
      tpu.enqueue_indirect_dma source(%dma_start3A_264 : memref<40960x128xf32, #tpu.memory_space<hbm>>) target(%arg21 : memref<64x128xf32, #tpu.memory_space<vmem>>) offsets(%dma_start3A_261 : memref<64xi32, #tpu.memory_space<vmem>>) semaphore(%arg29 : memref<!tpu.dma_semaphore, #tpu.memory_space<semaphore_mem>>)
      %dma_wait3A_265 = arith.constant 0 : i32
      %dma_wait3A_266 = tpu.memref_slice %arg9[%dma_wait3A_265] : memref<128xi32, #tpu.memory_space<vmem>> -> memref<64xi32, #tpu.memory_space<vmem>>
      %dma_wait3A_267 = arith.constant 0 : i32
      %dma_wait3A_268 = arith.constant 0 : i32
      %dma_wait3A_269 = tpu.memref_slice %arg6[%dma_wait3A_267, %dma_wait3A_268] : memref<40960x128xf32, #tpu.memory_space<hbm>> -> memref<40960x128xf32, #tpu.memory_space<hbm>>
      tpu.wait_indirect_dma semaphore(%arg26 : memref<!tpu.dma_semaphore, #tpu.memory_space<semaphore_mem>>) src(%dma_wait3A_269 : memref<40960x128xf32, #tpu.memory_space<hbm>>) dst(%arg18 : memref<64x128xf32, #tpu.memory_space<vmem>>)
      %dma_start3A_270 = arith.constant 0 : i32
      %dma_start3A_271 = tpu.memref_slice %arg11[%dma_start3A_270] : memref<128xi32, #tpu.memory_space<vmem>> -> memref<64xi32, #tpu.memory_space<vmem>>
      %dma_start3A_272 = arith.constant 0 : i32
      %dma_start3A_273 = arith.constant 0 : i32
      %dma_start3A_274 = tpu.memref_slice %arg8[%dma_start3A_272, %dma_start3A_273] : memref<10240x128xf32, #tpu.memory_space<vmem_shared>> -> memref<10240x128xf32, #tpu.memory_space<vmem_shared>>
      tpu.enqueue_indirect_dma source(%arg18 : memref<64x128xf32, #tpu.memory_space<vmem>>) target(%dma_start3A_274 : memref<10240x128xf32, #tpu.memory_space<vmem_shared>>) offsets(%dma_start3A_271 : memref<64xi32, #tpu.memory_space<vmem>>) semaphore(%arg30 : memref<!tpu.dma_semaphore, #tpu.memory_space<semaphore_mem>>) {add = true}
      %dma_wait3A_275 = arith.constant 64 : i32
      %dma_wait3A_276 = tpu.memref_slice %arg9[%dma_wait3A_275] : memref<128xi32, #tpu.memory_space<vmem>> -> memref<64xi32, #tpu.memory_space<vmem>>
      %dma_wait3A_277 = arith.constant 0 : i32
      %dma_wait3A_278 = arith.constant 0 : i32
      %dma_wait3A_279 = tpu.memref_slice %arg6[%dma_wait3A_277, %dma_wait3A_278] : memref<40960x128xf32, #tpu.memory_space<hbm>> -> memref<40960x128xf32, #tpu.memory_space<hbm>>
      tpu.wait_indirect_dma semaphore(%arg27 : memref<!tpu.dma_semaphore, #tpu.memory_space<semaphore_mem>>) src(%dma_wait3A_279 : memref<40960x128xf32, #tpu.memory_space<hbm>>) dst(%arg19 : memref<64x128xf32, #tpu.memory_space<vmem>>)
      %dma_start3A_280 = arith.constant 64 : i32
      %dma_start3A_281 = tpu.memref_slice %arg11[%dma_start3A_280] : memref<128xi32, #tpu.memory_space<vmem>> -> memref<64xi32, #tpu.memory_space<vmem>>
      %dma_start3A_282 = arith.constant 0 : i32
      %dma_start3A_283 = arith.constant 0 : i32
      %dma_start3A_284 = tpu.memref_slice %arg8[%dma_start3A_282, %dma_start3A_283] : memref<10240x128xf32, #tpu.memory_space<vmem_shared>> -> memref<10240x128xf32, #tpu.memory_space<vmem_shared>>
      tpu.enqueue_indirect_dma source(%arg19 : memref<64x128xf32, #tpu.memory_space<vmem>>) target(%dma_start3A_284 : memref<10240x128xf32, #tpu.memory_space<vmem_shared>>) offsets(%dma_start3A_281 : memref<64xi32, #tpu.memory_space<vmem>>) semaphore(%arg30 : memref<!tpu.dma_semaphore, #tpu.memory_space<semaphore_mem>>) {add = true}
      %dma_wait3A_285 = arith.constant 0 : i32
      %dma_wait3A_286 = tpu.memref_slice %arg10[%dma_wait3A_285] : memref<128xi32, #tpu.memory_space<vmem>> -> memref<64xi32, #tpu.memory_space<vmem>>
      %dma_wait3A_287 = arith.constant 0 : i32
      %dma_wait3A_288 = arith.constant 0 : i32
      %dma_wait3A_289 = tpu.memref_slice %arg6[%dma_wait3A_287, %dma_wait3A_288] : memref<40960x128xf32, #tpu.memory_space<hbm>> -> memref<40960x128xf32, #tpu.memory_space<hbm>>
      tpu.wait_indirect_dma semaphore(%arg28 : memref<!tpu.dma_semaphore, #tpu.memory_space<semaphore_mem>>) src(%dma_wait3A_289 : memref<40960x128xf32, #tpu.memory_space<hbm>>) dst(%arg20 : memref<64x128xf32, #tpu.memory_space<vmem>>)
      %dma_start3A_290 = arith.constant 0 : i32
      %dma_start3A_291 = tpu.memref_slice %arg12[%dma_start3A_290] : memref<128xi32, #tpu.memory_space<vmem>> -> memref<64xi32, #tpu.memory_space<vmem>>
      %dma_start3A_292 = arith.constant 0 : i32
      %dma_start3A_293 = arith.constant 0 : i32
      %dma_start3A_294 = tpu.memref_slice %arg8[%dma_start3A_292, %dma_start3A_293] : memref<10240x128xf32, #tpu.memory_space<vmem_shared>> -> memref<10240x128xf32, #tpu.memory_space<vmem_shared>>
      tpu.enqueue_indirect_dma source(%arg20 : memref<64x128xf32, #tpu.memory_space<vmem>>) target(%dma_start3A_294 : memref<10240x128xf32, #tpu.memory_space<vmem_shared>>) offsets(%dma_start3A_291 : memref<64xi32, #tpu.memory_space<vmem>>) semaphore(%arg30 : memref<!tpu.dma_semaphore, #tpu.memory_space<semaphore_mem>>) {add = true}
      %dma_wait3A_295 = arith.constant 64 : i32
      %dma_wait3A_296 = tpu.memref_slice %arg10[%dma_wait3A_295] : memref<128xi32, #tpu.memory_space<vmem>> -> memref<64xi32, #tpu.memory_space<vmem>>
      %dma_wait3A_297 = arith.constant 0 : i32
      %dma_wait3A_298 = arith.constant 0 : i32
      %dma_wait3A_299 = tpu.memref_slice %arg6[%dma_wait3A_297, %dma_wait3A_298] : memref<40960x128xf32, #tpu.memory_space<hbm>> -> memref<40960x128xf32, #tpu.memory_space<hbm>>
      tpu.wait_indirect_dma semaphore(%arg29 : memref<!tpu.dma_semaphore, #tpu.memory_space<semaphore_mem>>) src(%dma_wait3A_299 : memref<40960x128xf32, #tpu.memory_space<hbm>>) dst(%arg21 : memref<64x128xf32, #tpu.memory_space<vmem>>)
      %dma_start3A_300 = arith.constant 64 : i32
      %dma_start3A_301 = tpu.memref_slice %arg12[%dma_start3A_300] : memref<128xi32, #tpu.memory_space<vmem>> -> memref<64xi32, #tpu.memory_space<vmem>>
      %dma_start3A_302 = arith.constant 0 : i32
      %dma_start3A_303 = arith.constant 0 : i32
      %dma_start3A_304 = tpu.memref_slice %arg8[%dma_start3A_302, %dma_start3A_303] : memref<10240x128xf32, #tpu.memory_space<vmem_shared>> -> memref<10240x128xf32, #tpu.memory_space<vmem_shared>>
      tpu.enqueue_indirect_dma source(%arg21 : memref<64x128xf32, #tpu.memory_space<vmem>>) target(%dma_start3A_304 : memref<10240x128xf32, #tpu.memory_space<vmem_shared>>) offsets(%dma_start3A_301 : memref<64xi32, #tpu.memory_space<vmem>>) semaphore(%arg30 : memref<!tpu.dma_semaphore, #tpu.memory_space<semaphore_mem>>) {add = true}
      %dma_wait3A_305 = arith.constant 0 : i32
      %dma_wait3A_306 = tpu.memref_slice %arg11[%dma_wait3A_305] : memref<128xi32, #tpu.memory_space<vmem>> -> memref<64xi32, #tpu.memory_space<vmem>>
      %dma_wait3A_307 = arith.constant 0 : i32
      %dma_wait3A_308 = arith.constant 0 : i32
      %dma_wait3A_309 = tpu.memref_slice %arg8[%dma_wait3A_307, %dma_wait3A_308] : memref<10240x128xf32, #tpu.memory_space<vmem_shared>> -> memref<10240x128xf32, #tpu.memory_space<vmem_shared>>
      tpu.wait_indirect_dma semaphore(%arg30 : memref<!tpu.dma_semaphore, #tpu.memory_space<semaphore_mem>>) src(%arg18 : memref<64x128xf32, #tpu.memory_space<vmem>>) dst(%dma_wait3A_309 : memref<10240x128xf32, #tpu.memory_space<vmem_shared>>)
      %dma_wait3A_310 = arith.constant 64 : i32
      %dma_wait3A_311 = tpu.memref_slice %arg11[%dma_wait3A_310] : memref<128xi32, #tpu.memory_space<vmem>> -> memref<64xi32, #tpu.memory_space<vmem>>
      %dma_wait3A_312 = arith.constant 0 : i32
      %dma_wait3A_313 = arith.constant 0 : i32
      %dma_wait3A_314 = tpu.memref_slice %arg8[%dma_wait3A_312, %dma_wait3A_313] : memref<10240x128xf32, #tpu.memory_space<vmem_shared>> -> memref<10240x128xf32, #tpu.memory_space<vmem_shared>>
      tpu.wait_indirect_dma semaphore(%arg30 : memref<!tpu.dma_semaphore, #tpu.memory_space<semaphore_mem>>) src(%arg19 : memref<64x128xf32, #tpu.memory_space<vmem>>) dst(%dma_wait3A_314 : memref<10240x128xf32, #tpu.memory_space<vmem_shared>>)
      %dma_wait3A_315 = arith.constant 0 : i32
      %dma_wait3A_316 = tpu.memref_slice %arg12[%dma_wait3A_315] : memref<128xi32, #tpu.memory_space<vmem>> -> memref<64xi32, #tpu.memory_space<vmem>>
      %dma_wait3A_317 = arith.constant 0 : i32
      %dma_wait3A_318 = arith.constant 0 : i32
      %dma_wait3A_319 = tpu.memref_slice %arg8[%dma_wait3A_317, %dma_wait3A_318] : memref<10240x128xf32, #tpu.memory_space<vmem_shared>> -> memref<10240x128xf32, #tpu.memory_space<vmem_shared>>
      tpu.wait_indirect_dma semaphore(%arg30 : memref<!tpu.dma_semaphore, #tpu.memory_space<semaphore_mem>>) src(%arg20 : memref<64x128xf32, #tpu.memory_space<vmem>>) dst(%dma_wait3A_319 : memref<10240x128xf32, #tpu.memory_space<vmem_shared>>)
      %dma_wait3A_320 = arith.constant 64 : i32
      %dma_wait3A_321 = tpu.memref_slice %arg12[%dma_wait3A_320] : memref<128xi32, #tpu.memory_space<vmem>> -> memref<64xi32, #tpu.memory_space<vmem>>
      %dma_wait3A_322 = arith.constant 0 : i32
      %dma_wait3A_323 = arith.constant 0 : i32
      %dma_wait3A_324 = tpu.memref_slice %arg8[%dma_wait3A_322, %dma_wait3A_323] : memref<10240x128xf32, #tpu.memory_space<vmem_shared>> -> memref<10240x128xf32, #tpu.memory_space<vmem_shared>>
      tpu.wait_indirect_dma semaphore(%arg30 : memref<!tpu.dma_semaphore, #tpu.memory_space<semaphore_mem>>) src(%arg21 : memref<64x128xf32, #tpu.memory_space<vmem>>) dst(%dma_wait3A_324 : memref<10240x128xf32, #tpu.memory_space<vmem_shared>>)
      %mul3A_325 = arith.constant 4 : i32
      %mul3A_326 = arith.muli %mul3A_325, %min3A_145 : i32
      %mul3A_327 = arith.constant 64 : i32
      %mul3A_328 = arith.muli %mul3A_326, %mul3A_327 : i32
      %add3A_329 = arith.addi %mul3A_0, %mul3A_328 : i32
      %dma_start3A_330 = tpu.memref_slice %arg3[%add3A_329] : memref<655360xi32, #tpu.memory_space<hbm>> -> memref<128xi32, #tpu.memory_space<hbm>>
      %dma_start3A_331 = tpu.memref_slice %arg3[%add3A_329] : memref<655360xi32, #tpu.memory_space<hbm>> -> memref<128xi32, #tpu.memory_space<hbm>>
      tpu.enqueue_dma source(%dma_start3A_331 : memref<128xi32, #tpu.memory_space<hbm>>) target(%arg9 : memref<128xi32, #tpu.memory_space<vmem>>) target_semaphore(%arg31 : memref<!tpu.dma_semaphore, #tpu.memory_space<semaphore_mem>>)
      %add3A_332 = arith.constant 327680 : i32
      %add3A_333 = arith.addi %add3A_332, %add3A_329 : i32
      %dma_start3A_334 = tpu.memref_slice %arg3[%add3A_333] : memref<655360xi32, #tpu.memory_space<hbm>> -> memref<128xi32, #tpu.memory_space<hbm>>
      %dma_start3A_335 = tpu.memref_slice %arg3[%add3A_333] : memref<655360xi32, #tpu.memory_space<hbm>> -> memref<128xi32, #tpu.memory_space<hbm>>
      tpu.enqueue_dma source(%dma_start3A_335 : memref<128xi32, #tpu.memory_space<hbm>>) target(%arg11 : memref<128xi32, #tpu.memory_space<vmem>>) target_semaphore(%arg31 : memref<!tpu.dma_semaphore, #tpu.memory_space<semaphore_mem>>)
      %add3A_336 = arith.constant 128 : i32
      %add3A_337 = arith.addi %add3A_329, %add3A_336 : i32
      %dma_start3A_338 = tpu.memref_slice %arg3[%add3A_337] : memref<655360xi32, #tpu.memory_space<hbm>> -> memref<128xi32, #tpu.memory_space<hbm>>
      %dma_start3A_339 = tpu.memref_slice %arg3[%add3A_337] : memref<655360xi32, #tpu.memory_space<hbm>> -> memref<128xi32, #tpu.memory_space<hbm>>
      tpu.enqueue_dma source(%dma_start3A_339 : memref<128xi32, #tpu.memory_space<hbm>>) target(%arg10 : memref<128xi32, #tpu.memory_space<vmem>>) target_semaphore(%arg31 : memref<!tpu.dma_semaphore, #tpu.memory_space<semaphore_mem>>)
      %add3A_340 = arith.constant 327680 : i32
      %add3A_341 = arith.addi %add3A_340, %add3A_329 : i32
      %add3A_342 = arith.constant 128 : i32
      %add3A_343 = arith.addi %add3A_341, %add3A_342 : i32
      %dma_start3A_344 = tpu.memref_slice %arg3[%add3A_343] : memref<655360xi32, #tpu.memory_space<hbm>> -> memref<128xi32, #tpu.memory_space<hbm>>
      %dma_start3A_345 = tpu.memref_slice %arg3[%add3A_343] : memref<655360xi32, #tpu.memory_space<hbm>> -> memref<128xi32, #tpu.memory_space<hbm>>
      tpu.enqueue_dma source(%dma_start3A_345 : memref<128xi32, #tpu.memory_space<hbm>>) target(%arg12 : memref<128xi32, #tpu.memory_space<vmem>>) target_semaphore(%arg31 : memref<!tpu.dma_semaphore, #tpu.memory_space<semaphore_mem>>)
      %dma_wait3A_346 = tpu.memref_slice %arg3[%add3A_150] : memref<655360xi32, #tpu.memory_space<hbm>> -> memref<128xi32, #tpu.memory_space<hbm>>
      %dma_wait3A_347 = tpu.memref_slice %arg3[%add3A_150] : memref<655360xi32, #tpu.memory_space<hbm>> -> memref<128xi32, #tpu.memory_space<hbm>>
      tpu.wait_dma2 semaphore(%arg31 : memref<!tpu.dma_semaphore, #tpu.memory_space<semaphore_mem>>) src(%dma_wait3A_347 : memref<128xi32, #tpu.memory_space<hbm>>) dst(%arg13 : memref<128xi32, #tpu.memory_space<vmem>>)
      %dma_wait3A_348 = tpu.memref_slice %arg3[%add3A_154] : memref<655360xi32, #tpu.memory_space<hbm>> -> memref<128xi32, #tpu.memory_space<hbm>>
      %dma_wait3A_349 = tpu.memref_slice %arg3[%add3A_154] : memref<655360xi32, #tpu.memory_space<hbm>> -> memref<128xi32, #tpu.memory_space<hbm>>
      tpu.wait_dma2 semaphore(%arg31 : memref<!tpu.dma_semaphore, #tpu.memory_space<semaphore_mem>>) src(%dma_wait3A_349 : memref<128xi32, #tpu.memory_space<hbm>>) dst(%arg15 : memref<128xi32, #tpu.memory_space<vmem>>)
      %dma_wait3A_350 = tpu.memref_slice %arg3[%add3A_158] : memref<655360xi32, #tpu.memory_space<hbm>> -> memref<128xi32, #tpu.memory_space<hbm>>
      %dma_wait3A_351 = tpu.memref_slice %arg3[%add3A_158] : memref<655360xi32, #tpu.memory_space<hbm>> -> memref<128xi32, #tpu.memory_space<hbm>>
      tpu.wait_dma2 semaphore(%arg31 : memref<!tpu.dma_semaphore, #tpu.memory_space<semaphore_mem>>) src(%dma_wait3A_351 : memref<128xi32, #tpu.memory_space<hbm>>) dst(%arg14 : memref<128xi32, #tpu.memory_space<vmem>>)
      %dma_wait3A_352 = tpu.memref_slice %arg3[%add3A_164] : memref<655360xi32, #tpu.memory_space<hbm>> -> memref<128xi32, #tpu.memory_space<hbm>>
      %dma_wait3A_353 = tpu.memref_slice %arg3[%add3A_164] : memref<655360xi32, #tpu.memory_space<hbm>> -> memref<128xi32, #tpu.memory_space<hbm>>
      tpu.wait_dma2 semaphore(%arg31 : memref<!tpu.dma_semaphore, #tpu.memory_space<semaphore_mem>>) src(%dma_wait3A_353 : memref<128xi32, #tpu.memory_space<hbm>>) dst(%arg16 : memref<128xi32, #tpu.memory_space<vmem>>)
      %get3A_354 = arith.constant 0 : index
      %get3A_355 = tpu.vector_load %arg13[%get3A_354] {strides = array<i32>} : memref<128xi32, #tpu.memory_space<vmem>>, vector<16xi32>,
      %add3A_356 = arith.addi %get3A_355, %broadcast_in_dim3A_95 : vector<16xi32>
      %swap3A_357 = arith.constant 0 : index
      %swap3A_358 = tpu.vector_load %arg13[%swap3A_357] {strides = array<i32>} : memref<128xi32, #tpu.memory_space<vmem>>, vector<16xi32>,
      tpu.vector_store %arg13[%swap3A_357], %add3A_356 {strides = array<i32>} : memref<128xi32, #tpu.memory_space<vmem>>, vector<16xi32>,
      %get3A_359 = arith.constant 0 : index
      %get3A_360 = tpu.vector_load %arg14[%get3A_359] {strides = array<i32>} : memref<128xi32, #tpu.memory_space<vmem>>, vector<16xi32>,
      %add3A_361 = arith.addi %get3A_360, %broadcast_in_dim3A_95 : vector<16xi32>
      %swap3A_362 = arith.constant 0 : index
      %swap3A_363 = tpu.vector_load %arg14[%swap3A_362] {strides = array<i32>} : memref<128xi32, #tpu.memory_space<vmem>>, vector<16xi32>,
      tpu.vector_store %arg14[%swap3A_362], %add3A_361 {strides = array<i32>} : memref<128xi32, #tpu.memory_space<vmem>>, vector<16xi32>,
      %get3A_364 = arith.constant 16 : index
      %get3A_365 = tpu.vector_load %arg13[%get3A_364] {strides = array<i32>} : memref<128xi32, #tpu.memory_space<vmem>>, vector<16xi32>,
      %add3A_366 = arith.addi %get3A_365, %broadcast_in_dim3A_95 : vector<16xi32>
      %swap3A_367 = arith.constant 16 : index
      %swap3A_368 = tpu.vector_load %arg13[%swap3A_367] {strides = array<i32>} : memref<128xi32, #tpu.memory_space<vmem>>, vector<16xi32>,
      tpu.vector_store %arg13[%swap3A_367], %add3A_366 {strides = array<i32>} : memref<128xi32, #tpu.memory_space<vmem>>, vector<16xi32>,
      %get3A_369 = arith.constant 16 : index
      %get3A_370 = tpu.vector_load %arg14[%get3A_369] {strides = array<i32>} : memref<128xi32, #tpu.memory_space<vmem>>, vector<16xi32>,
      %add3A_371 = arith.addi %get3A_370, %broadcast_in_dim3A_95 : vector<16xi32>
      %swap3A_372 = arith.constant 16 : index
      %swap3A_373 = tpu.vector_load %arg14[%swap3A_372] {strides = array<i32>} : memref<128xi32, #tpu.memory_space<vmem>>, vector<16xi32>,
      tpu.vector_store %arg14[%swap3A_372], %add3A_371 {strides = array<i32>} : memref<128xi32, #tpu.memory_space<vmem>>, vector<16xi32>,
      %get3A_374 = arith.constant 32 : index
      %get3A_375 = tpu.vector_load %arg13[%get3A_374] {strides = array<i32>} : memref<128xi32, #tpu.memory_space<vmem>>, vector<16xi32>,
      %add3A_376 = arith.addi %get3A_375, %broadcast_in_dim3A_95 : vector<16xi32>
      %swap3A_377 = arith.constant 32 : index
      %swap3A_378 = tpu.vector_load %arg13[%swap3A_377] {strides = array<i32>} : memref<128xi32, #tpu.memory_space<vmem>>, vector<16xi32>,
      tpu.vector_store %arg13[%swap3A_377], %add3A_376 {strides = array<i32>} : memref<128xi32, #tpu.memory_space<vmem>>, vector<16xi32>,
      %get3A_379 = arith.constant 32 : index
      %get3A_380 = tpu.vector_load %arg14[%get3A_379] {strides = array<i32>} : memref<128xi32, #tpu.memory_space<vmem>>, vector<16xi32>,
      %add3A_381 = arith.addi %get3A_380, %broadcast_in_dim3A_95 : vector<16xi32>
      %swap3A_382 = arith.constant 32 : index
      %swap3A_383 = tpu.vector_load %arg14[%swap3A_382] {strides = array<i32>} : memref<128xi32, #tpu.memory_space<vmem>>, vector<16xi32>,
      tpu.vector_store %arg14[%swap3A_382], %add3A_381 {strides = array<i32>} : memref<128xi32, #tpu.memory_space<vmem>>, vector<16xi32>,
      %get3A_384 = arith.constant 48 : index
      %get3A_385 = tpu.vector_load %arg13[%get3A_384] {strides = array<i32>} : memref<128xi32, #tpu.memory_space<vmem>>, vector<16xi32>,
      %add3A_386 = arith.addi %get3A_385, %broadcast_in_dim3A_95 : vector<16xi32>
      %swap3A_387 = arith.constant 48 : index
      %swap3A_388 = tpu.vector_load %arg13[%swap3A_387] {strides = array<i32>} : memref<128xi32, #tpu.memory_space<vmem>>, vector<16xi32>,
      tpu.vector_store %arg13[%swap3A_387], %add3A_386 {strides = array<i32>} : memref<128xi32, #tpu.memory_space<vmem>>, vector<16xi32>,
      %get3A_389 = arith.constant 48 : index
      %get3A_390 = tpu.vector_load %arg14[%get3A_389] {strides = array<i32>} : memref<128xi32, #tpu.memory_space<vmem>>, vector<16xi32>,
      %add3A_391 = arith.addi %get3A_390, %broadcast_in_dim3A_95 : vector<16xi32>
      %swap3A_392 = arith.constant 48 : index
      %swap3A_393 = tpu.vector_load %arg14[%swap3A_392] {strides = array<i32>} : memref<128xi32, #tpu.memory_space<vmem>>, vector<16xi32>,
      tpu.vector_store %arg14[%swap3A_392], %add3A_391 {strides = array<i32>} : memref<128xi32, #tpu.memory_space<vmem>>, vector<16xi32>,
      %get3A_394 = arith.constant 64 : index
      %get3A_395 = tpu.vector_load %arg13[%get3A_394] {strides = array<i32>} : memref<128xi32, #tpu.memory_space<vmem>>, vector<16xi32>,
      %add3A_396 = arith.addi %get3A_395, %broadcast_in_dim3A_95 : vector<16xi32>
      %swap3A_397 = arith.constant 64 : index
      %swap3A_398 = tpu.vector_load %arg13[%swap3A_397] {strides = array<i32>} : memref<128xi32, #tpu.memory_space<vmem>>, vector<16xi32>,
      tpu.vector_store %arg13[%swap3A_397], %add3A_396 {strides = array<i32>} : memref<128xi32, #tpu.memory_space<vmem>>, vector<16xi32>,
      %get3A_399 = arith.constant 64 : index
      %get3A_400 = tpu.vector_load %arg14[%get3A_399] {strides = array<i32>} : memref<128xi32, #tpu.memory_space<vmem>>, vector<16xi32>,
      %add3A_401 = arith.addi %get3A_400, %broadcast_in_dim3A_95 : vector<16xi32>
      %swap3A_402 = arith.constant 64 : index
      %swap3A_403 = tpu.vector_load %arg14[%swap3A_402] {strides = array<i32>} : memref<128xi32, #tpu.memory_space<vmem>>, vector<16xi32>,
      tpu.vector_store %arg14[%swap3A_402], %add3A_401 {strides = array<i32>} : memref<128xi32, #tpu.memory_space<vmem>>, vector<16xi32>,
      %get3A_404 = arith.constant 80 : index
      %get3A_405 = tpu.vector_load %arg13[%get3A_404] {strides = array<i32>} : memref<128xi32, #tpu.memory_space<vmem>>, vector<16xi32>,
      %add3A_406 = arith.addi %get3A_405, %broadcast_in_dim3A_95 : vector<16xi32>
      %swap3A_407 = arith.constant 80 : index
      %swap3A_408 = tpu.vector_load %arg13[%swap3A_407] {strides = array<i32>} : memref<128xi32, #tpu.memory_space<vmem>>, vector<16xi32>,
      tpu.vector_store %arg13[%swap3A_407], %add3A_406 {strides = array<i32>} : memref<128xi32, #tpu.memory_space<vmem>>, vector<16xi32>,
      %get3A_409 = arith.constant 80 : index
      %get3A_410 = tpu.vector_load %arg14[%get3A_409] {strides = array<i32>} : memref<128xi32, #tpu.memory_space<vmem>>, vector<16xi32>,
      %add3A_411 = arith.addi %get3A_410, %broadcast_in_dim3A_95 : vector<16xi32>
      %swap3A_412 = arith.constant 80 : index
      %swap3A_413 = tpu.vector_load %arg14[%swap3A_412] {strides = array<i32>} : memref<128xi32, #tpu.memory_space<vmem>>, vector<16xi32>,
      tpu.vector_store %arg14[%swap3A_412], %add3A_411 {strides = array<i32>} : memref<128xi32, #tpu.memory_space<vmem>>, vector<16xi32>,
      %get3A_414 = arith.constant 96 : index
      %get3A_415 = tpu.vector_load %arg13[%get3A_414] {strides = array<i32>} : memref<128xi32, #tpu.memory_space<vmem>>, vector<16xi32>,
      %add3A_416 = arith.addi %get3A_415, %broadcast_in_dim3A_95 : vector<16xi32>
      %swap3A_417 = arith.constant 96 : index
      %swap3A_418 = tpu.vector_load %arg13[%swap3A_417] {strides = array<i32>} : memref<128xi32, #tpu.memory_space<vmem>>, vector<16xi32>,
      tpu.vector_store %arg13[%swap3A_417], %add3A_416 {strides = array<i32>} : memref<128xi32, #tpu.memory_space<vmem>>, vector<16xi32>,
      %get3A_419 = arith.constant 96 : index
      %get3A_420 = tpu.vector_load %arg14[%get3A_419] {strides = array<i32>} : memref<128xi32, #tpu.memory_space<vmem>>, vector<16xi32>,
      %add3A_421 = arith.addi %get3A_420, %broadcast_in_dim3A_95 : vector<16xi32>
      %swap3A_422 = arith.constant 96 : index
      %swap3A_423 = tpu.vector_load %arg14[%swap3A_422] {strides = array<i32>} : memref<128xi32, #tpu.memory_space<vmem>>, vector<16xi32>,
      tpu.vector_store %arg14[%swap3A_422], %add3A_421 {strides = array<i32>} : memref<128xi32, #tpu.memory_space<vmem>>, vector<16xi32>,
      %get3A_424 = arith.constant 112 : index
      %get3A_425 = tpu.vector_load %arg13[%get3A_424] {strides = array<i32>} : memref<128xi32, #tpu.memory_space<vmem>>, vector<16xi32>,
      %add3A_426 = arith.addi %get3A_425, %broadcast_in_dim3A_95 : vector<16xi32>
      %swap3A_427 = arith.constant 112 : index
      %swap3A_428 = tpu.vector_load %arg13[%swap3A_427] {strides = array<i32>} : memref<128xi32, #tpu.memory_space<vmem>>, vector<16xi32>,
      tpu.vector_store %arg13[%swap3A_427], %add3A_426 {strides = array<i32>} : memref<128xi32, #tpu.memory_space<vmem>>, vector<16xi32>,
      %get3A_429 = arith.constant 112 : index
      %get3A_430 = tpu.vector_load %arg14[%get3A_429] {strides = array<i32>} : memref<128xi32, #tpu.memory_space<vmem>>, vector<16xi32>,
      %add3A_431 = arith.addi %get3A_430, %broadcast_in_dim3A_95 : vector<16xi32>
      %swap3A_432 = arith.constant 112 : index
      %swap3A_433 = tpu.vector_load %arg14[%swap3A_432] {strides = array<i32>} : memref<128xi32, #tpu.memory_space<vmem>>, vector<16xi32>,
      tpu.vector_store %arg14[%swap3A_432], %add3A_431 {strides = array<i32>} : memref<128xi32, #tpu.memory_space<vmem>>, vector<16xi32>,
      %dma_start3A_434 = arith.constant 0 : i32
      %dma_start3A_435 = tpu.memref_slice %arg13[%dma_start3A_434] : memref<128xi32, #tpu.memory_space<vmem>> -> memref<64xi32, #tpu.memory_space<vmem>>
      %dma_start3A_436 = arith.constant 0 : i32
      %dma_start3A_437 = arith.constant 0 : i32
      %dma_start3A_438 = tpu.memref_slice %arg6[%dma_start3A_436, %dma_start3A_437] : memref<40960x128xf32, #tpu.memory_space<hbm>> -> memref<40960x128xf32, #tpu.memory_space<hbm>>
      tpu.enqueue_indirect_dma source(%dma_start3A_438 : memref<40960x128xf32, #tpu.memory_space<hbm>>) target(%arg18 : memref<64x128xf32, #tpu.memory_space<vmem>>) offsets(%dma_start3A_435 : memref<64xi32, #tpu.memory_space<vmem>>) semaphore(%arg26 : memref<!tpu.dma_semaphore, #tpu.memory_space<semaphore_mem>>)
      %dma_start3A_439 = arith.constant 64 : i32
      %dma_start3A_440 = tpu.memref_slice %arg13[%dma_start3A_439] : memref<128xi32, #tpu.memory_space<vmem>> -> memref<64xi32, #tpu.memory_space<vmem>>
      %dma_start3A_441 = arith.constant 0 : i32
      %dma_start3A_442 = arith.constant 0 : i32
      %dma_start3A_443 = tpu.memref_slice %arg6[%dma_start3A_441, %dma_start3A_442] : memref<40960x128xf32, #tpu.memory_space<hbm>> -> memref<40960x128xf32, #tpu.memory_space<hbm>>
      tpu.enqueue_indirect_dma source(%dma_start3A_443 : memref<40960x128xf32, #tpu.memory_space<hbm>>) target(%arg19 : memref<64x128xf32, #tpu.memory_space<vmem>>) offsets(%dma_start3A_440 : memref<64xi32, #tpu.memory_space<vmem>>) semaphore(%arg27 : memref<!tpu.dma_semaphore, #tpu.memory_space<semaphore_mem>>)
      %dma_start3A_444 = arith.constant 0 : i32
      %dma_start3A_445 = tpu.memref_slice %arg14[%dma_start3A_444] : memref<128xi32, #tpu.memory_space<vmem>> -> memref<64xi32, #tpu.memory_space<vmem>>
      %dma_start3A_446 = arith.constant 0 : i32
      %dma_start3A_447 = arith.constant 0 : i32
      %dma_start3A_448 = tpu.memref_slice %arg6[%dma_start3A_446, %dma_start3A_447] : memref<40960x128xf32, #tpu.memory_space<hbm>> -> memref<40960x128xf32, #tpu.memory_space<hbm>>
      tpu.enqueue_indirect_dma source(%dma_start3A_448 : memref<40960x128xf32, #tpu.memory_space<hbm>>) target(%arg20 : memref<64x128xf32, #tpu.memory_space<vmem>>) offsets(%dma_start3A_445 : memref<64xi32, #tpu.memory_space<vmem>>) semaphore(%arg28 : memref<!tpu.dma_semaphore, #tpu.memory_space<semaphore_mem>>)
      %dma_start3A_449 = arith.constant 64 : i32
      %dma_start3A_450 = tpu.memref_slice %arg14[%dma_start3A_449] : memref<128xi32, #tpu.memory_space<vmem>> -> memref<64xi32, #tpu.memory_space<vmem>>
      %dma_start3A_451 = arith.constant 0 : i32
      %dma_start3A_452 = arith.constant 0 : i32
      %dma_start3A_453 = tpu.memref_slice %arg6[%dma_start3A_451, %dma_start3A_452] : memref<40960x128xf32, #tpu.memory_space<hbm>> -> memref<40960x128xf32, #tpu.memory_space<hbm>>
      tpu.enqueue_indirect_dma source(%dma_start3A_453 : memref<40960x128xf32, #tpu.memory_space<hbm>>) target(%arg21 : memref<64x128xf32, #tpu.memory_space<vmem>>) offsets(%dma_start3A_450 : memref<64xi32, #tpu.memory_space<vmem>>) semaphore(%arg29 : memref<!tpu.dma_semaphore, #tpu.memory_space<semaphore_mem>>)
      %dma_wait3A_454 = arith.constant 0 : i32
      %dma_wait3A_455 = tpu.memref_slice %arg13[%dma_wait3A_454] : memref<128xi32, #tpu.memory_space<vmem>> -> memref<64xi32, #tpu.memory_space<vmem>>
      %dma_wait3A_456 = arith.constant 0 : i32
      %dma_wait3A_457 = arith.constant 0 : i32
      %dma_wait3A_458 = tpu.memref_slice %arg6[%dma_wait3A_456, %dma_wait3A_457] : memref<40960x128xf32, #tpu.memory_space<hbm>> -> memref<40960x128xf32, #tpu.memory_space<hbm>>
      tpu.wait_indirect_dma semaphore(%arg26 : memref<!tpu.dma_semaphore, #tpu.memory_space<semaphore_mem>>) src(%dma_wait3A_458 : memref<40960x128xf32, #tpu.memory_space<hbm>>) dst(%arg18 : memref<64x128xf32, #tpu.memory_space<vmem>>)
      %dma_start3A_459 = arith.constant 0 : i32
      %dma_start3A_460 = tpu.memref_slice %arg15[%dma_start3A_459] : memref<128xi32, #tpu.memory_space<vmem>> -> memref<64xi32, #tpu.memory_space<vmem>>
      %dma_start3A_461 = arith.constant 0 : i32
      %dma_start3A_462 = arith.constant 0 : i32
      %dma_start3A_463 = tpu.memref_slice %arg8[%dma_start3A_461, %dma_start3A_462] : memref<10240x128xf32, #tpu.memory_space<vmem_shared>> -> memref<10240x128xf32, #tpu.memory_space<vmem_shared>>
      tpu.enqueue_indirect_dma source(%arg18 : memref<64x128xf32, #tpu.memory_space<vmem>>) target(%dma_start3A_463 : memref<10240x128xf32, #tpu.memory_space<vmem_shared>>) offsets(%dma_start3A_460 : memref<64xi32, #tpu.memory_space<vmem>>) semaphore(%arg30 : memref<!tpu.dma_semaphore, #tpu.memory_space<semaphore_mem>>) {add = true}
      %dma_wait3A_464 = arith.constant 64 : i32
      %dma_wait3A_465 = tpu.memref_slice %arg13[%dma_wait3A_464] : memref<128xi32, #tpu.memory_space<vmem>> -> memref<64xi32, #tpu.memory_space<vmem>>
      %dma_wait3A_466 = arith.constant 0 : i32
      %dma_wait3A_467 = arith.constant 0 : i32
      %dma_wait3A_468 = tpu.memref_slice %arg6[%dma_wait3A_466, %dma_wait3A_467] : memref<40960x128xf32, #tpu.memory_space<hbm>> -> memref<40960x128xf32, #tpu.memory_space<hbm>>
      tpu.wait_indirect_dma semaphore(%arg27 : memref<!tpu.dma_semaphore, #tpu.memory_space<semaphore_mem>>) src(%dma_wait3A_468 : memref<40960x128xf32, #tpu.memory_space<hbm>>) dst(%arg19 : memref<64x128xf32, #tpu.memory_space<vmem>>)
      %dma_start3A_469 = arith.constant 64 : i32
      %dma_start3A_470 = tpu.memref_slice %arg15[%dma_start3A_469] : memref<128xi32, #tpu.memory_space<vmem>> -> memref<64xi32, #tpu.memory_space<vmem>>
      %dma_start3A_471 = arith.constant 0 : i32
      %dma_start3A_472 = arith.constant 0 : i32
      %dma_start3A_473 = tpu.memref_slice %arg8[%dma_start3A_471, %dma_start3A_472] : memref<10240x128xf32, #tpu.memory_space<vmem_shared>> -> memref<10240x128xf32, #tpu.memory_space<vmem_shared>>
      tpu.enqueue_indirect_dma source(%arg19 : memref<64x128xf32, #tpu.memory_space<vmem>>) target(%dma_start3A_473 : memref<10240x128xf32, #tpu.memory_space<vmem_shared>>) offsets(%dma_start3A_470 : memref<64xi32, #tpu.memory_space<vmem>>) semaphore(%arg30 : memref<!tpu.dma_semaphore, #tpu.memory_space<semaphore_mem>>) {add = true}
      %dma_wait3A_474 = arith.constant 0 : i32
      %dma_wait3A_475 = tpu.memref_slice %arg14[%dma_wait3A_474] : memref<128xi32, #tpu.memory_space<vmem>> -> memref<64xi32, #tpu.memory_space<vmem>>
      %dma_wait3A_476 = arith.constant 0 : i32
      %dma_wait3A_477 = arith.constant 0 : i32
      %dma_wait3A_478 = tpu.memref_slice %arg6[%dma_wait3A_476, %dma_wait3A_477] : memref<40960x128xf32, #tpu.memory_space<hbm>> -> memref<40960x128xf32, #tpu.memory_space<hbm>>
      tpu.wait_indirect_dma semaphore(%arg28 : memref<!tpu.dma_semaphore, #tpu.memory_space<semaphore_mem>>) src(%dma_wait3A_478 : memref<40960x128xf32, #tpu.memory_space<hbm>>) dst(%arg20 : memref<64x128xf32, #tpu.memory_space<vmem>>)
      %dma_start3A_479 = arith.constant 0 : i32
      %dma_start3A_480 = tpu.memref_slice %arg16[%dma_start3A_479] : memref<128xi32, #tpu.memory_space<vmem>> -> memref<64xi32, #tpu.memory_space<vmem>>
      %dma_start3A_481 = arith.constant 0 : i32
      %dma_start3A_482 = arith.constant 0 : i32
      %dma_start3A_483 = tpu.memref_slice %arg8[%dma_start3A_481, %dma_start3A_482] : memref<10240x128xf32, #tpu.memory_space<vmem_shared>> -> memref<10240x128xf32, #tpu.memory_space<vmem_shared>>
      tpu.enqueue_indirect_dma source(%arg20 : memref<64x128xf32, #tpu.memory_space<vmem>>) target(%dma_start3A_483 : memref<10240x128xf32, #tpu.memory_space<vmem_shared>>) offsets(%dma_start3A_480 : memref<64xi32, #tpu.memory_space<vmem>>) semaphore(%arg30 : memref<!tpu.dma_semaphore, #tpu.memory_space<semaphore_mem>>) {add = true}
      %dma_wait3A_484 = arith.constant 64 : i32
      %dma_wait3A_485 = tpu.memref_slice %arg14[%dma_wait3A_484] : memref<128xi32, #tpu.memory_space<vmem>> -> memref<64xi32, #tpu.memory_space<vmem>>
      %dma_wait3A_486 = arith.constant 0 : i32
      %dma_wait3A_487 = arith.constant 0 : i32
      %dma_wait3A_488 = tpu.memref_slice %arg6[%dma_wait3A_486, %dma_wait3A_487] : memref<40960x128xf32, #tpu.memory_space<hbm>> -> memref<40960x128xf32, #tpu.memory_space<hbm>>
      tpu.wait_indirect_dma semaphore(%arg29 : memref<!tpu.dma_semaphore, #tpu.memory_space<semaphore_mem>>) src(%dma_wait3A_488 : memref<40960x128xf32, #tpu.memory_space<hbm>>) dst(%arg21 : memref<64x128xf32, #tpu.memory_space<vmem>>)
      %dma_start3A_489 = arith.constant 64 : i32
      %dma_start3A_490 = tpu.memref_slice %arg16[%dma_start3A_489] : memref<128xi32, #tpu.memory_space<vmem>> -> memref<64xi32, #tpu.memory_space<vmem>>
      %dma_start3A_491 = arith.constant 0 : i32
      %dma_start3A_492 = arith.constant 0 : i32
      %dma_start3A_493 = tpu.memref_slice %arg8[%dma_start3A_491, %dma_start3A_492] : memref<10240x128xf32, #tpu.memory_space<vmem_shared>> -> memref<10240x128xf32, #tpu.memory_space<vmem_shared>>
      tpu.enqueue_indirect_dma source(%arg21 : memref<64x128xf32, #tpu.memory_space<vmem>>) target(%dma_start3A_493 : memref<10240x128xf32, #tpu.memory_space<vmem_shared>>) offsets(%dma_start3A_490 : memref<64xi32, #tpu.memory_space<vmem>>) semaphore(%arg30 : memref<!tpu.dma_semaphore, #tpu.memory_space<semaphore_mem>>) {add = true}
      %dma_wait3A_494 = arith.constant 0 : i32
      %dma_wait3A_495 = tpu.memref_slice %arg15[%dma_wait3A_494] : memref<128xi32, #tpu.memory_space<vmem>> -> memref<64xi32, #tpu.memory_space<vmem>>
      %dma_wait3A_496 = arith.constant 0 : i32
      %dma_wait3A_497 = arith.constant 0 : i32
      %dma_wait3A_498 = tpu.memref_slice %arg8[%dma_wait3A_496, %dma_wait3A_497] : memref<10240x128xf32, #tpu.memory_space<vmem_shared>> -> memref<10240x128xf32, #tpu.memory_space<vmem_shared>>
      tpu.wait_indirect_dma semaphore(%arg30 : memref<!tpu.dma_semaphore, #tpu.memory_space<semaphore_mem>>) src(%arg18 : memref<64x128xf32, #tpu.memory_space<vmem>>) dst(%dma_wait3A_498 : memref<10240x128xf32, #tpu.memory_space<vmem_shared>>)
      %dma_wait3A_499 = arith.constant 64 : i32
      %dma_wait3A_500 = tpu.memref_slice %arg15[%dma_wait3A_499] : memref<128xi32, #tpu.memory_space<vmem>> -> memref<64xi32, #tpu.memory_space<vmem>>
      %dma_wait3A_501 = arith.constant 0 : i32
      %dma_wait3A_502 = arith.constant 0 : i32
      %dma_wait3A_503 = tpu.memref_slice %arg8[%dma_wait3A_501, %dma_wait3A_502] : memref<10240x128xf32, #tpu.memory_space<vmem_shared>> -> memref<10240x128xf32, #tpu.memory_space<vmem_shared>>
      tpu.wait_indirect_dma semaphore(%arg30 : memref<!tpu.dma_semaphore, #tpu.memory_space<semaphore_mem>>) src(%arg19 : memref<64x128xf32, #tpu.memory_space<vmem>>) dst(%dma_wait3A_503 : memref<10240x128xf32, #tpu.memory_space<vmem_shared>>)
      %dma_wait3A_504 = arith.constant 0 : i32
      %dma_wait3A_505 = tpu.memref_slice %arg16[%dma_wait3A_504] : memref<128xi32, #tpu.memory_space<vmem>> -> memref<64xi32, #tpu.memory_space<vmem>>
      %dma_wait3A_506 = arith.constant 0 : i32
      %dma_wait3A_507 = arith.constant 0 : i32
      %dma_wait3A_508 = tpu.memref_slice %arg8[%dma_wait3A_506, %dma_wait3A_507] : memref<10240x128xf32, #tpu.memory_space<vmem_shared>> -> memref<10240x128xf32, #tpu.memory_space<vmem_shared>>
      tpu.wait_indirect_dma semaphore(%arg30 : memref<!tpu.dma_semaphore, #tpu.memory_space<semaphore_mem>>) src(%arg20 : memref<64x128xf32, #tpu.memory_space<vmem>>) dst(%dma_wait3A_508 : memref<10240x128xf32, #tpu.memory_space<vmem_shared>>)
      %dma_wait3A_509 = arith.constant 64 : i32
      %dma_wait3A_510 = tpu.memref_slice %arg16[%dma_wait3A_509] : memref<128xi32, #tpu.memory_space<vmem>> -> memref<64xi32, #tpu.memory_space<vmem>>
      %dma_wait3A_511 = arith.constant 0 : i32
      %dma_wait3A_512 = arith.constant 0 : i32
      %dma_wait3A_513 = tpu.memref_slice %arg8[%dma_wait3A_511, %dma_wait3A_512] : memref<10240x128xf32, #tpu.memory_space<vmem_shared>> -> memref<10240x128xf32, #tpu.memory_space<vmem_shared>>
      tpu.wait_indirect_dma semaphore(%arg30 : memref<!tpu.dma_semaphore, #tpu.memory_space<semaphore_mem>>) src(%arg21 : memref<64x128xf32, #tpu.memory_space<vmem>>) dst(%dma_wait3A_513 : memref<10240x128xf32, #tpu.memory_space<vmem_shared>>)
      %dma_wait3A_514 = tpu.memref_slice %arg3[%add3A_329] : memref<655360xi32, #tpu.memory_space<hbm>> -> memref<128xi32, #tpu.memory_space<hbm>>
      %dma_wait3A_515 = tpu.memref_slice %arg3[%add3A_329] : memref<655360xi32, #tpu.memory_space<hbm>> -> memref<128xi32, #tpu.memory_space<hbm>>
      tpu.wait_dma2 semaphore(%arg31 : memref<!tpu.dma_semaphore, #tpu.memory_space<semaphore_mem>>) src(%dma_wait3A_515 : memref<128xi32, #tpu.memory_space<hbm>>) dst(%arg9 : memref<128xi32, #tpu.memory_space<vmem>>)
      %dma_wait3A_516 = tpu.memref_slice %arg3[%add3A_333] : memref<655360xi32, #tpu.memory_space<hbm>> -> memref<128xi32, #tpu.memory_space<hbm>>
      %dma_wait3A_517 = tpu.memref_slice %arg3[%add3A_333] : memref<655360xi32, #tpu.memory_space<hbm>> -> memref<128xi32, #tpu.memory_space<hbm>>
      tpu.wait_dma2 semaphore(%arg31 : memref<!tpu.dma_semaphore, #tpu.memory_space<semaphore_mem>>) src(%dma_wait3A_517 : memref<128xi32, #tpu.memory_space<hbm>>) dst(%arg11 : memref<128xi32, #tpu.memory_space<vmem>>)
      %dma_wait3A_518 = tpu.memref_slice %arg3[%add3A_337] : memref<655360xi32, #tpu.memory_space<hbm>> -> memref<128xi32, #tpu.memory_space<hbm>>
      %dma_wait3A_519 = tpu.memref_slice %arg3[%add3A_337] : memref<655360xi32, #tpu.memory_space<hbm>> -> memref<128xi32, #tpu.memory_space<hbm>>
      tpu.wait_dma2 semaphore(%arg31 : memref<!tpu.dma_semaphore, #tpu.memory_space<semaphore_mem>>) src(%dma_wait3A_519 : memref<128xi32, #tpu.memory_space<hbm>>) dst(%arg10 : memref<128xi32, #tpu.memory_space<vmem>>)
      %dma_wait3A_520 = tpu.memref_slice %arg3[%add3A_343] : memref<655360xi32, #tpu.memory_space<hbm>> -> memref<128xi32, #tpu.memory_space<hbm>>
      %dma_wait3A_521 = tpu.memref_slice %arg3[%add3A_343] : memref<655360xi32, #tpu.memory_space<hbm>> -> memref<128xi32, #tpu.memory_space<hbm>>
      tpu.wait_dma2 semaphore(%arg31 : memref<!tpu.dma_semaphore, #tpu.memory_space<semaphore_mem>>) src(%dma_wait3A_521 : memref<128xi32, #tpu.memory_space<hbm>>) dst(%arg12 : memref<128xi32, #tpu.memory_space<vmem>>)
      %scan3A_522 = arith.constant 0 : i32
      scf.yield %scan3A_522 : i32
    }
    %scan3A_126 = arith.constant 40 : i32
    %barrier3A_127 = arith.constant 0 : index
    tpu.barrier barrier_id(%barrier3A_127)
    %scan3A_128 = arith.constant 0 : i32
    %scan3A_129 = arith.constant 0 : i32
    %scan3A_130 = arith.constant 10 : i32
    %scan3A_131 = arith.addi %scan3A_129, %scan3A_130 : i32
    %scan3A_132 = arith.constant 1 : i32
    %scan3A_133 = scf.for %scan3A_135 = %scan3A_129 to %scan3A_131 step %scan3A_132 iter_args(%scan3A_136 = %scan3A_128) -> (i32)  : i32 {
      %mul3A_137 = arith.constant 64 : i32
      %mul3A_138 = arith.muli %scan3A_135, %mul3A_137 : i32
      %add3A_139 = arith.addi %mul3A_2, %mul3A_138 : i32
      "tpu.region"() ({
        %run_scoped3A = tpu.sem_alloc : memref<!tpu.dma_semaphore, #tpu.memory_space<semaphore_mem>>
        %dma_start3A_148 = arith.constant 0 : i32
        %dma_start3A_149 = arith.constant 0 : i32
        %dma_start3A_150 = tpu.memref_slice %arg18[%dma_start3A_148, %dma_start3A_149] : memref<64x128xf32, #tpu.memory_space<vmem>> -> memref<64x128xf32, #tpu.memory_space<vmem>>
        %dma_start3A_151 = arith.constant 0 : i32
        %dma_start3A_152 = tpu.memref_slice %arg8[%add3A_139, %dma_start3A_151] : memref<10240x128xf32, #tpu.memory_space<vmem_shared>> -> memref<64x128xf32, #tpu.memory_space<vmem_shared>>
        %dma_start3A_153 = arith.constant 0 : i32
        %dma_start3A_154 = arith.constant 0 : i32
        %dma_start3A_155 = tpu.memref_slice %arg18[%dma_start3A_153, %dma_start3A_154] : memref<64x128xf32, #tpu.memory_space<vmem>> -> memref<64x128xf32, #tpu.memory_space<vmem>>
        %dma_start3A_156 = arith.constant 0 : i32
        %dma_start3A_157 = tpu.memref_slice %arg8[%add3A_139, %dma_start3A_156] : memref<10240x128xf32, #tpu.memory_space<vmem_shared>> -> memref<64x128xf32, #tpu.memory_space<vmem_shared>>
        tpu.enqueue_dma source(%dma_start3A_157 : memref<64x128xf32, #tpu.memory_space<vmem_shared>>) target(%dma_start3A_155 : memref<64x128xf32, #tpu.memory_space<vmem>>) target_semaphore(%run_scoped3A : memref<!tpu.dma_semaphore, #tpu.memory_space<semaphore_mem>>)
        %dma_wait3A_158 = arith.constant 0 : i32
        %dma_wait3A_159 = arith.constant 0 : i32
        %dma_wait3A_160 = tpu.memref_slice %arg18[%dma_wait3A_158, %dma_wait3A_159] : memref<64x128xf32, #tpu.memory_space<vmem>> -> memref<64x128xf32, #tpu.memory_space<vmem>>
        %dma_wait3A_161 = arith.constant 0 : i32
        %dma_wait3A_162 = tpu.memref_slice %arg8[%add3A_139, %dma_wait3A_161] : memref<10240x128xf32, #tpu.memory_space<vmem_shared>> -> memref<64x128xf32, #tpu.memory_space<vmem_shared>>
        %dma_wait3A_163 = arith.constant 0 : i32
        %dma_wait3A_164 = arith.constant 0 : i32
        %dma_wait3A_165 = tpu.memref_slice %arg18[%dma_wait3A_163, %dma_wait3A_164] : memref<64x128xf32, #tpu.memory_space<vmem>> -> memref<64x128xf32, #tpu.memory_space<vmem>>
        %dma_wait3A_166 = arith.constant 0 : i32
        %dma_wait3A_167 = tpu.memref_slice %arg8[%add3A_139, %dma_wait3A_166] : memref<10240x128xf32, #tpu.memory_space<vmem_shared>> -> memref<64x128xf32, #tpu.memory_space<vmem_shared>>
        tpu.wait_dma2 semaphore(%run_scoped3A : memref<!tpu.dma_semaphore, #tpu.memory_space<semaphore_mem>>) src(%dma_wait3A_167 : memref<64x128xf32, #tpu.memory_space<vmem_shared>>) dst(%dma_wait3A_165 : memref<64x128xf32, #tpu.memory_space<vmem>>)
        tpu.yield
      }) : () -> ()
      "tpu.region"() ({
        %run_scoped3A = tpu.sem_alloc : memref<!tpu.dma_semaphore, #tpu.memory_space<semaphore_mem>>
        %dma_start3A_148 = arith.constant 0 : i32
        %dma_start3A_149 = arith.constant 0 : i32
        %dma_start3A_150 = tpu.memref_slice %arg19[%dma_start3A_148, %dma_start3A_149] : memref<64x128xf32, #tpu.memory_space<vmem>> -> memref<64x128xf32, #tpu.memory_space<vmem>>
        %dma_start3A_151 = arith.constant 0 : i32
        %dma_start3A_152 = tpu.memref_slice %arg2[%arg0, %add3A_139, %dma_start3A_151] : memref<2x10240x128xf32, #tpu.memory_space<hbm>> -> memref<1x64x128xf32, #tpu.memory_space<hbm>>
        %dma_start3A_153 = tpu.memref_squeeze %dma_start3A_152 : memref<1x64x128xf32, #tpu.memory_space<hbm>> -> memref<64x128xf32, #tpu.memory_space<hbm>>
        %dma_start3A_154 = arith.constant 0 : i32
        %dma_start3A_155 = arith.constant 0 : i32
        %dma_start3A_156 = tpu.memref_slice %arg19[%dma_start3A_154, %dma_start3A_155] : memref<64x128xf32, #tpu.memory_space<vmem>> -> memref<64x128xf32, #tpu.memory_space<vmem>>
        %dma_start3A_157 = arith.constant 0 : i32
        %dma_start3A_158 = tpu.memref_slice %arg2[%arg0, %add3A_139, %dma_start3A_157] : memref<2x10240x128xf32, #tpu.memory_space<hbm>> -> memref<1x64x128xf32, #tpu.memory_space<hbm>>
        %dma_start3A_159 = tpu.memref_squeeze %dma_start3A_158 : memref<1x64x128xf32, #tpu.memory_space<hbm>> -> memref<64x128xf32, #tpu.memory_space<hbm>>
        tpu.enqueue_dma source(%dma_start3A_159 : memref<64x128xf32, #tpu.memory_space<hbm>>) target(%dma_start3A_156 : memref<64x128xf32, #tpu.memory_space<vmem>>) target_semaphore(%run_scoped3A : memref<!tpu.dma_semaphore, #tpu.memory_space<semaphore_mem>>)
        %dma_wait3A_160 = arith.constant 0 : i32
        %dma_wait3A_161 = arith.constant 0 : i32
        %dma_wait3A_162 = tpu.memref_slice %arg19[%dma_wait3A_160, %dma_wait3A_161] : memref<64x128xf32, #tpu.memory_space<vmem>> -> memref<64x128xf32, #tpu.memory_space<vmem>>
        %dma_wait3A_163 = arith.constant 0 : i32
        %dma_wait3A_164 = tpu.memref_slice %arg2[%arg0, %add3A_139, %dma_wait3A_163] : memref<2x10240x128xf32, #tpu.memory_space<hbm>> -> memref<1x64x128xf32, #tpu.memory_space<hbm>>
        %dma_wait3A_165 = tpu.memref_squeeze %dma_wait3A_164 : memref<1x64x128xf32, #tpu.memory_space<hbm>> -> memref<64x128xf32, #tpu.memory_space<hbm>>
        %dma_wait3A_166 = arith.constant 0 : i32
        %dma_wait3A_167 = arith.constant 0 : i32
        %dma_wait3A_168 = tpu.memref_slice %arg19[%dma_wait3A_166, %dma_wait3A_167] : memref<64x128xf32, #tpu.memory_space<vmem>> -> memref<64x128xf32, #tpu.memory_space<vmem>>
        %dma_wait3A_169 = arith.constant 0 : i32
        %dma_wait3A_170 = tpu.memref_slice %arg2[%arg0, %add3A_139, %dma_wait3A_169] : memref<2x10240x128xf32, #tpu.memory_space<hbm>> -> memref<1x64x128xf32, #tpu.memory_space<hbm>>
        %dma_wait3A_171 = tpu.memref_squeeze %dma_wait3A_170 : memref<1x64x128xf32, #tpu.memory_space<hbm>> -> memref<64x128xf32, #tpu.memory_space<hbm>>
        tpu.wait_dma2 semaphore(%run_scoped3A : memref<!tpu.dma_semaphore, #tpu.memory_space<semaphore_mem>>) src(%dma_wait3A_171 : memref<64x128xf32, #tpu.memory_space<hbm>>) dst(%dma_wait3A_168 : memref<64x128xf32, #tpu.memory_space<vmem>>)
        tpu.yield
      }) : () -> ()
      %scan3A_140 = arith.constant 0 : i32
      %scan3A_141 = arith.constant 0 : i32
      %scan3A_142 = arith.constant 64 : i32
      %scan3A_143 = arith.addi %scan3A_141, %scan3A_142 : i32
      %scan3A_144 = arith.constant 1 : i32
      %scan3A_145 = scf.for %scan3A_148 = %scan3A_141 to %scan3A_143 step %scan3A_144 iter_args(%scan3A_149 = %scan3A_140) -> (i32)  : i32 {
        %mul3A_150 = arith.constant 64 : i32
        %mul3A_151 = arith.muli %scan3A_135, %mul3A_150 : i32
        %add3A_152 = arith.addi %mul3A_151, %scan3A_148 : i32
        %get3A = arith.index_cast %add3A_152 : i32 to index
        %get3A_153 = tpu.vector_load %arg24[%get3A] {strides = array<i32>} : memref<656xf32, #tpu.memory_space<vmem>>, vector<16xf32>,
        %slice3A = vector.extract_strided_slice %get3A_153 {offsets = [0], sizes = [1], strides = [1]} : vector<16xf32> to vector<1xf32>
        %squeeze3A = vector.extract %slice3A[0] : f32 from vector<1xf32>
        %mul3A_154 = arith.constant 0.899999976 : f32
        %mul3A_155 = arith.mulf %mul3A_154, %squeeze3A : f32
        %broadcast_in_dim3A_156 = vector.broadcast %mul3A_155 : f32 to vector<16xf32>
        %get3A_157 = arith.index_cast %scan3A_148 : i32 to index
        %get3A_158 = arith.constant 0 : index
        %get3A_159 = tpu.vector_load %arg18[%get3A_157, %get3A_158] {strides = array<i32>} : memref<64x128xf32, #tpu.memory_space<vmem>>, vector<16xf32>,
        %mul3A_160 = arith.mulf %broadcast_in_dim3A_156, %get3A_159 : vector<16xf32>
        %get3A_161 = arith.index_cast %scan3A_148 : i32 to index
        %get3A_162 = arith.constant 0 : index
        %get3A_163 = tpu.vector_load %arg19[%get3A_161, %get3A_162] {strides = array<i32>} : memref<64x128xf32, #tpu.memory_space<vmem>>, vector<16xf32>,
        %mul3A_164 = arith.constant 1.000000e-01 : f32
        %mul3A_165 = vector.broadcast %mul3A_164 : f32 to vector<16xf32>
        %mul3A_166 = arith.mulf %mul3A_165, %get3A_163 : vector<16xf32>
        %add3A_167 = arith.addf %mul3A_160, %mul3A_166 : vector<16xf32>
        %swap3A = arith.index_cast %scan3A_148 : i32 to index
        %swap3A_168 = arith.constant 0 : index
        %swap3A_169 = tpu.vector_load %arg18[%swap3A, %swap3A_168] {strides = array<i32>} : memref<64x128xf32, #tpu.memory_space<vmem>>, vector<16xf32>,
        tpu.vector_store %arg18[%swap3A, %swap3A_168], %add3A_167 {strides = array<i32>} : memref<64x128xf32, #tpu.memory_space<vmem>>, vector<16xf32>,
        %get3A_170 = arith.index_cast %scan3A_148 : i32 to index
        %get3A_171 = arith.constant 16 : index
        %get3A_172 = tpu.vector_load %arg18[%get3A_170, %get3A_171] {strides = array<i32>} : memref<64x128xf32, #tpu.memory_space<vmem>>, vector<16xf32>,
        %mul3A_173 = arith.mulf %broadcast_in_dim3A_156, %get3A_172 : vector<16xf32>
        %get3A_174 = arith.index_cast %scan3A_148 : i32 to index
        %get3A_175 = arith.constant 16 : index
        %get3A_176 = tpu.vector_load %arg19[%get3A_174, %get3A_175] {strides = array<i32>} : memref<64x128xf32, #tpu.memory_space<vmem>>, vector<16xf32>,
        %mul3A_177 = arith.constant 1.000000e-01 : f32
        %mul3A_178 = vector.broadcast %mul3A_177 : f32 to vector<16xf32>
        %mul3A_179 = arith.mulf %mul3A_178, %get3A_176 : vector<16xf32>
        %add3A_180 = arith.addf %mul3A_173, %mul3A_179 : vector<16xf32>
        %swap3A_181 = arith.index_cast %scan3A_148 : i32 to index
        %swap3A_182 = arith.constant 16 : index
        %swap3A_183 = tpu.vector_load %arg18[%swap3A_181, %swap3A_182] {strides = array<i32>} : memref<64x128xf32, #tpu.memory_space<vmem>>, vector<16xf32>,
        tpu.vector_store %arg18[%swap3A_181, %swap3A_182], %add3A_180 {strides = array<i32>} : memref<64x128xf32, #tpu.memory_space<vmem>>, vector<16xf32>,
        %get3A_184 = arith.index_cast %scan3A_148 : i32 to index
        %get3A_185 = arith.constant 32 : index
        %get3A_186 = tpu.vector_load %arg18[%get3A_184, %get3A_185] {strides = array<i32>} : memref<64x128xf32, #tpu.memory_space<vmem>>, vector<16xf32>,
        %mul3A_187 = arith.mulf %broadcast_in_dim3A_156, %get3A_186 : vector<16xf32>
        %get3A_188 = arith.index_cast %scan3A_148 : i32 to index
        %get3A_189 = arith.constant 32 : index
        %get3A_190 = tpu.vector_load %arg19[%get3A_188, %get3A_189] {strides = array<i32>} : memref<64x128xf32, #tpu.memory_space<vmem>>, vector<16xf32>,
        %mul3A_191 = arith.constant 1.000000e-01 : f32
        %mul3A_192 = vector.broadcast %mul3A_191 : f32 to vector<16xf32>
        %mul3A_193 = arith.mulf %mul3A_192, %get3A_190 : vector<16xf32>
        %add3A_194 = arith.addf %mul3A_187, %mul3A_193 : vector<16xf32>
        %swap3A_195 = arith.index_cast %scan3A_148 : i32 to index
        %swap3A_196 = arith.constant 32 : index
        %swap3A_197 = tpu.vector_load %arg18[%swap3A_195, %swap3A_196] {strides = array<i32>} : memref<64x128xf32, #tpu.memory_space<vmem>>, vector<16xf32>,
        tpu.vector_store %arg18[%swap3A_195, %swap3A_196], %add3A_194 {strides = array<i32>} : memref<64x128xf32, #tpu.memory_space<vmem>>, vector<16xf32>,
        %get3A_198 = arith.index_cast %scan3A_148 : i32 to index
        %get3A_199 = arith.constant 48 : index
        %get3A_200 = tpu.vector_load %arg18[%get3A_198, %get3A_199] {strides = array<i32>} : memref<64x128xf32, #tpu.memory_space<vmem>>, vector<16xf32>,
        %mul3A_201 = arith.mulf %broadcast_in_dim3A_156, %get3A_200 : vector<16xf32>
        %get3A_202 = arith.index_cast %scan3A_148 : i32 to index
        %get3A_203 = arith.constant 48 : index
        %get3A_204 = tpu.vector_load %arg19[%get3A_202, %get3A_203] {strides = array<i32>} : memref<64x128xf32, #tpu.memory_space<vmem>>, vector<16xf32>,
        %mul3A_205 = arith.constant 1.000000e-01 : f32
        %mul3A_206 = vector.broadcast %mul3A_205 : f32 to vector<16xf32>
        %mul3A_207 = arith.mulf %mul3A_206, %get3A_204 : vector<16xf32>
        %add3A_208 = arith.addf %mul3A_201, %mul3A_207 : vector<16xf32>
        %swap3A_209 = arith.index_cast %scan3A_148 : i32 to index
        %swap3A_210 = arith.constant 48 : index
        %swap3A_211 = tpu.vector_load %arg18[%swap3A_209, %swap3A_210] {strides = array<i32>} : memref<64x128xf32, #tpu.memory_space<vmem>>, vector<16xf32>,
        tpu.vector_store %arg18[%swap3A_209, %swap3A_210], %add3A_208 {strides = array<i32>} : memref<64x128xf32, #tpu.memory_space<vmem>>, vector<16xf32>,
        %get3A_212 = arith.index_cast %scan3A_148 : i32 to index
        %get3A_213 = arith.constant 64 : index
        %get3A_214 = tpu.vector_load %arg18[%get3A_212, %get3A_213] {strides = array<i32>} : memref<64x128xf32, #tpu.memory_space<vmem>>, vector<16xf32>,
        %mul3A_215 = arith.mulf %broadcast_in_dim3A_156, %get3A_214 : vector<16xf32>
        %get3A_216 = arith.index_cast %scan3A_148 : i32 to index
        %get3A_217 = arith.constant 64 : index
        %get3A_218 = tpu.vector_load %arg19[%get3A_216, %get3A_217] {strides = array<i32>} : memref<64x128xf32, #tpu.memory_space<vmem>>, vector<16xf32>,
        %mul3A_219 = arith.constant 1.000000e-01 : f32
        %mul3A_220 = vector.broadcast %mul3A_219 : f32 to vector<16xf32>
        %mul3A_221 = arith.mulf %mul3A_220, %get3A_218 : vector<16xf32>
        %add3A_222 = arith.addf %mul3A_215, %mul3A_221 : vector<16xf32>
        %swap3A_223 = arith.index_cast %scan3A_148 : i32 to index
        %swap3A_224 = arith.constant 64 : index
        %swap3A_225 = tpu.vector_load %arg18[%swap3A_223, %swap3A_224] {strides = array<i32>} : memref<64x128xf32, #tpu.memory_space<vmem>>, vector<16xf32>,
        tpu.vector_store %arg18[%swap3A_223, %swap3A_224], %add3A_222 {strides = array<i32>} : memref<64x128xf32, #tpu.memory_space<vmem>>, vector<16xf32>,
        %get3A_226 = arith.index_cast %scan3A_148 : i32 to index
        %get3A_227 = arith.constant 80 : index
        %get3A_228 = tpu.vector_load %arg18[%get3A_226, %get3A_227] {strides = array<i32>} : memref<64x128xf32, #tpu.memory_space<vmem>>, vector<16xf32>,
        %mul3A_229 = arith.mulf %broadcast_in_dim3A_156, %get3A_228 : vector<16xf32>
        %get3A_230 = arith.index_cast %scan3A_148 : i32 to index
        %get3A_231 = arith.constant 80 : index
        %get3A_232 = tpu.vector_load %arg19[%get3A_230, %get3A_231] {strides = array<i32>} : memref<64x128xf32, #tpu.memory_space<vmem>>, vector<16xf32>,
        %mul3A_233 = arith.constant 1.000000e-01 : f32
        %mul3A_234 = vector.broadcast %mul3A_233 : f32 to vector<16xf32>
        %mul3A_235 = arith.mulf %mul3A_234, %get3A_232 : vector<16xf32>
        %add3A_236 = arith.addf %mul3A_229, %mul3A_235 : vector<16xf32>
        %swap3A_237 = arith.index_cast %scan3A_148 : i32 to index
        %swap3A_238 = arith.constant 80 : index
        %swap3A_239 = tpu.vector_load %arg18[%swap3A_237, %swap3A_238] {strides = array<i32>} : memref<64x128xf32, #tpu.memory_space<vmem>>, vector<16xf32>,
        tpu.vector_store %arg18[%swap3A_237, %swap3A_238], %add3A_236 {strides = array<i32>} : memref<64x128xf32, #tpu.memory_space<vmem>>, vector<16xf32>,
        %get3A_240 = arith.index_cast %scan3A_148 : i32 to index
        %get3A_241 = arith.constant 96 : index
        %get3A_242 = tpu.vector_load %arg18[%get3A_240, %get3A_241] {strides = array<i32>} : memref<64x128xf32, #tpu.memory_space<vmem>>, vector<16xf32>,
        %mul3A_243 = arith.mulf %broadcast_in_dim3A_156, %get3A_242 : vector<16xf32>
        %get3A_244 = arith.index_cast %scan3A_148 : i32 to index
        %get3A_245 = arith.constant 96 : index
        %get3A_246 = tpu.vector_load %arg19[%get3A_244, %get3A_245] {strides = array<i32>} : memref<64x128xf32, #tpu.memory_space<vmem>>, vector<16xf32>,
        %mul3A_247 = arith.constant 1.000000e-01 : f32
        %mul3A_248 = vector.broadcast %mul3A_247 : f32 to vector<16xf32>
        %mul3A_249 = arith.mulf %mul3A_248, %get3A_246 : vector<16xf32>
        %add3A_250 = arith.addf %mul3A_243, %mul3A_249 : vector<16xf32>
        %swap3A_251 = arith.index_cast %scan3A_148 : i32 to index
        %swap3A_252 = arith.constant 96 : index
        %swap3A_253 = tpu.vector_load %arg18[%swap3A_251, %swap3A_252] {strides = array<i32>} : memref<64x128xf32, #tpu.memory_space<vmem>>, vector<16xf32>,
        tpu.vector_store %arg18[%swap3A_251, %swap3A_252], %add3A_250 {strides = array<i32>} : memref<64x128xf32, #tpu.memory_space<vmem>>, vector<16xf32>,
        %get3A_254 = arith.index_cast %scan3A_148 : i32 to index
        %get3A_255 = arith.constant 112 : index
        %get3A_256 = tpu.vector_load %arg18[%get3A_254, %get3A_255] {strides = array<i32>} : memref<64x128xf32, #tpu.memory_space<vmem>>, vector<16xf32>,
        %mul3A_257 = arith.mulf %broadcast_in_dim3A_156, %get3A_256 : vector<16xf32>
        %get3A_258 = arith.index_cast %scan3A_148 : i32 to index
        %get3A_259 = arith.constant 112 : index
        %get3A_260 = tpu.vector_load %arg19[%get3A_258, %get3A_259] {strides = array<i32>} : memref<64x128xf32, #tpu.memory_space<vmem>>, vector<16xf32>,
        %mul3A_261 = arith.constant 1.000000e-01 : f32
        %mul3A_262 = vector.broadcast %mul3A_261 : f32 to vector<16xf32>
        %mul3A_263 = arith.mulf %mul3A_262, %get3A_260 : vector<16xf32>
        %add3A_264 = arith.addf %mul3A_257, %mul3A_263 : vector<16xf32>
        %swap3A_265 = arith.index_cast %scan3A_148 : i32 to index
        %swap3A_266 = arith.constant 112 : index
        %swap3A_267 = tpu.vector_load %arg18[%swap3A_265, %swap3A_266] {strides = array<i32>} : memref<64x128xf32, #tpu.memory_space<vmem>>, vector<16xf32>,
        tpu.vector_store %arg18[%swap3A_265, %swap3A_266], %add3A_264 {strides = array<i32>} : memref<64x128xf32, #tpu.memory_space<vmem>>, vector<16xf32>,
        %scan3A_268 = arith.constant 0 : i32
        scf.yield %scan3A_268 : i32
      }
      %scan3A_146 = arith.constant 64 : i32
      "tpu.region"() ({
        %run_scoped3A = tpu.sem_alloc : memref<!tpu.dma_semaphore, #tpu.memory_space<semaphore_mem>>
        %dma_start3A_148 = arith.constant 0 : i32
        %dma_start3A_149 = arith.constant 0 : i32
        %dma_start3A_150 = tpu.memref_slice %arg18[%dma_start3A_148, %dma_start3A_149] : memref<64x128xf32, #tpu.memory_space<vmem>> -> memref<64x128xf32, #tpu.memory_space<vmem>>
        %dma_start3A_151 = arith.constant 0 : i32
        %dma_start3A_152 = tpu.memref_slice %arg4[%arg0, %add3A_139, %dma_start3A_151] : memref<2x10240x128xf32, #tpu.memory_space<hbm>> -> memref<1x64x128xf32, #tpu.memory_space<hbm>>
        %dma_start3A_153 = tpu.memref_squeeze %dma_start3A_152 : memref<1x64x128xf32, #tpu.memory_space<hbm>> -> memref<64x128xf32, #tpu.memory_space<hbm>>
        %dma_start3A_154 = arith.constant 0 : i32
        %dma_start3A_155 = tpu.memref_slice %arg4[%arg0, %add3A_139, %dma_start3A_154] : memref<2x10240x128xf32, #tpu.memory_space<hbm>> -> memref<1x64x128xf32, #tpu.memory_space<hbm>>
        %dma_start3A_156 = tpu.memref_squeeze %dma_start3A_155 : memref<1x64x128xf32, #tpu.memory_space<hbm>> -> memref<64x128xf32, #tpu.memory_space<hbm>>
        %dma_start3A_157 = arith.constant 0 : i32
        %dma_start3A_158 = arith.constant 0 : i32
        %dma_start3A_159 = tpu.memref_slice %arg18[%dma_start3A_157, %dma_start3A_158] : memref<64x128xf32, #tpu.memory_space<vmem>> -> memref<64x128xf32, #tpu.memory_space<vmem>>
        tpu.enqueue_dma source(%dma_start3A_159 : memref<64x128xf32, #tpu.memory_space<vmem>>) target(%dma_start3A_156 : memref<64x128xf32, #tpu.memory_space<hbm>>) target_semaphore(%run_scoped3A : memref<!tpu.dma_semaphore, #tpu.memory_space<semaphore_mem>>)
        %dma_wait3A_160 = arith.constant 0 : i32
        %dma_wait3A_161 = arith.constant 0 : i32
        %dma_wait3A_162 = tpu.memref_slice %arg18[%dma_wait3A_160, %dma_wait3A_161] : memref<64x128xf32, #tpu.memory_space<vmem>> -> memref<64x128xf32, #tpu.memory_space<vmem>>
        %dma_wait3A_163 = arith.constant 0 : i32
        %dma_wait3A_164 = tpu.memref_slice %arg4[%arg0, %add3A_139, %dma_wait3A_163] : memref<2x10240x128xf32, #tpu.memory_space<hbm>> -> memref<1x64x128xf32, #tpu.memory_space<hbm>>
        %dma_wait3A_165 = tpu.memref_squeeze %dma_wait3A_164 : memref<1x64x128xf32, #tpu.memory_space<hbm>> -> memref<64x128xf32, #tpu.memory_space<hbm>>
        %dma_wait3A_166 = arith.constant 0 : i32
        %dma_wait3A_167 = tpu.memref_slice %arg4[%arg0, %add3A_139, %dma_wait3A_166] : memref<2x10240x128xf32, #tpu.memory_space<hbm>> -> memref<1x64x128xf32, #tpu.memory_space<hbm>>
        %dma_wait3A_168 = tpu.memref_squeeze %dma_wait3A_167 : memref<1x64x128xf32, #tpu.memory_space<hbm>> -> memref<64x128xf32, #tpu.memory_space<hbm>>
        %dma_wait3A_169 = arith.constant 0 : i32
        %dma_wait3A_170 = arith.constant 0 : i32
        %dma_wait3A_171 = tpu.memref_slice %arg18[%dma_wait3A_169, %dma_wait3A_170] : memref<64x128xf32, #tpu.memory_space<vmem>> -> memref<64x128xf32, #tpu.memory_space<vmem>>
        tpu.wait_dma2 semaphore(%run_scoped3A : memref<!tpu.dma_semaphore, #tpu.memory_space<semaphore_mem>>) src(%dma_wait3A_171 : memref<64x128xf32, #tpu.memory_space<vmem>>) dst(%dma_wait3A_168 : memref<64x128xf32, #tpu.memory_space<hbm>>)
        tpu.yield
      }) : () -> ()
      %scan3A_147 = arith.constant 0 : i32
      scf.yield %scan3A_147 : i32
    }
    %scan3A_134 = arith.constant 10 : i32
    return
  }
}

module attributes {stable_mosaic.version = 14 : i64} {
  func.func @_tc_body(%arg0: i32, %arg1: memref<1000x128xf32, #tpu.memory_space<vmem>>, %arg2: memref<128x128xf32, #tpu.memory_space<vmem>>, %arg3: memref<1x128xf32, #tpu.memory_space<vmem>>, %arg4: memref<1x1xf32, #tpu.memory_space<vmem>>, %arg5: memref<1000x128xf32, #tpu.memory_space<vmem>>, %arg6: memref<1x128xf32, #tpu.memory_space<vmem>>) attributes {dimension_semantics = [#tpu.dimension_semantics<arbitrary>], iteration_bounds = array<i64: 10>, scalar_prefetch = 0 : i64, scratch_operands = 0 : i64, tpu.core_type = #tpu.core_type<tc>, window_params = [{transform_indices = @transform_0, window_bounds = array<i64: 1000, 128>}, {pipeline_mode = #tpu.pipeline_mode<synchronous>, transform_indices = @transform_1, window_bounds = array<i64: 128, 128>}, {pipeline_mode = #tpu.pipeline_mode<synchronous>, transform_indices = @transform_2, window_bounds = array<i64: 1, 128>}, {pipeline_mode = #tpu.pipeline_mode<synchronous>, transform_indices = @transform_3, window_bounds = array<i64: 1, 1>}, {transform_indices = @transform_4, window_bounds = array<i64: 1000, 128>}, {pipeline_mode = #tpu.pipeline_mode<synchronous>, transform_indices = @transform_5, window_bounds = array<i64: 1, 128>}]} {
    %get3A = arith.constant 0 : index
    %get3A_0 = arith.constant 0 : index
    %get3A_1 = vector.load %arg1[%get3A, %get3A_0] : memref<1000x128xf32, #tpu.memory_space<vmem>>, vector<1000x128xf32>
    %get3A_2 = arith.constant 0 : index
    %get3A_3 = arith.constant 0 : index
    %get3A_4 = vector.load %arg2[%get3A_2, %get3A_3] : memref<128x128xf32, #tpu.memory_space<vmem>>, vector<128x128xf32>
    %dot_general3A = arith.constant dense<0.000000e+00> : vector<1000x128xf32>
    %dot_general3A_5 = tpu.matmul %get3A_1, %get3A_4, %dot_general3A {dimension_numbers = #tpu.dot_dimension_numbers<[1], [1], [0], [0], [0, 0, 1, 0], [], []>, transpose_lhs_hint = false} : vector<1000x128xf32>, vector<128x128xf32>, vector<1000x128xf32> -> vector<1000x128xf32>
    %get3A_6 = arith.constant 0 : index
    %get3A_7 = arith.constant 0 : index
    %get3A_8 = vector.load %arg3[%get3A_6, %get3A_7] : memref<1x128xf32, #tpu.memory_space<vmem>>, vector<1x128xf32>
    %add3A = vector.broadcast %get3A_8 : vector<1x128xf32> to vector<1000x128xf32>
    %add3A_9 = arith.addf %dot_general3A_5, %add3A : vector<1000x128xf32>
    %get3A_10 = arith.constant 0 : index
    %get3A_11 = arith.constant 0 : index
    %get3A_12 = vector.load %arg4[%get3A_10, %get3A_11] : memref<1x1xf32, #tpu.memory_space<vmem>>, vector<1x1xf32>
    %get3A_13 = vector.extract %get3A_12[0, 0] : f32 from vector<1x1xf32>
    %ge3A = arith.constant 0.000000e+00 : f32
    %ge3A_14 = vector.broadcast %ge3A : f32 to vector<1000x128xf32>
    %ge3A_15 = arith.cmpf oge, %add3A_9, %ge3A_14 : vector<1000x128xf32>
    %mul3A = vector.broadcast %get3A_13 : f32 to vector<1000x128xf32>
    %mul3A_16 = arith.mulf %mul3A, %add3A_9 : vector<1000x128xf32>
    %select_n3A = arith.select %ge3A_15, %add3A_9, %mul3A_16 : vector<1000x128xi1>, vector<1000x128xf32>
    %swap3A = arith.constant 0 : index
    %swap3A_17 = arith.constant 0 : index
    %swap3A_18 = vector.load %arg5[%swap3A, %swap3A_17] : memref<1000x128xf32, #tpu.memory_space<vmem>>, vector<1000x128xf32>
    tpu.vector_store %arg5[%swap3A, %swap3A_17], %select_n3A {strides = array<i32>} : memref<1000x128xf32, #tpu.memory_space<vmem>>, vector<1000x128xf32>,
    %reduce_sum3A = arith.constant dense<0.000000e+00> : vector<128xf32>
    %reduce_sum3A_19 = vector.multi_reduction <add>, %select_n3A, %reduce_sum3A [0] : vector<1000x128xf32> to vector<128xf32>
    %broadcast_in_dim3A = vector.shape_cast %reduce_sum3A_19 : vector<128xf32> to vector<1x128xf32>
    %eq3A = arith.constant 0 : i32
    %eq3A_20 = arith.cmpi eq, %arg0, %eq3A : i32
    %convert_element_type3A = arith.extui %eq3A_20 : i1 to i32
    %cond3A = arith.constant 0 : i32
    %cond3A_21 = arith.cmpi ne, %convert_element_type3A, %cond3A : i32
    scf.if %cond3A_21 {
      %broadcast_in_dim3A_29 = arith.constant 0.000000e+00 : f32
      %broadcast_in_dim3A_30 = vector.broadcast %broadcast_in_dim3A_29 : f32 to vector<1x128xf32>
      %swap3A_31 = arith.constant 0 : index
      %swap3A_32 = arith.constant 0 : index
      %swap3A_33 = vector.load %arg6[%swap3A_31, %swap3A_32] : memref<1x128xf32, #tpu.memory_space<vmem>>, vector<1x128xf32>
      tpu.vector_store %arg6[%swap3A_31, %swap3A_32], %broadcast_in_dim3A_30 {strides = array<i32>} : memref<1x128xf32, #tpu.memory_space<vmem>>, vector<1x128xf32>,
    } else {
    }
    %get3A_22 = arith.constant 0 : index
    %get3A_23 = arith.constant 0 : index
    %get3A_24 = vector.load %arg6[%get3A_22, %get3A_23] : memref<1x128xf32, #tpu.memory_space<vmem>>, vector<1x128xf32>
    %add3A_25 = arith.addf %get3A_24, %broadcast_in_dim3A : vector<1x128xf32>
    %swap3A_26 = arith.constant 0 : index
    %swap3A_27 = arith.constant 0 : index
    %swap3A_28 = vector.load %arg6[%swap3A_26, %swap3A_27] : memref<1x128xf32, #tpu.memory_space<vmem>>, vector<1x128xf32>
    tpu.vector_store %arg6[%swap3A_26, %swap3A_27], %add3A_25 {strides = array<i32>} : memref<1x128xf32, #tpu.memory_space<vmem>>, vector<1x128xf32>,
    return
  }
  func.func @transform_0(%arg0: i32) -> (i32, i32) {
    %c0_i32 = arith.constant 0 : i32
    %c0_i32_0 = arith.constant 0 : i32
    return %arg0, %c0_i32 : i32, i32
  }
  func.func @transform_1(%arg0: i32) -> (i32, i32) {
    %c0_i32 = arith.constant 0 : i32
    %c0_i32_0 = arith.constant 0 : i32
    %c0_i32_1 = arith.constant 0 : i32
    return %c0_i32, %c0_i32_0 : i32, i32
  }
  func.func @transform_2(%arg0: i32) -> (i32, i32) {
    %c0_i32 = arith.constant 0 : i32
    %c0_i32_0 = arith.constant 0 : i32
    %c0_i32_1 = arith.constant 0 : i32
    return %c0_i32, %c0_i32_0 : i32, i32
  }
  func.func @transform_3(%arg0: i32) -> (i32, i32) {
    %c0_i32 = arith.constant 0 : i32
    %c0_i32_0 = arith.constant 0 : i32
    %c0_i32_1 = arith.constant 0 : i32
    return %c0_i32, %c0_i32_0 : i32, i32
  }
  func.func @transform_4(%arg0: i32) -> (i32, i32) {
    %c0_i32 = arith.constant 0 : i32
    %c0_i32_0 = arith.constant 0 : i32
    return %arg0, %c0_i32 : i32, i32
  }
  func.func @transform_5(%arg0: i32) -> (i32, i32) {
    %c0_i32 = arith.constant 0 : i32
    %c0_i32_0 = arith.constant 0 : i32
    %c0_i32_1 = arith.constant 0 : i32
    return %c0_i32, %c0_i32_0 : i32, i32
  }
}

</mosaic_0001>

<sc_bundles>
// kernel: kernel.4.cloned.1.call-start
scs
__scs_entry_jumppad:
0x0: {  	(pc) =	sbr.rel $0x88, $3  }
0x1: {  	(tag) =	ssettag $0x0;
	lr =	simm.s32 $0x1  }
0x2: {  	[smem:$0x3F9C] =	sst lr;
	_ =	strace $0xD0000000  }
0x3: {  	_ = 	snop  }
0x4: {  	_ = 	snop  }
0x5: {  	_ = 	snop  }
0x6: {  	_ = 	snop  }
0x7: {  	_ = 	snop  }
__scs_overlays_trampoline_lowered:
0x8: {  	[smem:$0x3FAB] =	sst s0  }
0x9: {  	[smem:$0x3FAC] =	sst s1  }
0xa: {  	[smem:$0x3FAD] =	sst s2  }
0xb: {  	[smem:$0x3FAE] =	sst s3  }
0xc: {  	[smem:$0x3FAF] =	sst s4  }
0xd: {  	[smem:$0x3FB0] =	sst s5  }
0xe: {  	[smem:$0x3FB1] =	sst s6  }
0xf: {  	[smem:$0x3FB2] =	sst s7  }
0x10: {  	[smem:$0x3FB3] =	sst s8  }
0x11: {  	[smem:$0x3FB4] =	sst s9;
	s0 =	simm.s32 @!p0 $0x0  }
0x12: {  	s1 =	sld [smem:$0x3F9A];
	s0 =	simm.s32 @p0 $0x1  }
0x13: {  	[smem:$0x3FB5] =	sst s0;
	s0 =	simm.s32 @!p1 $0x0  }
0x14: {  	s2 =	sld [smem:$0x3F99];
	s0 =	simm.s32 @p1 $0x1  }
0x15: {  	[smem:$0x3FB6] =	sst s0;
	s0 =	simm.s32 @!p2 $0x0  }
0x16: {  	s3 =	sld [smem:$0x3FDB];
	s0 =	simm.s32 @p2 $0x1  }
0x17: {  	s4 =	simm.s32 $0x1BF5;
	[smem:$0x3FB8] =	sst s0  }
0x18: {  	s0 =	sld [smem:$0x3F9B];
	_ =	swait.ge [sflag:s4], $0x0  }
0x19: {  	s7 =	sld [smem:$0x3F9C]  }
0x1a: {  	s8 =	sadd.s32 $0xFFFFE003, lr  }
0x1b: {  	s9 =	sadd.s32 $0xFFFFFEF7, lr;
	s5 =	simm.s32 $0xFFFFFFFF;
	p2 =	slt.u32 s8, $0xFFFFF086  }
0x1c: {  	p1 =	slt.u32 s9, $0xF7A;
	s5 =	simm.s32 @!p2 $0x0  }
0x1d: {  	s5 =	simm.s32 @p1 $0x1;
	p0 =	seq.s32 s7, s2  }
0x1e: {  	s7 =	smul.u32 @!p0 $0xF7A, s2;
	p2 =	seq.s32 @!p0 s5, $0x0  }
0x1f: {  	s9 =	smul.u32 $0xF7A, s1;
	s8 =	simm.s32 @!p0 $0x1BF5;
	p2 =	por !p2, p0  }
0x20: {  	[sflag:s8] =	ssyncset.s32 @!p0 $0xFFFFF086;
	s6 =	sadd.s32 @!p0 s3, s7;
	s7 =	simm.s32 @!p0 $0x108  }
0x21: {  	s3 =	sadd.s32 s3, s9;
	s6 =	sadd.s32 @!p0 $0x88, s6;
	s7 =	simm.s32 @p2 $0x1082  }
0x22: {  	[simem:s7], [sflag:s8] =	dma.local @!p0 [hbm:s6], $0xF7A  }
0x23: {  	s9 =	sor.u32 $0xD0000000, s2;
	s6 =	simm.s32 $0x108;
	_ =	swait.ge @!p0 [sflag:s8], $0x0  }
0x24: {  	s3 =	sadd.s32 $0x88, s3;
	s6 =	simm.s32 @!p1 $0x1082;
	[sflag:s4] =	ssyncset.s32 $0xFFFFF086  }
0x25: {  	[simem:s6], [sflag:s4] =	dma.local [hbm:s3], $0xF7A  }
0x26: {  	[smem:$0x3F9C] =	sst s1;
	(tag) =	ssettag s2;
	_ =	strace s9  }
0x27: {  	s1 =	sld [smem:$0x3FAC]  }
0x28: {  	s2 =	sld [smem:$0x3FAD]  }
0x29: {  	s4 =	sld [smem:$0x3FAF]  }
0x2a: {  	p0 =	seq.s32 s5, $0x0;
	s5 =	sld [smem:$0x3FB0]  }
0x2b: {  	s6 =	sld [smem:$0x3FB1]  }
0x2c: {  	s7 =	sld [smem:$0x3FB2]  }
0x2d: {  	s3 =	simm.s32 $0x108;
	s8 =	sld [smem:$0x3FB3]  }
0x2e: {  	s3 =	simm.s32 @!p0 $0x1082;
	s9 =	sld [smem:$0x3FB4]  }
0x2f: {  	lr =	sadd.s32 s0, s3;
	s0 =	sld [smem:$0x3FAB]  }
0x30: {  	s3 =	sld [smem:$0x3FAE]  }
0x31: {  	[smem:$0x3FB7] =	sst s10  }
0x32: {  	s10 =	sld [smem:$0x3FB5];
	_ =	sdelay $0x3  }
0x33: {  	p0 =	seq.s32 s10, $0x1;
	s10 =	sld [smem:$0x3FB7];
	_ =	sdelay $0x3  }
0x34: {  	[smem:$0x3FB7] =	sst s10  }
0x35: {  	s10 =	sld [smem:$0x3FB6];
	_ =	sdelay $0x3  }
0x36: {  	p1 =	seq.s32 s10, $0x1;
	s10 =	sld [smem:$0x3FB7];
	_ =	sdelay $0x3  }
0x37: {  	[smem:$0x3FB7] =	sst s10  }
0x38: {  	s10 =	sld [smem:$0x3FB8]  }
0x39: {  	_ = 	snop;
	(pc) =	sbr.ind lr, $3  }
0x3a: {  	_ = 	snop  }
0x3b: {  	_ = 	snop  }
0x3c: {  	p2 =	seq.s32 s10, $0x1;
	s10 =	sld [smem:$0x3FB7]  }
0x3d: {  	_ =	shalt  }
0x3e: {  	_ =	shalt  }
0x3f: {  	_ =	shalt  }
0x40: {  	_ =	shalt  }
0x41: {  	_ =	shalt  }
0x42: {  	_ =	shalt  }
0x43: {  	_ =	shalt  }
0x44: {  	_ =	shalt  }
0x45: {  	_ =	shalt  }
0x46: {  	_ =	shalt  }
0x47: {  	_ =	shalt  }
0x48: {  	_ =	shalt  }
0x49: {  	_ =	shalt  }
0x4a: {  	_ =	shalt  }
0x4b: {  	_ =	shalt  }
0x4c: {  	_ =	shalt  }
0x4d: {  	_ =	shalt  }
0x4e: {  	_ =	shalt  }
0x4f: {  	_ =	shalt  }
0x50: {  	_ =	shalt  }
0x51: {  	_ =	shalt  }
0x52: {  	_ =	shalt  }
0x53: {  	_ =	shalt  }
0x54: {  	_ =	shalt  }
0x55: {  	_ =	shalt  }
0x56: {  	_ =	shalt  }
0x57: {  	_ =	shalt  }
0x58: {  	_ =	shalt  }
0x59: {  	_ =	shalt  }
0x5a: {  	_ =	shalt  }
0x5b: {  	_ =	shalt  }
0x5c: {  	_ =	shalt  }
0x5d: {  	_ =	shalt  }
0x5e: {  	_ =	shalt  }
0x5f: {  	_ =	shalt  }
0x60: {  	_ =	shalt  }
0x61: {  	_ =	shalt  }
0x62: {  	_ =	shalt  }
0x63: {  	_ =	shalt  }
0x64: {  	_ =	shalt  }
0x65: {  	_ =	shalt  }
0x66: {  	_ =	shalt  }
0x67: {  	_ =	shalt  }
0x68: {  	_ =	shalt  }
0x69: {  	_ =	shalt  }
0x6a: {  	_ =	shalt  }
0x6b: {  	_ =	shalt  }
0x6c: {  	_ =	shalt  }
0x6d: {  	_ =	shalt  }
0x6e: {  	_ =	shalt  }
0x6f: {  	_ =	shalt  }
0x70: {  	_ =	shalt  }
0x71: {  	_ =	shalt  }
0x72: {  	_ =	shalt  }
0x73: {  	_ =	shalt  }
0x74: {  	_ =	shalt  }
0x75: {  	_ =	shalt  }
0x76: {  	_ =	shalt  }
0x77: {  	_ =	shalt  }
0x78: {  	_ =	shalt  }
0x79: {  	_ =	shalt  }
0x7a: {  	_ =	shalt  }
0x7b: {  	_ =	shalt  }
0x7c: {  	_ =	shalt  }
0x7d: {  	_ =	shalt  }
0x7e: {  	_ =	shalt  }
0x7f: {  	_ =	shalt  }
0x80: {  	_ =	shalt  }
0x81: {  	_ =	shalt  }
0x82: {  	_ =	shalt  }
0x83: {  	_ =	shalt  }
0x84: {  	_ =	shalt  }
0x85: {  	_ =	shalt  }
0x86: {  	_ =	shalt  }
0x87: {  	_ =	shalt  }
.Lfunc_end0:
.L_simem_size_0:
called_computation_lowered:
.L_overlay_start_0:
0x88: {  	s2 =	sld [smem:$0x3FD9]  }
0x89: {  	s3 =	sld [smem:$0x3FFE];
	_ =	sdelay $0x1  }
0x8a: {  	s1 =	srdreg.scid  }
0x8b: {  	s0 =	sand.u32 $0x1, s1  }
0x8c: {  	s14 =	sshll.u32 s0, $0xA;
	s2 =	sadd.s32 s3, s2  }
0x8d: {  	s2 =	sadd.s32 s2, s14  }
0x8e: {  	[smem:$0x3FC3] =	sst s2  }
0x8f: {  	_ = 	snop  }
0x90: {  	s2 =	sld [smem:$0x3FD0];
	_ =	sdelay $0x2  }
0x91: {  	s15 =	simm.s32 $0xA;
	s4 =	simm.s32 $0x10  }
0x92: {  	[smem:s4], [sflag:s15] =	dma.local [hbm:s2], $0x1  }
0x93: {  	_ =	swait.eq [sflag:s15], $0x1  }
0x94: {  	[sflag:s15] =	ssyncset.done $0x0  }
0x95: {  	[sflag:s15] =	ssyncadd.s32 $0xFFFFFFFF  }
0x96: {  	s16 =	sld [smem:$0x10];
	(tm) =	ssettm $0x1  }
0x97: {  	s17 =	sld [smem:$0x3FFB];
	_ =	sdelay $0x3  }
0x98: {  	_ =	strace s17  }
0x99: {  	s3 =	sld [smem:$0x3FFC];
	_ =	sdelay $0x3  }
0x9a: {  	_ =	strace s3  }
0x9b: {  	s3 =	sld [smem:$0x3FFD];
	_ =	sdelay $0x3  }
0x9c: {  	_ =	strace s3  }
0x9d: {  	_ =	strace $0x8FFFFFFF  }
0x9e: {  	s18 =	sld [smem:$0x3FDB];
	_ =	sdelay $0x1  }
0x9f: {  	s19 =	simm.s32 $_scs_section_size  }
0xa0: {  	s5 =	simm.s32 $_size__tile_overlayer_lowered;
	s6 =	simm.s32 $_tile_overlayer_lowered  }
0xa1: {  	s22 =	simm.s32 $0x1BFF;
	s21 =	sshll.u32 s6, $0x1;
	s3 =	sadd.s32 s19, s18  }
0xa2: {  	s7 =	simm.s32 $0x0;
	s20 =	sshll.u32 s5, $0x1;
	s5 =	sadd.s32 s21, s3  }
0xa3: {  	[timem:s7], [sflag:s22] =	dma.local [hbm:s5], s20  }
0xa4: {  	_ =	swait.ge [sflag:s22], s20  }
0xa5: {  	s4 =	ssub.s32 $0x0, s20;
	[sflag:s22] =	ssyncset.done $0x0  }
0xa6: {  	[sflag:s22] =	ssyncadd.s32 s4;
	_ =	sdelay $0x1  }
0xa7: {  	s23 =	simm.s32 $0x1B8B  }
0xa8: {  	_ =	swait.ge [sflag:s23], $0x1  }
0xa9: {  	[sflag:s23] =	ssyncset.done $0x0  }
0xaa: {  	s25 =	simm.s32 $0x1B8E;
	s24 =	sld [smem:$0x3FFE];
	[sflag:s23] =	ssyncadd.s32 $0xFFFFFFFF  }
0xab: {  	s26 =	simm.s32 $execute0_lowered;
	[smem:$0x3FD2] =	sst s25  }
0xac: {  	s5 =	sshll.u32 s26, $0x1;
	_ =	strace $0x80000046;
	[dreg:$0x1] =	wrdreg $0xFFFFFFFF  }
0xad: {  	s28 =	simm.s32 $_size_execute0_lowered;
	s3 =	sadd.s32 s3, s5;
	[dreg:$0x0] =	wrdreg $0x0  }
0xae: {  	s5 =	sshll.u32 s28, $0x1;
	[dreg:$0x2] =	wrdreg s3  }
0xaf: {  	[dreg:$0x3] =	wrdreg s5  }
0xb0: {  	[dreg:$0x4] =	wrdreg $0xC0  }
0xb1: {  	_ =	task [dreg:s7], $0x5FFFF  }
0xb2: {  	[dreg:$0x1] =	wrdreg $0xFFFFFFFF  }
0xb3: {  	[dreg:$0x0] =	wrdreg $0x60  }
0xb4: {  	[dreg:$0x2] =	wrdreg s24  }
0xb5: {  	[dreg:$0x3] =	wrdreg s16  }
0xb6: {  	[dreg:$0x4] =	wrdreg $0x0  }
0xb7: {  	[dreg:$0x5] =	wrdreg $0x9  }
0xb8: {  	_ =	task.clear_ibuf [dreg:s7], $0x6FFFF;
	_ =	strace $0x90000046  }
0xb9: {  	s29 =	simm.s32 $0x9;
	_ =	strace $0x80000048  }
0xba: {  	_ =	swait.ge [sflag:s29], $0x1  }
0xbb: {  	[sflag:s29] =	ssyncadd.s32 $0xFFFFFFFF  }
0xbc: {  	_ =	strace $0x90000048  }
0xbd: {  	_ =	sfence  }
0xbe: {  	s30 =	sld [smem:$0x0];
	_ =	sdelay $0x2  }
0xbf: {  	s31 =	sshll.u32 s1, $0xD;
	s1 =	sshrl.u32 s1, $0x2  }
0xc0: {  	s3 =	sand.u32 $0x4000, s31;
	s1 =	sadd.s32 s1, s30  }
0xc1: {  	s0 =	sor.u32 s3, s0;
	s1 =	sshll.u32 s1, $0x11  }
0xc2: {  	s0 =	sor.u32 s1, s0  }
0xc3: {  	s0 =	sadd.s32 $0x8F2B, s0  }
0xc4: {  	[sflag:s0] =	ssyncadd.remote.s32 $0x1  }
0xc5: {  	_ =	sfence.sel $0xFFFF  }
0xc6: {  	[dreg:$0x0] =	wrdreg $0xFFFFFFFF;
	(pc) =	sbr.abs _section_cstart, $3  }
0xc7: {  	[dreg:$0x1] =	wrdreg $0xFFFFFFFF  }
0xc8: {  	_ =	task.clear_ibuf [dreg:s7], $0x2FFFF;
	_ =	strace $0x9FFFFFFF  }
0xc9: {  	(tm) =	ssettm $0x7FFFFFFF  }
tec
execute0_lowered:
.L_overlay_start_1:
0x0: {  	(tag) =	ssettag $0x1  }
0x1: {  	s0 =	rddreg [dreg:$0x0]  }
0x2: {  	s12 =	rddreg [dreg:$0x1]  }
0x3: {  	s2 =	rddreg [dreg:$0x2];
	s3 =	simm.s32 $0x0  }
0x4: {  	s1 =	srdreg.scid;
	s7 =	stileid.u32;
	s31 =	simm.s32 $0x18C00  }
0x5: {  	s17 =	simm.s32 $0x14180;
	s30 =	simm.s32 $0x14300;
	s28 =	simm.s32 $0x1AC00  }
0x6: {  	[smem:$0x7FF] =	sst s3;
	s21 =	sadd.s32 $0x1C00, s0;
	s20 =	sadd.s32 $0x14BC00, s0  }
0x7: {  	s4 =	sadd.s32 $0x51C00, s0;
	s1 =	sand.u32 $0x1, s1;
	s18 =	smul.u32 $0x5000, s7  }
0x8: {  	s11 =	sadd.s32 $0x10, s12;
	_ =	strace $0x80000047;
	[dreg:$0x6] =	wrdreg s4  }
0x9: {  	s8 =	sadd.s32 $0xA1C00, s0;
	s23 =	smul.u32 $0x280, s7;
	[dreg:$0xd] =	wrdreg s11  }
0xa: {  	s25 =	sadd.s32 $0x141C00, s0;
	s29 =	smul.u32 $0xA00, s7;
	[dreg:$0x4] =	wrdreg s21  }
0xb: {  	s5 =	ssub.s32 $0x2, s1;
	s9 =	smul.u32 $0x2800, s1;
	[dreg:$0x5] =	wrdreg s20  }
0xc: {  	s19 =	sshll.u32 s1, $0x7;
	s1 =	smul.u32 $0x140000, s1;
	[dreg:$0x8] =	wrdreg s25  }
0xd: {  	s22 =	sshrl.u32 s5, $0x1;
	s6 =	sor.u32 s19, s18;
	[dreg:$0x9] =	wrdreg s23  }
0xe: {  	s26 =	sshrl.u32 s18, $0x3;
	s14 =	sor.u32 $0x200, s18;
	[dreg:$0x7] =	wrdreg s19  }
0xf: {  	s15 =	sadd.s32 s29, s12;
	s23 =	simm.s32 $0x14100;
	[dreg:$0xe] =	wrdreg s1  }
0x10: {  	s18 =	simm.s32 $0x40;
	s0 =	ssub.s32 s5, s22;
	[dreg:$0x12] =	wrdreg s14  }
0x11: {  	s24 =	sshrl.u32 s6, $0x3;
	s10 =	sadd.s32 s12, s26;
	[dreg:$0xa] =	wrdreg s9  }
0x12: {  	s11 =	sadd.s32 s26, s11;
	s16 =	sadd.s32 $0x5000, s9;
	[dreg:$0x13] =	wrdreg s15  }
0x13: {  	s29 =	sadd.s32 $0xA000, s15;
	s22 =	simm.s32 $0x14000;
	[dreg:$0x10] =	wrdreg s11  }
0x14: {  	s14 =	simm.s32 $0x14080;
	s6 =	simm.s32 $0x6;
	[dreg:$0xc] =	wrdreg s10  }
0x15: {  	s9 =	simm.s32 $0x1;
	s5 =	sadd.s32 s25, s24;
	[dreg:$0x15] =	wrdreg s29  }
0x16: {  	s26 =	simm.s32 $0x3;
	s7 =	sadd.s32 $0xA000, s10;
	[dreg:$0xb] =	wrdreg s5  }
0x17: {  	s12 =	simm.s32 $0x0;
	s13 =	sadd.s32 $0xA010, s10;
	[dreg:$0xf] =	wrdreg s7  }
0x18: {  	s0 =	smax.u32 s0, $0x1;
	s24 =	simm.s32 $0x14380;
	[dreg:$0x11] =	wrdreg s13  }
0x19: {  	s10 =	simm.s32 $0x2;
	s11 =	simm.s32 $0x5;
	[dreg:$0x14] =	wrdreg s0  }
0x1a: {  	v1 =	vimm.f32 $0.0e+00;
	v2 =	vimm.f32 $1.000000000e+00;
	v0 =	vmov s16;
	s0 =	simm.s32 $0x16C00;
	s5 =	simm.s32 $0x1CC00;
	s7 =	simm.s32 $0x4  }
.LBB2_1:
0x1b: {  	[dreg:$0x16] =	wrdreg s12;
	s1 =	simm.s32 $0x0  }
.LBB2_2:
0x1c: {  	p0 =	sne.s32 s1, $0x9FC0  }
.Ltmp0:
0x1d: {  	_ = 	snop;
	(pc) =	sbr.rel @p0 .LBB2_2-.Ltmp0, $3  }
0x1e: {  	_ =	sdelay $0x1  }
0x1f: {  	s12 =	sshra.s32 s1, $0x2  }
0x20: {  	s1 =	sadd.s32 $0x40, s1;
	[tilespmem:s12+$0x14400] =	vst v1  }
0x21: {  	s1 =	simm.s32 $0x0  }
0x22: {  	s15 =	rddreg [dreg:$0x13];
	s16 =	simm.s32 $0x7;
	s29 =	simm.s32 $0x14400  }
.LBB2_4:
0x23: {  	s12 =	sadd.s32 s1, s15  }
0x24: {  	[tilespmem:s22], [sflag:$0x7] =	stream.linear.gather [hbm4b:s12+s3], $0x80, $0x38;
	[tilespmem:$0x1F780] =	vst v63  }
0x25: {  	_ =	swait.ge [sflag:s16], $0x80  }
0x26: {  	[sflag:s16] =	ssyncset.done $0x0  }
0x27: {  	[sflag:s16] =	ssyncadd.s32 $0xFFFFFF80  }
0x28: {  	v3 =	vld [tilespmem:$0x14000];
	_ =	sdelay $0x7  }
0x29: {  	[tilespmem:v3+s29+$0x0] =	vst.idx.add.f32.msk $0xffff, v2  }
0x2a: {  	v3 =	vld [tilespmem:$0x14010];
	_ =	sdelay $0x7  }
0x2b: {  	[tilespmem:v3+s29+$0x0] =	vst.idx.add.f32.msk $0xffff, v2  }
0x2c: {  	v3 =	vld [tilespmem:$0x14020];
	_ =	sdelay $0x7  }
0x2d: {  	[tilespmem:v3+s29+$0x0] =	vst.idx.add.f32.msk $0xffff, v2  }
0x2e: {  	v3 =	vld [tilespmem:$0x14030];
	_ =	sdelay $0x7  }
0x2f: {  	[tilespmem:v3+s29+$0x0] =	vst.idx.add.f32.msk $0xffff, v2  }
0x30: {  	v3 =	vld [tilespmem:$0x14040];
	_ =	sdelay $0x7  }
0x31: {  	[tilespmem:v3+s29+$0x0] =	vst.idx.add.f32.msk $0xffff, v2  }
0x32: {  	v3 =	vld [tilespmem:$0x14050];
	_ =	sdelay $0x7  }
0x33: {  	[tilespmem:v3+s29+$0x0] =	vst.idx.add.f32.msk $0xffff, v2  }
0x34: {  	v3 =	vld [tilespmem:$0x14060];
	_ =	sdelay $0x7  }
0x35: {  	[tilespmem:v3+s29+$0x0] =	vst.idx.add.f32.msk $0xffff, v2  }
0x36: {  	v3 =	vld [tilespmem:$0x14070];
	_ =	sdelay $0x2  }
0x37: {  	p0 =	sne.s32 s1, $0x9F0  }
.Ltmp1:
0x38: {  	_ = 	snop;
	(pc) =	sbr.rel @p0 .LBB2_4-.Ltmp1, $2  }
0x39: {  	_ =	sdelay $0x2  }
0x3a: {  	s1 =	sadd.s32 $0x10, s1;
	[tilespmem:v3+s29+$0x0] =	vst.idx.add.f32.msk $0xffff, v2  }
0x3b: {  	s1 =	rddreg [dreg:$0xb];
	s12 =	simm.s32 $0x80;
	s15 =	simm.s32 $0x100  }
0x3c: {  	[hbm4b:s1+s12] =	stream.strided.scatter [tilespmem:s29], [sflag:$0x7], $0x2800, s15, s12, $0x38;
	[tilespmem:$0x1F780] =	vst v63  }
0x3d: {  	_ =	swait.ge [sflag:s16], $0x2800  }
0x3e: {  	[sflag:s16] =	ssyncset.done $0x0  }
0x3f: {  	[sflag:s16] =	ssyncadd.s32 $0xFFFFD800  }
0x40: {  	[bflag:$0x0] =	sbarrier.arrive $0xFFFF  }
0x41: {  	[tilespmem:$0x1EE80] =	vst v1  }
0x42: {  	[tilespmem:$0x1EE90] =	vst v1  }
0x43: {  	[tilespmem:$0x1EEA0] =	vst v1  }
0x44: {  	[tilespmem:$0x1EEB0] =	vst v1  }
0x45: {  	[tilespmem:$0x1EEC0] =	vst v1  }
0x46: {  	[tilespmem:$0x1EED0] =	vst v1  }
0x47: {  	[tilespmem:$0x1EEE0] =	vst v1  }
0x48: {  	[tilespmem:$0x1EEF0] =	vst v1  }
0x49: {  	[tilespmem:$0x1EF00] =	vst v1  }
0x4a: {  	[tilespmem:$0x1EF10] =	vst v1  }
0x4b: {  	[tilespmem:$0x1EF20] =	vst v1  }
0x4c: {  	[tilespmem:$0x1EF30] =	vst v1  }
0x4d: {  	[tilespmem:$0x1EF40] =	vst v1  }
0x4e: {  	[tilespmem:$0x1EF50] =	vst v1  }
0x4f: {  	[tilespmem:$0x1EF60] =	vst v1  }
0x50: {  	[tilespmem:$0x1EF70] =	vst v1  }
0x51: {  	[tilespmem:$0x1EF80] =	vst v1  }
0x52: {  	[tilespmem:$0x1EF90] =	vst v1  }
0x53: {  	[tilespmem:$0x1EFA0] =	vst v1  }
0x54: {  	[tilespmem:$0x1EFB0] =	vst v1  }
0x55: {  	[tilespmem:$0x1EFC0] =	vst v1  }
0x56: {  	[tilespmem:$0x1EFD0] =	vst v1  }
0x57: {  	[tilespmem:$0x1EFE0] =	vst v1  }
0x58: {  	[tilespmem:$0x1EFF0] =	vst v1  }
0x59: {  	[tilespmem:$0x1F000] =	vst v1  }
0x5a: {  	[tilespmem:$0x1F010] =	vst v1  }
0x5b: {  	[tilespmem:$0x1F020] =	vst v1  }
0x5c: {  	[tilespmem:$0x1F030] =	vst v1  }
0x5d: {  	[tilespmem:$0x1F040] =	vst v1  }
0x5e: {  	[tilespmem:$0x1F050] =	vst v1  }
0x5f: {  	[tilespmem:$0x1F060] =	vst v1  }
0x60: {  	[tilespmem:$0x1F070] =	vst v1  }
0x61: {  	[tilespmem:$0x1F080] =	vst v1  }
0x62: {  	[tilespmem:$0x1F090] =	vst v1  }
0x63: {  	[tilespmem:$0x1F0A0] =	vst v1  }
0x64: {  	[tilespmem:$0x1F0B0] =	vst v1  }
0x65: {  	[tilespmem:$0x1F0C0] =	vst v1  }
0x66: {  	[tilespmem:$0x1F0D0] =	vst v1  }
0x67: {  	[tilespmem:$0x1F0E0] =	vst v1  }
0x68: {  	[tilespmem:$0x1F0F0] =	vst v1  }
0x69: {  	s29 =	simm.s32 $0x80;
	s1 =	simm.s32 $0x0;
	[tilespmem:$0x1F100] =	vst v1  }
.LBB2_6:
0x6a: {  	s12 =	smul.u32 $0x2800, s1  }
0x6b: {  	s15 =	rddreg [dreg:$0x9]  }
0x6c: {  	s12 =	sadd.s32 s15, s12  }
0x6d: {  	s12 =	sshll.u32 s12, $0x1  }
0x6e: {  	s12 =	sor.u32 s19, s12  }
0x6f: {  	s13 =	simm.s32 $0x100;
	s12 =	sshrl.u32 s12, $0x3  }
0x70: {  	s16 =	simm.s32 $0x1EC00;
	s20 =	simm.s32 $0x7;
	s12 =	sadd.s32 s25, s12  }
0x71: {  	[tilespmem:s16], [sflag:$0x7] =	stream.strided.gather [hbm4b:s12+s29], $0x280, s13, s29, $0x38;
	[tilespmem:$0x1F780] =	vst v63  }
0x72: {  	_ =	swait.ge [sflag:s20], $0x280  }
0x73: {  	[sflag:s20] =	ssyncset.done $0x0  }
0x74: {  	s12 =	simm.s32 $0x0;
	[sflag:s20] =	ssyncadd.s32 $0xFFFFFD80  }
0x75: {  	s16 =	simm.s32 $0x40;
	v3 =	vld [tilespmem:s12+$0x1EC00]  }
.LBB2_7:
0x76: {  	p0 =	sne.s32 s16, $0x9C0;
	v4 =	vld [tilespmem:s12+$0x1EE80];
	_ =	sdelay $0x2  }
.Ltmp2:
0x77: {  	(pc) =	sbr.rel @p0 .LBB2_7-.Ltmp2, $4  }
0x78: {  	_ = 	snop  }
0x79: {  	v4 =	vadd.f32 v3, v4  }
0x7a: {  	s15 =	sshra.s32 s16, $0x2  }
0x7b: {  	s16 =	sadd.s32 $0x40, s16;
	v3 =	vld [tilespmem:s15+$0x1EC00];
	[tilespmem:s12+$0x1EE80] =	vst v4;
	s12 =	smov.u32 s15  }
0x7c: {  	v4 =	vld [tilespmem:s12+$0x1EE80]  }
0x7d: {  	s1 =	sadd.s32 $0x1, s1  }
0x7e: {  	p0 =	sne.s32 s1, $0x10  }
.Ltmp3:
0x7f: {  	_ = 	snop;
	(pc) =	sbr.rel @p0 .LBB2_6-.Ltmp3, $3  }
0x80: {  	_ = 	snop  }
0x81: {  	v3 =	vadd.f32 v3, v4;
	_ =	sdelay $0x1  }
0x82: {  	[tilespmem:s12+$0x1EE80] =	vst v3  }
0x83: {  	[bflag:$0x0] =	sbarrier.arrive $0xFFFF  }
0x84: {  	s1 =	simm.s32 $0x0;
	s12 =	simm.s32 $0x40;
	s15 =	simm.s32 $0x0  }
.LBB2_10:
0x85: {  	p0 =	sne.s32 s12, $0x9FC0;
	[tilespmem:s15+$0x14400] =	vst v1;
	s15 =	smov.u32 s12;
	s12 =	sadd.s32 $0x40, s12  }
.Ltmp4:
0x86: {  	(pc) =	sbr.rel @p0 .LBB2_10-.Ltmp4, $2  }
0x87: {  	_ =	sdelay $0x2  }
0x88: {  	s15 =	sshra.s32 s15, $0x2  }
0x89: {  	[tilespmem:s15+$0x14400] =	vst v1;
	s15 =	rddreg [dreg:$0x15];
	s16 =	simm.s32 $0x7;
	s29 =	simm.s32 $0x14400  }
.LBB2_12:
0x8a: {  	s12 =	sadd.s32 s1, s15  }
0x8b: {  	[tilespmem:s22], [sflag:$0x7] =	stream.linear.gather [hbm4b:s12+s3], $0x80, $0x38;
	[tilespmem:$0x1F780] =	vst v63  }
0x8c: {  	_ =	swait.ge [sflag:s16], $0x80  }
0x8d: {  	[sflag:s16] =	ssyncset.done $0x0  }
0x8e: {  	[sflag:s16] =	ssyncadd.s32 $0xFFFFFF80  }
0x8f: {  	v3 =	vld [tilespmem:$0x14000];
	_ =	sdelay $0x7  }
0x90: {  	[tilespmem:v3+s29+$0x0] =	vst.idx.add.f32.msk $0xffff, v2  }
0x91: {  	v3 =	vld [tilespmem:$0x14010];
	_ =	sdelay $0x7  }
0x92: {  	[tilespmem:v3+s29+$0x0] =	vst.idx.add.f32.msk $0xffff, v2  }
0x93: {  	v3 =	vld [tilespmem:$0x14020];
	_ =	sdelay $0x7  }
0x94: {  	[tilespmem:v3+s29+$0x0] =	vst.idx.add.f32.msk $0xffff, v2  }
0x95: {  	v3 =	vld [tilespmem:$0x14030];
	_ =	sdelay $0x7  }
0x96: {  	[tilespmem:v3+s29+$0x0] =	vst.idx.add.f32.msk $0xffff, v2  }
0x97: {  	v3 =	vld [tilespmem:$0x14040];
	_ =	sdelay $0x7  }
0x98: {  	[tilespmem:v3+s29+$0x0] =	vst.idx.add.f32.msk $0xffff, v2  }
0x99: {  	v3 =	vld [tilespmem:$0x14050];
	_ =	sdelay $0x7  }
0x9a: {  	[tilespmem:v3+s29+$0x0] =	vst.idx.add.f32.msk $0xffff, v2  }
0x9b: {  	v3 =	vld [tilespmem:$0x14060];
	_ =	sdelay $0x7  }
0x9c: {  	[tilespmem:v3+s29+$0x0] =	vst.idx.add.f32.msk $0xffff, v2  }
0x9d: {  	v3 =	vld [tilespmem:$0x14070];
	_ =	sdelay $0x2  }
0x9e: {  	p0 =	sne.s32 s1, $0x9F0  }
.Ltmp5:
0x9f: {  	_ = 	snop;
	(pc) =	sbr.rel @p0 .LBB2_12-.Ltmp5, $2  }
0xa0: {  	_ =	sdelay $0x2  }
0xa1: {  	s1 =	sadd.s32 $0x10, s1;
	[tilespmem:v3+s29+$0x0] =	vst.idx.add.f32.msk $0xffff, v2  }
0xa2: {  	s1 =	rddreg [dreg:$0xb];
	s12 =	simm.s32 $0x80;
	s15 =	simm.s32 $0x100  }
0xa3: {  	[hbm4b:s1+s12] =	stream.strided.scatter [tilespmem:s29], [sflag:$0x7], $0x2800, s15, s12, $0x38;
	[tilespmem:$0x1F780] =	vst v63  }
0xa4: {  	_ =	swait.ge [sflag:s16], $0x2800  }
0xa5: {  	[sflag:s16] =	ssyncset.done $0x0  }
0xa6: {  	[sflag:s16] =	ssyncadd.s32 $0xFFFFD800  }
0xa7: {  	[bflag:$0x0] =	sbarrier.arrive $0xFFFF  }
0xa8: {  	[tilespmem:$0x1F180] =	vst v1  }
0xa9: {  	[tilespmem:$0x1F190] =	vst v1  }
0xaa: {  	[tilespmem:$0x1F1A0] =	vst v1  }
0xab: {  	[tilespmem:$0x1F1B0] =	vst v1  }
0xac: {  	[tilespmem:$0x1F1C0] =	vst v1  }
0xad: {  	[tilespmem:$0x1F1D0] =	vst v1  }
0xae: {  	[tilespmem:$0x1F1E0] =	vst v1  }
0xaf: {  	[tilespmem:$0x1F1F0] =	vst v1  }
0xb0: {  	[tilespmem:$0x1F200] =	vst v1  }
0xb1: {  	[tilespmem:$0x1F210] =	vst v1  }
0xb2: {  	[tilespmem:$0x1F220] =	vst v1  }
0xb3: {  	[tilespmem:$0x1F230] =	vst v1  }
0xb4: {  	[tilespmem:$0x1F240] =	vst v1  }
0xb5: {  	[tilespmem:$0x1F250] =	vst v1  }
0xb6: {  	[tilespmem:$0x1F260] =	vst v1  }
0xb7: {  	[tilespmem:$0x1F270] =	vst v1  }
0xb8: {  	[tilespmem:$0x1F280] =	vst v1  }
0xb9: {  	[tilespmem:$0x1F290] =	vst v1  }
0xba: {  	[tilespmem:$0x1F2A0] =	vst v1  }
0xbb: {  	[tilespmem:$0x1F2B0] =	vst v1  }
0xbc: {  	[tilespmem:$0x1F2C0] =	vst v1  }
0xbd: {  	[tilespmem:$0x1F2D0] =	vst v1  }
0xbe: {  	[tilespmem:$0x1F2E0] =	vst v1  }
0xbf: {  	[tilespmem:$0x1F2F0] =	vst v1  }
0xc0: {  	[tilespmem:$0x1F300] =	vst v1  }
0xc1: {  	[tilespmem:$0x1F310] =	vst v1  }
0xc2: {  	[tilespmem:$0x1F320] =	vst v1  }
0xc3: {  	[tilespmem:$0x1F330] =	vst v1  }
0xc4: {  	[tilespmem:$0x1F340] =	vst v1  }
0xc5: {  	[tilespmem:$0x1F350] =	vst v1  }
0xc6: {  	[tilespmem:$0x1F360] =	vst v1  }
0xc7: {  	[tilespmem:$0x1F370] =	vst v1  }
0xc8: {  	[tilespmem:$0x1F380] =	vst v1  }
0xc9: {  	[tilespmem:$0x1F390] =	vst v1  }
0xca: {  	[tilespmem:$0x1F3A0] =	vst v1  }
0xcb: {  	[tilespmem:$0x1F3B0] =	vst v1  }
0xcc: {  	[tilespmem:$0x1F3C0] =	vst v1  }
0xcd: {  	[tilespmem:$0x1F3D0] =	vst v1  }
0xce: {  	[tilespmem:$0x1F3E0] =	vst v1  }
0xcf: {  	[tilespmem:$0x1F3F0] =	vst v1  }
0xd0: {  	s29 =	simm.s32 $0x80;
	s1 =	simm.s32 $0x0;
	[tilespmem:$0x1F400] =	vst v1  }
.LBB2_14:
0xd1: {  	s12 =	smul.u32 $0x2800, s1  }
0xd2: {  	s15 =	rddreg [dreg:$0x9]  }
0xd3: {  	s12 =	sadd.s32 s15, s12  }
0xd4: {  	s12 =	sshll.u32 s12, $0x1  }
0xd5: {  	s12 =	sor.u32 s19, s12  }
0xd6: {  	s13 =	simm.s32 $0x100;
	s12 =	sshrl.u32 s12, $0x3  }
0xd7: {  	s16 =	simm.s32 $0x1EC00;
	s20 =	simm.s32 $0x7;
	s12 =	sadd.s32 s25, s12  }
0xd8: {  	[tilespmem:s16], [sflag:$0x7] =	stream.strided.gather [hbm4b:s12+s29], $0x280, s13, s29, $0x38;
	[tilespmem:$0x1F780] =	vst v63  }
0xd9: {  	_ =	swait.ge [sflag:s20], $0x280  }
0xda: {  	[sflag:s20] =	ssyncset.done $0x0  }
0xdb: {  	s12 =	simm.s32 $0x0;
	[sflag:s20] =	ssyncadd.s32 $0xFFFFFD80  }
0xdc: {  	s16 =	simm.s32 $0x40;
	v3 =	vld [tilespmem:s12+$0x1EC00]  }
.LBB2_15:
0xdd: {  	p0 =	sne.s32 s16, $0x9C0;
	v4 =	vld [tilespmem:s12+$0x1F180];
	_ =	sdelay $0x2  }
.Ltmp6:
0xde: {  	(pc) =	sbr.rel @p0 .LBB2_15-.Ltmp6, $4  }
0xdf: {  	_ = 	snop  }
0xe0: {  	v4 =	vadd.f32 v3, v4  }
0xe1: {  	s15 =	sshra.s32 s16, $0x2  }
0xe2: {  	s16 =	sadd.s32 $0x40, s16;
	v3 =	vld [tilespmem:s15+$0x1EC00];
	[tilespmem:s12+$0x1F180] =	vst v4;
	s12 =	smov.u32 s15  }
0xe3: {  	v4 =	vld [tilespmem:s12+$0x1F180]  }
0xe4: {  	s1 =	sadd.s32 $0x1, s1  }
0xe5: {  	p0 =	sne.s32 s1, $0x10  }
.Ltmp7:
0xe6: {  	_ = 	snop;
	(pc) =	sbr.rel @p0 .LBB2_14-.Ltmp7, $3  }
0xe7: {  	_ = 	snop  }
0xe8: {  	v3 =	vadd.f32 v3, v4;
	_ =	sdelay $0x1  }
0xe9: {  	[tilespmem:s12+$0x1F180] =	vst v3  }
0xea: {  	[bflag:$0x0] =	sbarrier.arrive $0xFFFF;
	s16 =	simm.s32 $0x0  }
0xeb: {  	v3 =	vld [tilespmem:s16+$0x1EE80]  }
0xec: {  	v4 =	vld [tilespmem:s16+$0x1F180];
	_ =	sdelay $0x3  }
0xed: {  	v3 =	vmax.f32 v3, $1.000000000e+00  }
0xee: {  	v4 =	vmax.f32 v4, $1.000000000e+00;
	v5 =	vshra.s32 v3, $0x1;
	v6 =	vmul.f32 $5.000000000e-01, v3  }
0xef: {  	v3 =	vshra.s32 v4, $0x1;
	v7 =	vmul.f32 $5.000000000e-01, v4;
	v4 =	vsub.s32 $0x5F3759DF, v5  }
0xf0: {  	v3 =	vsub.s32 $0x5F3759DF, v3;
	v5 =	vmul.f32 v4, v6  }
0xf1: {  	v8 =	vmul.f32 v3, v7  }
0xf2: {  	v5 =	vmul.f32 v4, v5  }
0xf3: {  	v8 =	vmul.f32 v3, v8  }
0xf4: {  	v5 =	vsub.f32 $1.500000000e+00, v5  }
0xf5: {  	v8 =	vsub.f32 $1.500000000e+00, v8  }
0xf6: {  	v4 =	vmul.f32 v4, v5  }
0xf7: {  	v5 =	vmul.f32 v3, v8  }
0xf8: {  	v3 =	vmul.f32 v4, v6  }
0xf9: {  	v8 =	vmul.f32 v5, v7  }
0xfa: {  	v3 =	vmul.f32 v3, v4  }
0xfb: {  	v8 =	vmul.f32 v8, v5  }
0xfc: {  	v3 =	vsub.f32 $1.500000000e+00, v3  }
0xfd: {  	v8 =	vsub.f32 $1.500000000e+00, v8  }
0xfe: {  	v3 =	vmul.f32 v3, v4  }
0xff: {  	v4 =	vmul.f32 v8, v5  }
0x100: {  	v5 =	vmul.f32 v3, v6  }
0x101: {  	v6 =	vmul.f32 v4, v7  }
0x102: {  	v5 =	vmul.f32 v5, v3  }
0x103: {  	v6 =	vmul.f32 v6, v4  }
0x104: {  	v5 =	vsub.f32 $1.500000000e+00, v5  }
0x105: {  	s12 =	simm.s32 $0x0;
	s1 =	simm.s32 $0x40;
	s19 =	simm.s32 $0x80;
	v6 =	vsub.f32 $1.500000000e+00, v6  }
.LBB2_18:
0x106: {  	p0 =	sne.s32 s19, $0xA00;
	v3 =	vmul.f32 v5, v3  }
0x107: {  	v4 =	vmul.f32 v6, v4  }
0x108: {  	s15 =	sshra.s32 s1, $0x2;
	s1 =	smov.u32 s19;
	[tilespmem:s16+$0x1EE80] =	vst v3;
	v3 =	vmul.f32 $8.999999760e-01, v3  }
0x109: {  	v5 =	vld [tilespmem:s15+$0x1EE80];
	[tilespmem:s16+$0x1F180] =	vst v4  }
0x10a: {  	v6 =	vld [tilespmem:s15+$0x1F180];
	v3 =	vmul.f32 v4, v3;
	_ =	sdelay $0x1  }
0x10b: {  	[tilespmem:s16+$0x1F480] =	vst v3;
	s16 =	smov.u32 s15;
	_ =	sdelay $0x1  }
0x10c: {  	v3 =	vmax.f32 v5, $1.000000000e+00  }
0x10d: {  	v4 =	vmax.f32 v6, $1.000000000e+00;
	v5 =	vshra.s32 v3, $0x1;
	v6 =	vmul.f32 $5.000000000e-01, v3  }
0x10e: {  	v3 =	vsub.s32 $0x5F3759DF, v5;
	v5 =	vshra.s32 v4, $0x1;
	v7 =	vmul.f32 $5.000000000e-01, v4  }
0x10f: {  	v4 =	vmul.f32 v3, v6;
	v5 =	vsub.s32 $0x5F3759DF, v5  }
0x110: {  	v8 =	vmul.f32 v5, v7  }
0x111: {  	v4 =	vmul.f32 v3, v4  }
0x112: {  	v8 =	vmul.f32 v5, v8  }
0x113: {  	v4 =	vsub.f32 $1.500000000e+00, v4  }
0x114: {  	v8 =	vsub.f32 $1.500000000e+00, v8  }
0x115: {  	v3 =	vmul.f32 v3, v4  }
0x116: {  	v4 =	vmul.f32 v5, v8  }
0x117: {  	v5 =	vmul.f32 v3, v6  }
0x118: {  	v8 =	vmul.f32 v4, v7  }
0x119: {  	v5 =	vmul.f32 v5, v3  }
0x11a: {  	v8 =	vmul.f32 v8, v4  }
0x11b: {  	v5 =	vsub.f32 $1.500000000e+00, v5  }
0x11c: {  	v8 =	vsub.f32 $1.500000000e+00, v8  }
0x11d: {  	v3 =	vmul.f32 v5, v3  }
0x11e: {  	v4 =	vmul.f32 v8, v4  }
0x11f: {  	v5 =	vmul.f32 v3, v6  }
.Ltmp8:
0x120: {  	v6 =	vmul.f32 v4, v7;
	(pc) =	sbr.rel @p0 .LBB2_18-.Ltmp8, $4  }
0x121: {  	v5 =	vmul.f32 v5, v3  }
0x122: {  	v6 =	vmul.f32 v6, v4  }
0x123: {  	v5 =	vsub.f32 $1.500000000e+00, v5  }
0x124: {  	s19 =	sadd.s32 $0x40, s19;
	v6 =	vsub.f32 $1.500000000e+00, v6  }
0x125: {  	v3 =	vmul.f32 v5, v3;
	_ =	sdelay $0x1  }
0x126: {  	s1 =	sshra.s32 s1, $0x2;
	v4 =	vmul.f32 v6, v4;
	[tilespmem:s16+$0x1EE80] =	vst v3  }
0x127: {  	v59 =	vld [tilespmem:s1+$0x1EE80]  }
0x128: {  	[tilespmem:s16+$0x1F180] =	vst v4  }
0x129: {  	v60 =	vld [tilespmem:s1+$0x1F180];
	_ =	sdelay $0x2  }
0x12a: {  	v5 =	vmax.f32 v59, $1.000000000e+00  }
0x12b: {  	v7 =	vshra.s32 v5, $0x1;
	v5 =	vmul.f32 $5.000000000e-01, v5  }
0x12c: {  	v6 =	vmax.f32 v60, $1.000000000e+00;
	v7 =	vsub.s32 $0x5F3759DF, v7  }
0x12d: {  	v8 =	vshra.s32 v6, $0x1;
	v6 =	vmul.f32 $5.000000000e-01, v6;
	v9 =	vmul.f32 v7, v5  }
0x12e: {  	v8 =	vsub.s32 $0x5F3759DF, v8  }
0x12f: {  	v10 =	vmul.f32 v8, v6;
	v9 =	vmul.f32 v7, v9;
	_ =	sdelay $0x1  }
0x130: {  	v10 =	vmul.f32 v8, v10;
	v9 =	vsub.f32 $1.500000000e+00, v9;
	_ =	sdelay $0x1  }
0x131: {  	v10 =	vsub.f32 $1.500000000e+00, v10;
	v7 =	vmul.f32 v7, v9;
	_ =	sdelay $0x1  }
0x132: {  	v8 =	vmul.f32 v8, v10;
	v9 =	vmul.f32 v7, v5;
	_ =	sdelay $0x1  }
0x133: {  	v10 =	vmul.f32 v8, v6;
	v9 =	vmul.f32 v9, v7;
	_ =	sdelay $0x1  }
0x134: {  	v10 =	vmul.f32 v10, v8;
	v9 =	vsub.f32 $1.500000000e+00, v9;
	_ =	sdelay $0x1  }
0x135: {  	v61 =	vsub.f32 $1.500000000e+00, v10;
	v7 =	vmul.f32 v9, v7;
	_ =	sdelay $0x1  }
0x136: {  	v8 =	vmul.f32 v61, v8;
	v5 =	vmul.f32 v7, v5;
	_ =	sdelay $0x1  }
0x137: {  	v6 =	vmul.f32 v8, v6;
	v5 =	vmul.f32 v5, v7;
	_ =	sdelay $0x1  }
0x138: {  	v6 =	vmul.f32 v6, v8;
	v5 =	vsub.f32 $1.500000000e+00, v5  }
0x139: {  	v3 =	vmul.f32 $8.999999760e-01, v3  }
0x13a: {  	v6 =	vsub.f32 $1.500000000e+00, v6;
	v5 =	vmul.f32 v5, v7  }
0x13b: {  	v3 =	vmul.f32 v4, v3  }
0x13c: {  	v62 =	vmul.f32 v6, v8;
	v63 =	vmul.f32 $8.999999760e-01, v5  }
0x13d: {  	[tilespmem:s16+$0x1F480] =	vst v3  }
0x13e: {  	[tilespmem:s1+$0x1EE80] =	vst v5;
	v3 =	vmul.f32 v62, v63  }
0x13f: {  	[tilespmem:s1+$0x1F180] =	vst v62  }
0x140: {  	s19 =	simm.s32 $0x7;
	[tilespmem:s1+$0x1F480] =	vst v3;
	s1 =	simm.s32 $0x1EE80  }
.LBB2_20:
0x141: {  	s15 =	sshll.u32 s12, $0x6;
	s16 =	rddreg [dreg:$0x9]  }
0x142: {  	s4 =	sadd.s32 s16, s15  }
0x143: {  	s20 =	rddreg [dreg:$0xe];
	s29 =	sshll.u32 s4, $0x7  }
0x144: {  	s15 =	sadd.s32 s20, s29  }
0x145: {  	s25 =	simm.s32 $0x0;
	s15 =	sshrl.u32 s15, $0x3  }
0x146: {  	s13 =	smov.u32 s4;
	s4 =	smov.u32 s15;
	s15 =	sadd.s32 s21, s15  }
0x147: {  	[tilespmem:s31], [sflag:$0x7] =	stream.linear.gather [hbm4b:s15+s25], $0x2000, $0x38;
	[tilespmem:$0x1F780] =	vst v63  }
0x148: {  	_ =	swait.ge [sflag:s19], $0x2000  }
0x149: {  	[sflag:s19] =	ssyncset.done $0x0  }
0x14a: {  	s25 =	simm.s32 $0x0;
	[sflag:s19] =	ssyncadd.s32 $0xFFFFE000  }
0x14b: {  	v4 =	vld [tilespmem:s25+$0x18C30]  }
0x14c: {  	v5 =	vld [tilespmem:s25+$0x18C10]  }
0x14d: {  	s16 =	smov.u32 s1;
	s19 =	simm.s32 $0x200;
	v3 =	vld.msk [tilespmem:s1+$0x0 ss:$0x0], $0xffff  }
.LBB2_21:
0x14e: {  	p0 =	sne.s32 s19, $0x7E00;
	v6 =	vld [tilespmem:s25+$0x18C00]  }
0x14f: {  	v7 =	vld [tilespmem:s25+$0x18C20]  }
0x150: {  	v8 =	vld [tilespmem:s25+$0x18C70]  }
0x151: {  	v9 =	vld [tilespmem:s25+$0x18C50]  }
0x152: {  	v10 =	vld [tilespmem:s25+$0x18C40]  }
0x153: {  	v5 =	vmul.f32 v5, v3;
	v6 =	vmul.f32 v6, v3;
	v11 =	vld [tilespmem:s25+$0x18C60]  }
0x154: {  	v4 =	vmul.f32 v4, v3;
	v7 =	vmul.f32 v7, v3  }
0x155: {  	v12 =	vmul.f32 $1.000000010e-01, v5;
	[tilespmem:s25+$0x16C00] =	vst v6;
	v6 =	vmul.f32 $1.000000010e-01, v6  }
0x156: {  	v13 =	vmul.f32 $1.000000010e-01, v4;
	[tilespmem:s25+$0x16C10] =	vst v5;
	v5 =	vmul.f32 $1.000000010e-01, v7  }
0x157: {  	v9 =	vmul.f32 v9, v3;
	[tilespmem:s25+$0x18C00] =	vst v6;
	v6 =	vmul.f32 v10, v3  }
0x158: {  	[tilespmem:s25+$0x18C10] =	vst v12;
	v10 =	vmul.f32 v11, v3;
	v3 =	vmul.f32 v8, v3  }
0x159: {  	v8 =	vmul.f32 $1.000000010e-01, v9;
	[tilespmem:s25+$0x18C20] =	vst v5;
	v5 =	vmul.f32 $1.000000010e-01, v6  }
0x15a: {  	[tilespmem:s25+$0x18C30] =	vst v13;
	v11 =	vmul.f32 $1.000000010e-01, v10;
	v12 =	vmul.f32 $1.000000010e-01, v3  }
0x15b: {  	[tilespmem:s25+$0x18C40] =	vst v5  }
0x15c: {  	[tilespmem:s25+$0x18C50] =	vst v8  }
0x15d: {  	[tilespmem:s25+$0x18C60] =	vst v11  }
0x15e: {  	[tilespmem:s25+$0x18C70] =	vst v12  }
0x15f: {  	[tilespmem:s25+$0x16C20] =	vst v7  }
0x160: {  	[tilespmem:s25+$0x16C30] =	vst v4  }
.Ltmp9:
0x161: {  	[tilespmem:s25+$0x16C40] =	vst v6;
	(pc) =	sbr.rel @p0 .LBB2_21-.Ltmp9, $4  }
0x162: {  	s15 =	sshra.s32 s19, $0x2;
	[tilespmem:s25+$0x16C50] =	vst v9  }
0x163: {  	v4 =	vld [tilespmem:s15+$0x18C30];
	[tilespmem:s25+$0x16C60] =	vst v10  }
0x164: {  	s16 =	sadd.s32 $0x1, s16;
	v5 =	vld [tilespmem:s15+$0x18C10];
	[tilespmem:s25+$0x16C70] =	vst v3;
	s25 =	smov.u32 s15  }
0x165: {  	s19 =	sadd.s32 $0x200, s19;
	v3 =	vld.msk [tilespmem:s16+$0x0 ss:$0x0], $0xffff  }
0x166: {  	_ = 	snop  }
0x167: {  	v6 =	vld [tilespmem:s25+$0x18C00]  }
0x168: {  	v7 =	vld [tilespmem:s25+$0x18C20]  }
0x169: {  	v9 =	vld [tilespmem:s25+$0x18C40]  }
0x16a: {  	v10 =	vld [tilespmem:s25+$0x18C50];
	v5 =	vmul.f32 v5, v3  }
0x16b: {  	v11 =	vld [tilespmem:s25+$0x18C60];
	v4 =	vmul.f32 v4, v3  }
0x16c: {  	v8 =	vld [tilespmem:s25+$0x18C70];
	v6 =	vmul.f32 v6, v3;
	[tilespmem:s25+$0x16C10] =	vst v5  }
0x16d: {  	v7 =	vmul.f32 v7, v3;
	[tilespmem:s25+$0x16C30] =	vst v4  }
0x16e: {  	v58 =	vmul.f32 v9, v3;
	[tilespmem:s25+$0x16C00] =	vst v6  }
0x16f: {  	v10 =	vmul.f32 v10, v3;
	[tilespmem:s25+$0x16C20] =	vst v7  }
0x170: {  	v11 =	vmul.f32 v11, v3;
	[tilespmem:s25+$0x16C40] =	vst v58  }
0x171: {  	v3 =	vmul.f32 v8, v3;
	[tilespmem:s25+$0x16C50] =	vst v10  }
0x172: {  	v12 =	vmul.f32 $1.000000010e-01, v5;
	[tilespmem:s25+$0x16C60] =	vst v11  }
0x173: {  	v59 =	vmul.f32 $1.000000010e-01, v4;
	[tilespmem:s25+$0x16C70] =	vst v3  }
0x174: {  	v6 =	vmul.f32 $1.000000010e-01, v6;
	[tilespmem:s25+$0x18C10] =	vst v12  }
0x175: {  	v57 =	vmul.f32 $1.000000010e-01, v7;
	[tilespmem:s25+$0x18C30] =	vst v59  }
0x176: {  	v60 =	vmul.f32 $1.000000010e-01, v58;
	[tilespmem:s25+$0x18C00] =	vst v6  }
0x177: {  	v61 =	vmul.f32 $1.000000010e-01, v10;
	[tilespmem:s25+$0x18C20] =	vst v57  }
0x178: {  	s15 =	rddreg [dreg:$0xa];
	v62 =	vmul.f32 $1.000000010e-01, v11;
	[tilespmem:s25+$0x18C40] =	vst v60  }
0x179: {  	s15 =	sadd.s32 s15, s13;
	v63 =	vmul.f32 $1.000000010e-01, v3;
	[tilespmem:s25+$0x18C50] =	vst v61  }
0x17a: {  	s15 =	sshll.u32 s15, $0x4;
	[tilespmem:s25+$0x18C60] =	vst v62  }
0x17b: {  	s16 =	simm.s32 $0x0;
	s19 =	simm.s32 $0x7;
	s15 =	sadd.s32 s8, s15;
	[tilespmem:s25+$0x18C70] =	vst v63  }
0x17c: {  	[hbm4b:s15+s16] =	stream.linear.scatter [tilespmem:s0], [sflag:$0x7], $0x2000, $0x38;
	[tilespmem:$0x1F780] =	vst v63  }
0x17d: {  	_ =	swait.ge [sflag:s19], $0x2000  }
0x17e: {  	[sflag:s19] =	ssyncset.done $0x0;
	s25 =	rddreg [dreg:$0x6]  }
0x17f: {  	[sflag:s19] =	ssyncadd.s32 $0xFFFFE000;
	s15 =	sadd.s32 s25, s4  }
0x180: {  	[hbm4b:s15+s16] =	stream.linear.scatter [tilespmem:s31], [sflag:$0x7], $0x2000, $0x38;
	[tilespmem:$0x1F780] =	vst v63  }
0x181: {  	_ =	swait.ge [sflag:s19], $0x2000  }
0x182: {  	[sflag:s19] =	ssyncset.done $0x0  }
0x183: {  	s16 =	simm.s32 $0x0;
	[sflag:s19] =	ssyncadd.s32 $0xFFFFE000;
	s19 =	simm.s32 $0x200  }
.LBB2_23:
0x184: {  	p0 =	sne.s32 s19, $0x7E00;
	[tilespmem:s16+$0x16C70] =	vst v1  }
0x185: {  	[tilespmem:s16+$0x16C00] =	vst v1  }
0x186: {  	[tilespmem:s16+$0x16C10] =	vst v1  }
.Ltmp10:
0x187: {  	[tilespmem:s16+$0x16C20] =	vst v1;
	(pc) =	sbr.rel @p0 .LBB2_23-.Ltmp10, $4  }
0x188: {  	[tilespmem:s16+$0x16C30] =	vst v1  }
0x189: {  	[tilespmem:s16+$0x16C40] =	vst v1  }
0x18a: {  	[tilespmem:s16+$0x16C50] =	vst v1  }
0x18b: {  	[tilespmem:s16+$0x16C60] =	vst v1;
	s16 =	sshra.s32 s19, $0x2;
	s19 =	sadd.s32 $0x200, s19  }
0x18c: {  	[tilespmem:s16+$0x16C70] =	vst v1  }
0x18d: {  	[tilespmem:s16+$0x16C00] =	vst v1  }
0x18e: {  	[tilespmem:s16+$0x16C10] =	vst v1  }
0x18f: {  	[tilespmem:s16+$0x16C20] =	vst v1  }
0x190: {  	[tilespmem:s16+$0x16C30] =	vst v1  }
0x191: {  	[tilespmem:s16+$0x16C40] =	vst v1;
	s12 =	sadd.s32 $0x1, s12  }
0x192: {  	[tilespmem:s16+$0x16C50] =	vst v1;
	s15 =	sand.u32 $0x3FFFFF80, s29;
	p0 =	sne.s32 s12, $0xA  }
.Ltmp11:
0x193: {  	[tilespmem:s16+$0x16C60] =	vst v1;
	s19 =	simm.s32 $0x7;
	s15 =	sadd.s32 s15, s2;
	(pc) =	sbr.rel @p0 .LBB2_20-.Ltmp11, $4  }
0x194: {  	[spmem:s15] =	stream.linear.scatter [tilespmem:s0], [sflag:$0x7], $0x2000, $0x38;
	[tilespmem:$0x1F780] =	vst v63  }
0x195: {  	_ =	swait.ge [sflag:s19], $0x2000  }
0x196: {  	[sflag:s19] =	ssyncset.done $0x0  }
0x197: {  	s1 =	sadd.s32 $0x40, s1;
	[sflag:s19] =	ssyncadd.s32 $0xFFFFE000  }
0x198: {  	[bflag:$0x0] =	sbarrier.arrive $0xFFFF  }
0x199: {  	s21 =	simm.s32 $0x0;
	s16 =	simm.s32 $0x14040;
	s20 =	simm.s32 $0x140C0  }
0x19a: {  	s4 =	simm.s32 $0x14280;
	s13 =	simm.s32 $0x14200;
	s19 =	rddreg [dreg:$0x1]  }
.LBB2_26:
0x19b: {  	s1 =	rddreg [dreg:$0xc];
	s15 =	simm.s32 $0x0  }
0x19c: {  	[tilespmem:s22], [sflag:$0x6] =	stream.linear.gather [hbm4b:s1+s15], $0x80, $0x38;
	[tilespmem:$0x1F780] =	vst v63  }
0x19d: {  	s12 =	rddreg [dreg:$0xf]  }
0x19e: {  	[tilespmem:s23], [sflag:$0x6] =	stream.linear.gather [hbm4b:s12+s15], $0x80, $0x38;
	[tilespmem:$0x1F780] =	vst v63  }
0x19f: {  	s25 =	rddreg [dreg:$0x10]  }
0x1a0: {  	[tilespmem:s14], [sflag:$0x6] =	stream.linear.gather [hbm4b:s25+s15], $0x80, $0x38;
	[tilespmem:$0x1F780] =	vst v63  }
0x1a1: {  	s12 =	rddreg [dreg:$0x11]  }
0x1a2: {  	[tilespmem:s17], [sflag:$0x6] =	stream.linear.gather [hbm4b:s12+s15], $0x80, $0x38;
	[tilespmem:$0x1F780] =	vst v63  }
0x1a3: {  	_ =	swait.ge [sflag:s6], $0x80  }
0x1a4: {  	[sflag:s6] =	ssyncset.done $0x0  }
0x1a5: {  	[sflag:s6] =	ssyncadd.s32 $0xFFFFFF80  }
0x1a6: {  	_ =	swait.ge [sflag:s6], $0x80  }
0x1a7: {  	[sflag:s6] =	ssyncset.done $0x0  }
0x1a8: {  	[sflag:s6] =	ssyncadd.s32 $0xFFFFFF80  }
0x1a9: {  	_ =	swait.ge [sflag:s6], $0x80  }
0x1aa: {  	[sflag:s6] =	ssyncset.done $0x0  }
0x1ab: {  	[sflag:s6] =	ssyncadd.s32 $0xFFFFFF80  }
0x1ac: {  	_ =	swait.ge [sflag:s6], $0x80  }
0x1ad: {  	s29 =	rddreg [dreg:$0x13]  }
0x1ae: {  	[sflag:s6] =	ssyncset.done $0x0;
	s1 =	sadd.s32 $0x0, s29  }
0x1af: {  	[sflag:s6] =	ssyncadd.s32 $0xFFFFFF80;
	s12 =	sadd.s32 $0x20, s1  }
0x1b0: {  	[tilespmem:s13], [sflag:$0x6] =	stream.linear.gather [hbm4b:s12+s3], $0x80, $0x38;
	[tilespmem:$0x1F780] =	vst v63  }
0x1b1: {  	s25 =	sadd.s32 $0xA020, s1  }
0x1b2: {  	[tilespmem:s30], [sflag:$0x6] =	stream.linear.gather [hbm4b:s25+s3], $0x80, $0x38;
	[tilespmem:$0x1F780] =	vst v63  }
0x1b3: {  	s25 =	sadd.s32 $0x30, s1  }
0x1b4: {  	[tilespmem:s4], [sflag:$0x6] =	stream.linear.gather [hbm4b:s25+s3], $0x80, $0x38;
	[tilespmem:$0x1F780] =	vst v63  }
0x1b5: {  	s1 =	sadd.s32 $0xA030, s1  }
0x1b6: {  	[tilespmem:s24], [sflag:$0x6] =	stream.linear.gather [hbm4b:s1+s3], $0x80, $0x38;
	[tilespmem:$0x1F780] =	vst v63  }
0x1b7: {  	[dreg:$0x17] =	wrdreg s21;
	s21 =	sand.u32 $0x1, s21;
	v4 =	vld [tilespmem:$0x14030]  }
0x1b8: {  	s1 =	smul.u32 $0x5000, s21;
	v5 =	vld [tilespmem:$0x14020]  }
0x1b9: {  	s24 =	rddreg [dreg:$0xa];
	v7 =	vld [tilespmem:$0x140A0]  }
0x1ba: {  	v6 =	vld [tilespmem:$0x140C0];
	s1 =	sadd.s32 s24, s1  }
0x1bb: {  	v8 =	vld [tilespmem:$0x14010];
	v3 =	vmov s1  }
0x1bc: {  	v9 =	vld [tilespmem:$0x14080];
	v4 =	vadd.s32 v3, v4  }
0x1bd: {  	v10 =	vld [tilespmem:$0x14060];
	v5 =	vadd.s32 v3, v5;
	[tilespmem:$0x14030] =	vst v4  }
0x1be: {  	v45 =	vld [tilespmem:$0x14070];
	v42 =	vadd.s32 v3, v7;
	[tilespmem:$0x14020] =	vst v5  }
0x1bf: {  	v4 =	vld [tilespmem:$0x140D0];
	v5 =	vadd.s32 v3, v6;
	[tilespmem:$0x140A0] =	vst v42  }
0x1c0: {  	v8 =	vadd.s32 v3, v8;
	[tilespmem:$0x140C0] =	vst v5;
	v5 =	vld [tilespmem:$0x140F0]  }
0x1c1: {  	v47 =	vld [tilespmem:$0x14050];
	v44 =	vadd.s32 v3, v9;
	[tilespmem:$0x14010] =	vst v8  }
0x1c2: {  	v43 =	vld [tilespmem:$0x14000];
	v10 =	vadd.s32 v3, v10;
	[tilespmem:$0x14080] =	vst v44  }
0x1c3: {  	v46 =	vld [tilespmem:$0x14040];
	v9 =	vadd.s32 v3, v45;
	[tilespmem:$0x14060] =	vst v10  }
0x1c4: {  	v48 =	vld [tilespmem:$0x14090];
	[tilespmem:$0x14070] =	vst v9;
	v4 =	vadd.s32 v3, v4  }
0x1c5: {  	v49 =	vld [tilespmem:$0x140B0];
	[tilespmem:$0x140D0] =	vst v4;
	v4 =	vadd.s32 v3, v5  }
0x1c6: {  	v6 =	vadd.s32 v3, v47;
	[tilespmem:$0x140F0] =	vst v4;
	v4 =	vld [tilespmem:$0x140E0]  }
0x1c7: {  	[tilespmem:$0x14050] =	vst v6;
	v5 =	vadd.s32 v3, v43  }
0x1c8: {  	[tilespmem:$0x14000] =	vst v5;
	v5 =	vadd.s32 v3, v46  }
0x1c9: {  	[tilespmem:$0x14040] =	vst v5;
	v5 =	vadd.s32 v3, v48  }
0x1ca: {  	[tilespmem:$0x14090] =	vst v5;
	v5 =	vadd.s32 v3, v49  }
0x1cb: {  	[tilespmem:$0x140B0] =	vst v5;
	v4 =	vadd.s32 v3, v4  }
0x1cc: {  	[tilespmem:$0x140E0] =	vst v4  }
0x1cd: {  	[tilespmem:s0], [sflag:$0x1] =	stream.indirect.gather [hbm4b:s8+s18], $0x80, s22, s18, $0xb8;
	[tilespmem:$0x1F780] =	vst v63  }
0x1ce: {  	_ = 	snop  }
0x1cf: {  	[tilespmem:s31], [sflag:$0x2] =	stream.indirect.gather [hbm4b:s8+s18], $0x80, s16, s18, $0xb8;
	[tilespmem:$0x1F780] =	vst v63  }
0x1d0: {  	_ = 	snop  }
0x1d1: {  	[tilespmem:s28], [sflag:$0x3] =	stream.indirect.gather [hbm4b:s8+s18], $0x80, s14, s18, $0xb8;
	[tilespmem:$0x1F780] =	vst v63  }
0x1d2: {  	[dreg:$0x18] =	wrdreg s21  }
0x1d3: {  	[tilespmem:s5], [sflag:$0x4] =	stream.indirect.gather [hbm4b:s8+s18], $0x80, s20, s18, $0xb8;
	[tilespmem:$0x1F780] =	vst v63  }
0x1d4: {  	_ =	swait.ge [sflag:s9], $0x2000  }
0x1d5: {  	[sflag:s9] =	ssyncset.done $0x0  }
0x1d6: {  	[sflag:s9] =	ssyncadd.s32 $0xFFFFE000  }
0x1d7: {  	[spmem:s2] =	stream.indirect.scatter.add.f32 [tilespmem:s0], [sflag:$0x5], $0x80, s23, s18, $0xb8;
	[tilespmem:$0x1F780] =	vst v63  }
0x1d8: {  	_ =	swait.ge [sflag:s10], $0x2000  }
0x1d9: {  	[sflag:s10] =	ssyncset.done $0x0  }
0x1da: {  	s25 =	simm.s32 $0x14140;
	[sflag:s10] =	ssyncadd.s32 $0xFFFFE000  }
0x1db: {  	[spmem:s2] =	stream.indirect.scatter.add.f32 [tilespmem:s31], [sflag:$0x5], $0x80, s25, s18, $0xb8;
	[tilespmem:$0x1F780] =	vst v63  }
0x1dc: {  	_ =	swait.ge [sflag:s26], $0x2000  }
0x1dd: {  	[sflag:s26] =	ssyncset.done $0x0  }
0x1de: {  	[sflag:s26] =	ssyncadd.s32 $0xFFFFE000  }
0x1df: {  	[spmem:s2] =	stream.indirect.scatter.add.f32 [tilespmem:s28], [sflag:$0x5], $0x80, s17, s18, $0xb8;
	[tilespmem:$0x1F780] =	vst v63  }
0x1e0: {  	_ =	swait.ge [sflag:s7], $0x2000  }
0x1e1: {  	[sflag:s7] =	ssyncset.done $0x0  }
0x1e2: {  	s12 =	simm.s32 $0x141C0;
	[sflag:s7] =	ssyncadd.s32 $0xFFFFE000  }
0x1e3: {  	[spmem:s2] =	stream.indirect.scatter.add.f32 [tilespmem:s5], [sflag:$0x5], $0x80, s12, s18, $0xb8;
	[tilespmem:$0x1F780] =	vst v63  }
0x1e4: {  	_ =	swait.ge [sflag:s11], $0x2000  }
0x1e5: {  	[sflag:s11] =	ssyncset.done $0x0  }
0x1e6: {  	[sflag:s11] =	ssyncadd.s32 $0xFFFFE000  }
0x1e7: {  	_ =	swait.ge [sflag:s11], $0x2000  }
0x1e8: {  	[sflag:s11] =	ssyncset.done $0x0  }
0x1e9: {  	[sflag:s11] =	ssyncadd.s32 $0xFFFFE000  }
0x1ea: {  	_ =	swait.ge [sflag:s11], $0x2000  }
0x1eb: {  	[sflag:s11] =	ssyncset.done $0x0  }
0x1ec: {  	[sflag:s11] =	ssyncadd.s32 $0xFFFFE000  }
0x1ed: {  	s16 =	smin.u32 s15, $0x4D;
	_ =	swait.ge [sflag:s11], $0x2000  }
0x1ee: {  	s1 =	sshll.u32 s16, $0x8;
	s25 =	rddreg [dreg:$0x12]  }
0x1ef: {  	s1 =	sadd.s32 s1, s25  }
0x1f0: {  	[sflag:s11] =	ssyncset.done $0x0;
	s1 =	sshrl.u32 s1, $0x3  }
0x1f1: {  	[sflag:s11] =	ssyncadd.s32 $0xFFFFE000;
	s20 =	sadd.s32 s19, s1  }
0x1f2: {  	[tilespmem:s22], [sflag:$0x6] =	stream.linear.gather [hbm4b:s20+s3], $0x80, $0x38;
	[tilespmem:$0x1F780] =	vst v63  }
0x1f3: {  	s21 =	sadd.s32 $0xA000, s20  }
0x1f4: {  	[tilespmem:s23], [sflag:$0x6] =	stream.linear.gather [hbm4b:s21+s3], $0x80, $0x38;
	[tilespmem:$0x1F780] =	vst v63  }
0x1f5: {  	s21 =	rddreg [dreg:$0xd]  }
0x1f6: {  	s1 =	sadd.s32 s1, s21  }
0x1f7: {  	[tilespmem:s14], [sflag:$0x6] =	stream.linear.gather [hbm4b:s1+s3], $0x80, $0x38;
	[tilespmem:$0x1F780] =	vst v63  }
0x1f8: {  	s22 =	sadd.s32 $0xA010, s20  }
0x1f9: {  	[tilespmem:s17], [sflag:$0x6] =	stream.linear.gather [hbm4b:s22+s3], $0x80, $0x38;
	[tilespmem:$0x1F780] =	vst v63  }
0x1fa: {  	_ =	swait.ge [sflag:s6], $0x80  }
0x1fb: {  	[sflag:s6] =	ssyncset.done $0x0  }
0x1fc: {  	[sflag:s6] =	ssyncadd.s32 $0xFFFFFF80  }
0x1fd: {  	_ =	swait.ge [sflag:s6], $0x80  }
0x1fe: {  	[sflag:s6] =	ssyncset.done $0x0  }
0x1ff: {  	[sflag:s6] =	ssyncadd.s32 $0xFFFFFF80  }
0x200: {  	_ =	swait.ge [sflag:s6], $0x80  }
0x201: {  	[sflag:s6] =	ssyncset.done $0x0  }
0x202: {  	[sflag:s6] =	ssyncadd.s32 $0xFFFFFF80  }
0x203: {  	_ =	swait.ge [sflag:s6], $0x80  }
0x204: {  	[sflag:s6] =	ssyncset.done $0x0  }
0x205: {  	[sflag:s6] =	ssyncadd.s32 $0xFFFFFF80  }
0x206: {  	v4 =	vld [tilespmem:$0x142D0]  }
0x207: {  	v5 =	vld [tilespmem:$0x14250]  }
0x208: {  	v50 =	vld [tilespmem:$0x142C0]  }
0x209: {  	v51 =	vld [tilespmem:$0x14240]  }
0x20a: {  	v52 =	vld [tilespmem:$0x142B0]  }
0x20b: {  	v53 =	vld [tilespmem:$0x14230];
	v4 =	vadd.s32 v3, v4  }
0x20c: {  	v54 =	vld [tilespmem:$0x142A0];
	v5 =	vadd.s32 v3, v5;
	[tilespmem:$0x142D0] =	vst v4  }
0x20d: {  	v61 =	vld [tilespmem:$0x14280];
	v6 =	vadd.s32 v3, v50;
	[tilespmem:$0x14250] =	vst v5  }
0x20e: {  	v7 =	vadd.s32 v3, v51;
	v5 =	vld [tilespmem:$0x14290];
	[tilespmem:$0x142C0] =	vst v6  }
0x20f: {  	v59 =	vld [tilespmem:$0x142E0];
	v8 =	vadd.s32 v3, v52;
	[tilespmem:$0x14240] =	vst v7  }
0x210: {  	v56 =	vadd.s32 v3, v53;
	v4 =	vld [tilespmem:$0x14220];
	[tilespmem:$0x142B0] =	vst v8  }
0x211: {  	v55 =	vld [tilespmem:$0x14210];
	v58 =	vadd.s32 v3, v54;
	[tilespmem:$0x14230] =	vst v56  }
0x212: {  	v57 =	vld [tilespmem:$0x14270];
	v63 =	vadd.s32 v3, v61;
	[tilespmem:$0x142A0] =	vst v58  }
0x213: {  	v60 =	vld [tilespmem:$0x14260];
	[tilespmem:$0x14280] =	vst v63;
	v5 =	vadd.s32 v3, v5  }
0x214: {  	v7 =	vadd.s32 v3, v59;
	[tilespmem:$0x14290] =	vst v5;
	v5 =	vld [tilespmem:$0x142F0]  }
0x215: {  	v62 =	vld [tilespmem:$0x14200];
	[tilespmem:$0x142E0] =	vst v7;
	v4 =	vadd.s32 v3, v4  }
0x216: {  	[tilespmem:$0x14220] =	vst v4;
	v4 =	vadd.s32 v3, v55  }
0x217: {  	[tilespmem:$0x14210] =	vst v4;
	v4 =	vadd.s32 v3, v57  }
0x218: {  	[tilespmem:$0x14270] =	vst v4;
	v4 =	vadd.s32 v3, v60  }
0x219: {  	[tilespmem:$0x14260] =	vst v4;
	v4 =	vadd.s32 v3, v5  }
0x21a: {  	s30 =	simm.s32 $0x14200;
	s24 =	simm.s32 $0x142C0;
	v5 =	vadd.s32 v3, v62;
	[tilespmem:$0x142F0] =	vst v4  }
0x21b: {  	s16 =	simm.s32 $0x0;
	s12 =	simm.s32 $0x40;
	s20 =	simm.s32 $0x14380;
	[tilespmem:$0x14200] =	vst v5  }
0x21c: {  	[tilespmem:s0], [sflag:$0x1] =	stream.indirect.gather [hbm4b:s8+s18], $0x80, s13, s18, $0xb8;
	[tilespmem:$0x1F780] =	vst v63  }
0x21d: {  	s23 =	simm.s32 $0x14240;
	s14 =	simm.s32 $0x14280;
	s17 =	simm.s32 $0x14300  }
0x21e: {  	[tilespmem:s31], [sflag:$0x2] =	stream.indirect.gather [hbm4b:s8+s18], $0x80, s23, s18, $0xb8;
	[tilespmem:$0x1F780] =	vst v63  }
0x21f: {  	s22 =	simm.s32 $0x14100;
	s0 =	simm.s32 $0x18C00;
	s13 =	simm.s32 $0x14080  }
0x220: {  	[tilespmem:s28], [sflag:$0x3] =	stream.indirect.gather [hbm4b:s8+s18], $0x80, s4, s18, $0xb8;
	[tilespmem:$0x1F780] =	vst v63  }
0x221: {  	s31 =	simm.s32 $0x1CC00;
	s23 =	simm.s32 $0x14180;
	s28 =	simm.s32 $0x16C00  }
0x222: {  	[tilespmem:s5], [sflag:$0x4] =	stream.indirect.gather [hbm4b:s8+s18], $0x80, s24, s18, $0xb8;
	[tilespmem:$0x1F780] =	vst v63  }
0x223: {  	s4 =	simm.s32 $0x14000;
	s5 =	simm.s32 $0x1AC00;
	_ =	swait.ge [sflag:s9], $0x2000  }
.LBB2_27:
0x224: {  	p0 =	sne.s32 s12, $0x9C0;
	[sflag:s9] =	ssyncset.done $0x0;
	s16 =	sadd.s32 $0x2, s16  }
0x225: {  	s1 =	smov.u32 s12;
	s12 =	sadd.s32 $0x40, s12;
	[sflag:s9] =	ssyncadd.s32 $0xFFFFE000  }
0x226: {  	[spmem:s2] =	stream.indirect.scatter.add.f32 [tilespmem:s28], [sflag:$0x5], $0x80, s17, s18, $0xb8;
	[tilespmem:$0x1F780] =	vst v63  }
0x227: {  	_ =	swait.ge [sflag:s10], $0x2000  }
0x228: {  	[sflag:s10] =	ssyncset.done $0x0  }
0x229: {  	s15 =	simm.s32 $0x14340;
	[sflag:s10] =	ssyncadd.s32 $0xFFFFE000  }
0x22a: {  	[spmem:s2] =	stream.indirect.scatter.add.f32 [tilespmem:s0], [sflag:$0x5], $0x80, s15, s18, $0xb8;
	[tilespmem:$0x1F780] =	vst v63  }
0x22b: {  	_ =	swait.ge [sflag:s26], $0x2000  }
0x22c: {  	[sflag:s26] =	ssyncset.done $0x0  }
0x22d: {  	[sflag:s26] =	ssyncadd.s32 $0xFFFFE000  }
0x22e: {  	[spmem:s2] =	stream.indirect.scatter.add.f32 [tilespmem:s5], [sflag:$0x5], $0x80, s20, s18, $0xb8;
	[tilespmem:$0x1F780] =	vst v63  }
0x22f: {  	_ =	swait.ge [sflag:s7], $0x2000  }
0x230: {  	[sflag:s7] =	ssyncset.done $0x0  }
0x231: {  	s15 =	simm.s32 $0x143C0;
	[sflag:s7] =	ssyncadd.s32 $0xFFFFE000  }
0x232: {  	[spmem:s2] =	stream.indirect.scatter.add.f32 [tilespmem:s31], [sflag:$0x5], $0x80, s15, s18, $0xb8;
	[tilespmem:$0x1F780] =	vst v63  }
0x233: {  	_ =	swait.ge [sflag:s11], $0x2000  }
0x234: {  	[sflag:s11] =	ssyncset.done $0x0  }
0x235: {  	[sflag:s11] =	ssyncadd.s32 $0xFFFFE000  }
0x236: {  	_ =	swait.ge [sflag:s11], $0x2000  }
0x237: {  	[sflag:s11] =	ssyncset.done $0x0  }
0x238: {  	[sflag:s11] =	ssyncadd.s32 $0xFFFFE000  }
0x239: {  	_ =	swait.ge [sflag:s11], $0x2000  }
0x23a: {  	[sflag:s11] =	ssyncset.done $0x0  }
0x23b: {  	[sflag:s11] =	ssyncadd.s32 $0xFFFFE000  }
0x23c: {  	_ =	swait.ge [sflag:s11], $0x2000  }
0x23d: {  	[sflag:s11] =	ssyncset.done $0x0  }
0x23e: {  	[sflag:s11] =	ssyncadd.s32 $0xFFFFE000  }
0x23f: {  	_ =	swait.ge [sflag:s6], $0x80  }
0x240: {  	[sflag:s6] =	ssyncset.done $0x0  }
0x241: {  	[sflag:s6] =	ssyncadd.s32 $0xFFFFFF80  }
0x242: {  	_ =	swait.ge [sflag:s6], $0x80  }
0x243: {  	[sflag:s6] =	ssyncset.done $0x0  }
0x244: {  	[sflag:s6] =	ssyncadd.s32 $0xFFFFFF80  }
0x245: {  	s1 =	sadd.s32 s1, s29;
	_ =	swait.ge [sflag:s6], $0x80  }
0x246: {  	s15 =	sadd.s32 $0x20, s1;
	[sflag:s6] =	ssyncset.done $0x0  }
0x247: {  	[sflag:s6] =	ssyncadd.s32 $0xFFFFFF80  }
0x248: {  	_ =	swait.ge [sflag:s6], $0x80  }
0x249: {  	[sflag:s6] =	ssyncset.done $0x0  }
0x24a: {  	[sflag:s6] =	ssyncadd.s32 $0xFFFFFF80  }
0x24b: {  	[tilespmem:s30], [sflag:$0x6] =	stream.linear.gather [hbm4b:s15+s3], $0x80, $0x38;
	[tilespmem:$0x1F780] =	vst v63  }
0x24c: {  	s15 =	sadd.s32 $0xA020, s1  }
0x24d: {  	[tilespmem:s17], [sflag:$0x6] =	stream.linear.gather [hbm4b:s15+s3], $0x80, $0x38;
	[tilespmem:$0x1F780] =	vst v63  }
0x24e: {  	s15 =	sadd.s32 $0x30, s1  }
0x24f: {  	[tilespmem:s14], [sflag:$0x6] =	stream.linear.gather [hbm4b:s15+s3], $0x80, $0x38;
	[tilespmem:$0x1F780] =	vst v63  }
0x250: {  	s1 =	sadd.s32 $0xA030, s1  }
0x251: {  	[tilespmem:s20], [sflag:$0x6] =	stream.linear.gather [hbm4b:s1+s3], $0x80, $0x38;
	[tilespmem:$0x1F780] =	vst v63  }
0x252: {  	v4 =	vld [tilespmem:$0x14060]  }
0x253: {  	v5 =	vld [tilespmem:$0x14040]  }
0x254: {  	v6 =	vld [tilespmem:$0x140C0]  }
0x255: {  	v7 =	vld [tilespmem:$0x14030]  }
0x256: {  	v8 =	vld [tilespmem:$0x14020]  }
0x257: {  	v9 =	vld [tilespmem:$0x140A0]  }
0x258: {  	v10 =	vld [tilespmem:$0x14010]  }
0x259: {  	v11 =	vld [tilespmem:$0x14080]  }
0x25a: {  	v7 =	vadd.s32 v3, v7;
	v12 =	vld [tilespmem:$0x140D0]  }
0x25b: {  	v8 =	vadd.s32 v3, v8;
	[tilespmem:$0x14030] =	vst v7;
	v7 =	vld [tilespmem:$0x14050]  }
0x25c: {  	v6 =	vadd.s32 v3, v6;
	v13 =	vld [tilespmem:$0x14000];
	[tilespmem:$0x14020] =	vst v8  }
0x25d: {  	v5 =	vadd.s32 v3, v5;
	v9 =	vadd.s32 v3, v9;
	v8 =	vadd.s32 v3, v10;
	[tilespmem:$0x140C0] =	vst v6;
	v6 =	vld [tilespmem:$0x140F0]  }
0x25e: {  	v4 =	vadd.s32 v3, v4;
	v10 =	vadd.s32 v3, v11;
	[tilespmem:$0x140A0] =	vst v9;
	v9 =	vld [tilespmem:$0x14070]  }
0x25f: {  	[tilespmem:$0x14010] =	vst v8;
	v8 =	vadd.s32 v3, v12;
	v11 =	vld [tilespmem:$0x140E0]  }
0x260: {  	[tilespmem:$0x14080] =	vst v10;
	v7 =	vadd.s32 v3, v7  }
0x261: {  	[tilespmem:$0x14060] =	vst v4  }
0x262: {  	v4 =	vld [tilespmem:$0x14090];
	[tilespmem:$0x140D0] =	vst v8;
	v6 =	vadd.s32 v3, v6  }
0x263: {  	v8 =	vadd.s32 v3, v13;
	v10 =	vld [tilespmem:$0x140B0];
	v9 =	vadd.s32 v3, v9;
	[tilespmem:$0x140F0] =	vst v6  }
0x264: {  	[tilespmem:$0x14000] =	vst v8;
	v6 =	vadd.s32 v3, v11  }
0x265: {  	[tilespmem:$0x14070] =	vst v9  }
0x266: {  	[tilespmem:$0x14040] =	vst v5  }
0x267: {  	v4 =	vadd.s32 v3, v4;
	[tilespmem:$0x14050] =	vst v7  }
0x268: {  	[tilespmem:$0x14090] =	vst v4;
	v4 =	vadd.s32 v3, v10  }
0x269: {  	[tilespmem:$0x140B0] =	vst v4  }
0x26a: {  	[tilespmem:$0x140E0] =	vst v6  }
0x26b: {  	[tilespmem:s28], [sflag:$0x1] =	stream.indirect.gather [hbm4b:s8+s18], $0x80, s4, s18, $0xb8;
	[tilespmem:$0x1F780] =	vst v63  }
0x26c: {  	s1 =	simm.s32 $0x14040  }
0x26d: {  	[tilespmem:s0], [sflag:$0x2] =	stream.indirect.gather [hbm4b:s8+s18], $0x80, s1, s18, $0xb8;
	[tilespmem:$0x1F780] =	vst v63  }
0x26e: {  	_ = 	snop  }
0x26f: {  	[tilespmem:s5], [sflag:$0x3] =	stream.indirect.gather [hbm4b:s8+s18], $0x80, s13, s18, $0xb8;
	[tilespmem:$0x1F780] =	vst v63  }
0x270: {  	s1 =	simm.s32 $0x140C0  }
0x271: {  	[tilespmem:s31], [sflag:$0x4] =	stream.indirect.gather [hbm4b:s8+s18], $0x80, s1, s18, $0xb8;
	[tilespmem:$0x1F780] =	vst v63  }
0x272: {  	_ =	swait.ge [sflag:s9], $0x2000  }
0x273: {  	[sflag:s9] =	ssyncset.done $0x0  }
0x274: {  	[sflag:s9] =	ssyncadd.s32 $0xFFFFE000  }
0x275: {  	[spmem:s2] =	stream.indirect.scatter.add.f32 [tilespmem:s28], [sflag:$0x5], $0x80, s22, s18, $0xb8;
	[tilespmem:$0x1F780] =	vst v63  }
0x276: {  	_ =	swait.ge [sflag:s10], $0x2000  }
0x277: {  	[sflag:s10] =	ssyncset.done $0x0  }
0x278: {  	s1 =	simm.s32 $0x14140;
	[sflag:s10] =	ssyncadd.s32 $0xFFFFE000  }
0x279: {  	[spmem:s2] =	stream.indirect.scatter.add.f32 [tilespmem:s0], [sflag:$0x5], $0x80, s1, s18, $0xb8;
	[tilespmem:$0x1F780] =	vst v63  }
0x27a: {  	_ =	swait.ge [sflag:s26], $0x2000  }
0x27b: {  	[sflag:s26] =	ssyncset.done $0x0  }
0x27c: {  	[sflag:s26] =	ssyncadd.s32 $0xFFFFE000  }
0x27d: {  	[spmem:s2] =	stream.indirect.scatter.add.f32 [tilespmem:s5], [sflag:$0x5], $0x80, s23, s18, $0xb8;
	[tilespmem:$0x1F780] =	vst v63  }
0x27e: {  	_ =	swait.ge [sflag:s7], $0x2000  }
0x27f: {  	[sflag:s7] =	ssyncset.done $0x0  }
0x280: {  	s1 =	simm.s32 $0x141C0;
	[sflag:s7] =	ssyncadd.s32 $0xFFFFE000  }
0x281: {  	[spmem:s2] =	stream.indirect.scatter.add.f32 [tilespmem:s31], [sflag:$0x5], $0x80, s1, s18, $0xb8;
	[tilespmem:$0x1F780] =	vst v63  }
0x282: {  	_ =	swait.ge [sflag:s11], $0x2000  }
0x283: {  	[sflag:s11] =	ssyncset.done $0x0  }
0x284: {  	[sflag:s11] =	ssyncadd.s32 $0xFFFFE000  }
0x285: {  	_ =	swait.ge [sflag:s11], $0x2000  }
0x286: {  	[sflag:s11] =	ssyncset.done $0x0  }
0x287: {  	[sflag:s11] =	ssyncadd.s32 $0xFFFFE000  }
0x288: {  	_ =	swait.ge [sflag:s11], $0x2000  }
0x289: {  	s1 =	smin.u32 s16, $0x4D;
	[sflag:s11] =	ssyncset.done $0x0  }
0x28a: {  	s1 =	sshll.u32 s1, $0x8;
	[sflag:s11] =	ssyncadd.s32 $0xFFFFE000  }
0x28b: {  	s1 =	sadd.s32 s1, s25;
	_ =	swait.ge [sflag:s11], $0x2000  }
0x28c: {  	s1 =	sshrl.u32 s1, $0x3;
	[sflag:s11] =	ssyncset.done $0x0  }
0x28d: {  	s15 =	sadd.s32 s19, s1;
	[sflag:s11] =	ssyncadd.s32 $0xFFFFE000  }
0x28e: {  	[tilespmem:s4], [sflag:$0x6] =	stream.linear.gather [hbm4b:s15+s3], $0x80, $0x38;
	[tilespmem:$0x1F780] =	vst v63  }
0x28f: {  	s24 =	smov.u32 s19;
	s19 =	sadd.s32 $0xA000, s15  }
0x290: {  	[tilespmem:s22], [sflag:$0x6] =	stream.linear.gather [hbm4b:s19+s3], $0x80, $0x38;
	[tilespmem:$0x1F780] =	vst v63  }
0x291: {  	s19 =	smov.u32 s24  }
0x292: {  	s1 =	sadd.s32 s1, s21  }
0x293: {  	[tilespmem:s13], [sflag:$0x6] =	stream.linear.gather [hbm4b:s1+s3], $0x80, $0x38;
	[tilespmem:$0x1F780] =	vst v63  }
0x294: {  	s1 =	sadd.s32 $0xA010, s15;
	s15 =	simm.s32 $0x14240  }
0x295: {  	[tilespmem:s23], [sflag:$0x6] =	stream.linear.gather [hbm4b:s1+s3], $0x80, $0x38;
	[tilespmem:$0x1F780] =	vst v63  }
0x296: {  	_ =	swait.ge [sflag:s6], $0x80  }
0x297: {  	[sflag:s6] =	ssyncset.done $0x0  }
0x298: {  	[sflag:s6] =	ssyncadd.s32 $0xFFFFFF80  }
0x299: {  	_ =	swait.ge [sflag:s6], $0x80  }
0x29a: {  	[sflag:s6] =	ssyncset.done $0x0  }
0x29b: {  	[sflag:s6] =	ssyncadd.s32 $0xFFFFFF80  }
0x29c: {  	_ =	swait.ge [sflag:s6], $0x80  }
0x29d: {  	[sflag:s6] =	ssyncset.done $0x0  }
0x29e: {  	[sflag:s6] =	ssyncadd.s32 $0xFFFFFF80  }
0x29f: {  	_ =	swait.ge [sflag:s6], $0x80  }
0x2a0: {  	[sflag:s6] =	ssyncset.done $0x0  }
0x2a1: {  	[sflag:s6] =	ssyncadd.s32 $0xFFFFFF80  }
0x2a2: {  	v4 =	vld [tilespmem:$0x14240]  }
0x2a3: {  	v5 =	vld [tilespmem:$0x142D0]  }
0x2a4: {  	v6 =	vld [tilespmem:$0x14250]  }
0x2a5: {  	v7 =	vld [tilespmem:$0x142C0]  }
0x2a6: {  	v8 =	vld [tilespmem:$0x14280]  }
0x2a7: {  	v9 =	vld [tilespmem:$0x142B0]  }
0x2a8: {  	v10 =	vld [tilespmem:$0x14230];
	v5 =	vadd.s32 v3, v5  }
0x2a9: {  	v11 =	vld [tilespmem:$0x142A0];
	v6 =	vadd.s32 v3, v6;
	[tilespmem:$0x142D0] =	vst v5  }
0x2aa: {  	v5 =	vld [tilespmem:$0x14220];
	v7 =	vadd.s32 v3, v7;
	[tilespmem:$0x14250] =	vst v6  }
0x2ab: {  	v4 =	vadd.s32 v3, v4;
	v6 =	vadd.s32 v3, v8;
	v8 =	vld [tilespmem:$0x14290];
	[tilespmem:$0x142C0] =	vst v7  }
0x2ac: {  	v7 =	vld [tilespmem:$0x14210];
	v9 =	vadd.s32 v3, v9;
	[tilespmem:$0x14240] =	vst v4  }
0x2ad: {  	v4 =	vadd.s32 v3, v10;
	[tilespmem:$0x142B0] =	vst v9;
	v9 =	vld [tilespmem:$0x14270]  }
0x2ae: {  	v10 =	vadd.s32 v3, v11;
	[tilespmem:$0x14230] =	vst v4;
	v4 =	vld [tilespmem:$0x142E0]  }
0x2af: {  	v5 =	vadd.s32 v3, v5;
	[tilespmem:$0x142A0] =	vst v10;
	v10 =	vld [tilespmem:$0x14260]  }
0x2b0: {  	v11 =	vld [tilespmem:$0x14200];
	v8 =	vadd.s32 v3, v8;
	[tilespmem:$0x14220] =	vst v5  }
0x2b1: {  	v5 =	vadd.s32 v3, v7;
	[tilespmem:$0x14290] =	vst v8;
	v7 =	vld [tilespmem:$0x142F0]  }
0x2b2: {  	[tilespmem:$0x14210] =	vst v5;
	v5 =	vadd.s32 v3, v9  }
0x2b3: {  	v4 =	vadd.s32 v3, v4;
	[tilespmem:$0x14270] =	vst v5  }
0x2b4: {  	v5 =	vadd.s32 v3, v10;
	[tilespmem:$0x142E0] =	vst v4  }
0x2b5: {  	v4 =	vadd.s32 v3, v11;
	[tilespmem:$0x14260] =	vst v5  }
0x2b6: {  	[tilespmem:$0x14280] =	vst v6;
	v5 =	vadd.s32 v3, v7  }
0x2b7: {  	[tilespmem:$0x142F0] =	vst v5  }
0x2b8: {  	[tilespmem:$0x14200] =	vst v4  }
0x2b9: {  	[tilespmem:s28], [sflag:$0x1] =	stream.indirect.gather [hbm4b:s8+s18], $0x80, s30, s18, $0xb8;
	[tilespmem:$0x1F780] =	vst v63  }
0x2ba: {  	s1 =	simm.s32 $0x142C0  }
0x2bb: {  	[tilespmem:s0], [sflag:$0x2] =	stream.indirect.gather [hbm4b:s8+s18], $0x80, s15, s18, $0xb8;
	[tilespmem:$0x1F780] =	vst v63  }
.Ltmp12:
0x2bc: {  	(pc) =	sbr.rel @p0 .LBB2_27-.Ltmp12, $4  }
0x2bd: {  	[tilespmem:s5], [sflag:$0x3] =	stream.indirect.gather [hbm4b:s8+s18], $0x80, s14, s18, $0xb8;
	[tilespmem:$0x1F780] =	vst v63  }
0x2be: {  	_ = 	snop  }
0x2bf: {  	[tilespmem:s31], [sflag:$0x4] =	stream.indirect.gather [hbm4b:s8+s18], $0x80, s1, s18, $0xb8;
	[tilespmem:$0x1F780] =	vst v63  }
0x2c0: {  	_ =	swait.ge [sflag:s9], $0x2000  }
0x2c1: {  	[sflag:s9] =	ssyncset.done $0x0  }
0x2c2: {  	[sflag:s9] =	ssyncadd.s32 $0xFFFFE000  }
0x2c3: {  	[spmem:s2] =	stream.indirect.scatter.add.f32 [tilespmem:s28], [sflag:$0x5], $0x80, s17, s18, $0xb8;
	[tilespmem:$0x1F780] =	vst v63  }
0x2c4: {  	_ =	swait.ge [sflag:s10], $0x2000  }
0x2c5: {  	[sflag:s10] =	ssyncset.done $0x0  }
0x2c6: {  	s1 =	simm.s32 $0x14340;
	[sflag:s10] =	ssyncadd.s32 $0xFFFFE000  }
0x2c7: {  	[spmem:s2] =	stream.indirect.scatter.add.f32 [tilespmem:s0], [sflag:$0x5], $0x80, s1, s18, $0xb8;
	[tilespmem:$0x1F780] =	vst v63  }
0x2c8: {  	_ =	swait.ge [sflag:s26], $0x2000  }
0x2c9: {  	[sflag:s26] =	ssyncset.done $0x0  }
0x2ca: {  	[sflag:s26] =	ssyncadd.s32 $0xFFFFE000  }
0x2cb: {  	[spmem:s2] =	stream.indirect.scatter.add.f32 [tilespmem:s5], [sflag:$0x5], $0x80, s20, s18, $0xb8;
	[tilespmem:$0x1F780] =	vst v63  }
0x2cc: {  	_ =	swait.ge [sflag:s7], $0x2000  }
0x2cd: {  	[sflag:s7] =	ssyncset.done $0x0  }
0x2ce: {  	s22 =	simm.s32 $0x143C0;
	[sflag:s7] =	ssyncadd.s32 $0xFFFFE000  }
0x2cf: {  	[spmem:s2] =	stream.indirect.scatter.add.f32 [tilespmem:s31], [sflag:$0x5], $0x80, s22, s18, $0xb8;
	[tilespmem:$0x1F780] =	vst v63  }
0x2d0: {  	_ =	swait.ge [sflag:s11], $0x2000  }
0x2d1: {  	[sflag:s11] =	ssyncset.done $0x0  }
0x2d2: {  	[sflag:s11] =	ssyncadd.s32 $0xFFFFE000  }
0x2d3: {  	_ =	swait.ge [sflag:s11], $0x2000  }
0x2d4: {  	[sflag:s11] =	ssyncset.done $0x0  }
0x2d5: {  	[sflag:s11] =	ssyncadd.s32 $0xFFFFE000  }
0x2d6: {  	_ =	swait.ge [sflag:s11], $0x2000  }
0x2d7: {  	[sflag:s11] =	ssyncset.done $0x0  }
0x2d8: {  	[sflag:s11] =	ssyncadd.s32 $0xFFFFE000  }
0x2d9: {  	_ =	swait.ge [sflag:s11], $0x2000  }
0x2da: {  	[sflag:s11] =	ssyncset.done $0x0  }
0x2db: {  	[sflag:s11] =	ssyncadd.s32 $0xFFFFE000  }
0x2dc: {  	_ =	swait.ge [sflag:s6], $0x80  }
0x2dd: {  	[sflag:s6] =	ssyncset.done $0x0  }
0x2de: {  	[sflag:s6] =	ssyncadd.s32 $0xFFFFFF80  }
0x2df: {  	_ =	swait.ge [sflag:s6], $0x80  }
0x2e0: {  	[sflag:s6] =	ssyncset.done $0x0  }
0x2e1: {  	[sflag:s6] =	ssyncadd.s32 $0xFFFFFF80  }
0x2e2: {  	_ =	swait.ge [sflag:s6], $0x80  }
0x2e3: {  	s29 =	simm.s32 $0x1F480;
	s19 =	simm.s32 $0x7;
	[sflag:s6] =	ssyncset.done $0x0  }
0x2e4: {  	s14 =	simm.s32 $0x14080;
	s13 =	simm.s32 $0x14200;
	[sflag:s6] =	ssyncadd.s32 $0xFFFFFF80  }
0x2e5: {  	s30 =	simm.s32 $0x14300;
	s4 =	simm.s32 $0x14280;
	_ =	swait.ge [sflag:s6], $0x80  }
0x2e6: {  	s17 =	simm.s32 $0x14180;
	s23 =	rddreg [dreg:$0x18];
	[sflag:s6] =	ssyncset.done $0x0  }
0x2e7: {  	s28 =	simm.s32 $0x1AC00;
	s24 =	sxor.u32 $0x1, s23;
	[sflag:s6] =	ssyncadd.s32 $0xFFFFFF80  }
0x2e8: {  	s0 =	simm.s32 $0x16C00;
	s1 =	smul.u32 $0x5000, s24;
	[bflag:$0x0] =	sbarrier.arrive $0xFFFF  }
0x2e9: {  	s5 =	simm.s32 $0x1CC00;
	s22 =	simm.s32 $0x14000;
	s12 =	rddreg [dreg:$0xa]  }
0x2ea: {  	s31 =	simm.s32 $0x18C00;
	s23 =	simm.s32 $0x14100;
	s25 =	sadd.s32 s12, s1  }
0x2eb: {  	s24 =	simm.s32 $0x14380;
	s12 =	simm.s32 $0x0;
	[dreg:$0x19] =	wrdreg s25  }
.LBB2_29:
0x2ec: {  	s1 =	sshll.u32 s12, $0x6;
	s15 =	rddreg [dreg:$0x9]  }
0x2ed: {  	s1 =	sadd.s32 s15, s1  }
0x2ee: {  	s15 =	sshll.u32 s1, $0x7  }
0x2ef: {  	s16 =	sand.u32 $0x3FFFFF80, s15  }
0x2f0: {  	s25 =	sadd.s32 s16, s2  }
0x2f1: {  	[tilespmem:s0], [sflag:$0x7] =	stream.linear.gather [spmem:s25], $0x2000, $0x38;
	[tilespmem:$0x1F780] =	vst v63  }
0x2f2: {  	_ =	swait.ge [sflag:s19], $0x2000  }
0x2f3: {  	s21 =	rddreg [dreg:$0xe]  }
0x2f4: {  	s15 =	sadd.s32 s21, s15  }
0x2f5: {  	[sflag:s19] =	ssyncset.done $0x0;
	s20 =	rddreg [dreg:$0x6];
	s15 =	sshrl.u32 s15, $0x3  }
0x2f6: {  	[sflag:s19] =	ssyncadd.s32 $0xFFFFE000;
	s21 =	simm.s32 $0x0;
	s15 =	sadd.s32 s20, s15  }
0x2f7: {  	[tilespmem:s31], [sflag:$0x7] =	stream.linear.gather [hbm4b:s15+s21], $0x2000, $0x38;
	[tilespmem:$0x1F780] =	vst v63  }
0x2f8: {  	_ =	swait.ge [sflag:s19], $0x2000  }
0x2f9: {  	[sflag:s19] =	ssyncset.done $0x0  }
0x2fa: {  	[sflag:s19] =	ssyncadd.s32 $0xFFFFE000;
	s19 =	simm.s32 $0x0  }
0x2fb: {  	v3 =	vld [tilespmem:s19+$0x18C40]  }
0x2fc: {  	v7 =	vld [tilespmem:s19+$0x16C70]  }
0x2fd: {  	v8 =	vld [tilespmem:s19+$0x16C60]  }
0x2fe: {  	v10 =	vld [tilespmem:s19+$0x16C50]  }
0x2ff: {  	v14 =	vld [tilespmem:s19+$0x18C60]  }
0x300: {  	v17 =	vld [tilespmem:s19+$0x18C70]  }
0x301: {  	v5 =	vld [tilespmem:s19+$0x18C50]  }
0x302: {  	v9 =	vld [tilespmem:s19+$0x16C40]  }
0x303: {  	v4 =	vld.msk [tilespmem:s29+$0x0 ss:$0x0], $0xffff  }
0x304: {  	v12 =	vld [tilespmem:s19+$0x16C00]  }
0x305: {  	v15 =	vld [tilespmem:s19+$0x16C30]  }
0x306: {  	v16 =	vld [tilespmem:s19+$0x16C10]  }
0x307: {  	v6 =	vld [tilespmem:s19+$0x16C20]  }
0x308: {  	v13 =	vld [tilespmem:s19+$0x18C10]  }
0x309: {  	v11 =	vld [tilespmem:s19+$0x18C00];
	v18 =	vmul.f32 v8, v4;
	v19 =	vmul.f32 v7, v4  }
0x30a: {  	v7 =	vld [tilespmem:s19+$0x18C20];
	v8 =	vmul.f32 v15, v4;
	v15 =	vmul.f32 v10, v4  }
0x30b: {  	s16 =	smov.u32 s29;
	s15 =	simm.s32 $0x200;
	v16 =	vmul.f32 v16, v4;
	v10 =	vld [tilespmem:s19+$0x18C30];
	v14 =	vadd.f32 v14, v18;
	v17 =	vadd.f32 v17, v19  }
.LBB2_30:
0x30c: {  	s21 =	smov.u32 s15  }
0x30d: {  	s20 =	sshra.s32 s15, $0x2;
	v12 =	vmul.f32 v12, v4;
	v9 =	vmul.f32 v9, v4;
	s16 =	sadd.s32 $0x1, s16;
	s21 =	sadd.s32 $0x200, s15  }
0x30e: {  	p0 =	sne.s32 s15, $0x7E00;
	v5 =	vadd.f32 v5, v15;
	v13 =	vadd.f32 v13, v16;
	v18 =	vld [tilespmem:s20+$0x18C40];
	[tilespmem:s19+$0x16C70] =	vst v17  }
0x30f: {  	v11 =	vadd.f32 v11, v12;
	v3 =	vadd.f32 v3, v9;
	v15 =	vld [tilespmem:s20+$0x16C70];
	[tilespmem:s19+$0x16C60] =	vst v14  }
0x310: {  	v4 =	vmul.f32 v6, v4;
	v14 =	vld [tilespmem:s20+$0x16C60];
	[tilespmem:s19+$0x16C50] =	vst v5  }
0x311: {  	v16 =	vld [tilespmem:s20+$0x16C50];
	[tilespmem:s19+$0x16C10] =	vst v13  }
0x312: {  	v4 =	vadd.f32 v7, v4;
	v6 =	vadd.f32 v10, v8;
	v17 =	vld [tilespmem:s20+$0x18C60];
	[tilespmem:s19+$0x16C00] =	vst v11  }
0x313: {  	v19 =	vld [tilespmem:s20+$0x18C70];
	[tilespmem:s19+$0x16C40] =	vst v3;
	v3 =	vmov v18  }
0x314: {  	v5 =	vld [tilespmem:s20+$0x18C50];
	[tilespmem:s19+$0x16C30] =	vst v6  }
0x315: {  	v9 =	vld [tilespmem:s20+$0x16C40];
	[tilespmem:s19+$0x16C20] =	vst v4;
	s19 =	smov.u32 s20  }
0x316: {  	v4 =	vld.msk [tilespmem:s16+$0x0 ss:$0x0], $0xffff  }
0x317: {  	v12 =	vld [tilespmem:s19+$0x16C00]  }
0x318: {  	v8 =	vld [tilespmem:s19+$0x16C30]  }
0x319: {  	v10 =	vld [tilespmem:s19+$0x16C10]  }
.Ltmp13:
0x31a: {  	v6 =	vld [tilespmem:s19+$0x16C20];
	(pc) =	sbr.rel @p0 .LBB2_30-.Ltmp13, $4  }
0x31b: {  	v13 =	vld [tilespmem:s19+$0x18C10]  }
0x31c: {  	v14 =	vmul.f32 v14, v4;
	v18 =	vmul.f32 v15, v4;
	v11 =	vld [tilespmem:s19+$0x18C00]  }
0x31d: {  	v15 =	vmul.f32 v16, v4;
	v7 =	vld [tilespmem:s19+$0x18C20];
	v8 =	vmul.f32 v8, v4  }
0x31e: {  	s15 =	smov.u32 s21;
	v14 =	vadd.f32 v17, v14;
	v17 =	vadd.f32 v19, v18;
	v16 =	vmul.f32 v10, v4;
	v10 =	vld [tilespmem:s19+$0x18C30]  }
0x31f: {  	_ = 	snop  }
0x320: {  	v12 =	vmul.f32 v12, v4;
	v5 =	vadd.f32 v5, v15;
	[tilespmem:s19+$0x16C70] =	vst v17  }
0x321: {  	v9 =	vmul.f32 v9, v4;
	v13 =	vadd.f32 v13, v16;
	[tilespmem:s19+$0x16C60] =	vst v14  }
0x322: {  	v62 =	vmul.f32 v6, v4;
	v11 =	vadd.f32 v11, v12;
	[tilespmem:s19+$0x16C50] =	vst v5  }
0x323: {  	v3 =	vadd.f32 v3, v9;
	[tilespmem:s19+$0x16C10] =	vst v13  }
0x324: {  	s15 =	rddreg [dreg:$0x19];
	v4 =	vadd.f32 v7, v62;
	[tilespmem:s19+$0x16C00] =	vst v11  }
0x325: {  	s1 =	sadd.s32 s1, s15;
	v63 =	vadd.f32 v10, v8;
	[tilespmem:s19+$0x16C40] =	vst v3  }
0x326: {  	s1 =	sshll.u32 s1, $0x4;
	[tilespmem:s19+$0x16C20] =	vst v4  }
0x327: {  	s21 =	simm.s32 $0x0;
	s1 =	sadd.s32 s8, s1;
	[tilespmem:s19+$0x16C30] =	vst v63;
	s19 =	simm.s32 $0x7  }
0x328: {  	[hbm4b:s1+s21] =	stream.linear.scatter [tilespmem:s0], [sflag:$0x7], $0x2000, $0x38;
	[tilespmem:$0x1F780] =	vst v63  }
0x329: {  	_ =	swait.ge [sflag:s19], $0x2000  }
0x32a: {  	[sflag:s19] =	ssyncset.done $0x0  }
0x32b: {  	s16 =	simm.s32 $0x200;
	s1 =	simm.s32 $0x0;
	[sflag:s19] =	ssyncadd.s32 $0xFFFFE000  }
.LBB2_32:
0x32c: {  	p0 =	sne.s32 s16, $0x7E00;
	[tilespmem:s1+$0x16C70] =	vst v1  }
0x32d: {  	[tilespmem:s1+$0x16C00] =	vst v1  }
0x32e: {  	[tilespmem:s1+$0x16C10] =	vst v1  }
.Ltmp14:
0x32f: {  	[tilespmem:s1+$0x16C20] =	vst v1;
	(pc) =	sbr.rel @p0 .LBB2_32-.Ltmp14, $4  }
0x330: {  	[tilespmem:s1+$0x16C30] =	vst v1  }
0x331: {  	[tilespmem:s1+$0x16C40] =	vst v1  }
0x332: {  	[tilespmem:s1+$0x16C50] =	vst v1  }
0x333: {  	[tilespmem:s1+$0x16C60] =	vst v1;
	s1 =	sshra.s32 s16, $0x2;
	s16 =	sadd.s32 $0x200, s16  }
0x334: {  	[tilespmem:s1+$0x16C70] =	vst v1  }
0x335: {  	[tilespmem:s1+$0x16C00] =	vst v1  }
0x336: {  	[tilespmem:s1+$0x16C10] =	vst v1  }
0x337: {  	[tilespmem:s1+$0x16C20] =	vst v1  }
0x338: {  	[tilespmem:s1+$0x16C30] =	vst v1  }
0x339: {  	[tilespmem:s1+$0x16C40] =	vst v1;
	s12 =	sadd.s32 $0x1, s12  }
0x33a: {  	[tilespmem:s1+$0x16C50] =	vst v1;
	p0 =	sne.s32 s12, $0xA  }
.Ltmp15:
0x33b: {  	[tilespmem:s1+$0x16C60] =	vst v1;
	(pc) =	sbr.rel @p0 .LBB2_29-.Ltmp15, $4  }
0x33c: {  	[spmem:s25] =	stream.linear.scatter [tilespmem:s0], [sflag:$0x7], $0x2000, $0x38;
	[tilespmem:$0x1F780] =	vst v63  }
0x33d: {  	_ =	swait.ge [sflag:s19], $0x2000  }
0x33e: {  	[sflag:s19] =	ssyncset.done $0x0  }
0x33f: {  	s29 =	sadd.s32 $0x40, s29;
	[sflag:s19] =	ssyncadd.s32 $0xFFFFE000  }
0x340: {  	s21 =	rddreg [dreg:$0x17]  }
0x341: {  	s21 =	sadd.s32 $0x1, s21  }
0x342: {  	p0 =	sne.s32 s21, $0x9  }
.Ltmp16:
0x343: {  	_ = 	snop;
	(pc) =	sbr.rel @p0 .LBB2_26-.Ltmp16, $3  }
0x344: {  	_ =	sdelay $0x1  }
0x345: {  	[bflag:$0x0] =	sbarrier.arrive $0xFFFF  }
0x346: {  	s16 =	simm.s32 $0x14040;
	s20 =	simm.s32 $0x140C0;
	s19 =	rddreg [dreg:$0x1]  }
0x347: {  	s12 =	simm.s32 $0x0;
	s1 =	rddreg [dreg:$0xc]  }
0x348: {  	[tilespmem:s22], [sflag:$0x6] =	stream.linear.gather [hbm4b:s1+s12], $0x80, $0x38;
	[tilespmem:$0x1F780] =	vst v63  }
0x349: {  	s25 =	rddreg [dreg:$0xf]  }
0x34a: {  	[tilespmem:s23], [sflag:$0x6] =	stream.linear.gather [hbm4b:s25+s12], $0x80, $0x38;
	[tilespmem:$0x1F780] =	vst v63  }
0x34b: {  	s15 =	rddreg [dreg:$0x10]  }
0x34c: {  	[tilespmem:s14], [sflag:$0x6] =	stream.linear.gather [hbm4b:s15+s12], $0x80, $0x38;
	[tilespmem:$0x1F780] =	vst v63  }
0x34d: {  	s21 =	rddreg [dreg:$0x11]  }
0x34e: {  	[tilespmem:s17], [sflag:$0x6] =	stream.linear.gather [hbm4b:s21+s12], $0x80, $0x38;
	[tilespmem:$0x1F780] =	vst v63  }
0x34f: {  	_ =	swait.ge [sflag:s6], $0x80  }
0x350: {  	[sflag:s6] =	ssyncset.done $0x0  }
0x351: {  	[sflag:s6] =	ssyncadd.s32 $0xFFFFFF80  }
0x352: {  	_ =	swait.ge [sflag:s6], $0x80  }
0x353: {  	[sflag:s6] =	ssyncset.done $0x0  }
0x354: {  	[sflag:s6] =	ssyncadd.s32 $0xFFFFFF80  }
0x355: {  	_ =	swait.ge [sflag:s6], $0x80  }
0x356: {  	[sflag:s6] =	ssyncset.done $0x0  }
0x357: {  	[sflag:s6] =	ssyncadd.s32 $0xFFFFFF80  }
0x358: {  	_ =	swait.ge [sflag:s6], $0x80  }
0x359: {  	s29 =	rddreg [dreg:$0x13]  }
0x35a: {  	[sflag:s6] =	ssyncset.done $0x0;
	s1 =	sadd.s32 $0x0, s29  }
0x35b: {  	[sflag:s6] =	ssyncadd.s32 $0xFFFFFF80;
	s15 =	sadd.s32 $0x20, s1  }
0x35c: {  	[tilespmem:s13], [sflag:$0x6] =	stream.linear.gather [hbm4b:s15+s3], $0x80, $0x38;
	[tilespmem:$0x1F780] =	vst v63  }
0x35d: {  	s25 =	sadd.s32 $0xA020, s1  }
0x35e: {  	[tilespmem:s30], [sflag:$0x6] =	stream.linear.gather [hbm4b:s25+s3], $0x80, $0x38;
	[tilespmem:$0x1F780] =	vst v63  }
0x35f: {  	s21 =	sadd.s32 $0x30, s1  }
0x360: {  	[tilespmem:s4], [sflag:$0x6] =	stream.linear.gather [hbm4b:s21+s3], $0x80, $0x38;
	[tilespmem:$0x1F780] =	vst v63  }
0x361: {  	s1 =	sadd.s32 $0xA030, s1  }
0x362: {  	[tilespmem:s24], [sflag:$0x6] =	stream.linear.gather [hbm4b:s1+s3], $0x80, $0x38;
	[tilespmem:$0x1F780] =	vst v63  }
0x363: {  	v3 =	vld [tilespmem:$0x14030]  }
0x364: {  	v4 =	vld [tilespmem:$0x14020]  }
0x365: {  	v5 =	vld [tilespmem:$0x140C0]  }
0x366: {  	v6 =	vld [tilespmem:$0x140A0]  }
0x367: {  	v7 =	vld [tilespmem:$0x14010]  }
0x368: {  	v8 =	vld [tilespmem:$0x14080];
	v3 =	vadd.s32 v0, v3  }
0x369: {  	v9 =	vld [tilespmem:$0x14060];
	v4 =	vadd.s32 v0, v4;
	[tilespmem:$0x14030] =	vst v3  }
0x36a: {  	v35 =	vld [tilespmem:$0x14000];
	v32 =	vadd.s32 v0, v5;
	[tilespmem:$0x14020] =	vst v4  }
0x36b: {  	v33 =	vadd.s32 v0, v6;
	v3 =	vld [tilespmem:$0x140D0];
	[tilespmem:$0x140C0] =	vst v32  }
0x36c: {  	v34 =	vld [tilespmem:$0x140F0];
	v7 =	vadd.s32 v0, v7;
	[tilespmem:$0x140A0] =	vst v33  }
0x36d: {  	v37 =	vld [tilespmem:$0x14070];
	v36 =	vadd.s32 v0, v8;
	[tilespmem:$0x14010] =	vst v7  }
0x36e: {  	v38 =	vld [tilespmem:$0x14040];
	v9 =	vadd.s32 v0, v9;
	[tilespmem:$0x14080] =	vst v36  }
0x36f: {  	v39 =	vld [tilespmem:$0x14050];
	v41 =	vadd.s32 v0, v35;
	[tilespmem:$0x14060] =	vst v9  }
0x370: {  	v40 =	vld [tilespmem:$0x14090];
	[tilespmem:$0x14000] =	vst v41;
	v3 =	vadd.s32 v0, v3  }
0x371: {  	v42 =	vld [tilespmem:$0x140B0];
	[tilespmem:$0x140D0] =	vst v3;
	v3 =	vadd.s32 v0, v34  }
0x372: {  	v8 =	vadd.s32 v0, v37;
	[tilespmem:$0x140F0] =	vst v3;
	v3 =	vld [tilespmem:$0x140E0]  }
0x373: {  	v43 =	vadd.s32 v0, v38;
	[tilespmem:$0x14070] =	vst v8  }
0x374: {  	v5 =	vadd.s32 v0, v39;
	[tilespmem:$0x14040] =	vst v43  }
0x375: {  	v44 =	vadd.s32 v0, v40;
	[tilespmem:$0x14050] =	vst v5  }
0x376: {  	v45 =	vadd.s32 v0, v42;
	[tilespmem:$0x14090] =	vst v44  }
0x377: {  	[tilespmem:$0x140B0] =	vst v45;
	v3 =	vadd.s32 v0, v3  }
0x378: {  	[tilespmem:$0x140E0] =	vst v3  }
0x379: {  	[tilespmem:s0], [sflag:$0x1] =	stream.indirect.gather [hbm4b:s8+s18], $0x80, s22, s18, $0xb8;
	[tilespmem:$0x1F780] =	vst v63  }
0x37a: {  	_ = 	snop  }
0x37b: {  	[tilespmem:s31], [sflag:$0x2] =	stream.indirect.gather [hbm4b:s8+s18], $0x80, s16, s18, $0xb8;
	[tilespmem:$0x1F780] =	vst v63  }
0x37c: {  	_ = 	snop  }
0x37d: {  	[tilespmem:s28], [sflag:$0x3] =	stream.indirect.gather [hbm4b:s8+s18], $0x80, s14, s18, $0xb8;
	[tilespmem:$0x1F780] =	vst v63  }
0x37e: {  	_ = 	snop  }
0x37f: {  	[tilespmem:s5], [sflag:$0x4] =	stream.indirect.gather [hbm4b:s8+s18], $0x80, s20, s18, $0xb8;
	[tilespmem:$0x1F780] =	vst v63  }
0x380: {  	_ =	swait.ge [sflag:s9], $0x2000  }
0x381: {  	[sflag:s9] =	ssyncset.done $0x0  }
0x382: {  	[sflag:s9] =	ssyncadd.s32 $0xFFFFE000  }
0x383: {  	[spmem:s2] =	stream.indirect.scatter.add.f32 [tilespmem:s0], [sflag:$0x5], $0x80, s23, s18, $0xb8;
	[tilespmem:$0x1F780] =	vst v63  }
0x384: {  	_ =	swait.ge [sflag:s10], $0x2000  }
0x385: {  	[sflag:s10] =	ssyncset.done $0x0  }
0x386: {  	s25 =	simm.s32 $0x14140;
	[sflag:s10] =	ssyncadd.s32 $0xFFFFE000  }
0x387: {  	[spmem:s2] =	stream.indirect.scatter.add.f32 [tilespmem:s31], [sflag:$0x5], $0x80, s25, s18, $0xb8;
	[tilespmem:$0x1F780] =	vst v63  }
0x388: {  	_ =	swait.ge [sflag:s26], $0x2000  }
0x389: {  	[sflag:s26] =	ssyncset.done $0x0  }
0x38a: {  	[sflag:s26] =	ssyncadd.s32 $0xFFFFE000  }
0x38b: {  	[spmem:s2] =	stream.indirect.scatter.add.f32 [tilespmem:s28], [sflag:$0x5], $0x80, s17, s18, $0xb8;
	[tilespmem:$0x1F780] =	vst v63  }
0x38c: {  	_ =	swait.ge [sflag:s7], $0x2000  }
0x38d: {  	[sflag:s7] =	ssyncset.done $0x0  }
0x38e: {  	s15 =	simm.s32 $0x141C0;
	[sflag:s7] =	ssyncadd.s32 $0xFFFFE000  }
0x38f: {  	[spmem:s2] =	stream.indirect.scatter.add.f32 [tilespmem:s5], [sflag:$0x5], $0x80, s15, s18, $0xb8;
	[tilespmem:$0x1F780] =	vst v63  }
0x390: {  	_ =	swait.ge [sflag:s11], $0x2000  }
0x391: {  	[sflag:s11] =	ssyncset.done $0x0  }
0x392: {  	[sflag:s11] =	ssyncadd.s32 $0xFFFFE000  }
0x393: {  	_ =	swait.ge [sflag:s11], $0x2000  }
0x394: {  	[sflag:s11] =	ssyncset.done $0x0  }
0x395: {  	[sflag:s11] =	ssyncadd.s32 $0xFFFFE000  }
0x396: {  	_ =	swait.ge [sflag:s11], $0x2000  }
0x397: {  	[sflag:s11] =	ssyncset.done $0x0  }
0x398: {  	[sflag:s11] =	ssyncadd.s32 $0xFFFFE000  }
0x399: {  	s16 =	smin.u32 s12, $0x4D;
	_ =	swait.ge [sflag:s11], $0x2000  }
0x39a: {  	s1 =	sshll.u32 s16, $0x8;
	s25 =	rddreg [dreg:$0x12]  }
0x39b: {  	s1 =	sadd.s32 s1, s25  }
0x39c: {  	[sflag:s11] =	ssyncset.done $0x0;
	s1 =	sshrl.u32 s1, $0x3  }
0x39d: {  	[sflag:s11] =	ssyncadd.s32 $0xFFFFE000;
	s20 =	sadd.s32 s19, s1  }
0x39e: {  	[tilespmem:s22], [sflag:$0x6] =	stream.linear.gather [hbm4b:s20+s3], $0x80, $0x38;
	[tilespmem:$0x1F780] =	vst v63  }
0x39f: {  	s21 =	rddreg [dreg:$0xd];
	s24 =	sadd.s32 $0xA000, s20  }
0x3a0: {  	[tilespmem:s23], [sflag:$0x6] =	stream.linear.gather [hbm4b:s24+s3], $0x80, $0x38;
	[tilespmem:$0x1F780] =	vst v63  }
0x3a1: {  	s1 =	sadd.s32 s1, s21  }
0x3a2: {  	[tilespmem:s14], [sflag:$0x6] =	stream.linear.gather [hbm4b:s1+s3], $0x80, $0x38;
	[tilespmem:$0x1F780] =	vst v63  }
0x3a3: {  	s20 =	sadd.s32 $0xA010, s20  }
0x3a4: {  	[tilespmem:s17], [sflag:$0x6] =	stream.linear.gather [hbm4b:s20+s3], $0x80, $0x38;
	[tilespmem:$0x1F780] =	vst v63  }
0x3a5: {  	_ =	swait.ge [sflag:s6], $0x80  }
0x3a6: {  	[sflag:s6] =	ssyncset.done $0x0  }
0x3a7: {  	[sflag:s6] =	ssyncadd.s32 $0xFFFFFF80  }
0x3a8: {  	_ =	swait.ge [sflag:s6], $0x80  }
0x3a9: {  	[sflag:s6] =	ssyncset.done $0x0  }
0x3aa: {  	[sflag:s6] =	ssyncadd.s32 $0xFFFFFF80  }
0x3ab: {  	_ =	swait.ge [sflag:s6], $0x80  }
0x3ac: {  	[sflag:s6] =	ssyncset.done $0x0  }
0x3ad: {  	[sflag:s6] =	ssyncadd.s32 $0xFFFFFF80  }
0x3ae: {  	_ =	swait.ge [sflag:s6], $0x80  }
0x3af: {  	[sflag:s6] =	ssyncset.done $0x0  }
0x3b0: {  	[sflag:s6] =	ssyncadd.s32 $0xFFFFFF80  }
0x3b1: {  	v3 =	vld [tilespmem:$0x142D0]  }
0x3b2: {  	v46 =	vld [tilespmem:$0x14250]  }
0x3b3: {  	v47 =	vld [tilespmem:$0x142C0]  }
0x3b4: {  	v48 =	vld [tilespmem:$0x14240]  }
0x3b5: {  	v49 =	vld [tilespmem:$0x142B0]  }
0x3b6: {  	v50 =	vld [tilespmem:$0x14230];
	v3 =	vadd.s32 v0, v3  }
0x3b7: {  	v51 =	vld [tilespmem:$0x142A0];
	v4 =	vadd.s32 v0, v46;
	[tilespmem:$0x142D0] =	vst v3  }
0x3b8: {  	v59 =	vld [tilespmem:$0x14280];
	v5 =	vadd.s32 v0, v47;
	[tilespmem:$0x14250] =	vst v4  }
0x3b9: {  	v61 =	vld [tilespmem:$0x14200];
	v6 =	vadd.s32 v0, v48;
	[tilespmem:$0x142C0] =	vst v5  }
0x3ba: {  	v52 =	vld [tilespmem:$0x14290];
	v7 =	vadd.s32 v0, v49;
	[tilespmem:$0x14240] =	vst v6  }
0x3bb: {  	v57 =	vld [tilespmem:$0x142E0];
	v54 =	vadd.s32 v0, v50;
	[tilespmem:$0x142B0] =	vst v7  }
0x3bc: {  	v56 =	vadd.s32 v0, v51;
	v3 =	vld [tilespmem:$0x14220];
	[tilespmem:$0x14230] =	vst v54  }
0x3bd: {  	v53 =	vld [tilespmem:$0x14210];
	v62 =	vadd.s32 v0, v59;
	[tilespmem:$0x142A0] =	vst v56  }
0x3be: {  	v55 =	vld [tilespmem:$0x14270];
	v63 =	vadd.s32 v0, v61;
	[tilespmem:$0x14280] =	vst v62  }
0x3bf: {  	v58 =	vld [tilespmem:$0x14260];
	v4 =	vadd.s32 v0, v52;
	[tilespmem:$0x14200] =	vst v63  }
0x3c0: {  	v60 =	vld [tilespmem:$0x142F0];
	v6 =	vadd.s32 v0, v57;
	[tilespmem:$0x14290] =	vst v4  }
0x3c1: {  	[tilespmem:$0x142E0] =	vst v6;
	v3 =	vadd.s32 v0, v3  }
0x3c2: {  	[tilespmem:$0x14220] =	vst v3;
	v3 =	vadd.s32 v0, v53  }
0x3c3: {  	[tilespmem:$0x14210] =	vst v3;
	v3 =	vadd.s32 v0, v55  }
0x3c4: {  	[tilespmem:$0x14270] =	vst v3;
	v3 =	vadd.s32 v0, v58  }
0x3c5: {  	[tilespmem:$0x14260] =	vst v3;
	v3 =	vadd.s32 v0, v60  }
0x3c6: {  	s30 =	simm.s32 $0x14080;
	[tilespmem:$0x142F0] =	vst v3  }
0x3c7: {  	[tilespmem:s0], [sflag:$0x1] =	stream.indirect.gather [hbm4b:s8+s18], $0x80, s13, s18, $0xb8;
	[tilespmem:$0x1F780] =	vst v63  }
0x3c8: {  	s16 =	simm.s32 $0x40;
	s22 =	simm.s32 $0x14240;
	s23 =	simm.s32 $0x14300  }
0x3c9: {  	[tilespmem:s31], [sflag:$0x2] =	stream.indirect.gather [hbm4b:s8+s18], $0x80, s22, s18, $0xb8;
	[tilespmem:$0x1F780] =	vst v63  }
0x3ca: {  	s24 =	simm.s32 $0x142C0;
	s14 =	simm.s32 $0x14000;
	s17 =	simm.s32 $0x14100  }
0x3cb: {  	[tilespmem:s28], [sflag:$0x3] =	stream.indirect.gather [hbm4b:s8+s18], $0x80, s4, s18, $0xb8;
	[tilespmem:$0x1F780] =	vst v63  }
0x3cc: {  	s20 =	smov.u32 s19;
	s13 =	simm.s32 $0x14280;
	s22 =	simm.s32 $0x14380  }
0x3cd: {  	[tilespmem:s5], [sflag:$0x4] =	stream.indirect.gather [hbm4b:s8+s18], $0x80, s24, s18, $0xb8;
	[tilespmem:$0x1F780] =	vst v63  }
0x3ce: {  	s4 =	simm.s32 $0x14200;
	s24 =	simm.s32 $0x14180;
	_ =	swait.ge [sflag:s9], $0x2000  }
.LBB2_36:
0x3cf: {  	p0 =	sne.s32 s16, $0x9C0;
	[sflag:s9] =	ssyncset.done $0x0;
	s12 =	sadd.s32 $0x2, s12  }
0x3d0: {  	s1 =	smov.u32 s16;
	s16 =	sadd.s32 $0x40, s16;
	[sflag:s9] =	ssyncadd.s32 $0xFFFFE000  }
0x3d1: {  	[spmem:s2] =	stream.indirect.scatter.add.f32 [tilespmem:s0], [sflag:$0x5], $0x80, s23, s18, $0xb8;
	[tilespmem:$0x1F780] =	vst v63  }
0x3d2: {  	_ =	swait.ge [sflag:s10], $0x2000  }
0x3d3: {  	[sflag:s10] =	ssyncset.done $0x0  }
0x3d4: {  	s15 =	simm.s32 $0x14340;
	[sflag:s10] =	ssyncadd.s32 $0xFFFFE000  }
0x3d5: {  	[spmem:s2] =	stream.indirect.scatter.add.f32 [tilespmem:s31], [sflag:$0x5], $0x80, s15, s18, $0xb8;
	[tilespmem:$0x1F780] =	vst v63  }
0x3d6: {  	_ =	swait.ge [sflag:s26], $0x2000  }
0x3d7: {  	[sflag:s26] =	ssyncset.done $0x0  }
0x3d8: {  	[sflag:s26] =	ssyncadd.s32 $0xFFFFE000  }
0x3d9: {  	[spmem:s2] =	stream.indirect.scatter.add.f32 [tilespmem:s28], [sflag:$0x5], $0x80, s22, s18, $0xb8;
	[tilespmem:$0x1F780] =	vst v63  }
0x3da: {  	_ =	swait.ge [sflag:s7], $0x2000  }
0x3db: {  	[sflag:s7] =	ssyncset.done $0x0  }
0x3dc: {  	s15 =	simm.s32 $0x143C0;
	[sflag:s7] =	ssyncadd.s32 $0xFFFFE000  }
0x3dd: {  	[spmem:s2] =	stream.indirect.scatter.add.f32 [tilespmem:s5], [sflag:$0x5], $0x80, s15, s18, $0xb8;
	[tilespmem:$0x1F780] =	vst v63  }
0x3de: {  	_ =	swait.ge [sflag:s11], $0x2000  }
0x3df: {  	[sflag:s11] =	ssyncset.done $0x0  }
0x3e0: {  	[sflag:s11] =	ssyncadd.s32 $0xFFFFE000  }
0x3e1: {  	_ =	swait.ge [sflag:s11], $0x2000  }
0x3e2: {  	[sflag:s11] =	ssyncset.done $0x0  }
0x3e3: {  	[sflag:s11] =	ssyncadd.s32 $0xFFFFE000  }
0x3e4: {  	_ =	swait.ge [sflag:s11], $0x2000  }
0x3e5: {  	[sflag:s11] =	ssyncset.done $0x0  }
0x3e6: {  	[sflag:s11] =	ssyncadd.s32 $0xFFFFE000  }
0x3e7: {  	_ =	swait.ge [sflag:s11], $0x2000  }
0x3e8: {  	[sflag:s11] =	ssyncset.done $0x0  }
0x3e9: {  	[sflag:s11] =	ssyncadd.s32 $0xFFFFE000  }
0x3ea: {  	_ =	swait.ge [sflag:s6], $0x80  }
0x3eb: {  	[sflag:s6] =	ssyncset.done $0x0  }
0x3ec: {  	[sflag:s6] =	ssyncadd.s32 $0xFFFFFF80  }
0x3ed: {  	_ =	swait.ge [sflag:s6], $0x80  }
0x3ee: {  	[sflag:s6] =	ssyncset.done $0x0  }
0x3ef: {  	[sflag:s6] =	ssyncadd.s32 $0xFFFFFF80  }
0x3f0: {  	s1 =	sadd.s32 s1, s29;
	_ =	swait.ge [sflag:s6], $0x80  }
0x3f1: {  	s15 =	sadd.s32 $0x20, s1;
	[sflag:s6] =	ssyncset.done $0x0  }
0x3f2: {  	[sflag:s6] =	ssyncadd.s32 $0xFFFFFF80  }
0x3f3: {  	_ =	swait.ge [sflag:s6], $0x80  }
0x3f4: {  	[sflag:s6] =	ssyncset.done $0x0  }
0x3f5: {  	[sflag:s6] =	ssyncadd.s32 $0xFFFFFF80  }
0x3f6: {  	[tilespmem:s4], [sflag:$0x6] =	stream.linear.gather [hbm4b:s15+s3], $0x80, $0x38;
	[tilespmem:$0x1F780] =	vst v63  }
0x3f7: {  	s15 =	sadd.s32 $0xA020, s1  }
0x3f8: {  	[tilespmem:s23], [sflag:$0x6] =	stream.linear.gather [hbm4b:s15+s3], $0x80, $0x38;
	[tilespmem:$0x1F780] =	vst v63  }
0x3f9: {  	s15 =	sadd.s32 $0x30, s1  }
0x3fa: {  	[tilespmem:s13], [sflag:$0x6] =	stream.linear.gather [hbm4b:s15+s3], $0x80, $0x38;
	[tilespmem:$0x1F780] =	vst v63  }
0x3fb: {  	s1 =	sadd.s32 $0xA030, s1  }
0x3fc: {  	[tilespmem:s22], [sflag:$0x6] =	stream.linear.gather [hbm4b:s1+s3], $0x80, $0x38;
	[tilespmem:$0x1F780] =	vst v63  }
0x3fd: {  	v3 =	vld [tilespmem:$0x14060]  }
0x3fe: {  	v4 =	vld [tilespmem:$0x14040]  }
0x3ff: {  	v5 =	vld [tilespmem:$0x140C0]  }
0x400: {  	v6 =	vld [tilespmem:$0x14030]  }
0x401: {  	v7 =	vld [tilespmem:$0x14020]  }
0x402: {  	v8 =	vld [tilespmem:$0x140A0]  }
0x403: {  	v9 =	vld [tilespmem:$0x14010]  }
0x404: {  	v10 =	vld [tilespmem:$0x14080]  }
0x405: {  	v6 =	vadd.s32 v0, v6;
	v11 =	vld [tilespmem:$0x140D0]  }
0x406: {  	v7 =	vadd.s32 v0, v7;
	[tilespmem:$0x14030] =	vst v6;
	v6 =	vld [tilespmem:$0x14050]  }
0x407: {  	v5 =	vadd.s32 v0, v5;
	v12 =	vld [tilespmem:$0x14000];
	[tilespmem:$0x14020] =	vst v7  }
0x408: {  	v4 =	vadd.s32 v0, v4;
	v8 =	vadd.s32 v0, v8;
	v7 =	vadd.s32 v0, v9;
	[tilespmem:$0x140C0] =	vst v5;
	v5 =	vld [tilespmem:$0x140F0]  }
0x409: {  	v3 =	vadd.s32 v0, v3;
	v9 =	vadd.s32 v0, v10;
	[tilespmem:$0x140A0] =	vst v8;
	v8 =	vld [tilespmem:$0x14070]  }
0x40a: {  	[tilespmem:$0x14010] =	vst v7;
	v7 =	vadd.s32 v0, v11;
	v10 =	vld [tilespmem:$0x140E0]  }
0x40b: {  	[tilespmem:$0x14080] =	vst v9;
	v6 =	vadd.s32 v0, v6  }
0x40c: {  	[tilespmem:$0x14060] =	vst v3  }
0x40d: {  	v3 =	vld [tilespmem:$0x14090];
	[tilespmem:$0x140D0] =	vst v7;
	v5 =	vadd.s32 v0, v5  }
0x40e: {  	v7 =	vadd.s32 v0, v12;
	v9 =	vld [tilespmem:$0x140B0];
	v8 =	vadd.s32 v0, v8;
	[tilespmem:$0x140F0] =	vst v5  }
0x40f: {  	[tilespmem:$0x14000] =	vst v7;
	v5 =	vadd.s32 v0, v10  }
0x410: {  	[tilespmem:$0x14070] =	vst v8  }
0x411: {  	[tilespmem:$0x14040] =	vst v4  }
0x412: {  	v3 =	vadd.s32 v0, v3;
	[tilespmem:$0x14050] =	vst v6  }
0x413: {  	[tilespmem:$0x14090] =	vst v3;
	v3 =	vadd.s32 v0, v9  }
0x414: {  	[tilespmem:$0x140B0] =	vst v3  }
0x415: {  	[tilespmem:$0x140E0] =	vst v5  }
0x416: {  	[tilespmem:s0], [sflag:$0x1] =	stream.indirect.gather [hbm4b:s8+s18], $0x80, s14, s18, $0xb8;
	[tilespmem:$0x1F780] =	vst v63  }
0x417: {  	s1 =	simm.s32 $0x14040  }
0x418: {  	[tilespmem:s31], [sflag:$0x2] =	stream.indirect.gather [hbm4b:s8+s18], $0x80, s1, s18, $0xb8;
	[tilespmem:$0x1F780] =	vst v63  }
0x419: {  	_ = 	snop  }
0x41a: {  	[tilespmem:s28], [sflag:$0x3] =	stream.indirect.gather [hbm4b:s8+s18], $0x80, s30, s18, $0xb8;
	[tilespmem:$0x1F780] =	vst v63  }
0x41b: {  	s1 =	simm.s32 $0x140C0  }
0x41c: {  	[tilespmem:s5], [sflag:$0x4] =	stream.indirect.gather [hbm4b:s8+s18], $0x80, s1, s18, $0xb8;
	[tilespmem:$0x1F780] =	vst v63  }
0x41d: {  	_ =	swait.ge [sflag:s9], $0x2000  }
0x41e: {  	[sflag:s9] =	ssyncset.done $0x0  }
0x41f: {  	[sflag:s9] =	ssyncadd.s32 $0xFFFFE000  }
0x420: {  	[spmem:s2] =	stream.indirect.scatter.add.f32 [tilespmem:s0], [sflag:$0x5], $0x80, s17, s18, $0xb8;
	[tilespmem:$0x1F780] =	vst v63  }
0x421: {  	_ =	swait.ge [sflag:s10], $0x2000  }
0x422: {  	[sflag:s10] =	ssyncset.done $0x0  }
0x423: {  	s1 =	simm.s32 $0x14140;
	[sflag:s10] =	ssyncadd.s32 $0xFFFFE000  }
0x424: {  	[spmem:s2] =	stream.indirect.scatter.add.f32 [tilespmem:s31], [sflag:$0x5], $0x80, s1, s18, $0xb8;
	[tilespmem:$0x1F780] =	vst v63  }
0x425: {  	_ =	swait.ge [sflag:s26], $0x2000  }
0x426: {  	[sflag:s26] =	ssyncset.done $0x0  }
0x427: {  	[sflag:s26] =	ssyncadd.s32 $0xFFFFE000  }
0x428: {  	[spmem:s2] =	stream.indirect.scatter.add.f32 [tilespmem:s28], [sflag:$0x5], $0x80, s24, s18, $0xb8;
	[tilespmem:$0x1F780] =	vst v63  }
0x429: {  	_ =	swait.ge [sflag:s7], $0x2000  }
0x42a: {  	[sflag:s7] =	ssyncset.done $0x0  }
0x42b: {  	s1 =	simm.s32 $0x141C0;
	[sflag:s7] =	ssyncadd.s32 $0xFFFFE000  }
0x42c: {  	[spmem:s2] =	stream.indirect.scatter.add.f32 [tilespmem:s5], [sflag:$0x5], $0x80, s1, s18, $0xb8;
	[tilespmem:$0x1F780] =	vst v63  }
0x42d: {  	_ =	swait.ge [sflag:s11], $0x2000  }
0x42e: {  	[sflag:s11] =	ssyncset.done $0x0  }
0x42f: {  	[sflag:s11] =	ssyncadd.s32 $0xFFFFE000  }
0x430: {  	_ =	swait.ge [sflag:s11], $0x2000  }
0x431: {  	[sflag:s11] =	ssyncset.done $0x0  }
0x432: {  	[sflag:s11] =	ssyncadd.s32 $0xFFFFE000  }
0x433: {  	_ =	swait.ge [sflag:s11], $0x2000  }
0x434: {  	s1 =	smin.u32 s12, $0x4D;
	[sflag:s11] =	ssyncset.done $0x0  }
0x435: {  	s1 =	sshll.u32 s1, $0x8;
	[sflag:s11] =	ssyncadd.s32 $0xFFFFE000  }
0x436: {  	s1 =	sadd.s32 s1, s25;
	_ =	swait.ge [sflag:s11], $0x2000  }
0x437: {  	s1 =	sshrl.u32 s1, $0x3;
	[sflag:s11] =	ssyncset.done $0x0  }
0x438: {  	s15 =	sadd.s32 s20, s1;
	[sflag:s11] =	ssyncadd.s32 $0xFFFFE000  }
0x439: {  	[tilespmem:s14], [sflag:$0x6] =	stream.linear.gather [hbm4b:s15+s3], $0x80, $0x38;
	[tilespmem:$0x1F780] =	vst v63  }
0x43a: {  	s19 =	sadd.s32 $0xA000, s15  }
0x43b: {  	[tilespmem:s17], [sflag:$0x6] =	stream.linear.gather [hbm4b:s19+s3], $0x80, $0x38;
	[tilespmem:$0x1F780] =	vst v63  }
0x43c: {  	s1 =	sadd.s32 s1, s21  }
0x43d: {  	[tilespmem:s30], [sflag:$0x6] =	stream.linear.gather [hbm4b:s1+s3], $0x80, $0x38;
	[tilespmem:$0x1F780] =	vst v63  }
0x43e: {  	s1 =	sadd.s32 $0xA010, s15  }
0x43f: {  	[tilespmem:s24], [sflag:$0x6] =	stream.linear.gather [hbm4b:s1+s3], $0x80, $0x38;
	[tilespmem:$0x1F780] =	vst v63  }
0x440: {  	_ =	swait.ge [sflag:s6], $0x80  }
0x441: {  	[sflag:s6] =	ssyncset.done $0x0  }
0x442: {  	[sflag:s6] =	ssyncadd.s32 $0xFFFFFF80  }
0x443: {  	_ =	swait.ge [sflag:s6], $0x80  }
0x444: {  	[sflag:s6] =	ssyncset.done $0x0  }
0x445: {  	[sflag:s6] =	ssyncadd.s32 $0xFFFFFF80  }
0x446: {  	_ =	swait.ge [sflag:s6], $0x80  }
0x447: {  	[sflag:s6] =	ssyncset.done $0x0  }
0x448: {  	[sflag:s6] =	ssyncadd.s32 $0xFFFFFF80  }
0x449: {  	_ =	swait.ge [sflag:s6], $0x80  }
0x44a: {  	[sflag:s6] =	ssyncset.done $0x0  }
0x44b: {  	[sflag:s6] =	ssyncadd.s32 $0xFFFFFF80  }
0x44c: {  	v3 =	vld [tilespmem:$0x14240]  }
0x44d: {  	v4 =	vld [tilespmem:$0x142D0]  }
0x44e: {  	v5 =	vld [tilespmem:$0x14250]  }
0x44f: {  	v6 =	vld [tilespmem:$0x142C0]  }
0x450: {  	v7 =	vld [tilespmem:$0x14280]  }
0x451: {  	v8 =	vld [tilespmem:$0x142B0]  }
0x452: {  	v9 =	vld [tilespmem:$0x14230];
	v4 =	vadd.s32 v0, v4  }
0x453: {  	v10 =	vld [tilespmem:$0x142A0];
	v5 =	vadd.s32 v0, v5;
	[tilespmem:$0x142D0] =	vst v4  }
0x454: {  	v4 =	vld [tilespmem:$0x14220];
	v6 =	vadd.s32 v0, v6;
	[tilespmem:$0x14250] =	vst v5  }
0x455: {  	v3 =	vadd.s32 v0, v3;
	v5 =	vadd.s32 v0, v7;
	v7 =	vld [tilespmem:$0x14290];
	[tilespmem:$0x142C0] =	vst v6  }
0x456: {  	v6 =	vld [tilespmem:$0x14210];
	v8 =	vadd.s32 v0, v8;
	[tilespmem:$0x14240] =	vst v3  }
0x457: {  	v3 =	vadd.s32 v0, v9;
	[tilespmem:$0x142B0] =	vst v8;
	v8 =	vld [tilespmem:$0x14270]  }
0x458: {  	v9 =	vadd.s32 v0, v10;
	[tilespmem:$0x14230] =	vst v3;
	v3 =	vld [tilespmem:$0x142E0]  }
0x459: {  	v4 =	vadd.s32 v0, v4;
	[tilespmem:$0x142A0] =	vst v9;
	v9 =	vld [tilespmem:$0x14260]  }
0x45a: {  	v10 =	vld [tilespmem:$0x14200];
	v7 =	vadd.s32 v0, v7;
	[tilespmem:$0x14220] =	vst v4  }
0x45b: {  	v4 =	vadd.s32 v0, v6;
	[tilespmem:$0x14290] =	vst v7;
	v6 =	vld [tilespmem:$0x142F0]  }
0x45c: {  	[tilespmem:$0x14210] =	vst v4;
	v4 =	vadd.s32 v0, v8  }
0x45d: {  	v3 =	vadd.s32 v0, v3;
	[tilespmem:$0x14270] =	vst v4  }
0x45e: {  	v4 =	vadd.s32 v0, v9;
	[tilespmem:$0x142E0] =	vst v3  }
0x45f: {  	v3 =	vadd.s32 v0, v10;
	[tilespmem:$0x14260] =	vst v4  }
0x460: {  	[tilespmem:$0x14280] =	vst v5;
	v4 =	vadd.s32 v0, v6  }
0x461: {  	[tilespmem:$0x142F0] =	vst v4  }
0x462: {  	[tilespmem:$0x14200] =	vst v3  }
0x463: {  	[tilespmem:s0], [sflag:$0x1] =	stream.indirect.gather [hbm4b:s8+s18], $0x80, s4, s18, $0xb8;
	[tilespmem:$0x1F780] =	vst v63  }
0x464: {  	s1 =	simm.s32 $0x14240  }
0x465: {  	[tilespmem:s31], [sflag:$0x2] =	stream.indirect.gather [hbm4b:s8+s18], $0x80, s1, s18, $0xb8;
	[tilespmem:$0x1F780] =	vst v63  }
.Ltmp17:
0x466: {  	(pc) =	sbr.rel @p0 .LBB2_36-.Ltmp17, $4  }
0x467: {  	[tilespmem:s28], [sflag:$0x3] =	stream.indirect.gather [hbm4b:s8+s18], $0x80, s13, s18, $0xb8;
	[tilespmem:$0x1F780] =	vst v63  }
0x468: {  	s1 =	simm.s32 $0x142C0  }
0x469: {  	[tilespmem:s5], [sflag:$0x4] =	stream.indirect.gather [hbm4b:s8+s18], $0x80, s1, s18, $0xb8;
	[tilespmem:$0x1F780] =	vst v63  }
0x46a: {  	_ =	swait.ge [sflag:s9], $0x2000  }
0x46b: {  	[sflag:s9] =	ssyncset.done $0x0  }
0x46c: {  	[sflag:s9] =	ssyncadd.s32 $0xFFFFE000  }
0x46d: {  	[spmem:s2] =	stream.indirect.scatter.add.f32 [tilespmem:s0], [sflag:$0x5], $0x80, s23, s18, $0xb8;
	[tilespmem:$0x1F780] =	vst v63  }
0x46e: {  	_ =	swait.ge [sflag:s10], $0x2000  }
0x46f: {  	[sflag:s10] =	ssyncset.done $0x0  }
0x470: {  	s1 =	simm.s32 $0x14340;
	[sflag:s10] =	ssyncadd.s32 $0xFFFFE000  }
0x471: {  	[spmem:s2] =	stream.indirect.scatter.add.f32 [tilespmem:s31], [sflag:$0x5], $0x80, s1, s18, $0xb8;
	[tilespmem:$0x1F780] =	vst v63  }
0x472: {  	_ =	swait.ge [sflag:s26], $0x2000  }
0x473: {  	[sflag:s26] =	ssyncset.done $0x0  }
0x474: {  	[sflag:s26] =	ssyncadd.s32 $0xFFFFE000  }
0x475: {  	[spmem:s2] =	stream.indirect.scatter.add.f32 [tilespmem:s28], [sflag:$0x5], $0x80, s22, s18, $0xb8;
	[tilespmem:$0x1F780] =	vst v63  }
0x476: {  	_ =	swait.ge [sflag:s7], $0x2000  }
0x477: {  	[sflag:s7] =	ssyncset.done $0x0  }
0x478: {  	s30 =	simm.s32 $0x143C0;
	[sflag:s7] =	ssyncadd.s32 $0xFFFFE000  }
0x479: {  	[spmem:s2] =	stream.indirect.scatter.add.f32 [tilespmem:s5], [sflag:$0x5], $0x80, s30, s18, $0xb8;
	[tilespmem:$0x1F780] =	vst v63  }
0x47a: {  	_ =	swait.ge [sflag:s11], $0x2000  }
0x47b: {  	[sflag:s11] =	ssyncset.done $0x0  }
0x47c: {  	[sflag:s11] =	ssyncadd.s32 $0xFFFFE000  }
0x47d: {  	_ =	swait.ge [sflag:s11], $0x2000  }
0x47e: {  	[sflag:s11] =	ssyncset.done $0x0  }
0x47f: {  	[sflag:s11] =	ssyncadd.s32 $0xFFFFE000  }
0x480: {  	_ =	swait.ge [sflag:s11], $0x2000  }
0x481: {  	[sflag:s11] =	ssyncset.done $0x0  }
0x482: {  	[sflag:s11] =	ssyncadd.s32 $0xFFFFE000  }
0x483: {  	_ =	swait.ge [sflag:s11], $0x2000  }
0x484: {  	[sflag:s11] =	ssyncset.done $0x0  }
0x485: {  	[sflag:s11] =	ssyncadd.s32 $0xFFFFE000  }
0x486: {  	_ =	swait.ge [sflag:s6], $0x80  }
0x487: {  	[sflag:s6] =	ssyncset.done $0x0  }
0x488: {  	[sflag:s6] =	ssyncadd.s32 $0xFFFFFF80  }
0x489: {  	_ =	swait.ge [sflag:s6], $0x80  }
0x48a: {  	[sflag:s6] =	ssyncset.done $0x0  }
0x48b: {  	[sflag:s6] =	ssyncadd.s32 $0xFFFFFF80  }
0x48c: {  	_ =	swait.ge [sflag:s6], $0x80  }
0x48d: {  	[sflag:s6] =	ssyncset.done $0x0  }
0x48e: {  	[sflag:s6] =	ssyncadd.s32 $0xFFFFFF80  }
0x48f: {  	_ =	swait.ge [sflag:s6], $0x80  }
0x490: {  	[sflag:s6] =	ssyncset.done $0x0  }
0x491: {  	s29 =	simm.s32 $0x0;
	s25 =	simm.s32 $0x1F180;
	[sflag:s6] =	ssyncadd.s32 $0xFFFFFF80  }
0x492: {  	s15 =	simm.s32 $0x7;
	s17 =	simm.s32 $0x14180;
	[bflag:$0x0] =	sbarrier.arrive $0xFFFF  }
0x493: {  	s14 =	simm.s32 $0x14080;
	s23 =	simm.s32 $0x14100;
	s21 =	rddreg [dreg:$0x4]  }
0x494: {  	s1 =	simm.s32 $0x0;
	s22 =	simm.s32 $0x14000;
	s20 =	rddreg [dreg:$0x5]  }
.LBB2_38:
0x495: {  	s13 =	sshll.u32 s1, $0x6;
	s12 =	rddreg [dreg:$0x9]  }
0x496: {  	s24 =	smov.u32 s1;
	s1 =	sadd.s32 s12, s13  }
0x497: {  	s1 =	sshll.u32 s1, $0x7  }
0x498: {  	s16 =	sand.u32 $0x3FFFFF80, s1  }
0x499: {  	s12 =	sadd.s32 s16, s2  }
0x49a: {  	[tilespmem:s0], [sflag:$0x7] =	stream.linear.gather [spmem:s12], $0x2000, $0x38;
	[tilespmem:$0x1F780] =	vst v63  }
0x49b: {  	_ =	swait.ge [sflag:s15], $0x2000  }
0x49c: {  	s19 =	rddreg [dreg:$0xe]  }
0x49d: {  	s1 =	sadd.s32 s19, s1  }
0x49e: {  	[sflag:s15] =	ssyncset.done $0x0;
	s1 =	sshrl.u32 s1, $0x3  }
0x49f: {  	[sflag:s15] =	ssyncadd.s32 $0xFFFFE000;
	s30 =	smov.u32 s1;
	s1 =	sadd.s32 s21, s1  }
0x4a0: {  	[tilespmem:s31], [sflag:$0x7] =	stream.linear.gather [hbm4b:s1+s29], $0x2000, $0x38;
	[tilespmem:$0x1F780] =	vst v63  }
0x4a1: {  	_ =	swait.ge [sflag:s15], $0x2000  }
0x4a2: {  	[sflag:s15] =	ssyncset.done $0x0  }
0x4a3: {  	[sflag:s15] =	ssyncadd.s32 $0xFFFFE000  }
0x4a4: {  	s16 =	smov.u32 s25;
	s19 =	simm.s32 $0x200;
	s1 =	simm.s32 $0x0;
	v3 =	vld [tilespmem:s25+$0x0]  }
.LBB2_39:
0x4a5: {  	p0 =	sne.s32 s19, $0x7E00;
	_ =	sdelay $0x3  }
0x4a6: {  	(v2sf) =	vpush v3, $0x0  }
0x4a7: {  	s12 =	sshra.s32 s1, $0x2;
	s1 =	smov.u32 s19  }
0x4a8: {  	v3 =	vld [tilespmem:s12+$0x18C00]  }
0x4a9: {  	v4 =	vld [tilespmem:s12+$0x18C10]  }
0x4aa: {  	v5 =	vld [tilespmem:s12+$0x18C20]  }
0x4ab: {  	v6 =	vld [tilespmem:s12+$0x18C30]  }
0x4ac: {  	v7 =	vld [tilespmem:s12+$0x18C40]  }
0x4ad: {  	v8 =	vld [tilespmem:s12+$0x18C50]  }
0x4ae: {  	v9 =	vld [tilespmem:s12+$0x18C60]  }
0x4af: {  	v10 =	vld [tilespmem:s12+$0x18C70]  }
0x4b0: {  	v11 =	vld [tilespmem:s12+$0x16C70]  }
0x4b1: {  	v12 =	vld [tilespmem:s12+$0x16C30]  }
0x4b2: {  	v13 =	vld [tilespmem:s12+$0x16C10]  }
0x4b3: {  	v14 =	vld [tilespmem:s12+$0x16C00]  }
0x4b4: {  	v3 =	vmul.f32 $1.000000010e-01, v3;
	v4 =	vmul.f32 $1.000000010e-01, v4;
	v15 =	vld [tilespmem:s12+$0x16C20]  }
0x4b5: {  	v5 =	vmul.f32 $1.000000010e-01, v5;
	v6 =	vmul.f32 $1.000000010e-01, v6;
	v16 =	vld [tilespmem:s12+$0x16C40];
	s15 =	spop (v2sf)  }
0x4b6: {  	v7 =	vmul.f32 $1.000000010e-01, v7;
	v8 =	vmul.f32 $1.000000010e-01, v8;
	s15 =	smul.f32 $8.999999760e-01, s15;
	v17 =	vld [tilespmem:s12+$0x16C50]  }
0x4b7: {  	v9 =	vmul.f32 $1.000000010e-01, v9;
	v10 =	vmul.f32 $1.000000010e-01, v10;
	v18 =	vld [tilespmem:s12+$0x16C60]  }
0x4b8: {  	v14 =	vmul.f32 s15, v14;
	v13 =	vmul.f32 s15, v13  }
0x4b9: {  	v12 =	vmul.f32 s15, v12;
	v15 =	vmul.f32 s15, v15  }
0x4ba: {  	v3 =	vadd.f32 v14, v3;
	v4 =	vadd.f32 v4, v13;
	v13 =	vmul.f32 s15, v16  }
0x4bb: {  	v6 =	vadd.f32 v6, v12;
	v5 =	vadd.f32 v5, v15;
	v12 =	vmul.f32 s15, v17  }
0x4bc: {  	v11 =	vmul.f32 s15, v11;
	[tilespmem:s12+$0x16C00] =	vst v3;
	v3 =	vadd.f32 v7, v13;
	v7 =	vmul.f32 s15, v18  }
0x4bd: {  	[tilespmem:s12+$0x16C10] =	vst v4;
	v4 =	vadd.f32 v8, v12  }
0x4be: {  	[tilespmem:s12+$0x16C20] =	vst v5;
	v5 =	vadd.f32 v9, v7;
	v7 =	vadd.f32 v10, v11  }
0x4bf: {  	[tilespmem:s12+$0x16C30] =	vst v6  }
.Ltmp18:
0x4c0: {  	[tilespmem:s12+$0x16C40] =	vst v3;
	(pc) =	sbr.rel @p0 .LBB2_39-.Ltmp18, $4  }
0x4c1: {  	[tilespmem:s12+$0x16C50] =	vst v4  }
0x4c2: {  	[tilespmem:s12+$0x16C60] =	vst v5  }
0x4c3: {  	s16 =	sadd.s32 $0x1, s16;
	[tilespmem:s12+$0x16C70] =	vst v7  }
0x4c4: {  	s19 =	sadd.s32 $0x200, s19;
	v3 =	vld [tilespmem:s16+$0x0]  }
0x4c5: {  	_ =	sdelay $0x3  }
0x4c6: {  	(v2sf) =	vpush v3, $0x0;
	_ =	sdelay $0x3  }
0x4c7: {  	s1 =	sshra.s32 s1, $0x2  }
0x4c8: {  	v4 =	vld [tilespmem:s1+$0x18C10]  }
0x4c9: {  	v5 =	vld [tilespmem:s1+$0x18C20]  }
0x4ca: {  	v6 =	vld [tilespmem:s1+$0x18C30]  }
0x4cb: {  	v7 =	vld [tilespmem:s1+$0x18C40]  }
0x4cc: {  	v8 =	vld [tilespmem:s1+$0x18C50]  }
0x4cd: {  	v9 =	vld [tilespmem:s1+$0x18C60]  }
0x4ce: {  	v10 =	vld [tilespmem:s1+$0x18C70]  }
0x4cf: {  	v11 =	vld [tilespmem:s1+$0x16C00]  }
0x4d0: {  	v3 =	vld [tilespmem:s1+$0x18C00]  }
0x4d1: {  	v12 =	vld [tilespmem:s1+$0x16C10]  }
0x4d2: {  	v13 =	vld [tilespmem:s1+$0x16C20];
	s12 =	spop (v2sf)  }
0x4d3: {  	v14 =	vld [tilespmem:s1+$0x16C30];
	s12 =	smul.f32 $8.999999760e-01, s12  }
0x4d4: {  	v15 =	vld [tilespmem:s1+$0x16C40]  }
0x4d5: {  	v17 =	vld [tilespmem:s1+$0x16C60];
	v3 =	vmul.f32 $1.000000010e-01, v3;
	v11 =	vmul.f32 s12, v11  }
0x4d6: {  	v18 =	vld [tilespmem:s1+$0x16C70];
	v4 =	vmul.f32 $1.000000010e-01, v4;
	v12 =	vmul.f32 s12, v12  }
0x4d7: {  	v16 =	vld [tilespmem:s1+$0x16C50];
	v5 =	vmul.f32 $1.000000010e-01, v5;
	v13 =	vmul.f32 s12, v13;
	v3 =	vadd.f32 v11, v3  }
0x4d8: {  	v6 =	vmul.f32 $1.000000010e-01, v6;
	v57 =	vmul.f32 s12, v14;
	v4 =	vadd.f32 v4, v12  }
0x4d9: {  	v7 =	vmul.f32 $1.000000010e-01, v7;
	v58 =	vmul.f32 s12, v15;
	v5 =	vadd.f32 v5, v13;
	[tilespmem:s1+$0x16C00] =	vst v3  }
0x4da: {  	v60 =	vmul.f32 $1.000000010e-01, v9;
	v61 =	vmul.f32 s12, v17;
	v6 =	vadd.f32 v6, v57;
	[tilespmem:s1+$0x16C10] =	vst v4  }
0x4db: {  	v62 =	vmul.f32 $1.000000010e-01, v10;
	v63 =	vmul.f32 s12, v18;
	v7 =	vadd.f32 v7, v58;
	[tilespmem:s1+$0x16C20] =	vst v5  }
0x4dc: {  	v59 =	vmul.f32 s12, v16;
	v3 =	vmul.f32 $1.000000010e-01, v8;
	[tilespmem:s1+$0x16C30] =	vst v6;
	v4 =	vadd.f32 v60, v61  }
0x4dd: {  	[tilespmem:s1+$0x16C40] =	vst v7;
	v5 =	vadd.f32 v62, v63  }
0x4de: {  	v3 =	vadd.f32 v3, v59;
	[tilespmem:s1+$0x16C60] =	vst v4  }
0x4df: {  	[tilespmem:s1+$0x16C70] =	vst v5  }
0x4e0: {  	[tilespmem:s1+$0x16C50] =	vst v3;
	s1 =	sadd.s32 $0x1, s24  }
0x4e1: {  	p0 =	sne.s32 s1, $0xA  }
.Ltmp19:
0x4e2: {  	s30 =	sadd.s32 s20, s30;
	s15 =	simm.s32 $0x7;
	(pc) =	sbr.rel @p0 .LBB2_38-.Ltmp19, $4  }
0x4e3: {  	[hbm4b:s30+s3] =	stream.linear.scatter [tilespmem:s0], [sflag:$0x7], $0x2000, $0x38;
	[tilespmem:$0x1F780] =	vst v63  }
0x4e4: {  	_ =	swait.ge [sflag:s15], $0x2000  }
0x4e5: {  	[sflag:s15] =	ssyncset.done $0x0  }
0x4e6: {  	s25 =	sadd.s32 $0x40, s25;
	[sflag:s15] =	ssyncadd.s32 $0xFFFFE000  }
0x4e7: {  	s12 =	rddreg [dreg:$0x16]  }
0x4e8: {  	s1 =	rddreg [dreg:$0x14];
	s12 =	sadd.s32 $0x1, s12  }
0x4e9: {  	p0 =	sne.s32 s12, s1  }
.Ltmp20:
0x4ea: {  	_ = 	snop;
	(pc) =	sbr.rel @p0 .LBB2_1-.Ltmp20, $3  }
0x4eb: {  	_ =	sdelay $0x1  }
0x4ec: {  	s19 =	rddreg [dreg:$0x7]  }
0x4ed: {  	s25 =	rddreg [dreg:$0x8];
	s24 =	simm.s32 $0x14380;
	s30 =	simm.s32 $0x14300  }
0x4ee: {  	_ =	sfence.sel $0x180000  }
0x4ef: {  	[bflag:$0x0] =	sbarrier.arrive $0xFFFF  }
0x4f0: {  	_ =	strace $0x90000047  }
0x4f1: {  	s0 =	stileid.u32;
	[bflag:$0x2] =	sbarrier.arrive $0xFFFF  }
0x4f2: {  	p0 =	sne.s32 s0, $0x0;
	s0 =	rddreg [dreg:$0x3]  }
0x4f3: {  	s0 =	sadd.s32 @!p0 $0x100000, s0  }
0x4f4: {  	[sflag:s0] =	ssyncadd.tile.s32 @!p0 $0x1;
	_ =	shalt  }
.Lfunc_end2:
_tile_overlayer_lowered:
.L_overlay_start_2:
0x4f5: {  	(tag) =	ssettag $0x2  }
0x4f6: {  	s0 =	rddreg [dreg:$0x0];
	s2 =	stileid.u32  }
0x4f7: {  	s1 =	rddreg [dreg:$0x1];
	p0 =	sne.s32 s2, $0x0  }
0x4f8: {  	s3 =	rddreg [dreg:$0x2];
	[bflag:$0x3] =	sbarrier.arrive $0xFFFF;
	s2 =	simm.s32 @!p0 $0x1C07  }
0x4f9: {  	[timem:s3], [sflag:s2] =	dma.local @!p0 [hbm:s0], s1  }
0x4fa: {  	s0 =	simm.s32 @!p0 $0x7  }
0x4fb: {  	_ =	swait.ge @!p0 [sflag:s0], s1  }
0x4fc: {  	s1 =	ssub.s32 @!p0 $0x0, s1;
	[sflag:s0] =	ssyncset.done @!p0 $0x0  }
0x4fd: {  	[sflag:s0] =	ssyncadd.s32 @!p0 s1  }
0x4fe: {  	[bflag:$0x3] =	sbarrier.arrive $0xFFFF  }
0x4ff: {  	_ =	shalt  }

</sc_bundles>
